<compile_context>
chip_gen: v7x
topology: tpu7x:2x2x1
jax: 0.10.2.dev20260603
libtpu: 0.0.44.dev20260713+nightly
codegen_flags: <defaults>
</compile_context>

<pallas_src>
import jax
import jax.numpy as jnp
from jax import lax
from jax.experimental import pallas as pl
from jax.experimental.pallas import tpu as pltpu
from jax.experimental.pallas import tpu_sc as plsc

N_NODES = 10000
N_EDGES = 320000
LATENT = 128

NUM_CORES = 2
NUM_SUBCORES = 16
NUM_WORKERS = NUM_CORES * NUM_SUBCORES
CHUNK = 128
N_CHUNKS = 2560
E_PAD = N_CHUNKS * CHUNK
N_ROWS = 10240
SLAB = N_ROWS // NUM_SUBCORES
CHUNKS_PER_WORKER = N_CHUNKS // NUM_WORKERS
EDGES_PER_WORKER = CHUNKS_PER_WORKER * CHUNK

BM = 2048
BN = 2048



def _deg_body(dst_hbm, out_hbm, didx, ones_v, zrow, acc, sem):
    c = lax.axis_index("c")
    s = lax.axis_index("s")

    def zinit(j, _):
        zrow[pl.ds(j * 16, 16)] = jnp.zeros((16,), jnp.float32)
        return _

    lax.fori_loop(0, SLAB // 16, zinit, None)
    for j in range(CHUNK // 16):
        ones_v[pl.ds(j * 16, 16)] = jnp.ones((16,), jnp.float32)
    pltpu.sync_copy(zrow, acc.at[pl.ds(s * SLAB, SLAB)])
    plsc.subcore_barrier()

    w = c * NUM_SUBCORES + s
    pltpu.sync_copy(dst_hbm.at[pl.ds(w * CHUNKS_PER_WORKER, CHUNKS_PER_WORKER)],
                    didx)
    copies = [
        pltpu.async_copy(ones_v, acc.at[didx.at[i]], sem, add=True)
        for i in range(CHUNKS_PER_WORKER)
    ]
    for cp in copies:
        cp.wait()
    plsc.subcore_barrier()

    r0 = s * SLAB
    pltpu.sync_copy(acc.at[pl.ds(r0, SLAB)],
                    out_hbm.at[pl.ds(c * N_ROWS + r0, SLAB)])


def _sc_degree(dst2d):
    mesh = plsc.VectorSubcoreMesh(core_axis_name="c", subcore_axis_name="s")
    k = pl.kernel(
        _deg_body,
        mesh=mesh,
        out_type=jax.ShapeDtypeStruct((NUM_CORES * N_ROWS,), jnp.float32),
        scratch_types=[
            pltpu.VMEM((CHUNKS_PER_WORKER, CHUNK), jnp.int32),
            pltpu.VMEM((CHUNK,), jnp.float32),
            pltpu.VMEM((SLAB,), jnp.float32),
            pltpu.VMEM_SHARED((N_ROWS,), jnp.float32),
            pltpu.SemaphoreType.DMA,
        ],
    )
    return k(dst2d)



def _sc_scatter(xs, src1d, dst1d):
    mesh = plsc.VectorSubcoreMesh(core_axis_name="c", subcore_axis_name="s")

    def body(xs_hbm, src_hbm, dst_hbm, out_hbm,
             sidx, db0, db1, db2, db3, r0b, r1b, acc,
             i0, i1, i2, i3, g0, g1, psem):
        rows = (r0b, r1b)
        dbuf = (db0, db1, db2, db3)
        isem = (i0, i1, i2, i3)
        gsem = (g0, g1)
        c = lax.axis_index("c")
        s = lax.axis_index("s")

        w = c * NUM_SUBCORES + s
        e0 = w * EDGES_PER_WORKER

        def didx_fetch(ci, q):
            return pltpu.make_async_copy(
                dst_hbm.at[pl.ds(e0 + ci * CHUNK, CHUNK)], dbuf[q], isem[q])

        def gather_copy(ci, b):
            return pltpu.make_async_copy(
                xs_hbm.at[sidx.at[pl.ds(ci * CHUNK, CHUNK)]], rows[b],
                gsem[b])

        sidx_cp = pltpu.make_async_copy(
            src_hbm.at[pl.ds(e0, EDGES_PER_WORKER)], sidx, psem)
        sidx_cp.start()
        didx_fetch(0, 0).start()
        didx_fetch(1, 1).start()

        def zinit(j, _):
            for j16 in range(LATENT // 16):
                r0b[j, pl.ds(j16 * 16, 16)] = jnp.zeros((16,), jnp.float32)
            return _

        lax.fori_loop(0, CHUNK, zinit, None)
        r0 = s * SLAB
        zcp = [pltpu.make_async_copy(r0b, acc.at[pl.ds(r0 + t * CHUNK, CHUNK)],
                                     psem)
               for t in range(SLAB // CHUNK)]
        for cp in zcp:
            cp.start()
        for cp in zcp:
            cp.wait()
        sidx_cp.wait()
        plsc.subcore_barrier()

        gather_copy(0, 0).start()
        gather_copy(1, 1).start()

        def group(g, _):
            for j in range(4):
                ci = 4 * g + j
                b = j % 2
                q = j
                ni = ci + 2
                nq = (j + 2) % 4

                @pl.when(ni < CHUNKS_PER_WORKER)
                def _():
                    didx_fetch(ni, nq).start()

                gather_copy(ci, b).wait()
                didx_fetch(ci, q).wait()
                pltpu.sync_copy(rows[b], acc.at[dbuf[q]], add=True)

                @pl.when(ni < CHUNKS_PER_WORKER)
                def _():
                    gather_copy(ni, b).start()

            return _

        lax.fori_loop(0, CHUNKS_PER_WORKER // 4, group, None)
        plsc.subcore_barrier()

        pltpu.sync_copy(acc.at[pl.ds(r0, SLAB)],
                        out_hbm.at[pl.ds(c * N_ROWS + r0, SLAB)])

    k = pl.kernel(
        body,
        mesh=mesh,
        out_type=jax.ShapeDtypeStruct((NUM_CORES * N_ROWS, LATENT),
                                      jnp.float32),
        scratch_types=[
            pltpu.VMEM((EDGES_PER_WORKER,), jnp.int32),
            pltpu.VMEM((CHUNK,), jnp.int32),
            pltpu.VMEM((CHUNK,), jnp.int32),
            pltpu.VMEM((CHUNK,), jnp.int32),
            pltpu.VMEM((CHUNK,), jnp.int32),
            pltpu.VMEM((CHUNK, LATENT), jnp.float32),
            pltpu.VMEM((CHUNK, LATENT), jnp.float32),
            pltpu.VMEM_SHARED((N_ROWS, LATENT), jnp.float32),
            pltpu.SemaphoreType.DMA,
            pltpu.SemaphoreType.DMA,
            pltpu.SemaphoreType.DMA,
            pltpu.SemaphoreType.DMA,
            pltpu.SemaphoreType.DMA,
            pltpu.SemaphoreType.DMA,
            pltpu.SemaphoreType.DMA,
        ],
    )
    return k(xs, src1d, dst1d)



def _decode_body(h_ref, g_ref, o_ref):
    o_ref[...] = jax.lax.dot_general(
        h_ref[...], g_ref[...],
        dimension_numbers=(((1,), (1,)), ((), ())),
        preferred_element_type=jnp.float32,
    )


def _decode(h):
    n = h.shape[0]
    assert h.dtype == jnp.bfloat16
    grid = (pl.cdiv(n, BM), pl.cdiv(n, BN))
    return pl.pallas_call(
        _decode_body,
        grid=grid,
        in_specs=[
            pl.BlockSpec((BM, LATENT), lambda i, j: (i, 0)),
            pl.BlockSpec((BN, LATENT), lambda i, j: (j, 0)),
        ],
        out_specs=pl.BlockSpec((BM, BN), lambda i, j: (i, j)),
        out_shape=jax.ShapeDtypeStruct((n, n), jnp.float32),
        compiler_params=pltpu.CompilerParams(
            dimension_semantics=("parallel", "parallel")),
    )(h, h)



def kernel(z, edge_index, W, b):
    n = z.shape[0]
    src = edge_index[0].astype(jnp.int32)
    dst = edge_index[1].astype(jnp.int32)

    npad = E_PAD - N_EDGES
    pad_idx = jnp.arange(npad, dtype=jnp.int32)
    src1d = jnp.concatenate([src, pad_idx % N_NODES])
    dst1d = jnp.concatenate([dst, N_NODES + pad_idx % (N_ROWS - N_NODES)])
    dst2d = dst1d.reshape(E_PAD // CHUNK, CHUNK)

    deg_part = _sc_degree(dst2d)
    dinv = jax.lax.rsqrt(deg_part[:n] + deg_part[N_ROWS:N_ROWS + n] + 1.0)

    xs = dinv[:, None] * (z @ W)
    part = _sc_scatter(xs, src1d, dst1d)
    agg = part[:n] + part[N_ROWS:N_ROWS + n] + xs
    h = jax.nn.relu(dinv[:, None] * agg + b).astype(jnp.bfloat16)
    return _decode(h)

# --- scband reference (transcript-rebuilt; emitter-appended) ---
"""Pipeline reference for scband-structure-decoder-77043123356188 (READ-ONLY COPY).

The authoritative reference and input builder live on the scoring server;
editing this copy changes nothing except your own understanding.
"""

import jax, jax.numpy as jnp
import numpy as np

N_NODES = 10000
N_EDGES = 320000
LATENT_DIM = 128


def setup_inputs(seed: int = 0) -> dict:
    key = jax.random.key(seed)
    k1, k2, k3, k4 = jax.random.split(key, 4)
    z = jax.random.normal(k1, (N_NODES, LATENT_DIM), dtype=jnp.float32)
    edge_index = jax.random.randint(k2, (2, N_EDGES), 0, N_NODES, dtype=jnp.int64)
    # GCNConv learned parameters (linear weight [in, out], bias [out])
    scale = 1.0 / np.sqrt(LATENT_DIM)
    W = jax.random.uniform(k3, (LATENT_DIM, LATENT_DIM), dtype=jnp.float32, minval=-scale, maxval=scale)
    b = jax.random.uniform(k4, (LATENT_DIM,), dtype=jnp.float32, minval=-scale, maxval=scale)
    return {"z": z, "edge_index": edge_index, "W": W, "b": b}


def _gcn_conv(z, edge_index, W, b):
    N = z.shape[0]
    # add self-loops
    loop = jnp.arange(N, dtype=edge_index.dtype)
    src = jnp.concatenate([edge_index[0], loop])
    dst = jnp.concatenate([edge_index[1], loop])
    # linear transform
    x = z @ W
    # symmetric normalization: deg^-1/2[src] * deg^-1/2[dst]
    deg = jnp.zeros((N,), dtype=x.dtype).at[dst].add(1.0)
    deg_inv_sqrt = jnp.where(deg > 0, 1.0 / jnp.sqrt(deg), 0.0)
    norm = deg_inv_sqrt[src] * deg_inv_sqrt[dst]
    # gather messages from src, scale, scatter-add to dst
    msg = x[src] * norm[:, None]
    out = jnp.zeros_like(x).at[dst].add(msg)
    return out + b


def reference(z, edge_index, W, b):
    h = _gcn_conv(z, edge_index, W, b)
    h = jax.nn.relu(h)
    adj_recon = h @ h.T
    return adj_recon

if __name__ == "__main__":
    import jax
    _d = setup_inputs()
    print(jax.jit(kernel)(*tuple(_d.values())))

</pallas_src>

<mosaic_0001>
#map = affine_map<(d0, d1) -> (0, 0)>
#map1 = affine_map<(d0, d1) -> (0)>
module attributes {stable_mosaic.version = 14 : i64} {
  func.func @_deg_body(%arg0: i32, %arg1: i32, %arg2: memref<2560x128xi32, #tpu.memory_space<hbm>>, %arg3: memref<20480xf32, #tpu.memory_space<hbm>>, %arg4: memref<80x128xi32, #tpu.memory_space<vmem>>, %arg5: memref<128xf32, #tpu.memory_space<vmem>>, %arg6: memref<640xf32, #tpu.memory_space<vmem>>, %arg7: memref<10240xf32, #tpu.memory_space<vmem_shared>>, %arg8: memref<!tpu.dma_semaphore, #tpu.memory_space<semaphore_mem>>) attributes {dimension_semantics = [#tpu.dimension_semantics<core_parallel>, #tpu.dimension_semantics<subcore_parallel>], iteration_bounds = array<i64: 2, 16>, scalar_prefetch = 0 : i64, scratch_operands = 5 : i64, tpu.core_type = #tpu.core_type<sc_vector_subcore>, window_params = [{transform_indices = #map}, {transform_indices = #map1}]} {
    %scan3A = arith.constant 0 : i32
    %scan3A_0 = arith.constant 40 : i32
    %scan3A_1 = arith.addi %scan3A, %scan3A_0 : i32
    %scan3A_2 = arith.constant 1 : i32
    scf.for %scan3A_1019 = %scan3A to %scan3A_1 step %scan3A_2  : i32 {
      %broadcast_in_dim3A_1020 = arith.constant 0.000000e+00 : f32
      %broadcast_in_dim3A_1021 = vector.broadcast %broadcast_in_dim3A_1020 : f32 to vector<16xf32>
      %mul3A_1022 = arith.constant 16 : i32
      %mul3A_1023 = arith.muli %scan3A_1019, %mul3A_1022 : i32
      %swap3A_1024 = arith.index_cast %mul3A_1023 : i32 to index
      %swap3A_1025 = tpu.vector_load %arg6[%swap3A_1024] {strides = array<i32>} : memref<640xf32, #tpu.memory_space<vmem>>, vector<16xf32>,
      %swap3A_1026 = vector.shape_cast %swap3A_1025 : vector<16xf32> to vector<16xf32>
      %swap3A_1027 = vector.shape_cast %broadcast_in_dim3A_1021 : vector<16xf32> to vector<16xf32>
      tpu.vector_store %arg6[%swap3A_1024], %swap3A_1027 {strides = array<i32>} : memref<640xf32, #tpu.memory_space<vmem>>, vector<16xf32>,
    }
    %scan3A_3 = arith.constant 40 : i32
    %broadcast_in_dim3A = arith.constant 1.000000e+00 : f32
    %broadcast_in_dim3A_4 = vector.broadcast %broadcast_in_dim3A : f32 to vector<16xf32>
    %swap3A = arith.constant 0 : index
    %swap3A_5 = tpu.vector_load %arg5[%swap3A] {strides = array<i32>} : memref<128xf32, #tpu.memory_space<vmem>>, vector<16xf32>,
    %swap3A_6 = vector.shape_cast %swap3A_5 : vector<16xf32> to vector<16xf32>
    %swap3A_7 = vector.shape_cast %broadcast_in_dim3A_4 : vector<16xf32> to vector<16xf32>
    tpu.vector_store %arg5[%swap3A], %swap3A_7 {strides = array<i32>} : memref<128xf32, #tpu.memory_space<vmem>>, vector<16xf32>,
    %broadcast_in_dim3A_8 = arith.constant 1.000000e+00 : f32
    %broadcast_in_dim3A_9 = vector.broadcast %broadcast_in_dim3A_8 : f32 to vector<16xf32>
    %swap3A_10 = arith.constant 16 : index
    %swap3A_11 = tpu.vector_load %arg5[%swap3A_10] {strides = array<i32>} : memref<128xf32, #tpu.memory_space<vmem>>, vector<16xf32>,
    %swap3A_12 = vector.shape_cast %swap3A_11 : vector<16xf32> to vector<16xf32>
    %swap3A_13 = vector.shape_cast %broadcast_in_dim3A_9 : vector<16xf32> to vector<16xf32>
    tpu.vector_store %arg5[%swap3A_10], %swap3A_13 {strides = array<i32>} : memref<128xf32, #tpu.memory_space<vmem>>, vector<16xf32>,
    %broadcast_in_dim3A_14 = arith.constant 1.000000e+00 : f32
    %broadcast_in_dim3A_15 = vector.broadcast %broadcast_in_dim3A_14 : f32 to vector<16xf32>
    %swap3A_16 = arith.constant 32 : index
    %swap3A_17 = tpu.vector_load %arg5[%swap3A_16] {strides = array<i32>} : memref<128xf32, #tpu.memory_space<vmem>>, vector<16xf32>,
    %swap3A_18 = vector.shape_cast %swap3A_17 : vector<16xf32> to vector<16xf32>
    %swap3A_19 = vector.shape_cast %broadcast_in_dim3A_15 : vector<16xf32> to vector<16xf32>
    tpu.vector_store %arg5[%swap3A_16], %swap3A_19 {strides = array<i32>} : memref<128xf32, #tpu.memory_space<vmem>>, vector<16xf32>,
    %broadcast_in_dim3A_20 = arith.constant 1.000000e+00 : f32
    %broadcast_in_dim3A_21 = vector.broadcast %broadcast_in_dim3A_20 : f32 to vector<16xf32>
    %swap3A_22 = arith.constant 48 : index
    %swap3A_23 = tpu.vector_load %arg5[%swap3A_22] {strides = array<i32>} : memref<128xf32, #tpu.memory_space<vmem>>, vector<16xf32>,
    %swap3A_24 = vector.shape_cast %swap3A_23 : vector<16xf32> to vector<16xf32>
    %swap3A_25 = vector.shape_cast %broadcast_in_dim3A_21 : vector<16xf32> to vector<16xf32>
    tpu.vector_store %arg5[%swap3A_22], %swap3A_25 {strides = array<i32>} : memref<128xf32, #tpu.memory_space<vmem>>, vector<16xf32>,
    %broadcast_in_dim3A_26 = arith.constant 1.000000e+00 : f32
    %broadcast_in_dim3A_27 = vector.broadcast %broadcast_in_dim3A_26 : f32 to vector<16xf32>
    %swap3A_28 = arith.constant 64 : index
    %swap3A_29 = tpu.vector_load %arg5[%swap3A_28] {strides = array<i32>} : memref<128xf32, #tpu.memory_space<vmem>>, vector<16xf32>,
    %swap3A_30 = vector.shape_cast %swap3A_29 : vector<16xf32> to vector<16xf32>
    %swap3A_31 = vector.shape_cast %broadcast_in_dim3A_27 : vector<16xf32> to vector<16xf32>
    tpu.vector_store %arg5[%swap3A_28], %swap3A_31 {strides = array<i32>} : memref<128xf32, #tpu.memory_space<vmem>>, vector<16xf32>,
    %broadcast_in_dim3A_32 = arith.constant 1.000000e+00 : f32
    %broadcast_in_dim3A_33 = vector.broadcast %broadcast_in_dim3A_32 : f32 to vector<16xf32>
    %swap3A_34 = arith.constant 80 : index
    %swap3A_35 = tpu.vector_load %arg5[%swap3A_34] {strides = array<i32>} : memref<128xf32, #tpu.memory_space<vmem>>, vector<16xf32>,
    %swap3A_36 = vector.shape_cast %swap3A_35 : vector<16xf32> to vector<16xf32>
    %swap3A_37 = vector.shape_cast %broadcast_in_dim3A_33 : vector<16xf32> to vector<16xf32>
    tpu.vector_store %arg5[%swap3A_34], %swap3A_37 {strides = array<i32>} : memref<128xf32, #tpu.memory_space<vmem>>, vector<16xf32>,
    %broadcast_in_dim3A_38 = arith.constant 1.000000e+00 : f32
    %broadcast_in_dim3A_39 = vector.broadcast %broadcast_in_dim3A_38 : f32 to vector<16xf32>
    %swap3A_40 = arith.constant 96 : index
    %swap3A_41 = tpu.vector_load %arg5[%swap3A_40] {strides = array<i32>} : memref<128xf32, #tpu.memory_space<vmem>>, vector<16xf32>,
    %swap3A_42 = vector.shape_cast %swap3A_41 : vector<16xf32> to vector<16xf32>
    %swap3A_43 = vector.shape_cast %broadcast_in_dim3A_39 : vector<16xf32> to vector<16xf32>
    tpu.vector_store %arg5[%swap3A_40], %swap3A_43 {strides = array<i32>} : memref<128xf32, #tpu.memory_space<vmem>>, vector<16xf32>,
    %broadcast_in_dim3A_44 = arith.constant 1.000000e+00 : f32
    %broadcast_in_dim3A_45 = vector.broadcast %broadcast_in_dim3A_44 : f32 to vector<16xf32>
    %swap3A_46 = arith.constant 112 : index
    %swap3A_47 = tpu.vector_load %arg5[%swap3A_46] {strides = array<i32>} : memref<128xf32, #tpu.memory_space<vmem>>, vector<16xf32>,
    %swap3A_48 = vector.shape_cast %swap3A_47 : vector<16xf32> to vector<16xf32>
    %swap3A_49 = vector.shape_cast %broadcast_in_dim3A_45 : vector<16xf32> to vector<16xf32>
    tpu.vector_store %arg5[%swap3A_46], %swap3A_49 {strides = array<i32>} : memref<128xf32, #tpu.memory_space<vmem>>, vector<16xf32>,
    %mul3A = arith.constant 640 : i32
    %mul3A_50 = arith.muli %arg1, %mul3A : i32
    "tpu.region"() ({
      %run_scoped3A = tpu.sem_alloc : memref<!tpu.dma_semaphore, #tpu.memory_space<semaphore_mem>>
      %dma_start3A_1019 = tpu.memref_slice %arg7[%mul3A_50] : memref<10240xf32, #tpu.memory_space<vmem_shared>> -> memref<640xf32, #tpu.memory_space<vmem_shared>>
      %dma_start3A_1020 = tpu.memref_slice %arg7[%mul3A_50] : memref<10240xf32, #tpu.memory_space<vmem_shared>> -> memref<640xf32, #tpu.memory_space<vmem_shared>>
      tpu.enqueue_dma source(%arg6 : memref<640xf32, #tpu.memory_space<vmem>>) target(%dma_start3A_1020 : memref<640xf32, #tpu.memory_space<vmem_shared>>) target_semaphore(%run_scoped3A : memref<!tpu.dma_semaphore, #tpu.memory_space<semaphore_mem>>)
      %dma_wait3A_1021 = tpu.memref_slice %arg7[%mul3A_50] : memref<10240xf32, #tpu.memory_space<vmem_shared>> -> memref<640xf32, #tpu.memory_space<vmem_shared>>
      %dma_wait3A_1022 = tpu.memref_slice %arg7[%mul3A_50] : memref<10240xf32, #tpu.memory_space<vmem_shared>> -> memref<640xf32, #tpu.memory_space<vmem_shared>>
      tpu.wait_dma2 semaphore(%run_scoped3A : memref<!tpu.dma_semaphore, #tpu.memory_space<semaphore_mem>>) src(%arg6 : memref<640xf32, #tpu.memory_space<vmem>>) dst(%dma_wait3A_1022 : memref<640xf32, #tpu.memory_space<vmem_shared>>)
      tpu.yield
    }) : () -> ()
    %barrier3A = arith.constant 0 : index
    tpu.barrier barrier_id(%barrier3A)
    %mul3A_51 = arith.constant 16 : i32
    %mul3A_52 = arith.muli %arg0, %mul3A_51 : i32
    %add3A = arith.addi %mul3A_52, %arg1 : i32
    %mul3A_53 = arith.constant 80 : i32
    %mul3A_54 = arith.muli %add3A, %mul3A_53 : i32
    "tpu.region"() ({
      %run_scoped3A = tpu.sem_alloc : memref<!tpu.dma_semaphore, #tpu.memory_space<semaphore_mem>>
      %dma_start3A_1019 = arith.constant 0 : i32
      %dma_start3A_1020 = tpu.memref_slice %arg2[%mul3A_54, %dma_start3A_1019] : memref<2560x128xi32, #tpu.memory_space<hbm>> -> memref<80x128xi32, #tpu.memory_space<hbm>>
      %dma_start3A_1021 = arith.constant 0 : i32
      %dma_start3A_1022 = tpu.memref_slice %arg2[%mul3A_54, %dma_start3A_1021] : memref<2560x128xi32, #tpu.memory_space<hbm>> -> memref<80x128xi32, #tpu.memory_space<hbm>>
      tpu.enqueue_dma source(%dma_start3A_1022 : memref<80x128xi32, #tpu.memory_space<hbm>>) target(%arg4 : memref<80x128xi32, #tpu.memory_space<vmem>>) target_semaphore(%run_scoped3A : memref<!tpu.dma_semaphore, #tpu.memory_space<semaphore_mem>>)
      %dma_wait3A_1023 = arith.constant 0 : i32
      %dma_wait3A_1024 = tpu.memref_slice %arg2[%mul3A_54, %dma_wait3A_1023] : memref<2560x128xi32, #tpu.memory_space<hbm>> -> memref<80x128xi32, #tpu.memory_space<hbm>>
      %dma_wait3A_1025 = arith.constant 0 : i32
      %dma_wait3A_1026 = tpu.memref_slice %arg2[%mul3A_54, %dma_wait3A_1025] : memref<2560x128xi32, #tpu.memory_space<hbm>> -> memref<80x128xi32, #tpu.memory_space<hbm>>
      tpu.wait_dma2 semaphore(%run_scoped3A : memref<!tpu.dma_semaphore, #tpu.memory_space<semaphore_mem>>) src(%dma_wait3A_1026 : memref<80x128xi32, #tpu.memory_space<hbm>>) dst(%arg4 : memref<80x128xi32, #tpu.memory_space<vmem>>)
      tpu.yield
    }) : () -> ()
    %dma_start3A = arith.constant 0 : i32
    %dma_start3A_55 = arith.constant 0 : i32
    %dma_start3A_56 = tpu.memref_slice %arg4[%dma_start3A, %dma_start3A_55] : memref<80x128xi32, #tpu.memory_space<vmem>> -> memref<1x128xi32, #tpu.memory_space<vmem>>
    %dma_start3A_57 = tpu.memref_squeeze %dma_start3A_56 : memref<1x128xi32, #tpu.memory_space<vmem>> -> memref<128xi32, #tpu.memory_space<vmem>>
    %dma_start3A_58 = arith.constant 0 : i32
    %dma_start3A_59 = tpu.memref_slice %arg7[%dma_start3A_58] : memref<10240xf32, #tpu.memory_space<vmem_shared>> -> memref<10240xf32, #tpu.memory_space<vmem_shared>>
    tpu.enqueue_indirect_dma source(%arg5 : memref<128xf32, #tpu.memory_space<vmem>>) target(%dma_start3A_59 : memref<10240xf32, #tpu.memory_space<vmem_shared>>) offsets(%dma_start3A_57 : memref<128xi32, #tpu.memory_space<vmem>>) semaphore(%arg8 : memref<!tpu.dma_semaphore, #tpu.memory_space<semaphore_mem>>) {add = true}
    %dma_start3A_60 = arith.constant 1 : i32
    %dma_start3A_61 = arith.constant 0 : i32
    %dma_start3A_62 = tpu.memref_slice %arg4[%dma_start3A_60, %dma_start3A_61] : memref<80x128xi32, #tpu.memory_space<vmem>> -> memref<1x128xi32, #tpu.memory_space<vmem>>
    %dma_start3A_63 = tpu.memref_squeeze %dma_start3A_62 : memref<1x128xi32, #tpu.memory_space<vmem>> -> memref<128xi32, #tpu.memory_space<vmem>>
    %dma_start3A_64 = arith.constant 0 : i32
    %dma_start3A_65 = tpu.memref_slice %arg7[%dma_start3A_64] : memref<10240xf32, #tpu.memory_space<vmem_shared>> -> memref<10240xf32, #tpu.memory_space<vmem_shared>>
    tpu.enqueue_indirect_dma source(%arg5 : memref<128xf32, #tpu.memory_space<vmem>>) target(%dma_start3A_65 : memref<10240xf32, #tpu.memory_space<vmem_shared>>) offsets(%dma_start3A_63 : memref<128xi32, #tpu.memory_space<vmem>>) semaphore(%arg8 : memref<!tpu.dma_semaphore, #tpu.memory_space<semaphore_mem>>) {add = true}
    %dma_start3A_66 = arith.constant 2 : i32
    %dma_start3A_67 = arith.constant 0 : i32
    %dma_start3A_68 = tpu.memref_slice %arg4[%dma_start3A_66, %dma_start3A_67] : memref<80x128xi32, #tpu.memory_space<vmem>> -> memref<1x128xi32, #tpu.memory_space<vmem>>
    %dma_start3A_69 = tpu.memref_squeeze %dma_start3A_68 : memref<1x128xi32, #tpu.memory_space<vmem>> -> memref<128xi32, #tpu.memory_space<vmem>>
    %dma_start3A_70 = arith.constant 0 : i32
    %dma_start3A_71 = tpu.memref_slice %arg7[%dma_start3A_70] : memref<10240xf32, #tpu.memory_space<vmem_shared>> -> memref<10240xf32, #tpu.memory_space<vmem_shared>>
    tpu.enqueue_indirect_dma source(%arg5 : memref<128xf32, #tpu.memory_space<vmem>>) target(%dma_start3A_71 : memref<10240xf32, #tpu.memory_space<vmem_shared>>) offsets(%dma_start3A_69 : memref<128xi32, #tpu.memory_space<vmem>>) semaphore(%arg8 : memref<!tpu.dma_semaphore, #tpu.memory_space<semaphore_mem>>) {add = true}
    %dma_start3A_72 = arith.constant 3 : i32
    %dma_start3A_73 = arith.constant 0 : i32
    %dma_start3A_74 = tpu.memref_slice %arg4[%dma_start3A_72, %dma_start3A_73] : memref<80x128xi32, #tpu.memory_space<vmem>> -> memref<1x128xi32, #tpu.memory_space<vmem>>
    %dma_start3A_75 = tpu.memref_squeeze %dma_start3A_74 : memref<1x128xi32, #tpu.memory_space<vmem>> -> memref<128xi32, #tpu.memory_space<vmem>>
    %dma_start3A_76 = arith.constant 0 : i32
    %dma_start3A_77 = tpu.memref_slice %arg7[%dma_start3A_76] : memref<10240xf32, #tpu.memory_space<vmem_shared>> -> memref<10240xf32, #tpu.memory_space<vmem_shared>>
    tpu.enqueue_indirect_dma source(%arg5 : memref<128xf32, #tpu.memory_space<vmem>>) target(%dma_start3A_77 : memref<10240xf32, #tpu.memory_space<vmem_shared>>) offsets(%dma_start3A_75 : memref<128xi32, #tpu.memory_space<vmem>>) semaphore(%arg8 : memref<!tpu.dma_semaphore, #tpu.memory_space<semaphore_mem>>) {add = true}
    %dma_start3A_78 = arith.constant 4 : i32
    %dma_start3A_79 = arith.constant 0 : i32
    %dma_start3A_80 = tpu.memref_slice %arg4[%dma_start3A_78, %dma_start3A_79] : memref<80x128xi32, #tpu.memory_space<vmem>> -> memref<1x128xi32, #tpu.memory_space<vmem>>
    %dma_start3A_81 = tpu.memref_squeeze %dma_start3A_80 : memref<1x128xi32, #tpu.memory_space<vmem>> -> memref<128xi32, #tpu.memory_space<vmem>>
    %dma_start3A_82 = arith.constant 0 : i32
    %dma_start3A_83 = tpu.memref_slice %arg7[%dma_start3A_82] : memref<10240xf32, #tpu.memory_space<vmem_shared>> -> memref<10240xf32, #tpu.memory_space<vmem_shared>>
    tpu.enqueue_indirect_dma source(%arg5 : memref<128xf32, #tpu.memory_space<vmem>>) target(%dma_start3A_83 : memref<10240xf32, #tpu.memory_space<vmem_shared>>) offsets(%dma_start3A_81 : memref<128xi32, #tpu.memory_space<vmem>>) semaphore(%arg8 : memref<!tpu.dma_semaphore, #tpu.memory_space<semaphore_mem>>) {add = true}
    %dma_start3A_84 = arith.constant 5 : i32
    %dma_start3A_85 = arith.constant 0 : i32
    %dma_start3A_86 = tpu.memref_slice %arg4[%dma_start3A_84, %dma_start3A_85] : memref<80x128xi32, #tpu.memory_space<vmem>> -> memref<1x128xi32, #tpu.memory_space<vmem>>
    %dma_start3A_87 = tpu.memref_squeeze %dma_start3A_86 : memref<1x128xi32, #tpu.memory_space<vmem>> -> memref<128xi32, #tpu.memory_space<vmem>>
    %dma_start3A_88 = arith.constant 0 : i32
    %dma_start3A_89 = tpu.memref_slice %arg7[%dma_start3A_88] : memref<10240xf32, #tpu.memory_space<vmem_shared>> -> memref<10240xf32, #tpu.memory_space<vmem_shared>>
    tpu.enqueue_indirect_dma source(%arg5 : memref<128xf32, #tpu.memory_space<vmem>>) target(%dma_start3A_89 : memref<10240xf32, #tpu.memory_space<vmem_shared>>) offsets(%dma_start3A_87 : memref<128xi32, #tpu.memory_space<vmem>>) semaphore(%arg8 : memref<!tpu.dma_semaphore, #tpu.memory_space<semaphore_mem>>) {add = true}
    %dma_start3A_90 = arith.constant 6 : i32
    %dma_start3A_91 = arith.constant 0 : i32
    %dma_start3A_92 = tpu.memref_slice %arg4[%dma_start3A_90, %dma_start3A_91] : memref<80x128xi32, #tpu.memory_space<vmem>> -> memref<1x128xi32, #tpu.memory_space<vmem>>
    %dma_start3A_93 = tpu.memref_squeeze %dma_start3A_92 : memref<1x128xi32, #tpu.memory_space<vmem>> -> memref<128xi32, #tpu.memory_space<vmem>>
    %dma_start3A_94 = arith.constant 0 : i32
    %dma_start3A_95 = tpu.memref_slice %arg7[%dma_start3A_94] : memref<10240xf32, #tpu.memory_space<vmem_shared>> -> memref<10240xf32, #tpu.memory_space<vmem_shared>>
    tpu.enqueue_indirect_dma source(%arg5 : memref<128xf32, #tpu.memory_space<vmem>>) target(%dma_start3A_95 : memref<10240xf32, #tpu.memory_space<vmem_shared>>) offsets(%dma_start3A_93 : memref<128xi32, #tpu.memory_space<vmem>>) semaphore(%arg8 : memref<!tpu.dma_semaphore, #tpu.memory_space<semaphore_mem>>) {add = true}
    %dma_start3A_96 = arith.constant 7 : i32
    %dma_start3A_97 = arith.constant 0 : i32
    %dma_start3A_98 = tpu.memref_slice %arg4[%dma_start3A_96, %dma_start3A_97] : memref<80x128xi32, #tpu.memory_space<vmem>> -> memref<1x128xi32, #tpu.memory_space<vmem>>
    %dma_start3A_99 = tpu.memref_squeeze %dma_start3A_98 : memref<1x128xi32, #tpu.memory_space<vmem>> -> memref<128xi32, #tpu.memory_space<vmem>>
    %dma_start3A_100 = arith.constant 0 : i32
    %dma_start3A_101 = tpu.memref_slice %arg7[%dma_start3A_100] : memref<10240xf32, #tpu.memory_space<vmem_shared>> -> memref<10240xf32, #tpu.memory_space<vmem_shared>>
    tpu.enqueue_indirect_dma source(%arg5 : memref<128xf32, #tpu.memory_space<vmem>>) target(%dma_start3A_101 : memref<10240xf32, #tpu.memory_space<vmem_shared>>) offsets(%dma_start3A_99 : memref<128xi32, #tpu.memory_space<vmem>>) semaphore(%arg8 : memref<!tpu.dma_semaphore, #tpu.memory_space<semaphore_mem>>) {add = true}
    %dma_start3A_102 = arith.constant 8 : i32
    %dma_start3A_103 = arith.constant 0 : i32
    %dma_start3A_104 = tpu.memref_slice %arg4[%dma_start3A_102, %dma_start3A_103] : memref<80x128xi32, #tpu.memory_space<vmem>> -> memref<1x128xi32, #tpu.memory_space<vmem>>
    %dma_start3A_105 = tpu.memref_squeeze %dma_start3A_104 : memref<1x128xi32, #tpu.memory_space<vmem>> -> memref<128xi32, #tpu.memory_space<vmem>>
    %dma_start3A_106 = arith.constant 0 : i32
    %dma_start3A_107 = tpu.memref_slice %arg7[%dma_start3A_106] : memref<10240xf32, #tpu.memory_space<vmem_shared>> -> memref<10240xf32, #tpu.memory_space<vmem_shared>>
    tpu.enqueue_indirect_dma source(%arg5 : memref<128xf32, #tpu.memory_space<vmem>>) target(%dma_start3A_107 : memref<10240xf32, #tpu.memory_space<vmem_shared>>) offsets(%dma_start3A_105 : memref<128xi32, #tpu.memory_space<vmem>>) semaphore(%arg8 : memref<!tpu.dma_semaphore, #tpu.memory_space<semaphore_mem>>) {add = true}
    %dma_start3A_108 = arith.constant 9 : i32
    %dma_start3A_109 = arith.constant 0 : i32
    %dma_start3A_110 = tpu.memref_slice %arg4[%dma_start3A_108, %dma_start3A_109] : memref<80x128xi32, #tpu.memory_space<vmem>> -> memref<1x128xi32, #tpu.memory_space<vmem>>
    %dma_start3A_111 = tpu.memref_squeeze %dma_start3A_110 : memref<1x128xi32, #tpu.memory_space<vmem>> -> memref<128xi32, #tpu.memory_space<vmem>>
    %dma_start3A_112 = arith.constant 0 : i32
    %dma_start3A_113 = tpu.memref_slice %arg7[%dma_start3A_112] : memref<10240xf32, #tpu.memory_space<vmem_shared>> -> memref<10240xf32, #tpu.memory_space<vmem_shared>>
    tpu.enqueue_indirect_dma source(%arg5 : memref<128xf32, #tpu.memory_space<vmem>>) target(%dma_start3A_113 : memref<10240xf32, #tpu.memory_space<vmem_shared>>) offsets(%dma_start3A_111 : memref<128xi32, #tpu.memory_space<vmem>>) semaphore(%arg8 : memref<!tpu.dma_semaphore, #tpu.memory_space<semaphore_mem>>) {add = true}
    %dma_start3A_114 = arith.constant 10 : i32
    %dma_start3A_115 = arith.constant 0 : i32
    %dma_start3A_116 = tpu.memref_slice %arg4[%dma_start3A_114, %dma_start3A_115] : memref<80x128xi32, #tpu.memory_space<vmem>> -> memref<1x128xi32, #tpu.memory_space<vmem>>
    %dma_start3A_117 = tpu.memref_squeeze %dma_start3A_116 : memref<1x128xi32, #tpu.memory_space<vmem>> -> memref<128xi32, #tpu.memory_space<vmem>>
    %dma_start3A_118 = arith.constant 0 : i32
    %dma_start3A_119 = tpu.memref_slice %arg7[%dma_start3A_118] : memref<10240xf32, #tpu.memory_space<vmem_shared>> -> memref<10240xf32, #tpu.memory_space<vmem_shared>>
    tpu.enqueue_indirect_dma source(%arg5 : memref<128xf32, #tpu.memory_space<vmem>>) target(%dma_start3A_119 : memref<10240xf32, #tpu.memory_space<vmem_shared>>) offsets(%dma_start3A_117 : memref<128xi32, #tpu.memory_space<vmem>>) semaphore(%arg8 : memref<!tpu.dma_semaphore, #tpu.memory_space<semaphore_mem>>) {add = true}
    %dma_start3A_120 = arith.constant 11 : i32
    %dma_start3A_121 = arith.constant 0 : i32
    %dma_start3A_122 = tpu.memref_slice %arg4[%dma_start3A_120, %dma_start3A_121] : memref<80x128xi32, #tpu.memory_space<vmem>> -> memref<1x128xi32, #tpu.memory_space<vmem>>
    %dma_start3A_123 = tpu.memref_squeeze %dma_start3A_122 : memref<1x128xi32, #tpu.memory_space<vmem>> -> memref<128xi32, #tpu.memory_space<vmem>>
    %dma_start3A_124 = arith.constant 0 : i32
    %dma_start3A_125 = tpu.memref_slice %arg7[%dma_start3A_124] : memref<10240xf32, #tpu.memory_space<vmem_shared>> -> memref<10240xf32, #tpu.memory_space<vmem_shared>>
    tpu.enqueue_indirect_dma source(%arg5 : memref<128xf32, #tpu.memory_space<vmem>>) target(%dma_start3A_125 : memref<10240xf32, #tpu.memory_space<vmem_shared>>) offsets(%dma_start3A_123 : memref<128xi32, #tpu.memory_space<vmem>>) semaphore(%arg8 : memref<!tpu.dma_semaphore, #tpu.memory_space<semaphore_mem>>) {add = true}
    %dma_start3A_126 = arith.constant 12 : i32
    %dma_start3A_127 = arith.constant 0 : i32
    %dma_start3A_128 = tpu.memref_slice %arg4[%dma_start3A_126, %dma_start3A_127] : memref<80x128xi32, #tpu.memory_space<vmem>> -> memref<1x128xi32, #tpu.memory_space<vmem>>
    %dma_start3A_129 = tpu.memref_squeeze %dma_start3A_128 : memref<1x128xi32, #tpu.memory_space<vmem>> -> memref<128xi32, #tpu.memory_space<vmem>>
    %dma_start3A_130 = arith.constant 0 : i32
    %dma_start3A_131 = tpu.memref_slice %arg7[%dma_start3A_130] : memref<10240xf32, #tpu.memory_space<vmem_shared>> -> memref<10240xf32, #tpu.memory_space<vmem_shared>>
    tpu.enqueue_indirect_dma source(%arg5 : memref<128xf32, #tpu.memory_space<vmem>>) target(%dma_start3A_131 : memref<10240xf32, #tpu.memory_space<vmem_shared>>) offsets(%dma_start3A_129 : memref<128xi32, #tpu.memory_space<vmem>>) semaphore(%arg8 : memref<!tpu.dma_semaphore, #tpu.memory_space<semaphore_mem>>) {add = true}
    %dma_start3A_132 = arith.constant 13 : i32
    %dma_start3A_133 = arith.constant 0 : i32
    %dma_start3A_134 = tpu.memref_slice %arg4[%dma_start3A_132, %dma_start3A_133] : memref<80x128xi32, #tpu.memory_space<vmem>> -> memref<1x128xi32, #tpu.memory_space<vmem>>
    %dma_start3A_135 = tpu.memref_squeeze %dma_start3A_134 : memref<1x128xi32, #tpu.memory_space<vmem>> -> memref<128xi32, #tpu.memory_space<vmem>>
    %dma_start3A_136 = arith.constant 0 : i32
    %dma_start3A_137 = tpu.memref_slice %arg7[%dma_start3A_136] : memref<10240xf32, #tpu.memory_space<vmem_shared>> -> memref<10240xf32, #tpu.memory_space<vmem_shared>>
    tpu.enqueue_indirect_dma source(%arg5 : memref<128xf32, #tpu.memory_space<vmem>>) target(%dma_start3A_137 : memref<10240xf32, #tpu.memory_space<vmem_shared>>) offsets(%dma_start3A_135 : memref<128xi32, #tpu.memory_space<vmem>>) semaphore(%arg8 : memref<!tpu.dma_semaphore, #tpu.memory_space<semaphore_mem>>) {add = true}
    %dma_start3A_138 = arith.constant 14 : i32
    %dma_start3A_139 = arith.constant 0 : i32
    %dma_start3A_140 = tpu.memref_slice %arg4[%dma_start3A_138, %dma_start3A_139] : memref<80x128xi32, #tpu.memory_space<vmem>> -> memref<1x128xi32, #tpu.memory_space<vmem>>
    %dma_start3A_141 = tpu.memref_squeeze %dma_start3A_140 : memref<1x128xi32, #tpu.memory_space<vmem>> -> memref<128xi32, #tpu.memory_space<vmem>>
    %dma_start3A_142 = arith.constant 0 : i32
    %dma_start3A_143 = tpu.memref_slice %arg7[%dma_start3A_142] : memref<10240xf32, #tpu.memory_space<vmem_shared>> -> memref<10240xf32, #tpu.memory_space<vmem_shared>>
    tpu.enqueue_indirect_dma source(%arg5 : memref<128xf32, #tpu.memory_space<vmem>>) target(%dma_start3A_143 : memref<10240xf32, #tpu.memory_space<vmem_shared>>) offsets(%dma_start3A_141 : memref<128xi32, #tpu.memory_space<vmem>>) semaphore(%arg8 : memref<!tpu.dma_semaphore, #tpu.memory_space<semaphore_mem>>) {add = true}
    %dma_start3A_144 = arith.constant 15 : i32
    %dma_start3A_145 = arith.constant 0 : i32
    %dma_start3A_146 = tpu.memref_slice %arg4[%dma_start3A_144, %dma_start3A_145] : memref<80x128xi32, #tpu.memory_space<vmem>> -> memref<1x128xi32, #tpu.memory_space<vmem>>
    %dma_start3A_147 = tpu.memref_squeeze %dma_start3A_146 : memref<1x128xi32, #tpu.memory_space<vmem>> -> memref<128xi32, #tpu.memory_space<vmem>>
    %dma_start3A_148 = arith.constant 0 : i32
    %dma_start3A_149 = tpu.memref_slice %arg7[%dma_start3A_148] : memref<10240xf32, #tpu.memory_space<vmem_shared>> -> memref<10240xf32, #tpu.memory_space<vmem_shared>>
    tpu.enqueue_indirect_dma source(%arg5 : memref<128xf32, #tpu.memory_space<vmem>>) target(%dma_start3A_149 : memref<10240xf32, #tpu.memory_space<vmem_shared>>) offsets(%dma_start3A_147 : memref<128xi32, #tpu.memory_space<vmem>>) semaphore(%arg8 : memref<!tpu.dma_semaphore, #tpu.memory_space<semaphore_mem>>) {add = true}
    %dma_start3A_150 = arith.constant 16 : i32
    %dma_start3A_151 = arith.constant 0 : i32
    %dma_start3A_152 = tpu.memref_slice %arg4[%dma_start3A_150, %dma_start3A_151] : memref<80x128xi32, #tpu.memory_space<vmem>> -> memref<1x128xi32, #tpu.memory_space<vmem>>
    %dma_start3A_153 = tpu.memref_squeeze %dma_start3A_152 : memref<1x128xi32, #tpu.memory_space<vmem>> -> memref<128xi32, #tpu.memory_space<vmem>>
    %dma_start3A_154 = arith.constant 0 : i32
    %dma_start3A_155 = tpu.memref_slice %arg7[%dma_start3A_154] : memref<10240xf32, #tpu.memory_space<vmem_shared>> -> memref<10240xf32, #tpu.memory_space<vmem_shared>>
    tpu.enqueue_indirect_dma source(%arg5 : memref<128xf32, #tpu.memory_space<vmem>>) target(%dma_start3A_155 : memref<10240xf32, #tpu.memory_space<vmem_shared>>) offsets(%dma_start3A_153 : memref<128xi32, #tpu.memory_space<vmem>>) semaphore(%arg8 : memref<!tpu.dma_semaphore, #tpu.memory_space<semaphore_mem>>) {add = true}
    %dma_start3A_156 = arith.constant 17 : i32
    %dma_start3A_157 = arith.constant 0 : i32
    %dma_start3A_158 = tpu.memref_slice %arg4[%dma_start3A_156, %dma_start3A_157] : memref<80x128xi32, #tpu.memory_space<vmem>> -> memref<1x128xi32, #tpu.memory_space<vmem>>
    %dma_start3A_159 = tpu.memref_squeeze %dma_start3A_158 : memref<1x128xi32, #tpu.memory_space<vmem>> -> memref<128xi32, #tpu.memory_space<vmem>>
    %dma_start3A_160 = arith.constant 0 : i32
    %dma_start3A_161 = tpu.memref_slice %arg7[%dma_start3A_160] : memref<10240xf32, #tpu.memory_space<vmem_shared>> -> memref<10240xf32, #tpu.memory_space<vmem_shared>>
    tpu.enqueue_indirect_dma source(%arg5 : memref<128xf32, #tpu.memory_space<vmem>>) target(%dma_start3A_161 : memref<10240xf32, #tpu.memory_space<vmem_shared>>) offsets(%dma_start3A_159 : memref<128xi32, #tpu.memory_space<vmem>>) semaphore(%arg8 : memref<!tpu.dma_semaphore, #tpu.memory_space<semaphore_mem>>) {add = true}
    %dma_start3A_162 = arith.constant 18 : i32
    %dma_start3A_163 = arith.constant 0 : i32
    %dma_start3A_164 = tpu.memref_slice %arg4[%dma_start3A_162, %dma_start3A_163] : memref<80x128xi32, #tpu.memory_space<vmem>> -> memref<1x128xi32, #tpu.memory_space<vmem>>
    %dma_start3A_165 = tpu.memref_squeeze %dma_start3A_164 : memref<1x128xi32, #tpu.memory_space<vmem>> -> memref<128xi32, #tpu.memory_space<vmem>>
    %dma_start3A_166 = arith.constant 0 : i32
    %dma_start3A_167 = tpu.memref_slice %arg7[%dma_start3A_166] : memref<10240xf32, #tpu.memory_space<vmem_shared>> -> memref<10240xf32, #tpu.memory_space<vmem_shared>>
    tpu.enqueue_indirect_dma source(%arg5 : memref<128xf32, #tpu.memory_space<vmem>>) target(%dma_start3A_167 : memref<10240xf32, #tpu.memory_space<vmem_shared>>) offsets(%dma_start3A_165 : memref<128xi32, #tpu.memory_space<vmem>>) semaphore(%arg8 : memref<!tpu.dma_semaphore, #tpu.memory_space<semaphore_mem>>) {add = true}
    %dma_start3A_168 = arith.constant 19 : i32
    %dma_start3A_169 = arith.constant 0 : i32
    %dma_start3A_170 = tpu.memref_slice %arg4[%dma_start3A_168, %dma_start3A_169] : memref<80x128xi32, #tpu.memory_space<vmem>> -> memref<1x128xi32, #tpu.memory_space<vmem>>
    %dma_start3A_171 = tpu.memref_squeeze %dma_start3A_170 : memref<1x128xi32, #tpu.memory_space<vmem>> -> memref<128xi32, #tpu.memory_space<vmem>>
    %dma_start3A_172 = arith.constant 0 : i32
    %dma_start3A_173 = tpu.memref_slice %arg7[%dma_start3A_172] : memref<10240xf32, #tpu.memory_space<vmem_shared>> -> memref<10240xf32, #tpu.memory_space<vmem_shared>>
    tpu.enqueue_indirect_dma source(%arg5 : memref<128xf32, #tpu.memory_space<vmem>>) target(%dma_start3A_173 : memref<10240xf32, #tpu.memory_space<vmem_shared>>) offsets(%dma_start3A_171 : memref<128xi32, #tpu.memory_space<vmem>>) semaphore(%arg8 : memref<!tpu.dma_semaphore, #tpu.memory_space<semaphore_mem>>) {add = true}
    %dma_start3A_174 = arith.constant 20 : i32
    %dma_start3A_175 = arith.constant 0 : i32
    %dma_start3A_176 = tpu.memref_slice %arg4[%dma_start3A_174, %dma_start3A_175] : memref<80x128xi32, #tpu.memory_space<vmem>> -> memref<1x128xi32, #tpu.memory_space<vmem>>
    %dma_start3A_177 = tpu.memref_squeeze %dma_start3A_176 : memref<1x128xi32, #tpu.memory_space<vmem>> -> memref<128xi32, #tpu.memory_space<vmem>>
    %dma_start3A_178 = arith.constant 0 : i32
    %dma_start3A_179 = tpu.memref_slice %arg7[%dma_start3A_178] : memref<10240xf32, #tpu.memory_space<vmem_shared>> -> memref<10240xf32, #tpu.memory_space<vmem_shared>>
    tpu.enqueue_indirect_dma source(%arg5 : memref<128xf32, #tpu.memory_space<vmem>>) target(%dma_start3A_179 : memref<10240xf32, #tpu.memory_space<vmem_shared>>) offsets(%dma_start3A_177 : memref<128xi32, #tpu.memory_space<vmem>>) semaphore(%arg8 : memref<!tpu.dma_semaphore, #tpu.memory_space<semaphore_mem>>) {add = true}
    %dma_start3A_180 = arith.constant 21 : i32
    %dma_start3A_181 = arith.constant 0 : i32
    %dma_start3A_182 = tpu.memref_slice %arg4[%dma_start3A_180, %dma_start3A_181] : memref<80x128xi32, #tpu.memory_space<vmem>> -> memref<1x128xi32, #tpu.memory_space<vmem>>
    %dma_start3A_183 = tpu.memref_squeeze %dma_start3A_182 : memref<1x128xi32, #tpu.memory_space<vmem>> -> memref<128xi32, #tpu.memory_space<vmem>>
    %dma_start3A_184 = arith.constant 0 : i32
    %dma_start3A_185 = tpu.memref_slice %arg7[%dma_start3A_184] : memref<10240xf32, #tpu.memory_space<vmem_shared>> -> memref<10240xf32, #tpu.memory_space<vmem_shared>>
    tpu.enqueue_indirect_dma source(%arg5 : memref<128xf32, #tpu.memory_space<vmem>>) target(%dma_start3A_185 : memref<10240xf32, #tpu.memory_space<vmem_shared>>) offsets(%dma_start3A_183 : memref<128xi32, #tpu.memory_space<vmem>>) semaphore(%arg8 : memref<!tpu.dma_semaphore, #tpu.memory_space<semaphore_mem>>) {add = true}
    %dma_start3A_186 = arith.constant 22 : i32
    %dma_start3A_187 = arith.constant 0 : i32
    %dma_start3A_188 = tpu.memref_slice %arg4[%dma_start3A_186, %dma_start3A_187] : memref<80x128xi32, #tpu.memory_space<vmem>> -> memref<1x128xi32, #tpu.memory_space<vmem>>
    %dma_start3A_189 = tpu.memref_squeeze %dma_start3A_188 : memref<1x128xi32, #tpu.memory_space<vmem>> -> memref<128xi32, #tpu.memory_space<vmem>>
    %dma_start3A_190 = arith.constant 0 : i32
    %dma_start3A_191 = tpu.memref_slice %arg7[%dma_start3A_190] : memref<10240xf32, #tpu.memory_space<vmem_shared>> -> memref<10240xf32, #tpu.memory_space<vmem_shared>>
    tpu.enqueue_indirect_dma source(%arg5 : memref<128xf32, #tpu.memory_space<vmem>>) target(%dma_start3A_191 : memref<10240xf32, #tpu.memory_space<vmem_shared>>) offsets(%dma_start3A_189 : memref<128xi32, #tpu.memory_space<vmem>>) semaphore(%arg8 : memref<!tpu.dma_semaphore, #tpu.memory_space<semaphore_mem>>) {add = true}
    %dma_start3A_192 = arith.constant 23 : i32
    %dma_start3A_193 = arith.constant 0 : i32
    %dma_start3A_194 = tpu.memref_slice %arg4[%dma_start3A_192, %dma_start3A_193] : memref<80x128xi32, #tpu.memory_space<vmem>> -> memref<1x128xi32, #tpu.memory_space<vmem>>
    %dma_start3A_195 = tpu.memref_squeeze %dma_start3A_194 : memref<1x128xi32, #tpu.memory_space<vmem>> -> memref<128xi32, #tpu.memory_space<vmem>>
    %dma_start3A_196 = arith.constant 0 : i32
    %dma_start3A_197 = tpu.memref_slice %arg7[%dma_start3A_196] : memref<10240xf32, #tpu.memory_space<vmem_shared>> -> memref<10240xf32, #tpu.memory_space<vmem_shared>>
    tpu.enqueue_indirect_dma source(%arg5 : memref<128xf32, #tpu.memory_space<vmem>>) target(%dma_start3A_197 : memref<10240xf32, #tpu.memory_space<vmem_shared>>) offsets(%dma_start3A_195 : memref<128xi32, #tpu.memory_space<vmem>>) semaphore(%arg8 : memref<!tpu.dma_semaphore, #tpu.memory_space<semaphore_mem>>) {add = true}
    %dma_start3A_198 = arith.constant 24 : i32
    %dma_start3A_199 = arith.constant 0 : i32
    %dma_start3A_200 = tpu.memref_slice %arg4[%dma_start3A_198, %dma_start3A_199] : memref<80x128xi32, #tpu.memory_space<vmem>> -> memref<1x128xi32, #tpu.memory_space<vmem>>
    %dma_start3A_201 = tpu.memref_squeeze %dma_start3A_200 : memref<1x128xi32, #tpu.memory_space<vmem>> -> memref<128xi32, #tpu.memory_space<vmem>>
    %dma_start3A_202 = arith.constant 0 : i32
    %dma_start3A_203 = tpu.memref_slice %arg7[%dma_start3A_202] : memref<10240xf32, #tpu.memory_space<vmem_shared>> -> memref<10240xf32, #tpu.memory_space<vmem_shared>>
    tpu.enqueue_indirect_dma source(%arg5 : memref<128xf32, #tpu.memory_space<vmem>>) target(%dma_start3A_203 : memref<10240xf32, #tpu.memory_space<vmem_shared>>) offsets(%dma_start3A_201 : memref<128xi32, #tpu.memory_space<vmem>>) semaphore(%arg8 : memref<!tpu.dma_semaphore, #tpu.memory_space<semaphore_mem>>) {add = true}
    %dma_start3A_204 = arith.constant 25 : i32
    %dma_start3A_205 = arith.constant 0 : i32
    %dma_start3A_206 = tpu.memref_slice %arg4[%dma_start3A_204, %dma_start3A_205] : memref<80x128xi32, #tpu.memory_space<vmem>> -> memref<1x128xi32, #tpu.memory_space<vmem>>
    %dma_start3A_207 = tpu.memref_squeeze %dma_start3A_206 : memref<1x128xi32, #tpu.memory_space<vmem>> -> memref<128xi32, #tpu.memory_space<vmem>>
    %dma_start3A_208 = arith.constant 0 : i32
    %dma_start3A_209 = tpu.memref_slice %arg7[%dma_start3A_208] : memref<10240xf32, #tpu.memory_space<vmem_shared>> -> memref<10240xf32, #tpu.memory_space<vmem_shared>>
    tpu.enqueue_indirect_dma source(%arg5 : memref<128xf32, #tpu.memory_space<vmem>>) target(%dma_start3A_209 : memref<10240xf32, #tpu.memory_space<vmem_shared>>) offsets(%dma_start3A_207 : memref<128xi32, #tpu.memory_space<vmem>>) semaphore(%arg8 : memref<!tpu.dma_semaphore, #tpu.memory_space<semaphore_mem>>) {add = true}
    %dma_start3A_210 = arith.constant 26 : i32
    %dma_start3A_211 = arith.constant 0 : i32
    %dma_start3A_212 = tpu.memref_slice %arg4[%dma_start3A_210, %dma_start3A_211] : memref<80x128xi32, #tpu.memory_space<vmem>> -> memref<1x128xi32, #tpu.memory_space<vmem>>
    %dma_start3A_213 = tpu.memref_squeeze %dma_start3A_212 : memref<1x128xi32, #tpu.memory_space<vmem>> -> memref<128xi32, #tpu.memory_space<vmem>>
    %dma_start3A_214 = arith.constant 0 : i32
    %dma_start3A_215 = tpu.memref_slice %arg7[%dma_start3A_214] : memref<10240xf32, #tpu.memory_space<vmem_shared>> -> memref<10240xf32, #tpu.memory_space<vmem_shared>>
    tpu.enqueue_indirect_dma source(%arg5 : memref<128xf32, #tpu.memory_space<vmem>>) target(%dma_start3A_215 : memref<10240xf32, #tpu.memory_space<vmem_shared>>) offsets(%dma_start3A_213 : memref<128xi32, #tpu.memory_space<vmem>>) semaphore(%arg8 : memref<!tpu.dma_semaphore, #tpu.memory_space<semaphore_mem>>) {add = true}
    %dma_start3A_216 = arith.constant 27 : i32
    %dma_start3A_217 = arith.constant 0 : i32
    %dma_start3A_218 = tpu.memref_slice %arg4[%dma_start3A_216, %dma_start3A_217] : memref<80x128xi32, #tpu.memory_space<vmem>> -> memref<1x128xi32, #tpu.memory_space<vmem>>
    %dma_start3A_219 = tpu.memref_squeeze %dma_start3A_218 : memref<1x128xi32, #tpu.memory_space<vmem>> -> memref<128xi32, #tpu.memory_space<vmem>>
    %dma_start3A_220 = arith.constant 0 : i32
    %dma_start3A_221 = tpu.memref_slice %arg7[%dma_start3A_220] : memref<10240xf32, #tpu.memory_space<vmem_shared>> -> memref<10240xf32, #tpu.memory_space<vmem_shared>>
    tpu.enqueue_indirect_dma source(%arg5 : memref<128xf32, #tpu.memory_space<vmem>>) target(%dma_start3A_221 : memref<10240xf32, #tpu.memory_space<vmem_shared>>) offsets(%dma_start3A_219 : memref<128xi32, #tpu.memory_space<vmem>>) semaphore(%arg8 : memref<!tpu.dma_semaphore, #tpu.memory_space<semaphore_mem>>) {add = true}
    %dma_start3A_222 = arith.constant 28 : i32
    %dma_start3A_223 = arith.constant 0 : i32
    %dma_start3A_224 = tpu.memref_slice %arg4[%dma_start3A_222, %dma_start3A_223] : memref<80x128xi32, #tpu.memory_space<vmem>> -> memref<1x128xi32, #tpu.memory_space<vmem>>
    %dma_start3A_225 = tpu.memref_squeeze %dma_start3A_224 : memref<1x128xi32, #tpu.memory_space<vmem>> -> memref<128xi32, #tpu.memory_space<vmem>>
    %dma_start3A_226 = arith.constant 0 : i32
    %dma_start3A_227 = tpu.memref_slice %arg7[%dma_start3A_226] : memref<10240xf32, #tpu.memory_space<vmem_shared>> -> memref<10240xf32, #tpu.memory_space<vmem_shared>>
    tpu.enqueue_indirect_dma source(%arg5 : memref<128xf32, #tpu.memory_space<vmem>>) target(%dma_start3A_227 : memref<10240xf32, #tpu.memory_space<vmem_shared>>) offsets(%dma_start3A_225 : memref<128xi32, #tpu.memory_space<vmem>>) semaphore(%arg8 : memref<!tpu.dma_semaphore, #tpu.memory_space<semaphore_mem>>) {add = true}
    %dma_start3A_228 = arith.constant 29 : i32
    %dma_start3A_229 = arith.constant 0 : i32
    %dma_start3A_230 = tpu.memref_slice %arg4[%dma_start3A_228, %dma_start3A_229] : memref<80x128xi32, #tpu.memory_space<vmem>> -> memref<1x128xi32, #tpu.memory_space<vmem>>
    %dma_start3A_231 = tpu.memref_squeeze %dma_start3A_230 : memref<1x128xi32, #tpu.memory_space<vmem>> -> memref<128xi32, #tpu.memory_space<vmem>>
    %dma_start3A_232 = arith.constant 0 : i32
    %dma_start3A_233 = tpu.memref_slice %arg7[%dma_start3A_232] : memref<10240xf32, #tpu.memory_space<vmem_shared>> -> memref<10240xf32, #tpu.memory_space<vmem_shared>>
    tpu.enqueue_indirect_dma source(%arg5 : memref<128xf32, #tpu.memory_space<vmem>>) target(%dma_start3A_233 : memref<10240xf32, #tpu.memory_space<vmem_shared>>) offsets(%dma_start3A_231 : memref<128xi32, #tpu.memory_space<vmem>>) semaphore(%arg8 : memref<!tpu.dma_semaphore, #tpu.memory_space<semaphore_mem>>) {add = true}
    %dma_start3A_234 = arith.constant 30 : i32
    %dma_start3A_235 = arith.constant 0 : i32
    %dma_start3A_236 = tpu.memref_slice %arg4[%dma_start3A_234, %dma_start3A_235] : memref<80x128xi32, #tpu.memory_space<vmem>> -> memref<1x128xi32, #tpu.memory_space<vmem>>
    %dma_start3A_237 = tpu.memref_squeeze %dma_start3A_236 : memref<1x128xi32, #tpu.memory_space<vmem>> -> memref<128xi32, #tpu.memory_space<vmem>>
    %dma_start3A_238 = arith.constant 0 : i32
    %dma_start3A_239 = tpu.memref_slice %arg7[%dma_start3A_238] : memref<10240xf32, #tpu.memory_space<vmem_shared>> -> memref<10240xf32, #tpu.memory_space<vmem_shared>>
    tpu.enqueue_indirect_dma source(%arg5 : memref<128xf32, #tpu.memory_space<vmem>>) target(%dma_start3A_239 : memref<10240xf32, #tpu.memory_space<vmem_shared>>) offsets(%dma_start3A_237 : memref<128xi32, #tpu.memory_space<vmem>>) semaphore(%arg8 : memref<!tpu.dma_semaphore, #tpu.memory_space<semaphore_mem>>) {add = true}
    %dma_start3A_240 = arith.constant 31 : i32
    %dma_start3A_241 = arith.constant 0 : i32
    %dma_start3A_242 = tpu.memref_slice %arg4[%dma_start3A_240, %dma_start3A_241] : memref<80x128xi32, #tpu.memory_space<vmem>> -> memref<1x128xi32, #tpu.memory_space<vmem>>
    %dma_start3A_243 = tpu.memref_squeeze %dma_start3A_242 : memref<1x128xi32, #tpu.memory_space<vmem>> -> memref<128xi32, #tpu.memory_space<vmem>>
    %dma_start3A_244 = arith.constant 0 : i32
    %dma_start3A_245 = tpu.memref_slice %arg7[%dma_start3A_244] : memref<10240xf32, #tpu.memory_space<vmem_shared>> -> memref<10240xf32, #tpu.memory_space<vmem_shared>>
    tpu.enqueue_indirect_dma source(%arg5 : memref<128xf32, #tpu.memory_space<vmem>>) target(%dma_start3A_245 : memref<10240xf32, #tpu.memory_space<vmem_shared>>) offsets(%dma_start3A_243 : memref<128xi32, #tpu.memory_space<vmem>>) semaphore(%arg8 : memref<!tpu.dma_semaphore, #tpu.memory_space<semaphore_mem>>) {add = true}
    %dma_start3A_246 = arith.constant 32 : i32
    %dma_start3A_247 = arith.constant 0 : i32
    %dma_start3A_248 = tpu.memref_slice %arg4[%dma_start3A_246, %dma_start3A_247] : memref<80x128xi32, #tpu.memory_space<vmem>> -> memref<1x128xi32, #tpu.memory_space<vmem>>
    %dma_start3A_249 = tpu.memref_squeeze %dma_start3A_248 : memref<1x128xi32, #tpu.memory_space<vmem>> -> memref<128xi32, #tpu.memory_space<vmem>>
    %dma_start3A_250 = arith.constant 0 : i32
    %dma_start3A_251 = tpu.memref_slice %arg7[%dma_start3A_250] : memref<10240xf32, #tpu.memory_space<vmem_shared>> -> memref<10240xf32, #tpu.memory_space<vmem_shared>>
    tpu.enqueue_indirect_dma source(%arg5 : memref<128xf32, #tpu.memory_space<vmem>>) target(%dma_start3A_251 : memref<10240xf32, #tpu.memory_space<vmem_shared>>) offsets(%dma_start3A_249 : memref<128xi32, #tpu.memory_space<vmem>>) semaphore(%arg8 : memref<!tpu.dma_semaphore, #tpu.memory_space<semaphore_mem>>) {add = true}
    %dma_start3A_252 = arith.constant 33 : i32
    %dma_start3A_253 = arith.constant 0 : i32
    %dma_start3A_254 = tpu.memref_slice %arg4[%dma_start3A_252, %dma_start3A_253] : memref<80x128xi32, #tpu.memory_space<vmem>> -> memref<1x128xi32, #tpu.memory_space<vmem>>
    %dma_start3A_255 = tpu.memref_squeeze %dma_start3A_254 : memref<1x128xi32, #tpu.memory_space<vmem>> -> memref<128xi32, #tpu.memory_space<vmem>>
    %dma_start3A_256 = arith.constant 0 : i32
    %dma_start3A_257 = tpu.memref_slice %arg7[%dma_start3A_256] : memref<10240xf32, #tpu.memory_space<vmem_shared>> -> memref<10240xf32, #tpu.memory_space<vmem_shared>>
    tpu.enqueue_indirect_dma source(%arg5 : memref<128xf32, #tpu.memory_space<vmem>>) target(%dma_start3A_257 : memref<10240xf32, #tpu.memory_space<vmem_shared>>) offsets(%dma_start3A_255 : memref<128xi32, #tpu.memory_space<vmem>>) semaphore(%arg8 : memref<!tpu.dma_semaphore, #tpu.memory_space<semaphore_mem>>) {add = true}
    %dma_start3A_258 = arith.constant 34 : i32
    %dma_start3A_259 = arith.constant 0 : i32
    %dma_start3A_260 = tpu.memref_slice %arg4[%dma_start3A_258, %dma_start3A_259] : memref<80x128xi32, #tpu.memory_space<vmem>> -> memref<1x128xi32, #tpu.memory_space<vmem>>
    %dma_start3A_261 = tpu.memref_squeeze %dma_start3A_260 : memref<1x128xi32, #tpu.memory_space<vmem>> -> memref<128xi32, #tpu.memory_space<vmem>>
    %dma_start3A_262 = arith.constant 0 : i32
    %dma_start3A_263 = tpu.memref_slice %arg7[%dma_start3A_262] : memref<10240xf32, #tpu.memory_space<vmem_shared>> -> memref<10240xf32, #tpu.memory_space<vmem_shared>>
    tpu.enqueue_indirect_dma source(%arg5 : memref<128xf32, #tpu.memory_space<vmem>>) target(%dma_start3A_263 : memref<10240xf32, #tpu.memory_space<vmem_shared>>) offsets(%dma_start3A_261 : memref<128xi32, #tpu.memory_space<vmem>>) semaphore(%arg8 : memref<!tpu.dma_semaphore, #tpu.memory_space<semaphore_mem>>) {add = true}
    %dma_start3A_264 = arith.constant 35 : i32
    %dma_start3A_265 = arith.constant 0 : i32
    %dma_start3A_266 = tpu.memref_slice %arg4[%dma_start3A_264, %dma_start3A_265] : memref<80x128xi32, #tpu.memory_space<vmem>> -> memref<1x128xi32, #tpu.memory_space<vmem>>
    %dma_start3A_267 = tpu.memref_squeeze %dma_start3A_266 : memref<1x128xi32, #tpu.memory_space<vmem>> -> memref<128xi32, #tpu.memory_space<vmem>>
    %dma_start3A_268 = arith.constant 0 : i32
    %dma_start3A_269 = tpu.memref_slice %arg7[%dma_start3A_268] : memref<10240xf32, #tpu.memory_space<vmem_shared>> -> memref<10240xf32, #tpu.memory_space<vmem_shared>>
    tpu.enqueue_indirect_dma source(%arg5 : memref<128xf32, #tpu.memory_space<vmem>>) target(%dma_start3A_269 : memref<10240xf32, #tpu.memory_space<vmem_shared>>) offsets(%dma_start3A_267 : memref<128xi32, #tpu.memory_space<vmem>>) semaphore(%arg8 : memref<!tpu.dma_semaphore, #tpu.memory_space<semaphore_mem>>) {add = true}
    %dma_start3A_270 = arith.constant 36 : i32
    %dma_start3A_271 = arith.constant 0 : i32
    %dma_start3A_272 = tpu.memref_slice %arg4[%dma_start3A_270, %dma_start3A_271] : memref<80x128xi32, #tpu.memory_space<vmem>> -> memref<1x128xi32, #tpu.memory_space<vmem>>
    %dma_start3A_273 = tpu.memref_squeeze %dma_start3A_272 : memref<1x128xi32, #tpu.memory_space<vmem>> -> memref<128xi32, #tpu.memory_space<vmem>>
    %dma_start3A_274 = arith.constant 0 : i32
    %dma_start3A_275 = tpu.memref_slice %arg7[%dma_start3A_274] : memref<10240xf32, #tpu.memory_space<vmem_shared>> -> memref<10240xf32, #tpu.memory_space<vmem_shared>>
    tpu.enqueue_indirect_dma source(%arg5 : memref<128xf32, #tpu.memory_space<vmem>>) target(%dma_start3A_275 : memref<10240xf32, #tpu.memory_space<vmem_shared>>) offsets(%dma_start3A_273 : memref<128xi32, #tpu.memory_space<vmem>>) semaphore(%arg8 : memref<!tpu.dma_semaphore, #tpu.memory_space<semaphore_mem>>) {add = true}
    %dma_start3A_276 = arith.constant 37 : i32
    %dma_start3A_277 = arith.constant 0 : i32
    %dma_start3A_278 = tpu.memref_slice %arg4[%dma_start3A_276, %dma_start3A_277] : memref<80x128xi32, #tpu.memory_space<vmem>> -> memref<1x128xi32, #tpu.memory_space<vmem>>
    %dma_start3A_279 = tpu.memref_squeeze %dma_start3A_278 : memref<1x128xi32, #tpu.memory_space<vmem>> -> memref<128xi32, #tpu.memory_space<vmem>>
    %dma_start3A_280 = arith.constant 0 : i32
    %dma_start3A_281 = tpu.memref_slice %arg7[%dma_start3A_280] : memref<10240xf32, #tpu.memory_space<vmem_shared>> -> memref<10240xf32, #tpu.memory_space<vmem_shared>>
    tpu.enqueue_indirect_dma source(%arg5 : memref<128xf32, #tpu.memory_space<vmem>>) target(%dma_start3A_281 : memref<10240xf32, #tpu.memory_space<vmem_shared>>) offsets(%dma_start3A_279 : memref<128xi32, #tpu.memory_space<vmem>>) semaphore(%arg8 : memref<!tpu.dma_semaphore, #tpu.memory_space<semaphore_mem>>) {add = true}
    %dma_start3A_282 = arith.constant 38 : i32
    %dma_start3A_283 = arith.constant 0 : i32
    %dma_start3A_284 = tpu.memref_slice %arg4[%dma_start3A_282, %dma_start3A_283] : memref<80x128xi32, #tpu.memory_space<vmem>> -> memref<1x128xi32, #tpu.memory_space<vmem>>
    %dma_start3A_285 = tpu.memref_squeeze %dma_start3A_284 : memref<1x128xi32, #tpu.memory_space<vmem>> -> memref<128xi32, #tpu.memory_space<vmem>>
    %dma_start3A_286 = arith.constant 0 : i32
    %dma_start3A_287 = tpu.memref_slice %arg7[%dma_start3A_286] : memref<10240xf32, #tpu.memory_space<vmem_shared>> -> memref<10240xf32, #tpu.memory_space<vmem_shared>>
    tpu.enqueue_indirect_dma source(%arg5 : memref<128xf32, #tpu.memory_space<vmem>>) target(%dma_start3A_287 : memref<10240xf32, #tpu.memory_space<vmem_shared>>) offsets(%dma_start3A_285 : memref<128xi32, #tpu.memory_space<vmem>>) semaphore(%arg8 : memref<!tpu.dma_semaphore, #tpu.memory_space<semaphore_mem>>) {add = true}
    %dma_start3A_288 = arith.constant 39 : i32
    %dma_start3A_289 = arith.constant 0 : i32
    %dma_start3A_290 = tpu.memref_slice %arg4[%dma_start3A_288, %dma_start3A_289] : memref<80x128xi32, #tpu.memory_space<vmem>> -> memref<1x128xi32, #tpu.memory_space<vmem>>
    %dma_start3A_291 = tpu.memref_squeeze %dma_start3A_290 : memref<1x128xi32, #tpu.memory_space<vmem>> -> memref<128xi32, #tpu.memory_space<vmem>>
    %dma_start3A_292 = arith.constant 0 : i32
    %dma_start3A_293 = tpu.memref_slice %arg7[%dma_start3A_292] : memref<10240xf32, #tpu.memory_space<vmem_shared>> -> memref<10240xf32, #tpu.memory_space<vmem_shared>>
    tpu.enqueue_indirect_dma source(%arg5 : memref<128xf32, #tpu.memory_space<vmem>>) target(%dma_start3A_293 : memref<10240xf32, #tpu.memory_space<vmem_shared>>) offsets(%dma_start3A_291 : memref<128xi32, #tpu.memory_space<vmem>>) semaphore(%arg8 : memref<!tpu.dma_semaphore, #tpu.memory_space<semaphore_mem>>) {add = true}
    %dma_start3A_294 = arith.constant 40 : i32
    %dma_start3A_295 = arith.constant 0 : i32
    %dma_start3A_296 = tpu.memref_slice %arg4[%dma_start3A_294, %dma_start3A_295] : memref<80x128xi32, #tpu.memory_space<vmem>> -> memref<1x128xi32, #tpu.memory_space<vmem>>
    %dma_start3A_297 = tpu.memref_squeeze %dma_start3A_296 : memref<1x128xi32, #tpu.memory_space<vmem>> -> memref<128xi32, #tpu.memory_space<vmem>>
    %dma_start3A_298 = arith.constant 0 : i32
    %dma_start3A_299 = tpu.memref_slice %arg7[%dma_start3A_298] : memref<10240xf32, #tpu.memory_space<vmem_shared>> -> memref<10240xf32, #tpu.memory_space<vmem_shared>>
    tpu.enqueue_indirect_dma source(%arg5 : memref<128xf32, #tpu.memory_space<vmem>>) target(%dma_start3A_299 : memref<10240xf32, #tpu.memory_space<vmem_shared>>) offsets(%dma_start3A_297 : memref<128xi32, #tpu.memory_space<vmem>>) semaphore(%arg8 : memref<!tpu.dma_semaphore, #tpu.memory_space<semaphore_mem>>) {add = true}
    %dma_start3A_300 = arith.constant 41 : i32
    %dma_start3A_301 = arith.constant 0 : i32
    %dma_start3A_302 = tpu.memref_slice %arg4[%dma_start3A_300, %dma_start3A_301] : memref<80x128xi32, #tpu.memory_space<vmem>> -> memref<1x128xi32, #tpu.memory_space<vmem>>
    %dma_start3A_303 = tpu.memref_squeeze %dma_start3A_302 : memref<1x128xi32, #tpu.memory_space<vmem>> -> memref<128xi32, #tpu.memory_space<vmem>>
    %dma_start3A_304 = arith.constant 0 : i32
    %dma_start3A_305 = tpu.memref_slice %arg7[%dma_start3A_304] : memref<10240xf32, #tpu.memory_space<vmem_shared>> -> memref<10240xf32, #tpu.memory_space<vmem_shared>>
    tpu.enqueue_indirect_dma source(%arg5 : memref<128xf32, #tpu.memory_space<vmem>>) target(%dma_start3A_305 : memref<10240xf32, #tpu.memory_space<vmem_shared>>) offsets(%dma_start3A_303 : memref<128xi32, #tpu.memory_space<vmem>>) semaphore(%arg8 : memref<!tpu.dma_semaphore, #tpu.memory_space<semaphore_mem>>) {add = true}
    %dma_start3A_306 = arith.constant 42 : i32
    %dma_start3A_307 = arith.constant 0 : i32
    %dma_start3A_308 = tpu.memref_slice %arg4[%dma_start3A_306, %dma_start3A_307] : memref<80x128xi32, #tpu.memory_space<vmem>> -> memref<1x128xi32, #tpu.memory_space<vmem>>
    %dma_start3A_309 = tpu.memref_squeeze %dma_start3A_308 : memref<1x128xi32, #tpu.memory_space<vmem>> -> memref<128xi32, #tpu.memory_space<vmem>>
    %dma_start3A_310 = arith.constant 0 : i32
    %dma_start3A_311 = tpu.memref_slice %arg7[%dma_start3A_310] : memref<10240xf32, #tpu.memory_space<vmem_shared>> -> memref<10240xf32, #tpu.memory_space<vmem_shared>>
    tpu.enqueue_indirect_dma source(%arg5 : memref<128xf32, #tpu.memory_space<vmem>>) target(%dma_start3A_311 : memref<10240xf32, #tpu.memory_space<vmem_shared>>) offsets(%dma_start3A_309 : memref<128xi32, #tpu.memory_space<vmem>>) semaphore(%arg8 : memref<!tpu.dma_semaphore, #tpu.memory_space<semaphore_mem>>) {add = true}
    %dma_start3A_312 = arith.constant 43 : i32
    %dma_start3A_313 = arith.constant 0 : i32
    %dma_start3A_314 = tpu.memref_slice %arg4[%dma_start3A_312, %dma_start3A_313] : memref<80x128xi32, #tpu.memory_space<vmem>> -> memref<1x128xi32, #tpu.memory_space<vmem>>
    %dma_start3A_315 = tpu.memref_squeeze %dma_start3A_314 : memref<1x128xi32, #tpu.memory_space<vmem>> -> memref<128xi32, #tpu.memory_space<vmem>>
    %dma_start3A_316 = arith.constant 0 : i32
    %dma_start3A_317 = tpu.memref_slice %arg7[%dma_start3A_316] : memref<10240xf32, #tpu.memory_space<vmem_shared>> -> memref<10240xf32, #tpu.memory_space<vmem_shared>>
    tpu.enqueue_indirect_dma source(%arg5 : memref<128xf32, #tpu.memory_space<vmem>>) target(%dma_start3A_317 : memref<10240xf32, #tpu.memory_space<vmem_shared>>) offsets(%dma_start3A_315 : memref<128xi32, #tpu.memory_space<vmem>>) semaphore(%arg8 : memref<!tpu.dma_semaphore, #tpu.memory_space<semaphore_mem>>) {add = true}
    %dma_start3A_318 = arith.constant 44 : i32
    %dma_start3A_319 = arith.constant 0 : i32
    %dma_start3A_320 = tpu.memref_slice %arg4[%dma_start3A_318, %dma_start3A_319] : memref<80x128xi32, #tpu.memory_space<vmem>> -> memref<1x128xi32, #tpu.memory_space<vmem>>
    %dma_start3A_321 = tpu.memref_squeeze %dma_start3A_320 : memref<1x128xi32, #tpu.memory_space<vmem>> -> memref<128xi32, #tpu.memory_space<vmem>>
    %dma_start3A_322 = arith.constant 0 : i32
    %dma_start3A_323 = tpu.memref_slice %arg7[%dma_start3A_322] : memref<10240xf32, #tpu.memory_space<vmem_shared>> -> memref<10240xf32, #tpu.memory_space<vmem_shared>>
    tpu.enqueue_indirect_dma source(%arg5 : memref<128xf32, #tpu.memory_space<vmem>>) target(%dma_start3A_323 : memref<10240xf32, #tpu.memory_space<vmem_shared>>) offsets(%dma_start3A_321 : memref<128xi32, #tpu.memory_space<vmem>>) semaphore(%arg8 : memref<!tpu.dma_semaphore, #tpu.memory_space<semaphore_mem>>) {add = true}
    %dma_start3A_324 = arith.constant 45 : i32
    %dma_start3A_325 = arith.constant 0 : i32
    %dma_start3A_326 = tpu.memref_slice %arg4[%dma_start3A_324, %dma_start3A_325] : memref<80x128xi32, #tpu.memory_space<vmem>> -> memref<1x128xi32, #tpu.memory_space<vmem>>
    %dma_start3A_327 = tpu.memref_squeeze %dma_start3A_326 : memref<1x128xi32, #tpu.memory_space<vmem>> -> memref<128xi32, #tpu.memory_space<vmem>>
    %dma_start3A_328 = arith.constant 0 : i32
    %dma_start3A_329 = tpu.memref_slice %arg7[%dma_start3A_328] : memref<10240xf32, #tpu.memory_space<vmem_shared>> -> memref<10240xf32, #tpu.memory_space<vmem_shared>>
    tpu.enqueue_indirect_dma source(%arg5 : memref<128xf32, #tpu.memory_space<vmem>>) target(%dma_start3A_329 : memref<10240xf32, #tpu.memory_space<vmem_shared>>) offsets(%dma_start3A_327 : memref<128xi32, #tpu.memory_space<vmem>>) semaphore(%arg8 : memref<!tpu.dma_semaphore, #tpu.memory_space<semaphore_mem>>) {add = true}
    %dma_start3A_330 = arith.constant 46 : i32
    %dma_start3A_331 = arith.constant 0 : i32
    %dma_start3A_332 = tpu.memref_slice %arg4[%dma_start3A_330, %dma_start3A_331] : memref<80x128xi32, #tpu.memory_space<vmem>> -> memref<1x128xi32, #tpu.memory_space<vmem>>
    %dma_start3A_333 = tpu.memref_squeeze %dma_start3A_332 : memref<1x128xi32, #tpu.memory_space<vmem>> -> memref<128xi32, #tpu.memory_space<vmem>>
    %dma_start3A_334 = arith.constant 0 : i32
    %dma_start3A_335 = tpu.memref_slice %arg7[%dma_start3A_334] : memref<10240xf32, #tpu.memory_space<vmem_shared>> -> memref<10240xf32, #tpu.memory_space<vmem_shared>>
    tpu.enqueue_indirect_dma source(%arg5 : memref<128xf32, #tpu.memory_space<vmem>>) target(%dma_start3A_335 : memref<10240xf32, #tpu.memory_space<vmem_shared>>) offsets(%dma_start3A_333 : memref<128xi32, #tpu.memory_space<vmem>>) semaphore(%arg8 : memref<!tpu.dma_semaphore, #tpu.memory_space<semaphore_mem>>) {add = true}
    %dma_start3A_336 = arith.constant 47 : i32
    %dma_start3A_337 = arith.constant 0 : i32
    %dma_start3A_338 = tpu.memref_slice %arg4[%dma_start3A_336, %dma_start3A_337] : memref<80x128xi32, #tpu.memory_space<vmem>> -> memref<1x128xi32, #tpu.memory_space<vmem>>
    %dma_start3A_339 = tpu.memref_squeeze %dma_start3A_338 : memref<1x128xi32, #tpu.memory_space<vmem>> -> memref<128xi32, #tpu.memory_space<vmem>>
    %dma_start3A_340 = arith.constant 0 : i32
    %dma_start3A_341 = tpu.memref_slice %arg7[%dma_start3A_340] : memref<10240xf32, #tpu.memory_space<vmem_shared>> -> memref<10240xf32, #tpu.memory_space<vmem_shared>>
    tpu.enqueue_indirect_dma source(%arg5 : memref<128xf32, #tpu.memory_space<vmem>>) target(%dma_start3A_341 : memref<10240xf32, #tpu.memory_space<vmem_shared>>) offsets(%dma_start3A_339 : memref<128xi32, #tpu.memory_space<vmem>>) semaphore(%arg8 : memref<!tpu.dma_semaphore, #tpu.memory_space<semaphore_mem>>) {add = true}
    %dma_start3A_342 = arith.constant 48 : i32
    %dma_start3A_343 = arith.constant 0 : i32
    %dma_start3A_344 = tpu.memref_slice %arg4[%dma_start3A_342, %dma_start3A_343] : memref<80x128xi32, #tpu.memory_space<vmem>> -> memref<1x128xi32, #tpu.memory_space<vmem>>
    %dma_start3A_345 = tpu.memref_squeeze %dma_start3A_344 : memref<1x128xi32, #tpu.memory_space<vmem>> -> memref<128xi32, #tpu.memory_space<vmem>>
    %dma_start3A_346 = arith.constant 0 : i32
    %dma_start3A_347 = tpu.memref_slice %arg7[%dma_start3A_346] : memref<10240xf32, #tpu.memory_space<vmem_shared>> -> memref<10240xf32, #tpu.memory_space<vmem_shared>>
    tpu.enqueue_indirect_dma source(%arg5 : memref<128xf32, #tpu.memory_space<vmem>>) target(%dma_start3A_347 : memref<10240xf32, #tpu.memory_space<vmem_shared>>) offsets(%dma_start3A_345 : memref<128xi32, #tpu.memory_space<vmem>>) semaphore(%arg8 : memref<!tpu.dma_semaphore, #tpu.memory_space<semaphore_mem>>) {add = true}
    %dma_start3A_348 = arith.constant 49 : i32
    %dma_start3A_349 = arith.constant 0 : i32
    %dma_start3A_350 = tpu.memref_slice %arg4[%dma_start3A_348, %dma_start3A_349] : memref<80x128xi32, #tpu.memory_space<vmem>> -> memref<1x128xi32, #tpu.memory_space<vmem>>
    %dma_start3A_351 = tpu.memref_squeeze %dma_start3A_350 : memref<1x128xi32, #tpu.memory_space<vmem>> -> memref<128xi32, #tpu.memory_space<vmem>>
    %dma_start3A_352 = arith.constant 0 : i32
    %dma_start3A_353 = tpu.memref_slice %arg7[%dma_start3A_352] : memref<10240xf32, #tpu.memory_space<vmem_shared>> -> memref<10240xf32, #tpu.memory_space<vmem_shared>>
    tpu.enqueue_indirect_dma source(%arg5 : memref<128xf32, #tpu.memory_space<vmem>>) target(%dma_start3A_353 : memref<10240xf32, #tpu.memory_space<vmem_shared>>) offsets(%dma_start3A_351 : memref<128xi32, #tpu.memory_space<vmem>>) semaphore(%arg8 : memref<!tpu.dma_semaphore, #tpu.memory_space<semaphore_mem>>) {add = true}
    %dma_start3A_354 = arith.constant 50 : i32
    %dma_start3A_355 = arith.constant 0 : i32
    %dma_start3A_356 = tpu.memref_slice %arg4[%dma_start3A_354, %dma_start3A_355] : memref<80x128xi32, #tpu.memory_space<vmem>> -> memref<1x128xi32, #tpu.memory_space<vmem>>
    %dma_start3A_357 = tpu.memref_squeeze %dma_start3A_356 : memref<1x128xi32, #tpu.memory_space<vmem>> -> memref<128xi32, #tpu.memory_space<vmem>>
    %dma_start3A_358 = arith.constant 0 : i32
    %dma_start3A_359 = tpu.memref_slice %arg7[%dma_start3A_358] : memref<10240xf32, #tpu.memory_space<vmem_shared>> -> memref<10240xf32, #tpu.memory_space<vmem_shared>>
    tpu.enqueue_indirect_dma source(%arg5 : memref<128xf32, #tpu.memory_space<vmem>>) target(%dma_start3A_359 : memref<10240xf32, #tpu.memory_space<vmem_shared>>) offsets(%dma_start3A_357 : memref<128xi32, #tpu.memory_space<vmem>>) semaphore(%arg8 : memref<!tpu.dma_semaphore, #tpu.memory_space<semaphore_mem>>) {add = true}
    %dma_start3A_360 = arith.constant 51 : i32
    %dma_start3A_361 = arith.constant 0 : i32
    %dma_start3A_362 = tpu.memref_slice %arg4[%dma_start3A_360, %dma_start3A_361] : memref<80x128xi32, #tpu.memory_space<vmem>> -> memref<1x128xi32, #tpu.memory_space<vmem>>
    %dma_start3A_363 = tpu.memref_squeeze %dma_start3A_362 : memref<1x128xi32, #tpu.memory_space<vmem>> -> memref<128xi32, #tpu.memory_space<vmem>>
    %dma_start3A_364 = arith.constant 0 : i32
    %dma_start3A_365 = tpu.memref_slice %arg7[%dma_start3A_364] : memref<10240xf32, #tpu.memory_space<vmem_shared>> -> memref<10240xf32, #tpu.memory_space<vmem_shared>>
    tpu.enqueue_indirect_dma source(%arg5 : memref<128xf32, #tpu.memory_space<vmem>>) target(%dma_start3A_365 : memref<10240xf32, #tpu.memory_space<vmem_shared>>) offsets(%dma_start3A_363 : memref<128xi32, #tpu.memory_space<vmem>>) semaphore(%arg8 : memref<!tpu.dma_semaphore, #tpu.memory_space<semaphore_mem>>) {add = true}
    %dma_start3A_366 = arith.constant 52 : i32
    %dma_start3A_367 = arith.constant 0 : i32
    %dma_start3A_368 = tpu.memref_slice %arg4[%dma_start3A_366, %dma_start3A_367] : memref<80x128xi32, #tpu.memory_space<vmem>> -> memref<1x128xi32, #tpu.memory_space<vmem>>
    %dma_start3A_369 = tpu.memref_squeeze %dma_start3A_368 : memref<1x128xi32, #tpu.memory_space<vmem>> -> memref<128xi32, #tpu.memory_space<vmem>>
    %dma_start3A_370 = arith.constant 0 : i32
    %dma_start3A_371 = tpu.memref_slice %arg7[%dma_start3A_370] : memref<10240xf32, #tpu.memory_space<vmem_shared>> -> memref<10240xf32, #tpu.memory_space<vmem_shared>>
    tpu.enqueue_indirect_dma source(%arg5 : memref<128xf32, #tpu.memory_space<vmem>>) target(%dma_start3A_371 : memref<10240xf32, #tpu.memory_space<vmem_shared>>) offsets(%dma_start3A_369 : memref<128xi32, #tpu.memory_space<vmem>>) semaphore(%arg8 : memref<!tpu.dma_semaphore, #tpu.memory_space<semaphore_mem>>) {add = true}
    %dma_start3A_372 = arith.constant 53 : i32
    %dma_start3A_373 = arith.constant 0 : i32
    %dma_start3A_374 = tpu.memref_slice %arg4[%dma_start3A_372, %dma_start3A_373] : memref<80x128xi32, #tpu.memory_space<vmem>> -> memref<1x128xi32, #tpu.memory_space<vmem>>
    %dma_start3A_375 = tpu.memref_squeeze %dma_start3A_374 : memref<1x128xi32, #tpu.memory_space<vmem>> -> memref<128xi32, #tpu.memory_space<vmem>>
    %dma_start3A_376 = arith.constant 0 : i32
    %dma_start3A_377 = tpu.memref_slice %arg7[%dma_start3A_376] : memref<10240xf32, #tpu.memory_space<vmem_shared>> -> memref<10240xf32, #tpu.memory_space<vmem_shared>>
    tpu.enqueue_indirect_dma source(%arg5 : memref<128xf32, #tpu.memory_space<vmem>>) target(%dma_start3A_377 : memref<10240xf32, #tpu.memory_space<vmem_shared>>) offsets(%dma_start3A_375 : memref<128xi32, #tpu.memory_space<vmem>>) semaphore(%arg8 : memref<!tpu.dma_semaphore, #tpu.memory_space<semaphore_mem>>) {add = true}
    %dma_start3A_378 = arith.constant 54 : i32
    %dma_start3A_379 = arith.constant 0 : i32
    %dma_start3A_380 = tpu.memref_slice %arg4[%dma_start3A_378, %dma_start3A_379] : memref<80x128xi32, #tpu.memory_space<vmem>> -> memref<1x128xi32, #tpu.memory_space<vmem>>
    %dma_start3A_381 = tpu.memref_squeeze %dma_start3A_380 : memref<1x128xi32, #tpu.memory_space<vmem>> -> memref<128xi32, #tpu.memory_space<vmem>>
    %dma_start3A_382 = arith.constant 0 : i32
    %dma_start3A_383 = tpu.memref_slice %arg7[%dma_start3A_382] : memref<10240xf32, #tpu.memory_space<vmem_shared>> -> memref<10240xf32, #tpu.memory_space<vmem_shared>>
    tpu.enqueue_indirect_dma source(%arg5 : memref<128xf32, #tpu.memory_space<vmem>>) target(%dma_start3A_383 : memref<10240xf32, #tpu.memory_space<vmem_shared>>) offsets(%dma_start3A_381 : memref<128xi32, #tpu.memory_space<vmem>>) semaphore(%arg8 : memref<!tpu.dma_semaphore, #tpu.memory_space<semaphore_mem>>) {add = true}
    %dma_start3A_384 = arith.constant 55 : i32
    %dma_start3A_385 = arith.constant 0 : i32
    %dma_start3A_386 = tpu.memref_slice %arg4[%dma_start3A_384, %dma_start3A_385] : memref<80x128xi32, #tpu.memory_space<vmem>> -> memref<1x128xi32, #tpu.memory_space<vmem>>
    %dma_start3A_387 = tpu.memref_squeeze %dma_start3A_386 : memref<1x128xi32, #tpu.memory_space<vmem>> -> memref<128xi32, #tpu.memory_space<vmem>>
    %dma_start3A_388 = arith.constant 0 : i32
    %dma_start3A_389 = tpu.memref_slice %arg7[%dma_start3A_388] : memref<10240xf32, #tpu.memory_space<vmem_shared>> -> memref<10240xf32, #tpu.memory_space<vmem_shared>>
    tpu.enqueue_indirect_dma source(%arg5 : memref<128xf32, #tpu.memory_space<vmem>>) target(%dma_start3A_389 : memref<10240xf32, #tpu.memory_space<vmem_shared>>) offsets(%dma_start3A_387 : memref<128xi32, #tpu.memory_space<vmem>>) semaphore(%arg8 : memref<!tpu.dma_semaphore, #tpu.memory_space<semaphore_mem>>) {add = true}
    %dma_start3A_390 = arith.constant 56 : i32
    %dma_start3A_391 = arith.constant 0 : i32
    %dma_start3A_392 = tpu.memref_slice %arg4[%dma_start3A_390, %dma_start3A_391] : memref<80x128xi32, #tpu.memory_space<vmem>> -> memref<1x128xi32, #tpu.memory_space<vmem>>
    %dma_start3A_393 = tpu.memref_squeeze %dma_start3A_392 : memref<1x128xi32, #tpu.memory_space<vmem>> -> memref<128xi32, #tpu.memory_space<vmem>>
    %dma_start3A_394 = arith.constant 0 : i32
    %dma_start3A_395 = tpu.memref_slice %arg7[%dma_start3A_394] : memref<10240xf32, #tpu.memory_space<vmem_shared>> -> memref<10240xf32, #tpu.memory_space<vmem_shared>>
    tpu.enqueue_indirect_dma source(%arg5 : memref<128xf32, #tpu.memory_space<vmem>>) target(%dma_start3A_395 : memref<10240xf32, #tpu.memory_space<vmem_shared>>) offsets(%dma_start3A_393 : memref<128xi32, #tpu.memory_space<vmem>>) semaphore(%arg8 : memref<!tpu.dma_semaphore, #tpu.memory_space<semaphore_mem>>) {add = true}
    %dma_start3A_396 = arith.constant 57 : i32
    %dma_start3A_397 = arith.constant 0 : i32
    %dma_start3A_398 = tpu.memref_slice %arg4[%dma_start3A_396, %dma_start3A_397] : memref<80x128xi32, #tpu.memory_space<vmem>> -> memref<1x128xi32, #tpu.memory_space<vmem>>
    %dma_start3A_399 = tpu.memref_squeeze %dma_start3A_398 : memref<1x128xi32, #tpu.memory_space<vmem>> -> memref<128xi32, #tpu.memory_space<vmem>>
    %dma_start3A_400 = arith.constant 0 : i32
    %dma_start3A_401 = tpu.memref_slice %arg7[%dma_start3A_400] : memref<10240xf32, #tpu.memory_space<vmem_shared>> -> memref<10240xf32, #tpu.memory_space<vmem_shared>>
    tpu.enqueue_indirect_dma source(%arg5 : memref<128xf32, #tpu.memory_space<vmem>>) target(%dma_start3A_401 : memref<10240xf32, #tpu.memory_space<vmem_shared>>) offsets(%dma_start3A_399 : memref<128xi32, #tpu.memory_space<vmem>>) semaphore(%arg8 : memref<!tpu.dma_semaphore, #tpu.memory_space<semaphore_mem>>) {add = true}
    %dma_start3A_402 = arith.constant 58 : i32
    %dma_start3A_403 = arith.constant 0 : i32
    %dma_start3A_404 = tpu.memref_slice %arg4[%dma_start3A_402, %dma_start3A_403] : memref<80x128xi32, #tpu.memory_space<vmem>> -> memref<1x128xi32, #tpu.memory_space<vmem>>
    %dma_start3A_405 = tpu.memref_squeeze %dma_start3A_404 : memref<1x128xi32, #tpu.memory_space<vmem>> -> memref<128xi32, #tpu.memory_space<vmem>>
    %dma_start3A_406 = arith.constant 0 : i32
    %dma_start3A_407 = tpu.memref_slice %arg7[%dma_start3A_406] : memref<10240xf32, #tpu.memory_space<vmem_shared>> -> memref<10240xf32, #tpu.memory_space<vmem_shared>>
    tpu.enqueue_indirect_dma source(%arg5 : memref<128xf32, #tpu.memory_space<vmem>>) target(%dma_start3A_407 : memref<10240xf32, #tpu.memory_space<vmem_shared>>) offsets(%dma_start3A_405 : memref<128xi32, #tpu.memory_space<vmem>>) semaphore(%arg8 : memref<!tpu.dma_semaphore, #tpu.memory_space<semaphore_mem>>) {add = true}
    %dma_start3A_408 = arith.constant 59 : i32
    %dma_start3A_409 = arith.constant 0 : i32
    %dma_start3A_410 = tpu.memref_slice %arg4[%dma_start3A_408, %dma_start3A_409] : memref<80x128xi32, #tpu.memory_space<vmem>> -> memref<1x128xi32, #tpu.memory_space<vmem>>
    %dma_start3A_411 = tpu.memref_squeeze %dma_start3A_410 : memref<1x128xi32, #tpu.memory_space<vmem>> -> memref<128xi32, #tpu.memory_space<vmem>>
    %dma_start3A_412 = arith.constant 0 : i32
    %dma_start3A_413 = tpu.memref_slice %arg7[%dma_start3A_412] : memref<10240xf32, #tpu.memory_space<vmem_shared>> -> memref<10240xf32, #tpu.memory_space<vmem_shared>>
    tpu.enqueue_indirect_dma source(%arg5 : memref<128xf32, #tpu.memory_space<vmem>>) target(%dma_start3A_413 : memref<10240xf32, #tpu.memory_space<vmem_shared>>) offsets(%dma_start3A_411 : memref<128xi32, #tpu.memory_space<vmem>>) semaphore(%arg8 : memref<!tpu.dma_semaphore, #tpu.memory_space<semaphore_mem>>) {add = true}
    %dma_start3A_414 = arith.constant 60 : i32
    %dma_start3A_415 = arith.constant 0 : i32
    %dma_start3A_416 = tpu.memref_slice %arg4[%dma_start3A_414, %dma_start3A_415] : memref<80x128xi32, #tpu.memory_space<vmem>> -> memref<1x128xi32, #tpu.memory_space<vmem>>
    %dma_start3A_417 = tpu.memref_squeeze %dma_start3A_416 : memref<1x128xi32, #tpu.memory_space<vmem>> -> memref<128xi32, #tpu.memory_space<vmem>>
    %dma_start3A_418 = arith.constant 0 : i32
    %dma_start3A_419 = tpu.memref_slice %arg7[%dma_start3A_418] : memref<10240xf32, #tpu.memory_space<vmem_shared>> -> memref<10240xf32, #tpu.memory_space<vmem_shared>>
    tpu.enqueue_indirect_dma source(%arg5 : memref<128xf32, #tpu.memory_space<vmem>>) target(%dma_start3A_419 : memref<10240xf32, #tpu.memory_space<vmem_shared>>) offsets(%dma_start3A_417 : memref<128xi32, #tpu.memory_space<vmem>>) semaphore(%arg8 : memref<!tpu.dma_semaphore, #tpu.memory_space<semaphore_mem>>) {add = true}
    %dma_start3A_420 = arith.constant 61 : i32
    %dma_start3A_421 = arith.constant 0 : i32
    %dma_start3A_422 = tpu.memref_slice %arg4[%dma_start3A_420, %dma_start3A_421] : memref<80x128xi32, #tpu.memory_space<vmem>> -> memref<1x128xi32, #tpu.memory_space<vmem>>
    %dma_start3A_423 = tpu.memref_squeeze %dma_start3A_422 : memref<1x128xi32, #tpu.memory_space<vmem>> -> memref<128xi32, #tpu.memory_space<vmem>>
    %dma_start3A_424 = arith.constant 0 : i32
    %dma_start3A_425 = tpu.memref_slice %arg7[%dma_start3A_424] : memref<10240xf32, #tpu.memory_space<vmem_shared>> -> memref<10240xf32, #tpu.memory_space<vmem_shared>>
    tpu.enqueue_indirect_dma source(%arg5 : memref<128xf32, #tpu.memory_space<vmem>>) target(%dma_start3A_425 : memref<10240xf32, #tpu.memory_space<vmem_shared>>) offsets(%dma_start3A_423 : memref<128xi32, #tpu.memory_space<vmem>>) semaphore(%arg8 : memref<!tpu.dma_semaphore, #tpu.memory_space<semaphore_mem>>) {add = true}
    %dma_start3A_426 = arith.constant 62 : i32
    %dma_start3A_427 = arith.constant 0 : i32
    %dma_start3A_428 = tpu.memref_slice %arg4[%dma_start3A_426, %dma_start3A_427] : memref<80x128xi32, #tpu.memory_space<vmem>> -> memref<1x128xi32, #tpu.memory_space<vmem>>
    %dma_start3A_429 = tpu.memref_squeeze %dma_start3A_428 : memref<1x128xi32, #tpu.memory_space<vmem>> -> memref<128xi32, #tpu.memory_space<vmem>>
    %dma_start3A_430 = arith.constant 0 : i32
    %dma_start3A_431 = tpu.memref_slice %arg7[%dma_start3A_430] : memref<10240xf32, #tpu.memory_space<vmem_shared>> -> memref<10240xf32, #tpu.memory_space<vmem_shared>>
    tpu.enqueue_indirect_dma source(%arg5 : memref<128xf32, #tpu.memory_space<vmem>>) target(%dma_start3A_431 : memref<10240xf32, #tpu.memory_space<vmem_shared>>) offsets(%dma_start3A_429 : memref<128xi32, #tpu.memory_space<vmem>>) semaphore(%arg8 : memref<!tpu.dma_semaphore, #tpu.memory_space<semaphore_mem>>) {add = true}
    %dma_start3A_432 = arith.constant 63 : i32
    %dma_start3A_433 = arith.constant 0 : i32
    %dma_start3A_434 = tpu.memref_slice %arg4[%dma_start3A_432, %dma_start3A_433] : memref<80x128xi32, #tpu.memory_space<vmem>> -> memref<1x128xi32, #tpu.memory_space<vmem>>
    %dma_start3A_435 = tpu.memref_squeeze %dma_start3A_434 : memref<1x128xi32, #tpu.memory_space<vmem>> -> memref<128xi32, #tpu.memory_space<vmem>>
    %dma_start3A_436 = arith.constant 0 : i32
    %dma_start3A_437 = tpu.memref_slice %arg7[%dma_start3A_436] : memref<10240xf32, #tpu.memory_space<vmem_shared>> -> memref<10240xf32, #tpu.memory_space<vmem_shared>>
    tpu.enqueue_indirect_dma source(%arg5 : memref<128xf32, #tpu.memory_space<vmem>>) target(%dma_start3A_437 : memref<10240xf32, #tpu.memory_space<vmem_shared>>) offsets(%dma_start3A_435 : memref<128xi32, #tpu.memory_space<vmem>>) semaphore(%arg8 : memref<!tpu.dma_semaphore, #tpu.memory_space<semaphore_mem>>) {add = true}
    %dma_start3A_438 = arith.constant 64 : i32
    %dma_start3A_439 = arith.constant 0 : i32
    %dma_start3A_440 = tpu.memref_slice %arg4[%dma_start3A_438, %dma_start3A_439] : memref<80x128xi32, #tpu.memory_space<vmem>> -> memref<1x128xi32, #tpu.memory_space<vmem>>
    %dma_start3A_441 = tpu.memref_squeeze %dma_start3A_440 : memref<1x128xi32, #tpu.memory_space<vmem>> -> memref<128xi32, #tpu.memory_space<vmem>>
    %dma_start3A_442 = arith.constant 0 : i32
    %dma_start3A_443 = tpu.memref_slice %arg7[%dma_start3A_442] : memref<10240xf32, #tpu.memory_space<vmem_shared>> -> memref<10240xf32, #tpu.memory_space<vmem_shared>>
    tpu.enqueue_indirect_dma source(%arg5 : memref<128xf32, #tpu.memory_space<vmem>>) target(%dma_start3A_443 : memref<10240xf32, #tpu.memory_space<vmem_shared>>) offsets(%dma_start3A_441 : memref<128xi32, #tpu.memory_space<vmem>>) semaphore(%arg8 : memref<!tpu.dma_semaphore, #tpu.memory_space<semaphore_mem>>) {add = true}
    %dma_start3A_444 = arith.constant 65 : i32
    %dma_start3A_445 = arith.constant 0 : i32
    %dma_start3A_446 = tpu.memref_slice %arg4[%dma_start3A_444, %dma_start3A_445] : memref<80x128xi32, #tpu.memory_space<vmem>> -> memref<1x128xi32, #tpu.memory_space<vmem>>
    %dma_start3A_447 = tpu.memref_squeeze %dma_start3A_446 : memref<1x128xi32, #tpu.memory_space<vmem>> -> memref<128xi32, #tpu.memory_space<vmem>>
    %dma_start3A_448 = arith.constant 0 : i32
    %dma_start3A_449 = tpu.memref_slice %arg7[%dma_start3A_448] : memref<10240xf32, #tpu.memory_space<vmem_shared>> -> memref<10240xf32, #tpu.memory_space<vmem_shared>>
    tpu.enqueue_indirect_dma source(%arg5 : memref<128xf32, #tpu.memory_space<vmem>>) target(%dma_start3A_449 : memref<10240xf32, #tpu.memory_space<vmem_shared>>) offsets(%dma_start3A_447 : memref<128xi32, #tpu.memory_space<vmem>>) semaphore(%arg8 : memref<!tpu.dma_semaphore, #tpu.memory_space<semaphore_mem>>) {add = true}
    %dma_start3A_450 = arith.constant 66 : i32
    %dma_start3A_451 = arith.constant 0 : i32
    %dma_start3A_452 = tpu.memref_slice %arg4[%dma_start3A_450, %dma_start3A_451] : memref<80x128xi32, #tpu.memory_space<vmem>> -> memref<1x128xi32, #tpu.memory_space<vmem>>
    %dma_start3A_453 = tpu.memref_squeeze %dma_start3A_452 : memref<1x128xi32, #tpu.memory_space<vmem>> -> memref<128xi32, #tpu.memory_space<vmem>>
    %dma_start3A_454 = arith.constant 0 : i32
    %dma_start3A_455 = tpu.memref_slice %arg7[%dma_start3A_454] : memref<10240xf32, #tpu.memory_space<vmem_shared>> -> memref<10240xf32, #tpu.memory_space<vmem_shared>>
    tpu.enqueue_indirect_dma source(%arg5 : memref<128xf32, #tpu.memory_space<vmem>>) target(%dma_start3A_455 : memref<10240xf32, #tpu.memory_space<vmem_shared>>) offsets(%dma_start3A_453 : memref<128xi32, #tpu.memory_space<vmem>>) semaphore(%arg8 : memref<!tpu.dma_semaphore, #tpu.memory_space<semaphore_mem>>) {add = true}
    %dma_start3A_456 = arith.constant 67 : i32
    %dma_start3A_457 = arith.constant 0 : i32
    %dma_start3A_458 = tpu.memref_slice %arg4[%dma_start3A_456, %dma_start3A_457] : memref<80x128xi32, #tpu.memory_space<vmem>> -> memref<1x128xi32, #tpu.memory_space<vmem>>
    %dma_start3A_459 = tpu.memref_squeeze %dma_start3A_458 : memref<1x128xi32, #tpu.memory_space<vmem>> -> memref<128xi32, #tpu.memory_space<vmem>>
    %dma_start3A_460 = arith.constant 0 : i32
    %dma_start3A_461 = tpu.memref_slice %arg7[%dma_start3A_460] : memref<10240xf32, #tpu.memory_space<vmem_shared>> -> memref<10240xf32, #tpu.memory_space<vmem_shared>>
    tpu.enqueue_indirect_dma source(%arg5 : memref<128xf32, #tpu.memory_space<vmem>>) target(%dma_start3A_461 : memref<10240xf32, #tpu.memory_space<vmem_shared>>) offsets(%dma_start3A_459 : memref<128xi32, #tpu.memory_space<vmem>>) semaphore(%arg8 : memref<!tpu.dma_semaphore, #tpu.memory_space<semaphore_mem>>) {add = true}
    %dma_start3A_462 = arith.constant 68 : i32
    %dma_start3A_463 = arith.constant 0 : i32
    %dma_start3A_464 = tpu.memref_slice %arg4[%dma_start3A_462, %dma_start3A_463] : memref<80x128xi32, #tpu.memory_space<vmem>> -> memref<1x128xi32, #tpu.memory_space<vmem>>
    %dma_start3A_465 = tpu.memref_squeeze %dma_start3A_464 : memref<1x128xi32, #tpu.memory_space<vmem>> -> memref<128xi32, #tpu.memory_space<vmem>>
    %dma_start3A_466 = arith.constant 0 : i32
    %dma_start3A_467 = tpu.memref_slice %arg7[%dma_start3A_466] : memref<10240xf32, #tpu.memory_space<vmem_shared>> -> memref<10240xf32, #tpu.memory_space<vmem_shared>>
    tpu.enqueue_indirect_dma source(%arg5 : memref<128xf32, #tpu.memory_space<vmem>>) target(%dma_start3A_467 : memref<10240xf32, #tpu.memory_space<vmem_shared>>) offsets(%dma_start3A_465 : memref<128xi32, #tpu.memory_space<vmem>>) semaphore(%arg8 : memref<!tpu.dma_semaphore, #tpu.memory_space<semaphore_mem>>) {add = true}
    %dma_start3A_468 = arith.constant 69 : i32
    %dma_start3A_469 = arith.constant 0 : i32
    %dma_start3A_470 = tpu.memref_slice %arg4[%dma_start3A_468, %dma_start3A_469] : memref<80x128xi32, #tpu.memory_space<vmem>> -> memref<1x128xi32, #tpu.memory_space<vmem>>
    %dma_start3A_471 = tpu.memref_squeeze %dma_start3A_470 : memref<1x128xi32, #tpu.memory_space<vmem>> -> memref<128xi32, #tpu.memory_space<vmem>>
    %dma_start3A_472 = arith.constant 0 : i32
    %dma_start3A_473 = tpu.memref_slice %arg7[%dma_start3A_472] : memref<10240xf32, #tpu.memory_space<vmem_shared>> -> memref<10240xf32, #tpu.memory_space<vmem_shared>>
    tpu.enqueue_indirect_dma source(%arg5 : memref<128xf32, #tpu.memory_space<vmem>>) target(%dma_start3A_473 : memref<10240xf32, #tpu.memory_space<vmem_shared>>) offsets(%dma_start3A_471 : memref<128xi32, #tpu.memory_space<vmem>>) semaphore(%arg8 : memref<!tpu.dma_semaphore, #tpu.memory_space<semaphore_mem>>) {add = true}
    %dma_start3A_474 = arith.constant 70 : i32
    %dma_start3A_475 = arith.constant 0 : i32
    %dma_start3A_476 = tpu.memref_slice %arg4[%dma_start3A_474, %dma_start3A_475] : memref<80x128xi32, #tpu.memory_space<vmem>> -> memref<1x128xi32, #tpu.memory_space<vmem>>
    %dma_start3A_477 = tpu.memref_squeeze %dma_start3A_476 : memref<1x128xi32, #tpu.memory_space<vmem>> -> memref<128xi32, #tpu.memory_space<vmem>>
    %dma_start3A_478 = arith.constant 0 : i32
    %dma_start3A_479 = tpu.memref_slice %arg7[%dma_start3A_478] : memref<10240xf32, #tpu.memory_space<vmem_shared>> -> memref<10240xf32, #tpu.memory_space<vmem_shared>>
    tpu.enqueue_indirect_dma source(%arg5 : memref<128xf32, #tpu.memory_space<vmem>>) target(%dma_start3A_479 : memref<10240xf32, #tpu.memory_space<vmem_shared>>) offsets(%dma_start3A_477 : memref<128xi32, #tpu.memory_space<vmem>>) semaphore(%arg8 : memref<!tpu.dma_semaphore, #tpu.memory_space<semaphore_mem>>) {add = true}
    %dma_start3A_480 = arith.constant 71 : i32
    %dma_start3A_481 = arith.constant 0 : i32
    %dma_start3A_482 = tpu.memref_slice %arg4[%dma_start3A_480, %dma_start3A_481] : memref<80x128xi32, #tpu.memory_space<vmem>> -> memref<1x128xi32, #tpu.memory_space<vmem>>
    %dma_start3A_483 = tpu.memref_squeeze %dma_start3A_482 : memref<1x128xi32, #tpu.memory_space<vmem>> -> memref<128xi32, #tpu.memory_space<vmem>>
    %dma_start3A_484 = arith.constant 0 : i32
    %dma_start3A_485 = tpu.memref_slice %arg7[%dma_start3A_484] : memref<10240xf32, #tpu.memory_space<vmem_shared>> -> memref<10240xf32, #tpu.memory_space<vmem_shared>>
    tpu.enqueue_indirect_dma source(%arg5 : memref<128xf32, #tpu.memory_space<vmem>>) target(%dma_start3A_485 : memref<10240xf32, #tpu.memory_space<vmem_shared>>) offsets(%dma_start3A_483 : memref<128xi32, #tpu.memory_space<vmem>>) semaphore(%arg8 : memref<!tpu.dma_semaphore, #tpu.memory_space<semaphore_mem>>) {add = true}
    %dma_start3A_486 = arith.constant 72 : i32
    %dma_start3A_487 = arith.constant 0 : i32
    %dma_start3A_488 = tpu.memref_slice %arg4[%dma_start3A_486, %dma_start3A_487] : memref<80x128xi32, #tpu.memory_space<vmem>> -> memref<1x128xi32, #tpu.memory_space<vmem>>
    %dma_start3A_489 = tpu.memref_squeeze %dma_start3A_488 : memref<1x128xi32, #tpu.memory_space<vmem>> -> memref<128xi32, #tpu.memory_space<vmem>>
    %dma_start3A_490 = arith.constant 0 : i32
    %dma_start3A_491 = tpu.memref_slice %arg7[%dma_start3A_490] : memref<10240xf32, #tpu.memory_space<vmem_shared>> -> memref<10240xf32, #tpu.memory_space<vmem_shared>>
    tpu.enqueue_indirect_dma source(%arg5 : memref<128xf32, #tpu.memory_space<vmem>>) target(%dma_start3A_491 : memref<10240xf32, #tpu.memory_space<vmem_shared>>) offsets(%dma_start3A_489 : memref<128xi32, #tpu.memory_space<vmem>>) semaphore(%arg8 : memref<!tpu.dma_semaphore, #tpu.memory_space<semaphore_mem>>) {add = true}
    %dma_start3A_492 = arith.constant 73 : i32
    %dma_start3A_493 = arith.constant 0 : i32
    %dma_start3A_494 = tpu.memref_slice %arg4[%dma_start3A_492, %dma_start3A_493] : memref<80x128xi32, #tpu.memory_space<vmem>> -> memref<1x128xi32, #tpu.memory_space<vmem>>
    %dma_start3A_495 = tpu.memref_squeeze %dma_start3A_494 : memref<1x128xi32, #tpu.memory_space<vmem>> -> memref<128xi32, #tpu.memory_space<vmem>>
    %dma_start3A_496 = arith.constant 0 : i32
    %dma_start3A_497 = tpu.memref_slice %arg7[%dma_start3A_496] : memref<10240xf32, #tpu.memory_space<vmem_shared>> -> memref<10240xf32, #tpu.memory_space<vmem_shared>>
    tpu.enqueue_indirect_dma source(%arg5 : memref<128xf32, #tpu.memory_space<vmem>>) target(%dma_start3A_497 : memref<10240xf32, #tpu.memory_space<vmem_shared>>) offsets(%dma_start3A_495 : memref<128xi32, #tpu.memory_space<vmem>>) semaphore(%arg8 : memref<!tpu.dma_semaphore, #tpu.memory_space<semaphore_mem>>) {add = true}
    %dma_start3A_498 = arith.constant 74 : i32
    %dma_start3A_499 = arith.constant 0 : i32
    %dma_start3A_500 = tpu.memref_slice %arg4[%dma_start3A_498, %dma_start3A_499] : memref<80x128xi32, #tpu.memory_space<vmem>> -> memref<1x128xi32, #tpu.memory_space<vmem>>
    %dma_start3A_501 = tpu.memref_squeeze %dma_start3A_500 : memref<1x128xi32, #tpu.memory_space<vmem>> -> memref<128xi32, #tpu.memory_space<vmem>>
    %dma_start3A_502 = arith.constant 0 : i32
    %dma_start3A_503 = tpu.memref_slice %arg7[%dma_start3A_502] : memref<10240xf32, #tpu.memory_space<vmem_shared>> -> memref<10240xf32, #tpu.memory_space<vmem_shared>>
    tpu.enqueue_indirect_dma source(%arg5 : memref<128xf32, #tpu.memory_space<vmem>>) target(%dma_start3A_503 : memref<10240xf32, #tpu.memory_space<vmem_shared>>) offsets(%dma_start3A_501 : memref<128xi32, #tpu.memory_space<vmem>>) semaphore(%arg8 : memref<!tpu.dma_semaphore, #tpu.memory_space<semaphore_mem>>) {add = true}
    %dma_start3A_504 = arith.constant 75 : i32
    %dma_start3A_505 = arith.constant 0 : i32
    %dma_start3A_506 = tpu.memref_slice %arg4[%dma_start3A_504, %dma_start3A_505] : memref<80x128xi32, #tpu.memory_space<vmem>> -> memref<1x128xi32, #tpu.memory_space<vmem>>
    %dma_start3A_507 = tpu.memref_squeeze %dma_start3A_506 : memref<1x128xi32, #tpu.memory_space<vmem>> -> memref<128xi32, #tpu.memory_space<vmem>>
    %dma_start3A_508 = arith.constant 0 : i32
    %dma_start3A_509 = tpu.memref_slice %arg7[%dma_start3A_508] : memref<10240xf32, #tpu.memory_space<vmem_shared>> -> memref<10240xf32, #tpu.memory_space<vmem_shared>>
    tpu.enqueue_indirect_dma source(%arg5 : memref<128xf32, #tpu.memory_space<vmem>>) target(%dma_start3A_509 : memref<10240xf32, #tpu.memory_space<vmem_shared>>) offsets(%dma_start3A_507 : memref<128xi32, #tpu.memory_space<vmem>>) semaphore(%arg8 : memref<!tpu.dma_semaphore, #tpu.memory_space<semaphore_mem>>) {add = true}
    %dma_start3A_510 = arith.constant 76 : i32
    %dma_start3A_511 = arith.constant 0 : i32
    %dma_start3A_512 = tpu.memref_slice %arg4[%dma_start3A_510, %dma_start3A_511] : memref<80x128xi32, #tpu.memory_space<vmem>> -> memref<1x128xi32, #tpu.memory_space<vmem>>
    %dma_start3A_513 = tpu.memref_squeeze %dma_start3A_512 : memref<1x128xi32, #tpu.memory_space<vmem>> -> memref<128xi32, #tpu.memory_space<vmem>>
    %dma_start3A_514 = arith.constant 0 : i32
    %dma_start3A_515 = tpu.memref_slice %arg7[%dma_start3A_514] : memref<10240xf32, #tpu.memory_space<vmem_shared>> -> memref<10240xf32, #tpu.memory_space<vmem_shared>>
    tpu.enqueue_indirect_dma source(%arg5 : memref<128xf32, #tpu.memory_space<vmem>>) target(%dma_start3A_515 : memref<10240xf32, #tpu.memory_space<vmem_shared>>) offsets(%dma_start3A_513 : memref<128xi32, #tpu.memory_space<vmem>>) semaphore(%arg8 : memref<!tpu.dma_semaphore, #tpu.memory_space<semaphore_mem>>) {add = true}
    %dma_start3A_516 = arith.constant 77 : i32
    %dma_start3A_517 = arith.constant 0 : i32
    %dma_start3A_518 = tpu.memref_slice %arg4[%dma_start3A_516, %dma_start3A_517] : memref<80x128xi32, #tpu.memory_space<vmem>> -> memref<1x128xi32, #tpu.memory_space<vmem>>
    %dma_start3A_519 = tpu.memref_squeeze %dma_start3A_518 : memref<1x128xi32, #tpu.memory_space<vmem>> -> memref<128xi32, #tpu.memory_space<vmem>>
    %dma_start3A_520 = arith.constant 0 : i32
    %dma_start3A_521 = tpu.memref_slice %arg7[%dma_start3A_520] : memref<10240xf32, #tpu.memory_space<vmem_shared>> -> memref<10240xf32, #tpu.memory_space<vmem_shared>>
    tpu.enqueue_indirect_dma source(%arg5 : memref<128xf32, #tpu.memory_space<vmem>>) target(%dma_start3A_521 : memref<10240xf32, #tpu.memory_space<vmem_shared>>) offsets(%dma_start3A_519 : memref<128xi32, #tpu.memory_space<vmem>>) semaphore(%arg8 : memref<!tpu.dma_semaphore, #tpu.memory_space<semaphore_mem>>) {add = true}
    %dma_start3A_522 = arith.constant 78 : i32
    %dma_start3A_523 = arith.constant 0 : i32
    %dma_start3A_524 = tpu.memref_slice %arg4[%dma_start3A_522, %dma_start3A_523] : memref<80x128xi32, #tpu.memory_space<vmem>> -> memref<1x128xi32, #tpu.memory_space<vmem>>
    %dma_start3A_525 = tpu.memref_squeeze %dma_start3A_524 : memref<1x128xi32, #tpu.memory_space<vmem>> -> memref<128xi32, #tpu.memory_space<vmem>>
    %dma_start3A_526 = arith.constant 0 : i32
    %dma_start3A_527 = tpu.memref_slice %arg7[%dma_start3A_526] : memref<10240xf32, #tpu.memory_space<vmem_shared>> -> memref<10240xf32, #tpu.memory_space<vmem_shared>>
    tpu.enqueue_indirect_dma source(%arg5 : memref<128xf32, #tpu.memory_space<vmem>>) target(%dma_start3A_527 : memref<10240xf32, #tpu.memory_space<vmem_shared>>) offsets(%dma_start3A_525 : memref<128xi32, #tpu.memory_space<vmem>>) semaphore(%arg8 : memref<!tpu.dma_semaphore, #tpu.memory_space<semaphore_mem>>) {add = true}
    %dma_start3A_528 = arith.constant 79 : i32
    %dma_start3A_529 = arith.constant 0 : i32
    %dma_start3A_530 = tpu.memref_slice %arg4[%dma_start3A_528, %dma_start3A_529] : memref<80x128xi32, #tpu.memory_space<vmem>> -> memref<1x128xi32, #tpu.memory_space<vmem>>
    %dma_start3A_531 = tpu.memref_squeeze %dma_start3A_530 : memref<1x128xi32, #tpu.memory_space<vmem>> -> memref<128xi32, #tpu.memory_space<vmem>>
    %dma_start3A_532 = arith.constant 0 : i32
    %dma_start3A_533 = tpu.memref_slice %arg7[%dma_start3A_532] : memref<10240xf32, #tpu.memory_space<vmem_shared>> -> memref<10240xf32, #tpu.memory_space<vmem_shared>>
    tpu.enqueue_indirect_dma source(%arg5 : memref<128xf32, #tpu.memory_space<vmem>>) target(%dma_start3A_533 : memref<10240xf32, #tpu.memory_space<vmem_shared>>) offsets(%dma_start3A_531 : memref<128xi32, #tpu.memory_space<vmem>>) semaphore(%arg8 : memref<!tpu.dma_semaphore, #tpu.memory_space<semaphore_mem>>) {add = true}
    %dma_wait3A = arith.constant 0 : i32
    %dma_wait3A_534 = arith.constant 0 : i32
    %dma_wait3A_535 = tpu.memref_slice %arg4[%dma_wait3A, %dma_wait3A_534] : memref<80x128xi32, #tpu.memory_space<vmem>> -> memref<1x128xi32, #tpu.memory_space<vmem>>
    %dma_wait3A_536 = tpu.memref_squeeze %dma_wait3A_535 : memref<1x128xi32, #tpu.memory_space<vmem>> -> memref<128xi32, #tpu.memory_space<vmem>>
    %dma_wait3A_537 = arith.constant 0 : i32
    %dma_wait3A_538 = tpu.memref_slice %arg7[%dma_wait3A_537] : memref<10240xf32, #tpu.memory_space<vmem_shared>> -> memref<10240xf32, #tpu.memory_space<vmem_shared>>
    tpu.wait_indirect_dma semaphore(%arg8 : memref<!tpu.dma_semaphore, #tpu.memory_space<semaphore_mem>>) src(%arg5 : memref<128xf32, #tpu.memory_space<vmem>>) dst(%dma_wait3A_538 : memref<10240xf32, #tpu.memory_space<vmem_shared>>)
    %dma_wait3A_539 = arith.constant 1 : i32
    %dma_wait3A_540 = arith.constant 0 : i32
    %dma_wait3A_541 = tpu.memref_slice %arg4[%dma_wait3A_539, %dma_wait3A_540] : memref<80x128xi32, #tpu.memory_space<vmem>> -> memref<1x128xi32, #tpu.memory_space<vmem>>
    %dma_wait3A_542 = tpu.memref_squeeze %dma_wait3A_541 : memref<1x128xi32, #tpu.memory_space<vmem>> -> memref<128xi32, #tpu.memory_space<vmem>>
    %dma_wait3A_543 = arith.constant 0 : i32
    %dma_wait3A_544 = tpu.memref_slice %arg7[%dma_wait3A_543] : memref<10240xf32, #tpu.memory_space<vmem_shared>> -> memref<10240xf32, #tpu.memory_space<vmem_shared>>
    tpu.wait_indirect_dma semaphore(%arg8 : memref<!tpu.dma_semaphore, #tpu.memory_space<semaphore_mem>>) src(%arg5 : memref<128xf32, #tpu.memory_space<vmem>>) dst(%dma_wait3A_544 : memref<10240xf32, #tpu.memory_space<vmem_shared>>)
    %dma_wait3A_545 = arith.constant 2 : i32
    %dma_wait3A_546 = arith.constant 0 : i32
    %dma_wait3A_547 = tpu.memref_slice %arg4[%dma_wait3A_545, %dma_wait3A_546] : memref<80x128xi32, #tpu.memory_space<vmem>> -> memref<1x128xi32, #tpu.memory_space<vmem>>
    %dma_wait3A_548 = tpu.memref_squeeze %dma_wait3A_547 : memref<1x128xi32, #tpu.memory_space<vmem>> -> memref<128xi32, #tpu.memory_space<vmem>>
    %dma_wait3A_549 = arith.constant 0 : i32
    %dma_wait3A_550 = tpu.memref_slice %arg7[%dma_wait3A_549] : memref<10240xf32, #tpu.memory_space<vmem_shared>> -> memref<10240xf32, #tpu.memory_space<vmem_shared>>
    tpu.wait_indirect_dma semaphore(%arg8 : memref<!tpu.dma_semaphore, #tpu.memory_space<semaphore_mem>>) src(%arg5 : memref<128xf32, #tpu.memory_space<vmem>>) dst(%dma_wait3A_550 : memref<10240xf32, #tpu.memory_space<vmem_shared>>)
    %dma_wait3A_551 = arith.constant 3 : i32
    %dma_wait3A_552 = arith.constant 0 : i32
    %dma_wait3A_553 = tpu.memref_slice %arg4[%dma_wait3A_551, %dma_wait3A_552] : memref<80x128xi32, #tpu.memory_space<vmem>> -> memref<1x128xi32, #tpu.memory_space<vmem>>
    %dma_wait3A_554 = tpu.memref_squeeze %dma_wait3A_553 : memref<1x128xi32, #tpu.memory_space<vmem>> -> memref<128xi32, #tpu.memory_space<vmem>>
    %dma_wait3A_555 = arith.constant 0 : i32
    %dma_wait3A_556 = tpu.memref_slice %arg7[%dma_wait3A_555] : memref<10240xf32, #tpu.memory_space<vmem_shared>> -> memref<10240xf32, #tpu.memory_space<vmem_shared>>
    tpu.wait_indirect_dma semaphore(%arg8 : memref<!tpu.dma_semaphore, #tpu.memory_space<semaphore_mem>>) src(%arg5 : memref<128xf32, #tpu.memory_space<vmem>>) dst(%dma_wait3A_556 : memref<10240xf32, #tpu.memory_space<vmem_shared>>)
    %dma_wait3A_557 = arith.constant 4 : i32
    %dma_wait3A_558 = arith.constant 0 : i32
    %dma_wait3A_559 = tpu.memref_slice %arg4[%dma_wait3A_557, %dma_wait3A_558] : memref<80x128xi32, #tpu.memory_space<vmem>> -> memref<1x128xi32, #tpu.memory_space<vmem>>
    %dma_wait3A_560 = tpu.memref_squeeze %dma_wait3A_559 : memref<1x128xi32, #tpu.memory_space<vmem>> -> memref<128xi32, #tpu.memory_space<vmem>>
    %dma_wait3A_561 = arith.constant 0 : i32
    %dma_wait3A_562 = tpu.memref_slice %arg7[%dma_wait3A_561] : memref<10240xf32, #tpu.memory_space<vmem_shared>> -> memref<10240xf32, #tpu.memory_space<vmem_shared>>
    tpu.wait_indirect_dma semaphore(%arg8 : memref<!tpu.dma_semaphore, #tpu.memory_space<semaphore_mem>>) src(%arg5 : memref<128xf32, #tpu.memory_space<vmem>>) dst(%dma_wait3A_562 : memref<10240xf32, #tpu.memory_space<vmem_shared>>)
    %dma_wait3A_563 = arith.constant 5 : i32
    %dma_wait3A_564 = arith.constant 0 : i32
    %dma_wait3A_565 = tpu.memref_slice %arg4[%dma_wait3A_563, %dma_wait3A_564] : memref<80x128xi32, #tpu.memory_space<vmem>> -> memref<1x128xi32, #tpu.memory_space<vmem>>
    %dma_wait3A_566 = tpu.memref_squeeze %dma_wait3A_565 : memref<1x128xi32, #tpu.memory_space<vmem>> -> memref<128xi32, #tpu.memory_space<vmem>>
    %dma_wait3A_567 = arith.constant 0 : i32
    %dma_wait3A_568 = tpu.memref_slice %arg7[%dma_wait3A_567] : memref<10240xf32, #tpu.memory_space<vmem_shared>> -> memref<10240xf32, #tpu.memory_space<vmem_shared>>
    tpu.wait_indirect_dma semaphore(%arg8 : memref<!tpu.dma_semaphore, #tpu.memory_space<semaphore_mem>>) src(%arg5 : memref<128xf32, #tpu.memory_space<vmem>>) dst(%dma_wait3A_568 : memref<10240xf32, #tpu.memory_space<vmem_shared>>)
    %dma_wait3A_569 = arith.constant 6 : i32
    %dma_wait3A_570 = arith.constant 0 : i32
    %dma_wait3A_571 = tpu.memref_slice %arg4[%dma_wait3A_569, %dma_wait3A_570] : memref<80x128xi32, #tpu.memory_space<vmem>> -> memref<1x128xi32, #tpu.memory_space<vmem>>
    %dma_wait3A_572 = tpu.memref_squeeze %dma_wait3A_571 : memref<1x128xi32, #tpu.memory_space<vmem>> -> memref<128xi32, #tpu.memory_space<vmem>>
    %dma_wait3A_573 = arith.constant 0 : i32
    %dma_wait3A_574 = tpu.memref_slice %arg7[%dma_wait3A_573] : memref<10240xf32, #tpu.memory_space<vmem_shared>> -> memref<10240xf32, #tpu.memory_space<vmem_shared>>
    tpu.wait_indirect_dma semaphore(%arg8 : memref<!tpu.dma_semaphore, #tpu.memory_space<semaphore_mem>>) src(%arg5 : memref<128xf32, #tpu.memory_space<vmem>>) dst(%dma_wait3A_574 : memref<10240xf32, #tpu.memory_space<vmem_shared>>)
    %dma_wait3A_575 = arith.constant 7 : i32
    %dma_wait3A_576 = arith.constant 0 : i32
    %dma_wait3A_577 = tpu.memref_slice %arg4[%dma_wait3A_575, %dma_wait3A_576] : memref<80x128xi32, #tpu.memory_space<vmem>> -> memref<1x128xi32, #tpu.memory_space<vmem>>
    %dma_wait3A_578 = tpu.memref_squeeze %dma_wait3A_577 : memref<1x128xi32, #tpu.memory_space<vmem>> -> memref<128xi32, #tpu.memory_space<vmem>>
    %dma_wait3A_579 = arith.constant 0 : i32
    %dma_wait3A_580 = tpu.memref_slice %arg7[%dma_wait3A_579] : memref<10240xf32, #tpu.memory_space<vmem_shared>> -> memref<10240xf32, #tpu.memory_space<vmem_shared>>
    tpu.wait_indirect_dma semaphore(%arg8 : memref<!tpu.dma_semaphore, #tpu.memory_space<semaphore_mem>>) src(%arg5 : memref<128xf32, #tpu.memory_space<vmem>>) dst(%dma_wait3A_580 : memref<10240xf32, #tpu.memory_space<vmem_shared>>)
    %dma_wait3A_581 = arith.constant 8 : i32
    %dma_wait3A_582 = arith.constant 0 : i32
    %dma_wait3A_583 = tpu.memref_slice %arg4[%dma_wait3A_581, %dma_wait3A_582] : memref<80x128xi32, #tpu.memory_space<vmem>> -> memref<1x128xi32, #tpu.memory_space<vmem>>
    %dma_wait3A_584 = tpu.memref_squeeze %dma_wait3A_583 : memref<1x128xi32, #tpu.memory_space<vmem>> -> memref<128xi32, #tpu.memory_space<vmem>>
    %dma_wait3A_585 = arith.constant 0 : i32
    %dma_wait3A_586 = tpu.memref_slice %arg7[%dma_wait3A_585] : memref<10240xf32, #tpu.memory_space<vmem_shared>> -> memref<10240xf32, #tpu.memory_space<vmem_shared>>
    tpu.wait_indirect_dma semaphore(%arg8 : memref<!tpu.dma_semaphore, #tpu.memory_space<semaphore_mem>>) src(%arg5 : memref<128xf32, #tpu.memory_space<vmem>>) dst(%dma_wait3A_586 : memref<10240xf32, #tpu.memory_space<vmem_shared>>)
    %dma_wait3A_587 = arith.constant 9 : i32
    %dma_wait3A_588 = arith.constant 0 : i32
    %dma_wait3A_589 = tpu.memref_slice %arg4[%dma_wait3A_587, %dma_wait3A_588] : memref<80x128xi32, #tpu.memory_space<vmem>> -> memref<1x128xi32, #tpu.memory_space<vmem>>
    %dma_wait3A_590 = tpu.memref_squeeze %dma_wait3A_589 : memref<1x128xi32, #tpu.memory_space<vmem>> -> memref<128xi32, #tpu.memory_space<vmem>>
    %dma_wait3A_591 = arith.constant 0 : i32
    %dma_wait3A_592 = tpu.memref_slice %arg7[%dma_wait3A_591] : memref<10240xf32, #tpu.memory_space<vmem_shared>> -> memref<10240xf32, #tpu.memory_space<vmem_shared>>
    tpu.wait_indirect_dma semaphore(%arg8 : memref<!tpu.dma_semaphore, #tpu.memory_space<semaphore_mem>>) src(%arg5 : memref<128xf32, #tpu.memory_space<vmem>>) dst(%dma_wait3A_592 : memref<10240xf32, #tpu.memory_space<vmem_shared>>)
    %dma_wait3A_593 = arith.constant 10 : i32
    %dma_wait3A_594 = arith.constant 0 : i32
    %dma_wait3A_595 = tpu.memref_slice %arg4[%dma_wait3A_593, %dma_wait3A_594] : memref<80x128xi32, #tpu.memory_space<vmem>> -> memref<1x128xi32, #tpu.memory_space<vmem>>
    %dma_wait3A_596 = tpu.memref_squeeze %dma_wait3A_595 : memref<1x128xi32, #tpu.memory_space<vmem>> -> memref<128xi32, #tpu.memory_space<vmem>>
    %dma_wait3A_597 = arith.constant 0 : i32
    %dma_wait3A_598 = tpu.memref_slice %arg7[%dma_wait3A_597] : memref<10240xf32, #tpu.memory_space<vmem_shared>> -> memref<10240xf32, #tpu.memory_space<vmem_shared>>
    tpu.wait_indirect_dma semaphore(%arg8 : memref<!tpu.dma_semaphore, #tpu.memory_space<semaphore_mem>>) src(%arg5 : memref<128xf32, #tpu.memory_space<vmem>>) dst(%dma_wait3A_598 : memref<10240xf32, #tpu.memory_space<vmem_shared>>)
    %dma_wait3A_599 = arith.constant 11 : i32
    %dma_wait3A_600 = arith.constant 0 : i32
    %dma_wait3A_601 = tpu.memref_slice %arg4[%dma_wait3A_599, %dma_wait3A_600] : memref<80x128xi32, #tpu.memory_space<vmem>> -> memref<1x128xi32, #tpu.memory_space<vmem>>
    %dma_wait3A_602 = tpu.memref_squeeze %dma_wait3A_601 : memref<1x128xi32, #tpu.memory_space<vmem>> -> memref<128xi32, #tpu.memory_space<vmem>>
    %dma_wait3A_603 = arith.constant 0 : i32
    %dma_wait3A_604 = tpu.memref_slice %arg7[%dma_wait3A_603] : memref<10240xf32, #tpu.memory_space<vmem_shared>> -> memref<10240xf32, #tpu.memory_space<vmem_shared>>
    tpu.wait_indirect_dma semaphore(%arg8 : memref<!tpu.dma_semaphore, #tpu.memory_space<semaphore_mem>>) src(%arg5 : memref<128xf32, #tpu.memory_space<vmem>>) dst(%dma_wait3A_604 : memref<10240xf32, #tpu.memory_space<vmem_shared>>)
    %dma_wait3A_605 = arith.constant 12 : i32
    %dma_wait3A_606 = arith.constant 0 : i32
    %dma_wait3A_607 = tpu.memref_slice %arg4[%dma_wait3A_605, %dma_wait3A_606] : memref<80x128xi32, #tpu.memory_space<vmem>> -> memref<1x128xi32, #tpu.memory_space<vmem>>
    %dma_wait3A_608 = tpu.memref_squeeze %dma_wait3A_607 : memref<1x128xi32, #tpu.memory_space<vmem>> -> memref<128xi32, #tpu.memory_space<vmem>>
    %dma_wait3A_609 = arith.constant 0 : i32
    %dma_wait3A_610 = tpu.memref_slice %arg7[%dma_wait3A_609] : memref<10240xf32, #tpu.memory_space<vmem_shared>> -> memref<10240xf32, #tpu.memory_space<vmem_shared>>
    tpu.wait_indirect_dma semaphore(%arg8 : memref<!tpu.dma_semaphore, #tpu.memory_space<semaphore_mem>>) src(%arg5 : memref<128xf32, #tpu.memory_space<vmem>>) dst(%dma_wait3A_610 : memref<10240xf32, #tpu.memory_space<vmem_shared>>)
    %dma_wait3A_611 = arith.constant 13 : i32
    %dma_wait3A_612 = arith.constant 0 : i32
    %dma_wait3A_613 = tpu.memref_slice %arg4[%dma_wait3A_611, %dma_wait3A_612] : memref<80x128xi32, #tpu.memory_space<vmem>> -> memref<1x128xi32, #tpu.memory_space<vmem>>
    %dma_wait3A_614 = tpu.memref_squeeze %dma_wait3A_613 : memref<1x128xi32, #tpu.memory_space<vmem>> -> memref<128xi32, #tpu.memory_space<vmem>>
    %dma_wait3A_615 = arith.constant 0 : i32
    %dma_wait3A_616 = tpu.memref_slice %arg7[%dma_wait3A_615] : memref<10240xf32, #tpu.memory_space<vmem_shared>> -> memref<10240xf32, #tpu.memory_space<vmem_shared>>
    tpu.wait_indirect_dma semaphore(%arg8 : memref<!tpu.dma_semaphore, #tpu.memory_space<semaphore_mem>>) src(%arg5 : memref<128xf32, #tpu.memory_space<vmem>>) dst(%dma_wait3A_616 : memref<10240xf32, #tpu.memory_space<vmem_shared>>)
    %dma_wait3A_617 = arith.constant 14 : i32
    %dma_wait3A_618 = arith.constant 0 : i32
    %dma_wait3A_619 = tpu.memref_slice %arg4[%dma_wait3A_617, %dma_wait3A_618] : memref<80x128xi32, #tpu.memory_space<vmem>> -> memref<1x128xi32, #tpu.memory_space<vmem>>
    %dma_wait3A_620 = tpu.memref_squeeze %dma_wait3A_619 : memref<1x128xi32, #tpu.memory_space<vmem>> -> memref<128xi32, #tpu.memory_space<vmem>>
    %dma_wait3A_621 = arith.constant 0 : i32
    %dma_wait3A_622 = tpu.memref_slice %arg7[%dma_wait3A_621] : memref<10240xf32, #tpu.memory_space<vmem_shared>> -> memref<10240xf32, #tpu.memory_space<vmem_shared>>
    tpu.wait_indirect_dma semaphore(%arg8 : memref<!tpu.dma_semaphore, #tpu.memory_space<semaphore_mem>>) src(%arg5 : memref<128xf32, #tpu.memory_space<vmem>>) dst(%dma_wait3A_622 : memref<10240xf32, #tpu.memory_space<vmem_shared>>)
    %dma_wait3A_623 = arith.constant 15 : i32
    %dma_wait3A_624 = arith.constant 0 : i32
    %dma_wait3A_625 = tpu.memref_slice %arg4[%dma_wait3A_623, %dma_wait3A_624] : memref<80x128xi32, #tpu.memory_space<vmem>> -> memref<1x128xi32, #tpu.memory_space<vmem>>
    %dma_wait3A_626 = tpu.memref_squeeze %dma_wait3A_625 : memref<1x128xi32, #tpu.memory_space<vmem>> -> memref<128xi32, #tpu.memory_space<vmem>>
    %dma_wait3A_627 = arith.constant 0 : i32
    %dma_wait3A_628 = tpu.memref_slice %arg7[%dma_wait3A_627] : memref<10240xf32, #tpu.memory_space<vmem_shared>> -> memref<10240xf32, #tpu.memory_space<vmem_shared>>
    tpu.wait_indirect_dma semaphore(%arg8 : memref<!tpu.dma_semaphore, #tpu.memory_space<semaphore_mem>>) src(%arg5 : memref<128xf32, #tpu.memory_space<vmem>>) dst(%dma_wait3A_628 : memref<10240xf32, #tpu.memory_space<vmem_shared>>)
    %dma_wait3A_629 = arith.constant 16 : i32
    %dma_wait3A_630 = arith.constant 0 : i32
    %dma_wait3A_631 = tpu.memref_slice %arg4[%dma_wait3A_629, %dma_wait3A_630] : memref<80x128xi32, #tpu.memory_space<vmem>> -> memref<1x128xi32, #tpu.memory_space<vmem>>
    %dma_wait3A_632 = tpu.memref_squeeze %dma_wait3A_631 : memref<1x128xi32, #tpu.memory_space<vmem>> -> memref<128xi32, #tpu.memory_space<vmem>>
    %dma_wait3A_633 = arith.constant 0 : i32
    %dma_wait3A_634 = tpu.memref_slice %arg7[%dma_wait3A_633] : memref<10240xf32, #tpu.memory_space<vmem_shared>> -> memref<10240xf32, #tpu.memory_space<vmem_shared>>
    tpu.wait_indirect_dma semaphore(%arg8 : memref<!tpu.dma_semaphore, #tpu.memory_space<semaphore_mem>>) src(%arg5 : memref<128xf32, #tpu.memory_space<vmem>>) dst(%dma_wait3A_634 : memref<10240xf32, #tpu.memory_space<vmem_shared>>)
    %dma_wait3A_635 = arith.constant 17 : i32
    %dma_wait3A_636 = arith.constant 0 : i32
    %dma_wait3A_637 = tpu.memref_slice %arg4[%dma_wait3A_635, %dma_wait3A_636] : memref<80x128xi32, #tpu.memory_space<vmem>> -> memref<1x128xi32, #tpu.memory_space<vmem>>
    %dma_wait3A_638 = tpu.memref_squeeze %dma_wait3A_637 : memref<1x128xi32, #tpu.memory_space<vmem>> -> memref<128xi32, #tpu.memory_space<vmem>>
    %dma_wait3A_639 = arith.constant 0 : i32
    %dma_wait3A_640 = tpu.memref_slice %arg7[%dma_wait3A_639] : memref<10240xf32, #tpu.memory_space<vmem_shared>> -> memref<10240xf32, #tpu.memory_space<vmem_shared>>
    tpu.wait_indirect_dma semaphore(%arg8 : memref<!tpu.dma_semaphore, #tpu.memory_space<semaphore_mem>>) src(%arg5 : memref<128xf32, #tpu.memory_space<vmem>>) dst(%dma_wait3A_640 : memref<10240xf32, #tpu.memory_space<vmem_shared>>)
    %dma_wait3A_641 = arith.constant 18 : i32
    %dma_wait3A_642 = arith.constant 0 : i32
    %dma_wait3A_643 = tpu.memref_slice %arg4[%dma_wait3A_641, %dma_wait3A_642] : memref<80x128xi32, #tpu.memory_space<vmem>> -> memref<1x128xi32, #tpu.memory_space<vmem>>
    %dma_wait3A_644 = tpu.memref_squeeze %dma_wait3A_643 : memref<1x128xi32, #tpu.memory_space<vmem>> -> memref<128xi32, #tpu.memory_space<vmem>>
    %dma_wait3A_645 = arith.constant 0 : i32
    %dma_wait3A_646 = tpu.memref_slice %arg7[%dma_wait3A_645] : memref<10240xf32, #tpu.memory_space<vmem_shared>> -> memref<10240xf32, #tpu.memory_space<vmem_shared>>
    tpu.wait_indirect_dma semaphore(%arg8 : memref<!tpu.dma_semaphore, #tpu.memory_space<semaphore_mem>>) src(%arg5 : memref<128xf32, #tpu.memory_space<vmem>>) dst(%dma_wait3A_646 : memref<10240xf32, #tpu.memory_space<vmem_shared>>)
    %dma_wait3A_647 = arith.constant 19 : i32
    %dma_wait3A_648 = arith.constant 0 : i32
    %dma_wait3A_649 = tpu.memref_slice %arg4[%dma_wait3A_647, %dma_wait3A_648] : memref<80x128xi32, #tpu.memory_space<vmem>> -> memref<1x128xi32, #tpu.memory_space<vmem>>
    %dma_wait3A_650 = tpu.memref_squeeze %dma_wait3A_649 : memref<1x128xi32, #tpu.memory_space<vmem>> -> memref<128xi32, #tpu.memory_space<vmem>>
    %dma_wait3A_651 = arith.constant 0 : i32
    %dma_wait3A_652 = tpu.memref_slice %arg7[%dma_wait3A_651] : memref<10240xf32, #tpu.memory_space<vmem_shared>> -> memref<10240xf32, #tpu.memory_space<vmem_shared>>
    tpu.wait_indirect_dma semaphore(%arg8 : memref<!tpu.dma_semaphore, #tpu.memory_space<semaphore_mem>>) src(%arg5 : memref<128xf32, #tpu.memory_space<vmem>>) dst(%dma_wait3A_652 : memref<10240xf32, #tpu.memory_space<vmem_shared>>)
    %dma_wait3A_653 = arith.constant 20 : i32
    %dma_wait3A_654 = arith.constant 0 : i32
    %dma_wait3A_655 = tpu.memref_slice %arg4[%dma_wait3A_653, %dma_wait3A_654] : memref<80x128xi32, #tpu.memory_space<vmem>> -> memref<1x128xi32, #tpu.memory_space<vmem>>
    %dma_wait3A_656 = tpu.memref_squeeze %dma_wait3A_655 : memref<1x128xi32, #tpu.memory_space<vmem>> -> memref<128xi32, #tpu.memory_space<vmem>>
    %dma_wait3A_657 = arith.constant 0 : i32
    %dma_wait3A_658 = tpu.memref_slice %arg7[%dma_wait3A_657] : memref<10240xf32, #tpu.memory_space<vmem_shared>> -> memref<10240xf32, #tpu.memory_space<vmem_shared>>
    tpu.wait_indirect_dma semaphore(%arg8 : memref<!tpu.dma_semaphore, #tpu.memory_space<semaphore_mem>>) src(%arg5 : memref<128xf32, #tpu.memory_space<vmem>>) dst(%dma_wait3A_658 : memref<10240xf32, #tpu.memory_space<vmem_shared>>)
    %dma_wait3A_659 = arith.constant 21 : i32
    %dma_wait3A_660 = arith.constant 0 : i32
    %dma_wait3A_661 = tpu.memref_slice %arg4[%dma_wait3A_659, %dma_wait3A_660] : memref<80x128xi32, #tpu.memory_space<vmem>> -> memref<1x128xi32, #tpu.memory_space<vmem>>
    %dma_wait3A_662 = tpu.memref_squeeze %dma_wait3A_661 : memref<1x128xi32, #tpu.memory_space<vmem>> -> memref<128xi32, #tpu.memory_space<vmem>>
    %dma_wait3A_663 = arith.constant 0 : i32
    %dma_wait3A_664 = tpu.memref_slice %arg7[%dma_wait3A_663] : memref<10240xf32, #tpu.memory_space<vmem_shared>> -> memref<10240xf32, #tpu.memory_space<vmem_shared>>
    tpu.wait_indirect_dma semaphore(%arg8 : memref<!tpu.dma_semaphore, #tpu.memory_space<semaphore_mem>>) src(%arg5 : memref<128xf32, #tpu.memory_space<vmem>>) dst(%dma_wait3A_664 : memref<10240xf32, #tpu.memory_space<vmem_shared>>)
    %dma_wait3A_665 = arith.constant 22 : i32
    %dma_wait3A_666 = arith.constant 0 : i32
    %dma_wait3A_667 = tpu.memref_slice %arg4[%dma_wait3A_665, %dma_wait3A_666] : memref<80x128xi32, #tpu.memory_space<vmem>> -> memref<1x128xi32, #tpu.memory_space<vmem>>
    %dma_wait3A_668 = tpu.memref_squeeze %dma_wait3A_667 : memref<1x128xi32, #tpu.memory_space<vmem>> -> memref<128xi32, #tpu.memory_space<vmem>>
    %dma_wait3A_669 = arith.constant 0 : i32
    %dma_wait3A_670 = tpu.memref_slice %arg7[%dma_wait3A_669] : memref<10240xf32, #tpu.memory_space<vmem_shared>> -> memref<10240xf32, #tpu.memory_space<vmem_shared>>
    tpu.wait_indirect_dma semaphore(%arg8 : memref<!tpu.dma_semaphore, #tpu.memory_space<semaphore_mem>>) src(%arg5 : memref<128xf32, #tpu.memory_space<vmem>>) dst(%dma_wait3A_670 : memref<10240xf32, #tpu.memory_space<vmem_shared>>)
    %dma_wait3A_671 = arith.constant 23 : i32
    %dma_wait3A_672 = arith.constant 0 : i32
    %dma_wait3A_673 = tpu.memref_slice %arg4[%dma_wait3A_671, %dma_wait3A_672] : memref<80x128xi32, #tpu.memory_space<vmem>> -> memref<1x128xi32, #tpu.memory_space<vmem>>
    %dma_wait3A_674 = tpu.memref_squeeze %dma_wait3A_673 : memref<1x128xi32, #tpu.memory_space<vmem>> -> memref<128xi32, #tpu.memory_space<vmem>>
    %dma_wait3A_675 = arith.constant 0 : i32
    %dma_wait3A_676 = tpu.memref_slice %arg7[%dma_wait3A_675] : memref<10240xf32, #tpu.memory_space<vmem_shared>> -> memref<10240xf32, #tpu.memory_space<vmem_shared>>
    tpu.wait_indirect_dma semaphore(%arg8 : memref<!tpu.dma_semaphore, #tpu.memory_space<semaphore_mem>>) src(%arg5 : memref<128xf32, #tpu.memory_space<vmem>>) dst(%dma_wait3A_676 : memref<10240xf32, #tpu.memory_space<vmem_shared>>)
    %dma_wait3A_677 = arith.constant 24 : i32
    %dma_wait3A_678 = arith.constant 0 : i32
    %dma_wait3A_679 = tpu.memref_slice %arg4[%dma_wait3A_677, %dma_wait3A_678] : memref<80x128xi32, #tpu.memory_space<vmem>> -> memref<1x128xi32, #tpu.memory_space<vmem>>
    %dma_wait3A_680 = tpu.memref_squeeze %dma_wait3A_679 : memref<1x128xi32, #tpu.memory_space<vmem>> -> memref<128xi32, #tpu.memory_space<vmem>>
    %dma_wait3A_681 = arith.constant 0 : i32
    %dma_wait3A_682 = tpu.memref_slice %arg7[%dma_wait3A_681] : memref<10240xf32, #tpu.memory_space<vmem_shared>> -> memref<10240xf32, #tpu.memory_space<vmem_shared>>
    tpu.wait_indirect_dma semaphore(%arg8 : memref<!tpu.dma_semaphore, #tpu.memory_space<semaphore_mem>>) src(%arg5 : memref<128xf32, #tpu.memory_space<vmem>>) dst(%dma_wait3A_682 : memref<10240xf32, #tpu.memory_space<vmem_shared>>)
    %dma_wait3A_683 = arith.constant 25 : i32
    %dma_wait3A_684 = arith.constant 0 : i32
    %dma_wait3A_685 = tpu.memref_slice %arg4[%dma_wait3A_683, %dma_wait3A_684] : memref<80x128xi32, #tpu.memory_space<vmem>> -> memref<1x128xi32, #tpu.memory_space<vmem>>
    %dma_wait3A_686 = tpu.memref_squeeze %dma_wait3A_685 : memref<1x128xi32, #tpu.memory_space<vmem>> -> memref<128xi32, #tpu.memory_space<vmem>>
    %dma_wait3A_687 = arith.constant 0 : i32
    %dma_wait3A_688 = tpu.memref_slice %arg7[%dma_wait3A_687] : memref<10240xf32, #tpu.memory_space<vmem_shared>> -> memref<10240xf32, #tpu.memory_space<vmem_shared>>
    tpu.wait_indirect_dma semaphore(%arg8 : memref<!tpu.dma_semaphore, #tpu.memory_space<semaphore_mem>>) src(%arg5 : memref<128xf32, #tpu.memory_space<vmem>>) dst(%dma_wait3A_688 : memref<10240xf32, #tpu.memory_space<vmem_shared>>)
    %dma_wait3A_689 = arith.constant 26 : i32
    %dma_wait3A_690 = arith.constant 0 : i32
    %dma_wait3A_691 = tpu.memref_slice %arg4[%dma_wait3A_689, %dma_wait3A_690] : memref<80x128xi32, #tpu.memory_space<vmem>> -> memref<1x128xi32, #tpu.memory_space<vmem>>
    %dma_wait3A_692 = tpu.memref_squeeze %dma_wait3A_691 : memref<1x128xi32, #tpu.memory_space<vmem>> -> memref<128xi32, #tpu.memory_space<vmem>>
    %dma_wait3A_693 = arith.constant 0 : i32
    %dma_wait3A_694 = tpu.memref_slice %arg7[%dma_wait3A_693] : memref<10240xf32, #tpu.memory_space<vmem_shared>> -> memref<10240xf32, #tpu.memory_space<vmem_shared>>
    tpu.wait_indirect_dma semaphore(%arg8 : memref<!tpu.dma_semaphore, #tpu.memory_space<semaphore_mem>>) src(%arg5 : memref<128xf32, #tpu.memory_space<vmem>>) dst(%dma_wait3A_694 : memref<10240xf32, #tpu.memory_space<vmem_shared>>)
    %dma_wait3A_695 = arith.constant 27 : i32
    %dma_wait3A_696 = arith.constant 0 : i32
    %dma_wait3A_697 = tpu.memref_slice %arg4[%dma_wait3A_695, %dma_wait3A_696] : memref<80x128xi32, #tpu.memory_space<vmem>> -> memref<1x128xi32, #tpu.memory_space<vmem>>
    %dma_wait3A_698 = tpu.memref_squeeze %dma_wait3A_697 : memref<1x128xi32, #tpu.memory_space<vmem>> -> memref<128xi32, #tpu.memory_space<vmem>>
    %dma_wait3A_699 = arith.constant 0 : i32
    %dma_wait3A_700 = tpu.memref_slice %arg7[%dma_wait3A_699] : memref<10240xf32, #tpu.memory_space<vmem_shared>> -> memref<10240xf32, #tpu.memory_space<vmem_shared>>
    tpu.wait_indirect_dma semaphore(%arg8 : memref<!tpu.dma_semaphore, #tpu.memory_space<semaphore_mem>>) src(%arg5 : memref<128xf32, #tpu.memory_space<vmem>>) dst(%dma_wait3A_700 : memref<10240xf32, #tpu.memory_space<vmem_shared>>)
    %dma_wait3A_701 = arith.constant 28 : i32
    %dma_wait3A_702 = arith.constant 0 : i32
    %dma_wait3A_703 = tpu.memref_slice %arg4[%dma_wait3A_701, %dma_wait3A_702] : memref<80x128xi32, #tpu.memory_space<vmem>> -> memref<1x128xi32, #tpu.memory_space<vmem>>
    %dma_wait3A_704 = tpu.memref_squeeze %dma_wait3A_703 : memref<1x128xi32, #tpu.memory_space<vmem>> -> memref<128xi32, #tpu.memory_space<vmem>>
    %dma_wait3A_705 = arith.constant 0 : i32
    %dma_wait3A_706 = tpu.memref_slice %arg7[%dma_wait3A_705] : memref<10240xf32, #tpu.memory_space<vmem_shared>> -> memref<10240xf32, #tpu.memory_space<vmem_shared>>
    tpu.wait_indirect_dma semaphore(%arg8 : memref<!tpu.dma_semaphore, #tpu.memory_space<semaphore_mem>>) src(%arg5 : memref<128xf32, #tpu.memory_space<vmem>>) dst(%dma_wait3A_706 : memref<10240xf32, #tpu.memory_space<vmem_shared>>)
    %dma_wait3A_707 = arith.constant 29 : i32
    %dma_wait3A_708 = arith.constant 0 : i32
    %dma_wait3A_709 = tpu.memref_slice %arg4[%dma_wait3A_707, %dma_wait3A_708] : memref<80x128xi32, #tpu.memory_space<vmem>> -> memref<1x128xi32, #tpu.memory_space<vmem>>
    %dma_wait3A_710 = tpu.memref_squeeze %dma_wait3A_709 : memref<1x128xi32, #tpu.memory_space<vmem>> -> memref<128xi32, #tpu.memory_space<vmem>>
    %dma_wait3A_711 = arith.constant 0 : i32
    %dma_wait3A_712 = tpu.memref_slice %arg7[%dma_wait3A_711] : memref<10240xf32, #tpu.memory_space<vmem_shared>> -> memref<10240xf32, #tpu.memory_space<vmem_shared>>
    tpu.wait_indirect_dma semaphore(%arg8 : memref<!tpu.dma_semaphore, #tpu.memory_space<semaphore_mem>>) src(%arg5 : memref<128xf32, #tpu.memory_space<vmem>>) dst(%dma_wait3A_712 : memref<10240xf32, #tpu.memory_space<vmem_shared>>)
    %dma_wait3A_713 = arith.constant 30 : i32
    %dma_wait3A_714 = arith.constant 0 : i32
    %dma_wait3A_715 = tpu.memref_slice %arg4[%dma_wait3A_713, %dma_wait3A_714] : memref<80x128xi32, #tpu.memory_space<vmem>> -> memref<1x128xi32, #tpu.memory_space<vmem>>
    %dma_wait3A_716 = tpu.memref_squeeze %dma_wait3A_715 : memref<1x128xi32, #tpu.memory_space<vmem>> -> memref<128xi32, #tpu.memory_space<vmem>>
    %dma_wait3A_717 = arith.constant 0 : i32
    %dma_wait3A_718 = tpu.memref_slice %arg7[%dma_wait3A_717] : memref<10240xf32, #tpu.memory_space<vmem_shared>> -> memref<10240xf32, #tpu.memory_space<vmem_shared>>
    tpu.wait_indirect_dma semaphore(%arg8 : memref<!tpu.dma_semaphore, #tpu.memory_space<semaphore_mem>>) src(%arg5 : memref<128xf32, #tpu.memory_space<vmem>>) dst(%dma_wait3A_718 : memref<10240xf32, #tpu.memory_space<vmem_shared>>)
    %dma_wait3A_719 = arith.constant 31 : i32
    %dma_wait3A_720 = arith.constant 0 : i32
    %dma_wait3A_721 = tpu.memref_slice %arg4[%dma_wait3A_719, %dma_wait3A_720] : memref<80x128xi32, #tpu.memory_space<vmem>> -> memref<1x128xi32, #tpu.memory_space<vmem>>
    %dma_wait3A_722 = tpu.memref_squeeze %dma_wait3A_721 : memref<1x128xi32, #tpu.memory_space<vmem>> -> memref<128xi32, #tpu.memory_space<vmem>>
    %dma_wait3A_723 = arith.constant 0 : i32
    %dma_wait3A_724 = tpu.memref_slice %arg7[%dma_wait3A_723] : memref<10240xf32, #tpu.memory_space<vmem_shared>> -> memref<10240xf32, #tpu.memory_space<vmem_shared>>
    tpu.wait_indirect_dma semaphore(%arg8 : memref<!tpu.dma_semaphore, #tpu.memory_space<semaphore_mem>>) src(%arg5 : memref<128xf32, #tpu.memory_space<vmem>>) dst(%dma_wait3A_724 : memref<10240xf32, #tpu.memory_space<vmem_shared>>)
    %dma_wait3A_725 = arith.constant 32 : i32
    %dma_wait3A_726 = arith.constant 0 : i32
    %dma_wait3A_727 = tpu.memref_slice %arg4[%dma_wait3A_725, %dma_wait3A_726] : memref<80x128xi32, #tpu.memory_space<vmem>> -> memref<1x128xi32, #tpu.memory_space<vmem>>
    %dma_wait3A_728 = tpu.memref_squeeze %dma_wait3A_727 : memref<1x128xi32, #tpu.memory_space<vmem>> -> memref<128xi32, #tpu.memory_space<vmem>>
    %dma_wait3A_729 = arith.constant 0 : i32
    %dma_wait3A_730 = tpu.memref_slice %arg7[%dma_wait3A_729] : memref<10240xf32, #tpu.memory_space<vmem_shared>> -> memref<10240xf32, #tpu.memory_space<vmem_shared>>
    tpu.wait_indirect_dma semaphore(%arg8 : memref<!tpu.dma_semaphore, #tpu.memory_space<semaphore_mem>>) src(%arg5 : memref<128xf32, #tpu.memory_space<vmem>>) dst(%dma_wait3A_730 : memref<10240xf32, #tpu.memory_space<vmem_shared>>)
    %dma_wait3A_731 = arith.constant 33 : i32
    %dma_wait3A_732 = arith.constant 0 : i32
    %dma_wait3A_733 = tpu.memref_slice %arg4[%dma_wait3A_731, %dma_wait3A_732] : memref<80x128xi32, #tpu.memory_space<vmem>> -> memref<1x128xi32, #tpu.memory_space<vmem>>
    %dma_wait3A_734 = tpu.memref_squeeze %dma_wait3A_733 : memref<1x128xi32, #tpu.memory_space<vmem>> -> memref<128xi32, #tpu.memory_space<vmem>>
    %dma_wait3A_735 = arith.constant 0 : i32
    %dma_wait3A_736 = tpu.memref_slice %arg7[%dma_wait3A_735] : memref<10240xf32, #tpu.memory_space<vmem_shared>> -> memref<10240xf32, #tpu.memory_space<vmem_shared>>
    tpu.wait_indirect_dma semaphore(%arg8 : memref<!tpu.dma_semaphore, #tpu.memory_space<semaphore_mem>>) src(%arg5 : memref<128xf32, #tpu.memory_space<vmem>>) dst(%dma_wait3A_736 : memref<10240xf32, #tpu.memory_space<vmem_shared>>)
    %dma_wait3A_737 = arith.constant 34 : i32
    %dma_wait3A_738 = arith.constant 0 : i32
    %dma_wait3A_739 = tpu.memref_slice %arg4[%dma_wait3A_737, %dma_wait3A_738] : memref<80x128xi32, #tpu.memory_space<vmem>> -> memref<1x128xi32, #tpu.memory_space<vmem>>
    %dma_wait3A_740 = tpu.memref_squeeze %dma_wait3A_739 : memref<1x128xi32, #tpu.memory_space<vmem>> -> memref<128xi32, #tpu.memory_space<vmem>>
    %dma_wait3A_741 = arith.constant 0 : i32
    %dma_wait3A_742 = tpu.memref_slice %arg7[%dma_wait3A_741] : memref<10240xf32, #tpu.memory_space<vmem_shared>> -> memref<10240xf32, #tpu.memory_space<vmem_shared>>
    tpu.wait_indirect_dma semaphore(%arg8 : memref<!tpu.dma_semaphore, #tpu.memory_space<semaphore_mem>>) src(%arg5 : memref<128xf32, #tpu.memory_space<vmem>>) dst(%dma_wait3A_742 : memref<10240xf32, #tpu.memory_space<vmem_shared>>)
    %dma_wait3A_743 = arith.constant 35 : i32
    %dma_wait3A_744 = arith.constant 0 : i32
    %dma_wait3A_745 = tpu.memref_slice %arg4[%dma_wait3A_743, %dma_wait3A_744] : memref<80x128xi32, #tpu.memory_space<vmem>> -> memref<1x128xi32, #tpu.memory_space<vmem>>
    %dma_wait3A_746 = tpu.memref_squeeze %dma_wait3A_745 : memref<1x128xi32, #tpu.memory_space<vmem>> -> memref<128xi32, #tpu.memory_space<vmem>>
    %dma_wait3A_747 = arith.constant 0 : i32
    %dma_wait3A_748 = tpu.memref_slice %arg7[%dma_wait3A_747] : memref<10240xf32, #tpu.memory_space<vmem_shared>> -> memref<10240xf32, #tpu.memory_space<vmem_shared>>
    tpu.wait_indirect_dma semaphore(%arg8 : memref<!tpu.dma_semaphore, #tpu.memory_space<semaphore_mem>>) src(%arg5 : memref<128xf32, #tpu.memory_space<vmem>>) dst(%dma_wait3A_748 : memref<10240xf32, #tpu.memory_space<vmem_shared>>)
    %dma_wait3A_749 = arith.constant 36 : i32
    %dma_wait3A_750 = arith.constant 0 : i32
    %dma_wait3A_751 = tpu.memref_slice %arg4[%dma_wait3A_749, %dma_wait3A_750] : memref<80x128xi32, #tpu.memory_space<vmem>> -> memref<1x128xi32, #tpu.memory_space<vmem>>
    %dma_wait3A_752 = tpu.memref_squeeze %dma_wait3A_751 : memref<1x128xi32, #tpu.memory_space<vmem>> -> memref<128xi32, #tpu.memory_space<vmem>>
    %dma_wait3A_753 = arith.constant 0 : i32
    %dma_wait3A_754 = tpu.memref_slice %arg7[%dma_wait3A_753] : memref<10240xf32, #tpu.memory_space<vmem_shared>> -> memref<10240xf32, #tpu.memory_space<vmem_shared>>
    tpu.wait_indirect_dma semaphore(%arg8 : memref<!tpu.dma_semaphore, #tpu.memory_space<semaphore_mem>>) src(%arg5 : memref<128xf32, #tpu.memory_space<vmem>>) dst(%dma_wait3A_754 : memref<10240xf32, #tpu.memory_space<vmem_shared>>)
    %dma_wait3A_755 = arith.constant 37 : i32
    %dma_wait3A_756 = arith.constant 0 : i32
    %dma_wait3A_757 = tpu.memref_slice %arg4[%dma_wait3A_755, %dma_wait3A_756] : memref<80x128xi32, #tpu.memory_space<vmem>> -> memref<1x128xi32, #tpu.memory_space<vmem>>
    %dma_wait3A_758 = tpu.memref_squeeze %dma_wait3A_757 : memref<1x128xi32, #tpu.memory_space<vmem>> -> memref<128xi32, #tpu.memory_space<vmem>>
    %dma_wait3A_759 = arith.constant 0 : i32
    %dma_wait3A_760 = tpu.memref_slice %arg7[%dma_wait3A_759] : memref<10240xf32, #tpu.memory_space<vmem_shared>> -> memref<10240xf32, #tpu.memory_space<vmem_shared>>
    tpu.wait_indirect_dma semaphore(%arg8 : memref<!tpu.dma_semaphore, #tpu.memory_space<semaphore_mem>>) src(%arg5 : memref<128xf32, #tpu.memory_space<vmem>>) dst(%dma_wait3A_760 : memref<10240xf32, #tpu.memory_space<vmem_shared>>)
    %dma_wait3A_761 = arith.constant 38 : i32
    %dma_wait3A_762 = arith.constant 0 : i32
    %dma_wait3A_763 = tpu.memref_slice %arg4[%dma_wait3A_761, %dma_wait3A_762] : memref<80x128xi32, #tpu.memory_space<vmem>> -> memref<1x128xi32, #tpu.memory_space<vmem>>
    %dma_wait3A_764 = tpu.memref_squeeze %dma_wait3A_763 : memref<1x128xi32, #tpu.memory_space<vmem>> -> memref<128xi32, #tpu.memory_space<vmem>>
    %dma_wait3A_765 = arith.constant 0 : i32
    %dma_wait3A_766 = tpu.memref_slice %arg7[%dma_wait3A_765] : memref<10240xf32, #tpu.memory_space<vmem_shared>> -> memref<10240xf32, #tpu.memory_space<vmem_shared>>
    tpu.wait_indirect_dma semaphore(%arg8 : memref<!tpu.dma_semaphore, #tpu.memory_space<semaphore_mem>>) src(%arg5 : memref<128xf32, #tpu.memory_space<vmem>>) dst(%dma_wait3A_766 : memref<10240xf32, #tpu.memory_space<vmem_shared>>)
    %dma_wait3A_767 = arith.constant 39 : i32
    %dma_wait3A_768 = arith.constant 0 : i32
    %dma_wait3A_769 = tpu.memref_slice %arg4[%dma_wait3A_767, %dma_wait3A_768] : memref<80x128xi32, #tpu.memory_space<vmem>> -> memref<1x128xi32, #tpu.memory_space<vmem>>
    %dma_wait3A_770 = tpu.memref_squeeze %dma_wait3A_769 : memref<1x128xi32, #tpu.memory_space<vmem>> -> memref<128xi32, #tpu.memory_space<vmem>>
    %dma_wait3A_771 = arith.constant 0 : i32
    %dma_wait3A_772 = tpu.memref_slice %arg7[%dma_wait3A_771] : memref<10240xf32, #tpu.memory_space<vmem_shared>> -> memref<10240xf32, #tpu.memory_space<vmem_shared>>
    tpu.wait_indirect_dma semaphore(%arg8 : memref<!tpu.dma_semaphore, #tpu.memory_space<semaphore_mem>>) src(%arg5 : memref<128xf32, #tpu.memory_space<vmem>>) dst(%dma_wait3A_772 : memref<10240xf32, #tpu.memory_space<vmem_shared>>)
    %dma_wait3A_773 = arith.constant 40 : i32
    %dma_wait3A_774 = arith.constant 0 : i32
    %dma_wait3A_775 = tpu.memref_slice %arg4[%dma_wait3A_773, %dma_wait3A_774] : memref<80x128xi32, #tpu.memory_space<vmem>> -> memref<1x128xi32, #tpu.memory_space<vmem>>
    %dma_wait3A_776 = tpu.memref_squeeze %dma_wait3A_775 : memref<1x128xi32, #tpu.memory_space<vmem>> -> memref<128xi32, #tpu.memory_space<vmem>>
    %dma_wait3A_777 = arith.constant 0 : i32
    %dma_wait3A_778 = tpu.memref_slice %arg7[%dma_wait3A_777] : memref<10240xf32, #tpu.memory_space<vmem_shared>> -> memref<10240xf32, #tpu.memory_space<vmem_shared>>
    tpu.wait_indirect_dma semaphore(%arg8 : memref<!tpu.dma_semaphore, #tpu.memory_space<semaphore_mem>>) src(%arg5 : memref<128xf32, #tpu.memory_space<vmem>>) dst(%dma_wait3A_778 : memref<10240xf32, #tpu.memory_space<vmem_shared>>)
    %dma_wait3A_779 = arith.constant 41 : i32
    %dma_wait3A_780 = arith.constant 0 : i32
    %dma_wait3A_781 = tpu.memref_slice %arg4[%dma_wait3A_779, %dma_wait3A_780] : memref<80x128xi32, #tpu.memory_space<vmem>> -> memref<1x128xi32, #tpu.memory_space<vmem>>
    %dma_wait3A_782 = tpu.memref_squeeze %dma_wait3A_781 : memref<1x128xi32, #tpu.memory_space<vmem>> -> memref<128xi32, #tpu.memory_space<vmem>>
    %dma_wait3A_783 = arith.constant 0 : i32
    %dma_wait3A_784 = tpu.memref_slice %arg7[%dma_wait3A_783] : memref<10240xf32, #tpu.memory_space<vmem_shared>> -> memref<10240xf32, #tpu.memory_space<vmem_shared>>
    tpu.wait_indirect_dma semaphore(%arg8 : memref<!tpu.dma_semaphore, #tpu.memory_space<semaphore_mem>>) src(%arg5 : memref<128xf32, #tpu.memory_space<vmem>>) dst(%dma_wait3A_784 : memref<10240xf32, #tpu.memory_space<vmem_shared>>)
    %dma_wait3A_785 = arith.constant 42 : i32
    %dma_wait3A_786 = arith.constant 0 : i32
    %dma_wait3A_787 = tpu.memref_slice %arg4[%dma_wait3A_785, %dma_wait3A_786] : memref<80x128xi32, #tpu.memory_space<vmem>> -> memref<1x128xi32, #tpu.memory_space<vmem>>
    %dma_wait3A_788 = tpu.memref_squeeze %dma_wait3A_787 : memref<1x128xi32, #tpu.memory_space<vmem>> -> memref<128xi32, #tpu.memory_space<vmem>>
    %dma_wait3A_789 = arith.constant 0 : i32
    %dma_wait3A_790 = tpu.memref_slice %arg7[%dma_wait3A_789] : memref<10240xf32, #tpu.memory_space<vmem_shared>> -> memref<10240xf32, #tpu.memory_space<vmem_shared>>
    tpu.wait_indirect_dma semaphore(%arg8 : memref<!tpu.dma_semaphore, #tpu.memory_space<semaphore_mem>>) src(%arg5 : memref<128xf32, #tpu.memory_space<vmem>>) dst(%dma_wait3A_790 : memref<10240xf32, #tpu.memory_space<vmem_shared>>)
    %dma_wait3A_791 = arith.constant 43 : i32
    %dma_wait3A_792 = arith.constant 0 : i32
    %dma_wait3A_793 = tpu.memref_slice %arg4[%dma_wait3A_791, %dma_wait3A_792] : memref<80x128xi32, #tpu.memory_space<vmem>> -> memref<1x128xi32, #tpu.memory_space<vmem>>
    %dma_wait3A_794 = tpu.memref_squeeze %dma_wait3A_793 : memref<1x128xi32, #tpu.memory_space<vmem>> -> memref<128xi32, #tpu.memory_space<vmem>>
    %dma_wait3A_795 = arith.constant 0 : i32
    %dma_wait3A_796 = tpu.memref_slice %arg7[%dma_wait3A_795] : memref<10240xf32, #tpu.memory_space<vmem_shared>> -> memref<10240xf32, #tpu.memory_space<vmem_shared>>
    tpu.wait_indirect_dma semaphore(%arg8 : memref<!tpu.dma_semaphore, #tpu.memory_space<semaphore_mem>>) src(%arg5 : memref<128xf32, #tpu.memory_space<vmem>>) dst(%dma_wait3A_796 : memref<10240xf32, #tpu.memory_space<vmem_shared>>)
    %dma_wait3A_797 = arith.constant 44 : i32
    %dma_wait3A_798 = arith.constant 0 : i32
    %dma_wait3A_799 = tpu.memref_slice %arg4[%dma_wait3A_797, %dma_wait3A_798] : memref<80x128xi32, #tpu.memory_space<vmem>> -> memref<1x128xi32, #tpu.memory_space<vmem>>
    %dma_wait3A_800 = tpu.memref_squeeze %dma_wait3A_799 : memref<1x128xi32, #tpu.memory_space<vmem>> -> memref<128xi32, #tpu.memory_space<vmem>>
    %dma_wait3A_801 = arith.constant 0 : i32
    %dma_wait3A_802 = tpu.memref_slice %arg7[%dma_wait3A_801] : memref<10240xf32, #tpu.memory_space<vmem_shared>> -> memref<10240xf32, #tpu.memory_space<vmem_shared>>
    tpu.wait_indirect_dma semaphore(%arg8 : memref<!tpu.dma_semaphore, #tpu.memory_space<semaphore_mem>>) src(%arg5 : memref<128xf32, #tpu.memory_space<vmem>>) dst(%dma_wait3A_802 : memref<10240xf32, #tpu.memory_space<vmem_shared>>)
    %dma_wait3A_803 = arith.constant 45 : i32
    %dma_wait3A_804 = arith.constant 0 : i32
    %dma_wait3A_805 = tpu.memref_slice %arg4[%dma_wait3A_803, %dma_wait3A_804] : memref<80x128xi32, #tpu.memory_space<vmem>> -> memref<1x128xi32, #tpu.memory_space<vmem>>
    %dma_wait3A_806 = tpu.memref_squeeze %dma_wait3A_805 : memref<1x128xi32, #tpu.memory_space<vmem>> -> memref<128xi32, #tpu.memory_space<vmem>>
    %dma_wait3A_807 = arith.constant 0 : i32
    %dma_wait3A_808 = tpu.memref_slice %arg7[%dma_wait3A_807] : memref<10240xf32, #tpu.memory_space<vmem_shared>> -> memref<10240xf32, #tpu.memory_space<vmem_shared>>
    tpu.wait_indirect_dma semaphore(%arg8 : memref<!tpu.dma_semaphore, #tpu.memory_space<semaphore_mem>>) src(%arg5 : memref<128xf32, #tpu.memory_space<vmem>>) dst(%dma_wait3A_808 : memref<10240xf32, #tpu.memory_space<vmem_shared>>)
    %dma_wait3A_809 = arith.constant 46 : i32
    %dma_wait3A_810 = arith.constant 0 : i32
    %dma_wait3A_811 = tpu.memref_slice %arg4[%dma_wait3A_809, %dma_wait3A_810] : memref<80x128xi32, #tpu.memory_space<vmem>> -> memref<1x128xi32, #tpu.memory_space<vmem>>
    %dma_wait3A_812 = tpu.memref_squeeze %dma_wait3A_811 : memref<1x128xi32, #tpu.memory_space<vmem>> -> memref<128xi32, #tpu.memory_space<vmem>>
    %dma_wait3A_813 = arith.constant 0 : i32
    %dma_wait3A_814 = tpu.memref_slice %arg7[%dma_wait3A_813] : memref<10240xf32, #tpu.memory_space<vmem_shared>> -> memref<10240xf32, #tpu.memory_space<vmem_shared>>
    tpu.wait_indirect_dma semaphore(%arg8 : memref<!tpu.dma_semaphore, #tpu.memory_space<semaphore_mem>>) src(%arg5 : memref<128xf32, #tpu.memory_space<vmem>>) dst(%dma_wait3A_814 : memref<10240xf32, #tpu.memory_space<vmem_shared>>)
    %dma_wait3A_815 = arith.constant 47 : i32
    %dma_wait3A_816 = arith.constant 0 : i32
    %dma_wait3A_817 = tpu.memref_slice %arg4[%dma_wait3A_815, %dma_wait3A_816] : memref<80x128xi32, #tpu.memory_space<vmem>> -> memref<1x128xi32, #tpu.memory_space<vmem>>
    %dma_wait3A_818 = tpu.memref_squeeze %dma_wait3A_817 : memref<1x128xi32, #tpu.memory_space<vmem>> -> memref<128xi32, #tpu.memory_space<vmem>>
    %dma_wait3A_819 = arith.constant 0 : i32
    %dma_wait3A_820 = tpu.memref_slice %arg7[%dma_wait3A_819] : memref<10240xf32, #tpu.memory_space<vmem_shared>> -> memref<10240xf32, #tpu.memory_space<vmem_shared>>
    tpu.wait_indirect_dma semaphore(%arg8 : memref<!tpu.dma_semaphore, #tpu.memory_space<semaphore_mem>>) src(%arg5 : memref<128xf32, #tpu.memory_space<vmem>>) dst(%dma_wait3A_820 : memref<10240xf32, #tpu.memory_space<vmem_shared>>)
    %dma_wait3A_821 = arith.constant 48 : i32
    %dma_wait3A_822 = arith.constant 0 : i32
    %dma_wait3A_823 = tpu.memref_slice %arg4[%dma_wait3A_821, %dma_wait3A_822] : memref<80x128xi32, #tpu.memory_space<vmem>> -> memref<1x128xi32, #tpu.memory_space<vmem>>
    %dma_wait3A_824 = tpu.memref_squeeze %dma_wait3A_823 : memref<1x128xi32, #tpu.memory_space<vmem>> -> memref<128xi32, #tpu.memory_space<vmem>>
    %dma_wait3A_825 = arith.constant 0 : i32
    %dma_wait3A_826 = tpu.memref_slice %arg7[%dma_wait3A_825] : memref<10240xf32, #tpu.memory_space<vmem_shared>> -> memref<10240xf32, #tpu.memory_space<vmem_shared>>
    tpu.wait_indirect_dma semaphore(%arg8 : memref<!tpu.dma_semaphore, #tpu.memory_space<semaphore_mem>>) src(%arg5 : memref<128xf32, #tpu.memory_space<vmem>>) dst(%dma_wait3A_826 : memref<10240xf32, #tpu.memory_space<vmem_shared>>)
    %dma_wait3A_827 = arith.constant 49 : i32
    %dma_wait3A_828 = arith.constant 0 : i32
    %dma_wait3A_829 = tpu.memref_slice %arg4[%dma_wait3A_827, %dma_wait3A_828] : memref<80x128xi32, #tpu.memory_space<vmem>> -> memref<1x128xi32, #tpu.memory_space<vmem>>
    %dma_wait3A_830 = tpu.memref_squeeze %dma_wait3A_829 : memref<1x128xi32, #tpu.memory_space<vmem>> -> memref<128xi32, #tpu.memory_space<vmem>>
    %dma_wait3A_831 = arith.constant 0 : i32
    %dma_wait3A_832 = tpu.memref_slice %arg7[%dma_wait3A_831] : memref<10240xf32, #tpu.memory_space<vmem_shared>> -> memref<10240xf32, #tpu.memory_space<vmem_shared>>
    tpu.wait_indirect_dma semaphore(%arg8 : memref<!tpu.dma_semaphore, #tpu.memory_space<semaphore_mem>>) src(%arg5 : memref<128xf32, #tpu.memory_space<vmem>>) dst(%dma_wait3A_832 : memref<10240xf32, #tpu.memory_space<vmem_shared>>)
    %dma_wait3A_833 = arith.constant 50 : i32
    %dma_wait3A_834 = arith.constant 0 : i32
    %dma_wait3A_835 = tpu.memref_slice %arg4[%dma_wait3A_833, %dma_wait3A_834] : memref<80x128xi32, #tpu.memory_space<vmem>> -> memref<1x128xi32, #tpu.memory_space<vmem>>
    %dma_wait3A_836 = tpu.memref_squeeze %dma_wait3A_835 : memref<1x128xi32, #tpu.memory_space<vmem>> -> memref<128xi32, #tpu.memory_space<vmem>>
    %dma_wait3A_837 = arith.constant 0 : i32
    %dma_wait3A_838 = tpu.memref_slice %arg7[%dma_wait3A_837] : memref<10240xf32, #tpu.memory_space<vmem_shared>> -> memref<10240xf32, #tpu.memory_space<vmem_shared>>
    tpu.wait_indirect_dma semaphore(%arg8 : memref<!tpu.dma_semaphore, #tpu.memory_space<semaphore_mem>>) src(%arg5 : memref<128xf32, #tpu.memory_space<vmem>>) dst(%dma_wait3A_838 : memref<10240xf32, #tpu.memory_space<vmem_shared>>)
    %dma_wait3A_839 = arith.constant 51 : i32
    %dma_wait3A_840 = arith.constant 0 : i32
    %dma_wait3A_841 = tpu.memref_slice %arg4[%dma_wait3A_839, %dma_wait3A_840] : memref<80x128xi32, #tpu.memory_space<vmem>> -> memref<1x128xi32, #tpu.memory_space<vmem>>
    %dma_wait3A_842 = tpu.memref_squeeze %dma_wait3A_841 : memref<1x128xi32, #tpu.memory_space<vmem>> -> memref<128xi32, #tpu.memory_space<vmem>>
    %dma_wait3A_843 = arith.constant 0 : i32
    %dma_wait3A_844 = tpu.memref_slice %arg7[%dma_wait3A_843] : memref<10240xf32, #tpu.memory_space<vmem_shared>> -> memref<10240xf32, #tpu.memory_space<vmem_shared>>
    tpu.wait_indirect_dma semaphore(%arg8 : memref<!tpu.dma_semaphore, #tpu.memory_space<semaphore_mem>>) src(%arg5 : memref<128xf32, #tpu.memory_space<vmem>>) dst(%dma_wait3A_844 : memref<10240xf32, #tpu.memory_space<vmem_shared>>)
    %dma_wait3A_845 = arith.constant 52 : i32
    %dma_wait3A_846 = arith.constant 0 : i32
    %dma_wait3A_847 = tpu.memref_slice %arg4[%dma_wait3A_845, %dma_wait3A_846] : memref<80x128xi32, #tpu.memory_space<vmem>> -> memref<1x128xi32, #tpu.memory_space<vmem>>
    %dma_wait3A_848 = tpu.memref_squeeze %dma_wait3A_847 : memref<1x128xi32, #tpu.memory_space<vmem>> -> memref<128xi32, #tpu.memory_space<vmem>>
    %dma_wait3A_849 = arith.constant 0 : i32
    %dma_wait3A_850 = tpu.memref_slice %arg7[%dma_wait3A_849] : memref<10240xf32, #tpu.memory_space<vmem_shared>> -> memref<10240xf32, #tpu.memory_space<vmem_shared>>
    tpu.wait_indirect_dma semaphore(%arg8 : memref<!tpu.dma_semaphore, #tpu.memory_space<semaphore_mem>>) src(%arg5 : memref<128xf32, #tpu.memory_space<vmem>>) dst(%dma_wait3A_850 : memref<10240xf32, #tpu.memory_space<vmem_shared>>)
    %dma_wait3A_851 = arith.constant 53 : i32
    %dma_wait3A_852 = arith.constant 0 : i32
    %dma_wait3A_853 = tpu.memref_slice %arg4[%dma_wait3A_851, %dma_wait3A_852] : memref<80x128xi32, #tpu.memory_space<vmem>> -> memref<1x128xi32, #tpu.memory_space<vmem>>
    %dma_wait3A_854 = tpu.memref_squeeze %dma_wait3A_853 : memref<1x128xi32, #tpu.memory_space<vmem>> -> memref<128xi32, #tpu.memory_space<vmem>>
    %dma_wait3A_855 = arith.constant 0 : i32
    %dma_wait3A_856 = tpu.memref_slice %arg7[%dma_wait3A_855] : memref<10240xf32, #tpu.memory_space<vmem_shared>> -> memref<10240xf32, #tpu.memory_space<vmem_shared>>
    tpu.wait_indirect_dma semaphore(%arg8 : memref<!tpu.dma_semaphore, #tpu.memory_space<semaphore_mem>>) src(%arg5 : memref<128xf32, #tpu.memory_space<vmem>>) dst(%dma_wait3A_856 : memref<10240xf32, #tpu.memory_space<vmem_shared>>)
    %dma_wait3A_857 = arith.constant 54 : i32
    %dma_wait3A_858 = arith.constant 0 : i32
    %dma_wait3A_859 = tpu.memref_slice %arg4[%dma_wait3A_857, %dma_wait3A_858] : memref<80x128xi32, #tpu.memory_space<vmem>> -> memref<1x128xi32, #tpu.memory_space<vmem>>
    %dma_wait3A_860 = tpu.memref_squeeze %dma_wait3A_859 : memref<1x128xi32, #tpu.memory_space<vmem>> -> memref<128xi32, #tpu.memory_space<vmem>>
    %dma_wait3A_861 = arith.constant 0 : i32
    %dma_wait3A_862 = tpu.memref_slice %arg7[%dma_wait3A_861] : memref<10240xf32, #tpu.memory_space<vmem_shared>> -> memref<10240xf32, #tpu.memory_space<vmem_shared>>
    tpu.wait_indirect_dma semaphore(%arg8 : memref<!tpu.dma_semaphore, #tpu.memory_space<semaphore_mem>>) src(%arg5 : memref<128xf32, #tpu.memory_space<vmem>>) dst(%dma_wait3A_862 : memref<10240xf32, #tpu.memory_space<vmem_shared>>)
    %dma_wait3A_863 = arith.constant 55 : i32
    %dma_wait3A_864 = arith.constant 0 : i32
    %dma_wait3A_865 = tpu.memref_slice %arg4[%dma_wait3A_863, %dma_wait3A_864] : memref<80x128xi32, #tpu.memory_space<vmem>> -> memref<1x128xi32, #tpu.memory_space<vmem>>
    %dma_wait3A_866 = tpu.memref_squeeze %dma_wait3A_865 : memref<1x128xi32, #tpu.memory_space<vmem>> -> memref<128xi32, #tpu.memory_space<vmem>>
    %dma_wait3A_867 = arith.constant 0 : i32
    %dma_wait3A_868 = tpu.memref_slice %arg7[%dma_wait3A_867] : memref<10240xf32, #tpu.memory_space<vmem_shared>> -> memref<10240xf32, #tpu.memory_space<vmem_shared>>
    tpu.wait_indirect_dma semaphore(%arg8 : memref<!tpu.dma_semaphore, #tpu.memory_space<semaphore_mem>>) src(%arg5 : memref<128xf32, #tpu.memory_space<vmem>>) dst(%dma_wait3A_868 : memref<10240xf32, #tpu.memory_space<vmem_shared>>)
    %dma_wait3A_869 = arith.constant 56 : i32
    %dma_wait3A_870 = arith.constant 0 : i32
    %dma_wait3A_871 = tpu.memref_slice %arg4[%dma_wait3A_869, %dma_wait3A_870] : memref<80x128xi32, #tpu.memory_space<vmem>> -> memref<1x128xi32, #tpu.memory_space<vmem>>
    %dma_wait3A_872 = tpu.memref_squeeze %dma_wait3A_871 : memref<1x128xi32, #tpu.memory_space<vmem>> -> memref<128xi32, #tpu.memory_space<vmem>>
    %dma_wait3A_873 = arith.constant 0 : i32
    %dma_wait3A_874 = tpu.memref_slice %arg7[%dma_wait3A_873] : memref<10240xf32, #tpu.memory_space<vmem_shared>> -> memref<10240xf32, #tpu.memory_space<vmem_shared>>
    tpu.wait_indirect_dma semaphore(%arg8 : memref<!tpu.dma_semaphore, #tpu.memory_space<semaphore_mem>>) src(%arg5 : memref<128xf32, #tpu.memory_space<vmem>>) dst(%dma_wait3A_874 : memref<10240xf32, #tpu.memory_space<vmem_shared>>)
    %dma_wait3A_875 = arith.constant 57 : i32
    %dma_wait3A_876 = arith.constant 0 : i32
    %dma_wait3A_877 = tpu.memref_slice %arg4[%dma_wait3A_875, %dma_wait3A_876] : memref<80x128xi32, #tpu.memory_space<vmem>> -> memref<1x128xi32, #tpu.memory_space<vmem>>
    %dma_wait3A_878 = tpu.memref_squeeze %dma_wait3A_877 : memref<1x128xi32, #tpu.memory_space<vmem>> -> memref<128xi32, #tpu.memory_space<vmem>>
    %dma_wait3A_879 = arith.constant 0 : i32
    %dma_wait3A_880 = tpu.memref_slice %arg7[%dma_wait3A_879] : memref<10240xf32, #tpu.memory_space<vmem_shared>> -> memref<10240xf32, #tpu.memory_space<vmem_shared>>
    tpu.wait_indirect_dma semaphore(%arg8 : memref<!tpu.dma_semaphore, #tpu.memory_space<semaphore_mem>>) src(%arg5 : memref<128xf32, #tpu.memory_space<vmem>>) dst(%dma_wait3A_880 : memref<10240xf32, #tpu.memory_space<vmem_shared>>)
    %dma_wait3A_881 = arith.constant 58 : i32
    %dma_wait3A_882 = arith.constant 0 : i32
    %dma_wait3A_883 = tpu.memref_slice %arg4[%dma_wait3A_881, %dma_wait3A_882] : memref<80x128xi32, #tpu.memory_space<vmem>> -> memref<1x128xi32, #tpu.memory_space<vmem>>
    %dma_wait3A_884 = tpu.memref_squeeze %dma_wait3A_883 : memref<1x128xi32, #tpu.memory_space<vmem>> -> memref<128xi32, #tpu.memory_space<vmem>>
    %dma_wait3A_885 = arith.constant 0 : i32
    %dma_wait3A_886 = tpu.memref_slice %arg7[%dma_wait3A_885] : memref<10240xf32, #tpu.memory_space<vmem_shared>> -> memref<10240xf32, #tpu.memory_space<vmem_shared>>
    tpu.wait_indirect_dma semaphore(%arg8 : memref<!tpu.dma_semaphore, #tpu.memory_space<semaphore_mem>>) src(%arg5 : memref<128xf32, #tpu.memory_space<vmem>>) dst(%dma_wait3A_886 : memref<10240xf32, #tpu.memory_space<vmem_shared>>)
    %dma_wait3A_887 = arith.constant 59 : i32
    %dma_wait3A_888 = arith.constant 0 : i32
    %dma_wait3A_889 = tpu.memref_slice %arg4[%dma_wait3A_887, %dma_wait3A_888] : memref<80x128xi32, #tpu.memory_space<vmem>> -> memref<1x128xi32, #tpu.memory_space<vmem>>
    %dma_wait3A_890 = tpu.memref_squeeze %dma_wait3A_889 : memref<1x128xi32, #tpu.memory_space<vmem>> -> memref<128xi32, #tpu.memory_space<vmem>>
    %dma_wait3A_891 = arith.constant 0 : i32
    %dma_wait3A_892 = tpu.memref_slice %arg7[%dma_wait3A_891] : memref<10240xf32, #tpu.memory_space<vmem_shared>> -> memref<10240xf32, #tpu.memory_space<vmem_shared>>
    tpu.wait_indirect_dma semaphore(%arg8 : memref<!tpu.dma_semaphore, #tpu.memory_space<semaphore_mem>>) src(%arg5 : memref<128xf32, #tpu.memory_space<vmem>>) dst(%dma_wait3A_892 : memref<10240xf32, #tpu.memory_space<vmem_shared>>)
    %dma_wait3A_893 = arith.constant 60 : i32
    %dma_wait3A_894 = arith.constant 0 : i32
    %dma_wait3A_895 = tpu.memref_slice %arg4[%dma_wait3A_893, %dma_wait3A_894] : memref<80x128xi32, #tpu.memory_space<vmem>> -> memref<1x128xi32, #tpu.memory_space<vmem>>
    %dma_wait3A_896 = tpu.memref_squeeze %dma_wait3A_895 : memref<1x128xi32, #tpu.memory_space<vmem>> -> memref<128xi32, #tpu.memory_space<vmem>>
    %dma_wait3A_897 = arith.constant 0 : i32
    %dma_wait3A_898 = tpu.memref_slice %arg7[%dma_wait3A_897] : memref<10240xf32, #tpu.memory_space<vmem_shared>> -> memref<10240xf32, #tpu.memory_space<vmem_shared>>
    tpu.wait_indirect_dma semaphore(%arg8 : memref<!tpu.dma_semaphore, #tpu.memory_space<semaphore_mem>>) src(%arg5 : memref<128xf32, #tpu.memory_space<vmem>>) dst(%dma_wait3A_898 : memref<10240xf32, #tpu.memory_space<vmem_shared>>)
    %dma_wait3A_899 = arith.constant 61 : i32
    %dma_wait3A_900 = arith.constant 0 : i32
    %dma_wait3A_901 = tpu.memref_slice %arg4[%dma_wait3A_899, %dma_wait3A_900] : memref<80x128xi32, #tpu.memory_space<vmem>> -> memref<1x128xi32, #tpu.memory_space<vmem>>
    %dma_wait3A_902 = tpu.memref_squeeze %dma_wait3A_901 : memref<1x128xi32, #tpu.memory_space<vmem>> -> memref<128xi32, #tpu.memory_space<vmem>>
    %dma_wait3A_903 = arith.constant 0 : i32
    %dma_wait3A_904 = tpu.memref_slice %arg7[%dma_wait3A_903] : memref<10240xf32, #tpu.memory_space<vmem_shared>> -> memref<10240xf32, #tpu.memory_space<vmem_shared>>
    tpu.wait_indirect_dma semaphore(%arg8 : memref<!tpu.dma_semaphore, #tpu.memory_space<semaphore_mem>>) src(%arg5 : memref<128xf32, #tpu.memory_space<vmem>>) dst(%dma_wait3A_904 : memref<10240xf32, #tpu.memory_space<vmem_shared>>)
    %dma_wait3A_905 = arith.constant 62 : i32
    %dma_wait3A_906 = arith.constant 0 : i32
    %dma_wait3A_907 = tpu.memref_slice %arg4[%dma_wait3A_905, %dma_wait3A_906] : memref<80x128xi32, #tpu.memory_space<vmem>> -> memref<1x128xi32, #tpu.memory_space<vmem>>
    %dma_wait3A_908 = tpu.memref_squeeze %dma_wait3A_907 : memref<1x128xi32, #tpu.memory_space<vmem>> -> memref<128xi32, #tpu.memory_space<vmem>>
    %dma_wait3A_909 = arith.constant 0 : i32
    %dma_wait3A_910 = tpu.memref_slice %arg7[%dma_wait3A_909] : memref<10240xf32, #tpu.memory_space<vmem_shared>> -> memref<10240xf32, #tpu.memory_space<vmem_shared>>
    tpu.wait_indirect_dma semaphore(%arg8 : memref<!tpu.dma_semaphore, #tpu.memory_space<semaphore_mem>>) src(%arg5 : memref<128xf32, #tpu.memory_space<vmem>>) dst(%dma_wait3A_910 : memref<10240xf32, #tpu.memory_space<vmem_shared>>)
    %dma_wait3A_911 = arith.constant 63 : i32
    %dma_wait3A_912 = arith.constant 0 : i32
    %dma_wait3A_913 = tpu.memref_slice %arg4[%dma_wait3A_911, %dma_wait3A_912] : memref<80x128xi32, #tpu.memory_space<vmem>> -> memref<1x128xi32, #tpu.memory_space<vmem>>
    %dma_wait3A_914 = tpu.memref_squeeze %dma_wait3A_913 : memref<1x128xi32, #tpu.memory_space<vmem>> -> memref<128xi32, #tpu.memory_space<vmem>>
    %dma_wait3A_915 = arith.constant 0 : i32
    %dma_wait3A_916 = tpu.memref_slice %arg7[%dma_wait3A_915] : memref<10240xf32, #tpu.memory_space<vmem_shared>> -> memref<10240xf32, #tpu.memory_space<vmem_shared>>
    tpu.wait_indirect_dma semaphore(%arg8 : memref<!tpu.dma_semaphore, #tpu.memory_space<semaphore_mem>>) src(%arg5 : memref<128xf32, #tpu.memory_space<vmem>>) dst(%dma_wait3A_916 : memref<10240xf32, #tpu.memory_space<vmem_shared>>)
    %dma_wait3A_917 = arith.constant 64 : i32
    %dma_wait3A_918 = arith.constant 0 : i32
    %dma_wait3A_919 = tpu.memref_slice %arg4[%dma_wait3A_917, %dma_wait3A_918] : memref<80x128xi32, #tpu.memory_space<vmem>> -> memref<1x128xi32, #tpu.memory_space<vmem>>
    %dma_wait3A_920 = tpu.memref_squeeze %dma_wait3A_919 : memref<1x128xi32, #tpu.memory_space<vmem>> -> memref<128xi32, #tpu.memory_space<vmem>>
    %dma_wait3A_921 = arith.constant 0 : i32
    %dma_wait3A_922 = tpu.memref_slice %arg7[%dma_wait3A_921] : memref<10240xf32, #tpu.memory_space<vmem_shared>> -> memref<10240xf32, #tpu.memory_space<vmem_shared>>
    tpu.wait_indirect_dma semaphore(%arg8 : memref<!tpu.dma_semaphore, #tpu.memory_space<semaphore_mem>>) src(%arg5 : memref<128xf32, #tpu.memory_space<vmem>>) dst(%dma_wait3A_922 : memref<10240xf32, #tpu.memory_space<vmem_shared>>)
    %dma_wait3A_923 = arith.constant 65 : i32
    %dma_wait3A_924 = arith.constant 0 : i32
    %dma_wait3A_925 = tpu.memref_slice %arg4[%dma_wait3A_923, %dma_wait3A_924] : memref<80x128xi32, #tpu.memory_space<vmem>> -> memref<1x128xi32, #tpu.memory_space<vmem>>
    %dma_wait3A_926 = tpu.memref_squeeze %dma_wait3A_925 : memref<1x128xi32, #tpu.memory_space<vmem>> -> memref<128xi32, #tpu.memory_space<vmem>>
    %dma_wait3A_927 = arith.constant 0 : i32
    %dma_wait3A_928 = tpu.memref_slice %arg7[%dma_wait3A_927] : memref<10240xf32, #tpu.memory_space<vmem_shared>> -> memref<10240xf32, #tpu.memory_space<vmem_shared>>
    tpu.wait_indirect_dma semaphore(%arg8 : memref<!tpu.dma_semaphore, #tpu.memory_space<semaphore_mem>>) src(%arg5 : memref<128xf32, #tpu.memory_space<vmem>>) dst(%dma_wait3A_928 : memref<10240xf32, #tpu.memory_space<vmem_shared>>)
    %dma_wait3A_929 = arith.constant 66 : i32
    %dma_wait3A_930 = arith.constant 0 : i32
    %dma_wait3A_931 = tpu.memref_slice %arg4[%dma_wait3A_929, %dma_wait3A_930] : memref<80x128xi32, #tpu.memory_space<vmem>> -> memref<1x128xi32, #tpu.memory_space<vmem>>
    %dma_wait3A_932 = tpu.memref_squeeze %dma_wait3A_931 : memref<1x128xi32, #tpu.memory_space<vmem>> -> memref<128xi32, #tpu.memory_space<vmem>>
    %dma_wait3A_933 = arith.constant 0 : i32
    %dma_wait3A_934 = tpu.memref_slice %arg7[%dma_wait3A_933] : memref<10240xf32, #tpu.memory_space<vmem_shared>> -> memref<10240xf32, #tpu.memory_space<vmem_shared>>
    tpu.wait_indirect_dma semaphore(%arg8 : memref<!tpu.dma_semaphore, #tpu.memory_space<semaphore_mem>>) src(%arg5 : memref<128xf32, #tpu.memory_space<vmem>>) dst(%dma_wait3A_934 : memref<10240xf32, #tpu.memory_space<vmem_shared>>)
    %dma_wait3A_935 = arith.constant 67 : i32
    %dma_wait3A_936 = arith.constant 0 : i32
    %dma_wait3A_937 = tpu.memref_slice %arg4[%dma_wait3A_935, %dma_wait3A_936] : memref<80x128xi32, #tpu.memory_space<vmem>> -> memref<1x128xi32, #tpu.memory_space<vmem>>
    %dma_wait3A_938 = tpu.memref_squeeze %dma_wait3A_937 : memref<1x128xi32, #tpu.memory_space<vmem>> -> memref<128xi32, #tpu.memory_space<vmem>>
    %dma_wait3A_939 = arith.constant 0 : i32
    %dma_wait3A_940 = tpu.memref_slice %arg7[%dma_wait3A_939] : memref<10240xf32, #tpu.memory_space<vmem_shared>> -> memref<10240xf32, #tpu.memory_space<vmem_shared>>
    tpu.wait_indirect_dma semaphore(%arg8 : memref<!tpu.dma_semaphore, #tpu.memory_space<semaphore_mem>>) src(%arg5 : memref<128xf32, #tpu.memory_space<vmem>>) dst(%dma_wait3A_940 : memref<10240xf32, #tpu.memory_space<vmem_shared>>)
    %dma_wait3A_941 = arith.constant 68 : i32
    %dma_wait3A_942 = arith.constant 0 : i32
    %dma_wait3A_943 = tpu.memref_slice %arg4[%dma_wait3A_941, %dma_wait3A_942] : memref<80x128xi32, #tpu.memory_space<vmem>> -> memref<1x128xi32, #tpu.memory_space<vmem>>
    %dma_wait3A_944 = tpu.memref_squeeze %dma_wait3A_943 : memref<1x128xi32, #tpu.memory_space<vmem>> -> memref<128xi32, #tpu.memory_space<vmem>>
    %dma_wait3A_945 = arith.constant 0 : i32
    %dma_wait3A_946 = tpu.memref_slice %arg7[%dma_wait3A_945] : memref<10240xf32, #tpu.memory_space<vmem_shared>> -> memref<10240xf32, #tpu.memory_space<vmem_shared>>
    tpu.wait_indirect_dma semaphore(%arg8 : memref<!tpu.dma_semaphore, #tpu.memory_space<semaphore_mem>>) src(%arg5 : memref<128xf32, #tpu.memory_space<vmem>>) dst(%dma_wait3A_946 : memref<10240xf32, #tpu.memory_space<vmem_shared>>)
    %dma_wait3A_947 = arith.constant 69 : i32
    %dma_wait3A_948 = arith.constant 0 : i32
    %dma_wait3A_949 = tpu.memref_slice %arg4[%dma_wait3A_947, %dma_wait3A_948] : memref<80x128xi32, #tpu.memory_space<vmem>> -> memref<1x128xi32, #tpu.memory_space<vmem>>
    %dma_wait3A_950 = tpu.memref_squeeze %dma_wait3A_949 : memref<1x128xi32, #tpu.memory_space<vmem>> -> memref<128xi32, #tpu.memory_space<vmem>>
    %dma_wait3A_951 = arith.constant 0 : i32
    %dma_wait3A_952 = tpu.memref_slice %arg7[%dma_wait3A_951] : memref<10240xf32, #tpu.memory_space<vmem_shared>> -> memref<10240xf32, #tpu.memory_space<vmem_shared>>
    tpu.wait_indirect_dma semaphore(%arg8 : memref<!tpu.dma_semaphore, #tpu.memory_space<semaphore_mem>>) src(%arg5 : memref<128xf32, #tpu.memory_space<vmem>>) dst(%dma_wait3A_952 : memref<10240xf32, #tpu.memory_space<vmem_shared>>)
    %dma_wait3A_953 = arith.constant 70 : i32
    %dma_wait3A_954 = arith.constant 0 : i32
    %dma_wait3A_955 = tpu.memref_slice %arg4[%dma_wait3A_953, %dma_wait3A_954] : memref<80x128xi32, #tpu.memory_space<vmem>> -> memref<1x128xi32, #tpu.memory_space<vmem>>
    %dma_wait3A_956 = tpu.memref_squeeze %dma_wait3A_955 : memref<1x128xi32, #tpu.memory_space<vmem>> -> memref<128xi32, #tpu.memory_space<vmem>>
    %dma_wait3A_957 = arith.constant 0 : i32
    %dma_wait3A_958 = tpu.memref_slice %arg7[%dma_wait3A_957] : memref<10240xf32, #tpu.memory_space<vmem_shared>> -> memref<10240xf32, #tpu.memory_space<vmem_shared>>
    tpu.wait_indirect_dma semaphore(%arg8 : memref<!tpu.dma_semaphore, #tpu.memory_space<semaphore_mem>>) src(%arg5 : memref<128xf32, #tpu.memory_space<vmem>>) dst(%dma_wait3A_958 : memref<10240xf32, #tpu.memory_space<vmem_shared>>)
    %dma_wait3A_959 = arith.constant 71 : i32
    %dma_wait3A_960 = arith.constant 0 : i32
    %dma_wait3A_961 = tpu.memref_slice %arg4[%dma_wait3A_959, %dma_wait3A_960] : memref<80x128xi32, #tpu.memory_space<vmem>> -> memref<1x128xi32, #tpu.memory_space<vmem>>
    %dma_wait3A_962 = tpu.memref_squeeze %dma_wait3A_961 : memref<1x128xi32, #tpu.memory_space<vmem>> -> memref<128xi32, #tpu.memory_space<vmem>>
    %dma_wait3A_963 = arith.constant 0 : i32
    %dma_wait3A_964 = tpu.memref_slice %arg7[%dma_wait3A_963] : memref<10240xf32, #tpu.memory_space<vmem_shared>> -> memref<10240xf32, #tpu.memory_space<vmem_shared>>
    tpu.wait_indirect_dma semaphore(%arg8 : memref<!tpu.dma_semaphore, #tpu.memory_space<semaphore_mem>>) src(%arg5 : memref<128xf32, #tpu.memory_space<vmem>>) dst(%dma_wait3A_964 : memref<10240xf32, #tpu.memory_space<vmem_shared>>)
    %dma_wait3A_965 = arith.constant 72 : i32
    %dma_wait3A_966 = arith.constant 0 : i32
    %dma_wait3A_967 = tpu.memref_slice %arg4[%dma_wait3A_965, %dma_wait3A_966] : memref<80x128xi32, #tpu.memory_space<vmem>> -> memref<1x128xi32, #tpu.memory_space<vmem>>
    %dma_wait3A_968 = tpu.memref_squeeze %dma_wait3A_967 : memref<1x128xi32, #tpu.memory_space<vmem>> -> memref<128xi32, #tpu.memory_space<vmem>>
    %dma_wait3A_969 = arith.constant 0 : i32
    %dma_wait3A_970 = tpu.memref_slice %arg7[%dma_wait3A_969] : memref<10240xf32, #tpu.memory_space<vmem_shared>> -> memref<10240xf32, #tpu.memory_space<vmem_shared>>
    tpu.wait_indirect_dma semaphore(%arg8 : memref<!tpu.dma_semaphore, #tpu.memory_space<semaphore_mem>>) src(%arg5 : memref<128xf32, #tpu.memory_space<vmem>>) dst(%dma_wait3A_970 : memref<10240xf32, #tpu.memory_space<vmem_shared>>)
    %dma_wait3A_971 = arith.constant 73 : i32
    %dma_wait3A_972 = arith.constant 0 : i32
    %dma_wait3A_973 = tpu.memref_slice %arg4[%dma_wait3A_971, %dma_wait3A_972] : memref<80x128xi32, #tpu.memory_space<vmem>> -> memref<1x128xi32, #tpu.memory_space<vmem>>
    %dma_wait3A_974 = tpu.memref_squeeze %dma_wait3A_973 : memref<1x128xi32, #tpu.memory_space<vmem>> -> memref<128xi32, #tpu.memory_space<vmem>>
    %dma_wait3A_975 = arith.constant 0 : i32
    %dma_wait3A_976 = tpu.memref_slice %arg7[%dma_wait3A_975] : memref<10240xf32, #tpu.memory_space<vmem_shared>> -> memref<10240xf32, #tpu.memory_space<vmem_shared>>
    tpu.wait_indirect_dma semaphore(%arg8 : memref<!tpu.dma_semaphore, #tpu.memory_space<semaphore_mem>>) src(%arg5 : memref<128xf32, #tpu.memory_space<vmem>>) dst(%dma_wait3A_976 : memref<10240xf32, #tpu.memory_space<vmem_shared>>)
    %dma_wait3A_977 = arith.constant 74 : i32
    %dma_wait3A_978 = arith.constant 0 : i32
    %dma_wait3A_979 = tpu.memref_slice %arg4[%dma_wait3A_977, %dma_wait3A_978] : memref<80x128xi32, #tpu.memory_space<vmem>> -> memref<1x128xi32, #tpu.memory_space<vmem>>
    %dma_wait3A_980 = tpu.memref_squeeze %dma_wait3A_979 : memref<1x128xi32, #tpu.memory_space<vmem>> -> memref<128xi32, #tpu.memory_space<vmem>>
    %dma_wait3A_981 = arith.constant 0 : i32
    %dma_wait3A_982 = tpu.memref_slice %arg7[%dma_wait3A_981] : memref<10240xf32, #tpu.memory_space<vmem_shared>> -> memref<10240xf32, #tpu.memory_space<vmem_shared>>
    tpu.wait_indirect_dma semaphore(%arg8 : memref<!tpu.dma_semaphore, #tpu.memory_space<semaphore_mem>>) src(%arg5 : memref<128xf32, #tpu.memory_space<vmem>>) dst(%dma_wait3A_982 : memref<10240xf32, #tpu.memory_space<vmem_shared>>)
    %dma_wait3A_983 = arith.constant 75 : i32
    %dma_wait3A_984 = arith.constant 0 : i32
    %dma_wait3A_985 = tpu.memref_slice %arg4[%dma_wait3A_983, %dma_wait3A_984] : memref<80x128xi32, #tpu.memory_space<vmem>> -> memref<1x128xi32, #tpu.memory_space<vmem>>
    %dma_wait3A_986 = tpu.memref_squeeze %dma_wait3A_985 : memref<1x128xi32, #tpu.memory_space<vmem>> -> memref<128xi32, #tpu.memory_space<vmem>>
    %dma_wait3A_987 = arith.constant 0 : i32
    %dma_wait3A_988 = tpu.memref_slice %arg7[%dma_wait3A_987] : memref<10240xf32, #tpu.memory_space<vmem_shared>> -> memref<10240xf32, #tpu.memory_space<vmem_shared>>
    tpu.wait_indirect_dma semaphore(%arg8 : memref<!tpu.dma_semaphore, #tpu.memory_space<semaphore_mem>>) src(%arg5 : memref<128xf32, #tpu.memory_space<vmem>>) dst(%dma_wait3A_988 : memref<10240xf32, #tpu.memory_space<vmem_shared>>)
    %dma_wait3A_989 = arith.constant 76 : i32
    %dma_wait3A_990 = arith.constant 0 : i32
    %dma_wait3A_991 = tpu.memref_slice %arg4[%dma_wait3A_989, %dma_wait3A_990] : memref<80x128xi32, #tpu.memory_space<vmem>> -> memref<1x128xi32, #tpu.memory_space<vmem>>
    %dma_wait3A_992 = tpu.memref_squeeze %dma_wait3A_991 : memref<1x128xi32, #tpu.memory_space<vmem>> -> memref<128xi32, #tpu.memory_space<vmem>>
    %dma_wait3A_993 = arith.constant 0 : i32
    %dma_wait3A_994 = tpu.memref_slice %arg7[%dma_wait3A_993] : memref<10240xf32, #tpu.memory_space<vmem_shared>> -> memref<10240xf32, #tpu.memory_space<vmem_shared>>
    tpu.wait_indirect_dma semaphore(%arg8 : memref<!tpu.dma_semaphore, #tpu.memory_space<semaphore_mem>>) src(%arg5 : memref<128xf32, #tpu.memory_space<vmem>>) dst(%dma_wait3A_994 : memref<10240xf32, #tpu.memory_space<vmem_shared>>)
    %dma_wait3A_995 = arith.constant 77 : i32
    %dma_wait3A_996 = arith.constant 0 : i32
    %dma_wait3A_997 = tpu.memref_slice %arg4[%dma_wait3A_995, %dma_wait3A_996] : memref<80x128xi32, #tpu.memory_space<vmem>> -> memref<1x128xi32, #tpu.memory_space<vmem>>
    %dma_wait3A_998 = tpu.memref_squeeze %dma_wait3A_997 : memref<1x128xi32, #tpu.memory_space<vmem>> -> memref<128xi32, #tpu.memory_space<vmem>>
    %dma_wait3A_999 = arith.constant 0 : i32
    %dma_wait3A_1000 = tpu.memref_slice %arg7[%dma_wait3A_999] : memref<10240xf32, #tpu.memory_space<vmem_shared>> -> memref<10240xf32, #tpu.memory_space<vmem_shared>>
    tpu.wait_indirect_dma semaphore(%arg8 : memref<!tpu.dma_semaphore, #tpu.memory_space<semaphore_mem>>) src(%arg5 : memref<128xf32, #tpu.memory_space<vmem>>) dst(%dma_wait3A_1000 : memref<10240xf32, #tpu.memory_space<vmem_shared>>)
    %dma_wait3A_1001 = arith.constant 78 : i32
    %dma_wait3A_1002 = arith.constant 0 : i32
    %dma_wait3A_1003 = tpu.memref_slice %arg4[%dma_wait3A_1001, %dma_wait3A_1002] : memref<80x128xi32, #tpu.memory_space<vmem>> -> memref<1x128xi32, #tpu.memory_space<vmem>>
    %dma_wait3A_1004 = tpu.memref_squeeze %dma_wait3A_1003 : memref<1x128xi32, #tpu.memory_space<vmem>> -> memref<128xi32, #tpu.memory_space<vmem>>
    %dma_wait3A_1005 = arith.constant 0 : i32
    %dma_wait3A_1006 = tpu.memref_slice %arg7[%dma_wait3A_1005] : memref<10240xf32, #tpu.memory_space<vmem_shared>> -> memref<10240xf32, #tpu.memory_space<vmem_shared>>
    tpu.wait_indirect_dma semaphore(%arg8 : memref<!tpu.dma_semaphore, #tpu.memory_space<semaphore_mem>>) src(%arg5 : memref<128xf32, #tpu.memory_space<vmem>>) dst(%dma_wait3A_1006 : memref<10240xf32, #tpu.memory_space<vmem_shared>>)
    %dma_wait3A_1007 = arith.constant 79 : i32
    %dma_wait3A_1008 = arith.constant 0 : i32
    %dma_wait3A_1009 = tpu.memref_slice %arg4[%dma_wait3A_1007, %dma_wait3A_1008] : memref<80x128xi32, #tpu.memory_space<vmem>> -> memref<1x128xi32, #tpu.memory_space<vmem>>
    %dma_wait3A_1010 = tpu.memref_squeeze %dma_wait3A_1009 : memref<1x128xi32, #tpu.memory_space<vmem>> -> memref<128xi32, #tpu.memory_space<vmem>>
    %dma_wait3A_1011 = arith.constant 0 : i32
    %dma_wait3A_1012 = tpu.memref_slice %arg7[%dma_wait3A_1011] : memref<10240xf32, #tpu.memory_space<vmem_shared>> -> memref<10240xf32, #tpu.memory_space<vmem_shared>>
    tpu.wait_indirect_dma semaphore(%arg8 : memref<!tpu.dma_semaphore, #tpu.memory_space<semaphore_mem>>) src(%arg5 : memref<128xf32, #tpu.memory_space<vmem>>) dst(%dma_wait3A_1012 : memref<10240xf32, #tpu.memory_space<vmem_shared>>)
    %barrier3A_1013 = arith.constant 0 : index
    tpu.barrier barrier_id(%barrier3A_1013)
    %mul3A_1014 = arith.constant 640 : i32
    %mul3A_1015 = arith.muli %arg1, %mul3A_1014 : i32
    %mul3A_1016 = arith.constant 10240 : i32
    %mul3A_1017 = arith.muli %arg0, %mul3A_1016 : i32
    %add3A_1018 = arith.addi %mul3A_1017, %mul3A_1015 : i32
    "tpu.region"() ({
      %run_scoped3A = tpu.sem_alloc : memref<!tpu.dma_semaphore, #tpu.memory_space<semaphore_mem>>
      %dma_start3A_1019 = tpu.memref_slice %arg3[%add3A_1018] : memref<20480xf32, #tpu.memory_space<hbm>> -> memref<640xf32, #tpu.memory_space<hbm>>
      %dma_start3A_1020 = tpu.memref_slice %arg7[%mul3A_1015] : memref<10240xf32, #tpu.memory_space<vmem_shared>> -> memref<640xf32, #tpu.memory_space<vmem_shared>>
      tpu.enqueue_dma source(%dma_start3A_1020 : memref<640xf32, #tpu.memory_space<vmem_shared>>) target(%dma_start3A_1019 : memref<640xf32, #tpu.memory_space<hbm>>) target_semaphore(%run_scoped3A : memref<!tpu.dma_semaphore, #tpu.memory_space<semaphore_mem>>)
      %dma_wait3A_1021 = tpu.memref_slice %arg3[%add3A_1018] : memref<20480xf32, #tpu.memory_space<hbm>> -> memref<640xf32, #tpu.memory_space<hbm>>
      %dma_wait3A_1022 = tpu.memref_slice %arg7[%mul3A_1015] : memref<10240xf32, #tpu.memory_space<vmem_shared>> -> memref<640xf32, #tpu.memory_space<vmem_shared>>
      tpu.wait_dma2 semaphore(%run_scoped3A : memref<!tpu.dma_semaphore, #tpu.memory_space<semaphore_mem>>) src(%dma_wait3A_1022 : memref<640xf32, #tpu.memory_space<vmem_shared>>) dst(%dma_wait3A_1021 : memref<640xf32, #tpu.memory_space<hbm>>)
      tpu.yield
    }) : () -> ()
    return
  }
}

#map = affine_map<(d0, d1) -> (0, 0)>
#map1 = affine_map<(d0, d1) -> (0)>
module attributes {stable_mosaic.version = 14 : i64} {
  func.func @body(%arg0: i32, %arg1: i32, %arg2: memref<10000x128xf32, #tpu.memory_space<hbm>>, %arg3: memref<327680xi32, #tpu.memory_space<hbm>>, %arg4: memref<327680xi32, #tpu.memory_space<hbm>>, %arg5: memref<20480x128xf32, #tpu.memory_space<hbm>>, %arg6: memref<10240xi32, #tpu.memory_space<vmem>>, %arg7: memref<128xi32, #tpu.memory_space<vmem>>, %arg8: memref<128xi32, #tpu.memory_space<vmem>>, %arg9: memref<128xi32, #tpu.memory_space<vmem>>, %arg10: memref<128xi32, #tpu.memory_space<vmem>>, %arg11: memref<128x128xf32, #tpu.memory_space<vmem>>, %arg12: memref<128x128xf32, #tpu.memory_space<vmem>>, %arg13: memref<10240x128xf32, #tpu.memory_space<vmem_shared>>, %arg14: memref<!tpu.dma_semaphore, #tpu.memory_space<semaphore_mem>>, %arg15: memref<!tpu.dma_semaphore, #tpu.memory_space<semaphore_mem>>, %arg16: memref<!tpu.dma_semaphore, #tpu.memory_space<semaphore_mem>>, %arg17: memref<!tpu.dma_semaphore, #tpu.memory_space<semaphore_mem>>, %arg18: memref<!tpu.dma_semaphore, #tpu.memory_space<semaphore_mem>>, %arg19: memref<!tpu.dma_semaphore, #tpu.memory_space<semaphore_mem>>, %arg20: memref<!tpu.dma_semaphore, #tpu.memory_space<semaphore_mem>>) attributes {dimension_semantics = [#tpu.dimension_semantics<core_parallel>, #tpu.dimension_semantics<subcore_parallel>], iteration_bounds = array<i64: 2, 16>, scalar_prefetch = 0 : i64, scratch_operands = 15 : i64, tpu.core_type = #tpu.core_type<sc_vector_subcore>, window_params = [{transform_indices = #map}, {transform_indices = #map1}, {transform_indices = #map1}, {transform_indices = #map}]} {
    %mul3A = arith.constant 16 : i32
    %mul3A_0 = arith.muli %arg0, %mul3A : i32
    %add3A = arith.addi %mul3A_0, %arg1 : i32
    %mul3A_1 = arith.constant 10240 : i32
    %mul3A_2 = arith.muli %add3A, %mul3A_1 : i32
    %dma_start3A = tpu.memref_slice %arg3[%mul3A_2] : memref<327680xi32, #tpu.memory_space<hbm>> -> memref<10240xi32, #tpu.memory_space<hbm>>
    %dma_start3A_3 = tpu.memref_slice %arg3[%mul3A_2] : memref<327680xi32, #tpu.memory_space<hbm>> -> memref<10240xi32, #tpu.memory_space<hbm>>
    tpu.enqueue_dma source(%dma_start3A_3 : memref<10240xi32, #tpu.memory_space<hbm>>) target(%arg6 : memref<10240xi32, #tpu.memory_space<vmem>>) target_semaphore(%arg20 : memref<!tpu.dma_semaphore, #tpu.memory_space<semaphore_mem>>)
    %add3A_4 = arith.constant 0 : i32
    %add3A_5 = arith.addi %mul3A_2, %add3A_4 : i32
    %dma_start3A_6 = tpu.memref_slice %arg4[%add3A_5] : memref<327680xi32, #tpu.memory_space<hbm>> -> memref<128xi32, #tpu.memory_space<hbm>>
    %dma_start3A_7 = tpu.memref_slice %arg4[%add3A_5] : memref<327680xi32, #tpu.memory_space<hbm>> -> memref<128xi32, #tpu.memory_space<hbm>>
    tpu.enqueue_dma source(%dma_start3A_7 : memref<128xi32, #tpu.memory_space<hbm>>) target(%arg7 : memref<128xi32, #tpu.memory_space<vmem>>) target_semaphore(%arg14 : memref<!tpu.dma_semaphore, #tpu.memory_space<semaphore_mem>>)
    %add3A_8 = arith.constant 128 : i32
    %add3A_9 = arith.addi %mul3A_2, %add3A_8 : i32
    %dma_start3A_10 = tpu.memref_slice %arg4[%add3A_9] : memref<327680xi32, #tpu.memory_space<hbm>> -> memref<128xi32, #tpu.memory_space<hbm>>
    %dma_start3A_11 = tpu.memref_slice %arg4[%add3A_9] : memref<327680xi32, #tpu.memory_space<hbm>> -> memref<128xi32, #tpu.memory_space<hbm>>
    tpu.enqueue_dma source(%dma_start3A_11 : memref<128xi32, #tpu.memory_space<hbm>>) target(%arg8 : memref<128xi32, #tpu.memory_space<vmem>>) target_semaphore(%arg15 : memref<!tpu.dma_semaphore, #tpu.memory_space<semaphore_mem>>)
    %scan3A = arith.constant 0 : i32
    %scan3A_12 = arith.constant 128 : i32
    %scan3A_13 = arith.addi %scan3A, %scan3A_12 : i32
    %scan3A_14 = arith.constant 1 : i32
    scf.for %scan3A_88 = %scan3A to %scan3A_13 step %scan3A_14  : i32 {
      %broadcast_in_dim3A = arith.constant 0.000000e+00 : f32
      %broadcast_in_dim3A_89 = vector.broadcast %broadcast_in_dim3A : f32 to vector<16xf32>
      %swap3A = arith.index_cast %scan3A_88 : i32 to index
      %swap3A_90 = arith.constant 0 : index
      %swap3A_91 = tpu.vector_load %arg11[%swap3A, %swap3A_90] {strides = array<i32>} : memref<128x128xf32, #tpu.memory_space<vmem>>, vector<1x16xf32>,
      %swap3A_92 = vector.shape_cast %swap3A_91 : vector<1x16xf32> to vector<16xf32>
      %swap3A_93 = vector.shape_cast %broadcast_in_dim3A_89 : vector<16xf32> to vector<1x16xf32>
      tpu.vector_store %arg11[%swap3A, %swap3A_90], %swap3A_93 {strides = array<i32>} : memref<128x128xf32, #tpu.memory_space<vmem>>, vector<1x16xf32>,
      %broadcast_in_dim3A_94 = arith.constant 0.000000e+00 : f32
      %broadcast_in_dim3A_95 = vector.broadcast %broadcast_in_dim3A_94 : f32 to vector<16xf32>
      %swap3A_96 = arith.index_cast %scan3A_88 : i32 to index
      %swap3A_97 = arith.constant 16 : index
      %swap3A_98 = tpu.vector_load %arg11[%swap3A_96, %swap3A_97] {strides = array<i32>} : memref<128x128xf32, #tpu.memory_space<vmem>>, vector<1x16xf32>,
      %swap3A_99 = vector.shape_cast %swap3A_98 : vector<1x16xf32> to vector<16xf32>
      %swap3A_100 = vector.shape_cast %broadcast_in_dim3A_95 : vector<16xf32> to vector<1x16xf32>
      tpu.vector_store %arg11[%swap3A_96, %swap3A_97], %swap3A_100 {strides = array<i32>} : memref<128x128xf32, #tpu.memory_space<vmem>>, vector<1x16xf32>,
      %broadcast_in_dim3A_101 = arith.constant 0.000000e+00 : f32
      %broadcast_in_dim3A_102 = vector.broadcast %broadcast_in_dim3A_101 : f32 to vector<16xf32>
      %swap3A_103 = arith.index_cast %scan3A_88 : i32 to index
      %swap3A_104 = arith.constant 32 : index
      %swap3A_105 = tpu.vector_load %arg11[%swap3A_103, %swap3A_104] {strides = array<i32>} : memref<128x128xf32, #tpu.memory_space<vmem>>, vector<1x16xf32>,
      %swap3A_106 = vector.shape_cast %swap3A_105 : vector<1x16xf32> to vector<16xf32>
      %swap3A_107 = vector.shape_cast %broadcast_in_dim3A_102 : vector<16xf32> to vector<1x16xf32>
      tpu.vector_store %arg11[%swap3A_103, %swap3A_104], %swap3A_107 {strides = array<i32>} : memref<128x128xf32, #tpu.memory_space<vmem>>, vector<1x16xf32>,
      %broadcast_in_dim3A_108 = arith.constant 0.000000e+00 : f32
      %broadcast_in_dim3A_109 = vector.broadcast %broadcast_in_dim3A_108 : f32 to vector<16xf32>
      %swap3A_110 = arith.index_cast %scan3A_88 : i32 to index
      %swap3A_111 = arith.constant 48 : index
      %swap3A_112 = tpu.vector_load %arg11[%swap3A_110, %swap3A_111] {strides = array<i32>} : memref<128x128xf32, #tpu.memory_space<vmem>>, vector<1x16xf32>,
      %swap3A_113 = vector.shape_cast %swap3A_112 : vector<1x16xf32> to vector<16xf32>
      %swap3A_114 = vector.shape_cast %broadcast_in_dim3A_109 : vector<16xf32> to vector<1x16xf32>
      tpu.vector_store %arg11[%swap3A_110, %swap3A_111], %swap3A_114 {strides = array<i32>} : memref<128x128xf32, #tpu.memory_space<vmem>>, vector<1x16xf32>,
      %broadcast_in_dim3A_115 = arith.constant 0.000000e+00 : f32
      %broadcast_in_dim3A_116 = vector.broadcast %broadcast_in_dim3A_115 : f32 to vector<16xf32>
      %swap3A_117 = arith.index_cast %scan3A_88 : i32 to index
      %swap3A_118 = arith.constant 64 : index
      %swap3A_119 = tpu.vector_load %arg11[%swap3A_117, %swap3A_118] {strides = array<i32>} : memref<128x128xf32, #tpu.memory_space<vmem>>, vector<1x16xf32>,
      %swap3A_120 = vector.shape_cast %swap3A_119 : vector<1x16xf32> to vector<16xf32>
      %swap3A_121 = vector.shape_cast %broadcast_in_dim3A_116 : vector<16xf32> to vector<1x16xf32>
      tpu.vector_store %arg11[%swap3A_117, %swap3A_118], %swap3A_121 {strides = array<i32>} : memref<128x128xf32, #tpu.memory_space<vmem>>, vector<1x16xf32>,
      %broadcast_in_dim3A_122 = arith.constant 0.000000e+00 : f32
      %broadcast_in_dim3A_123 = vector.broadcast %broadcast_in_dim3A_122 : f32 to vector<16xf32>
      %swap3A_124 = arith.index_cast %scan3A_88 : i32 to index
      %swap3A_125 = arith.constant 80 : index
      %swap3A_126 = tpu.vector_load %arg11[%swap3A_124, %swap3A_125] {strides = array<i32>} : memref<128x128xf32, #tpu.memory_space<vmem>>, vector<1x16xf32>,
      %swap3A_127 = vector.shape_cast %swap3A_126 : vector<1x16xf32> to vector<16xf32>
      %swap3A_128 = vector.shape_cast %broadcast_in_dim3A_123 : vector<16xf32> to vector<1x16xf32>
      tpu.vector_store %arg11[%swap3A_124, %swap3A_125], %swap3A_128 {strides = array<i32>} : memref<128x128xf32, #tpu.memory_space<vmem>>, vector<1x16xf32>,
      %broadcast_in_dim3A_129 = arith.constant 0.000000e+00 : f32
      %broadcast_in_dim3A_130 = vector.broadcast %broadcast_in_dim3A_129 : f32 to vector<16xf32>
      %swap3A_131 = arith.index_cast %scan3A_88 : i32 to index
      %swap3A_132 = arith.constant 96 : index
      %swap3A_133 = tpu.vector_load %arg11[%swap3A_131, %swap3A_132] {strides = array<i32>} : memref<128x128xf32, #tpu.memory_space<vmem>>, vector<1x16xf32>,
      %swap3A_134 = vector.shape_cast %swap3A_133 : vector<1x16xf32> to vector<16xf32>
      %swap3A_135 = vector.shape_cast %broadcast_in_dim3A_130 : vector<16xf32> to vector<1x16xf32>
      tpu.vector_store %arg11[%swap3A_131, %swap3A_132], %swap3A_135 {strides = array<i32>} : memref<128x128xf32, #tpu.memory_space<vmem>>, vector<1x16xf32>,
      %broadcast_in_dim3A_136 = arith.constant 0.000000e+00 : f32
      %broadcast_in_dim3A_137 = vector.broadcast %broadcast_in_dim3A_136 : f32 to vector<16xf32>
      %swap3A_138 = arith.index_cast %scan3A_88 : i32 to index
      %swap3A_139 = arith.constant 112 : index
      %swap3A_140 = tpu.vector_load %arg11[%swap3A_138, %swap3A_139] {strides = array<i32>} : memref<128x128xf32, #tpu.memory_space<vmem>>, vector<1x16xf32>,
      %swap3A_141 = vector.shape_cast %swap3A_140 : vector<1x16xf32> to vector<16xf32>
      %swap3A_142 = vector.shape_cast %broadcast_in_dim3A_137 : vector<16xf32> to vector<1x16xf32>
      tpu.vector_store %arg11[%swap3A_138, %swap3A_139], %swap3A_142 {strides = array<i32>} : memref<128x128xf32, #tpu.memory_space<vmem>>, vector<1x16xf32>,
    }
    %scan3A_15 = arith.constant 128 : i32
    %mul3A_16 = arith.constant 640 : i32
    %mul3A_17 = arith.muli %arg1, %mul3A_16 : i32
    %add3A_18 = arith.constant 0 : i32
    %add3A_19 = arith.addi %mul3A_17, %add3A_18 : i32
    %add3A_20 = arith.constant 128 : i32
    %add3A_21 = arith.addi %mul3A_17, %add3A_20 : i32
    %add3A_22 = arith.constant 256 : i32
    %add3A_23 = arith.addi %mul3A_17, %add3A_22 : i32
    %add3A_24 = arith.constant 384 : i32
    %add3A_25 = arith.addi %mul3A_17, %add3A_24 : i32
    %add3A_26 = arith.constant 512 : i32
    %add3A_27 = arith.addi %mul3A_17, %add3A_26 : i32
    %dma_start3A_28 = arith.constant 0 : i32
    %dma_start3A_29 = tpu.memref_slice %arg13[%add3A_19, %dma_start3A_28] : memref<10240x128xf32, #tpu.memory_space<vmem_shared>> -> memref<128x128xf32, #tpu.memory_space<vmem_shared>>
    %dma_start3A_30 = arith.constant 0 : i32
    %dma_start3A_31 = tpu.memref_slice %arg13[%add3A_19, %dma_start3A_30] : memref<10240x128xf32, #tpu.memory_space<vmem_shared>> -> memref<128x128xf32, #tpu.memory_space<vmem_shared>>
    tpu.enqueue_dma source(%arg11 : memref<128x128xf32, #tpu.memory_space<vmem>>) target(%dma_start3A_31 : memref<128x128xf32, #tpu.memory_space<vmem_shared>>) target_semaphore(%arg20 : memref<!tpu.dma_semaphore, #tpu.memory_space<semaphore_mem>>)
    %dma_start3A_32 = arith.constant 0 : i32
    %dma_start3A_33 = tpu.memref_slice %arg13[%add3A_21, %dma_start3A_32] : memref<10240x128xf32, #tpu.memory_space<vmem_shared>> -> memref<128x128xf32, #tpu.memory_space<vmem_shared>>
    %dma_start3A_34 = arith.constant 0 : i32
    %dma_start3A_35 = tpu.memref_slice %arg13[%add3A_21, %dma_start3A_34] : memref<10240x128xf32, #tpu.memory_space<vmem_shared>> -> memref<128x128xf32, #tpu.memory_space<vmem_shared>>
    tpu.enqueue_dma source(%arg11 : memref<128x128xf32, #tpu.memory_space<vmem>>) target(%dma_start3A_35 : memref<128x128xf32, #tpu.memory_space<vmem_shared>>) target_semaphore(%arg20 : memref<!tpu.dma_semaphore, #tpu.memory_space<semaphore_mem>>)
    %dma_start3A_36 = arith.constant 0 : i32
    %dma_start3A_37 = tpu.memref_slice %arg13[%add3A_23, %dma_start3A_36] : memref<10240x128xf32, #tpu.memory_space<vmem_shared>> -> memref<128x128xf32, #tpu.memory_space<vmem_shared>>
    %dma_start3A_38 = arith.constant 0 : i32
    %dma_start3A_39 = tpu.memref_slice %arg13[%add3A_23, %dma_start3A_38] : memref<10240x128xf32, #tpu.memory_space<vmem_shared>> -> memref<128x128xf32, #tpu.memory_space<vmem_shared>>
    tpu.enqueue_dma source(%arg11 : memref<128x128xf32, #tpu.memory_space<vmem>>) target(%dma_start3A_39 : memref<128x128xf32, #tpu.memory_space<vmem_shared>>) target_semaphore(%arg20 : memref<!tpu.dma_semaphore, #tpu.memory_space<semaphore_mem>>)
    %dma_start3A_40 = arith.constant 0 : i32
    %dma_start3A_41 = tpu.memref_slice %arg13[%add3A_25, %dma_start3A_40] : memref<10240x128xf32, #tpu.memory_space<vmem_shared>> -> memref<128x128xf32, #tpu.memory_space<vmem_shared>>
    %dma_start3A_42 = arith.constant 0 : i32
    %dma_start3A_43 = tpu.memref_slice %arg13[%add3A_25, %dma_start3A_42] : memref<10240x128xf32, #tpu.memory_space<vmem_shared>> -> memref<128x128xf32, #tpu.memory_space<vmem_shared>>
    tpu.enqueue_dma source(%arg11 : memref<128x128xf32, #tpu.memory_space<vmem>>) target(%dma_start3A_43 : memref<128x128xf32, #tpu.memory_space<vmem_shared>>) target_semaphore(%arg20 : memref<!tpu.dma_semaphore, #tpu.memory_space<semaphore_mem>>)
    %dma_start3A_44 = arith.constant 0 : i32
    %dma_start3A_45 = tpu.memref_slice %arg13[%add3A_27, %dma_start3A_44] : memref<10240x128xf32, #tpu.memory_space<vmem_shared>> -> memref<128x128xf32, #tpu.memory_space<vmem_shared>>
    %dma_start3A_46 = arith.constant 0 : i32
    %dma_start3A_47 = tpu.memref_slice %arg13[%add3A_27, %dma_start3A_46] : memref<10240x128xf32, #tpu.memory_space<vmem_shared>> -> memref<128x128xf32, #tpu.memory_space<vmem_shared>>
    tpu.enqueue_dma source(%arg11 : memref<128x128xf32, #tpu.memory_space<vmem>>) target(%dma_start3A_47 : memref<128x128xf32, #tpu.memory_space<vmem_shared>>) target_semaphore(%arg20 : memref<!tpu.dma_semaphore, #tpu.memory_space<semaphore_mem>>)
    %dma_wait3A = arith.constant 0 : i32
    %dma_wait3A_48 = tpu.memref_slice %arg13[%add3A_19, %dma_wait3A] : memref<10240x128xf32, #tpu.memory_space<vmem_shared>> -> memref<128x128xf32, #tpu.memory_space<vmem_shared>>
    %dma_wait3A_49 = arith.constant 0 : i32
    %dma_wait3A_50 = tpu.memref_slice %arg13[%add3A_19, %dma_wait3A_49] : memref<10240x128xf32, #tpu.memory_space<vmem_shared>> -> memref<128x128xf32, #tpu.memory_space<vmem_shared>>
    tpu.wait_dma2 semaphore(%arg20 : memref<!tpu.dma_semaphore, #tpu.memory_space<semaphore_mem>>) src(%arg11 : memref<128x128xf32, #tpu.memory_space<vmem>>) dst(%dma_wait3A_50 : memref<128x128xf32, #tpu.memory_space<vmem_shared>>)
    %dma_wait3A_51 = arith.constant 0 : i32
    %dma_wait3A_52 = tpu.memref_slice %arg13[%add3A_21, %dma_wait3A_51] : memref<10240x128xf32, #tpu.memory_space<vmem_shared>> -> memref<128x128xf32, #tpu.memory_space<vmem_shared>>
    %dma_wait3A_53 = arith.constant 0 : i32
    %dma_wait3A_54 = tpu.memref_slice %arg13[%add3A_21, %dma_wait3A_53] : memref<10240x128xf32, #tpu.memory_space<vmem_shared>> -> memref<128x128xf32, #tpu.memory_space<vmem_shared>>
    tpu.wait_dma2 semaphore(%arg20 : memref<!tpu.dma_semaphore, #tpu.memory_space<semaphore_mem>>) src(%arg11 : memref<128x128xf32, #tpu.memory_space<vmem>>) dst(%dma_wait3A_54 : memref<128x128xf32, #tpu.memory_space<vmem_shared>>)
    %dma_wait3A_55 = arith.constant 0 : i32
    %dma_wait3A_56 = tpu.memref_slice %arg13[%add3A_23, %dma_wait3A_55] : memref<10240x128xf32, #tpu.memory_space<vmem_shared>> -> memref<128x128xf32, #tpu.memory_space<vmem_shared>>
    %dma_wait3A_57 = arith.constant 0 : i32
    %dma_wait3A_58 = tpu.memref_slice %arg13[%add3A_23, %dma_wait3A_57] : memref<10240x128xf32, #tpu.memory_space<vmem_shared>> -> memref<128x128xf32, #tpu.memory_space<vmem_shared>>
    tpu.wait_dma2 semaphore(%arg20 : memref<!tpu.dma_semaphore, #tpu.memory_space<semaphore_mem>>) src(%arg11 : memref<128x128xf32, #tpu.memory_space<vmem>>) dst(%dma_wait3A_58 : memref<128x128xf32, #tpu.memory_space<vmem_shared>>)
    %dma_wait3A_59 = arith.constant 0 : i32
    %dma_wait3A_60 = tpu.memref_slice %arg13[%add3A_25, %dma_wait3A_59] : memref<10240x128xf32, #tpu.memory_space<vmem_shared>> -> memref<128x128xf32, #tpu.memory_space<vmem_shared>>
    %dma_wait3A_61 = arith.constant 0 : i32
    %dma_wait3A_62 = tpu.memref_slice %arg13[%add3A_25, %dma_wait3A_61] : memref<10240x128xf32, #tpu.memory_space<vmem_shared>> -> memref<128x128xf32, #tpu.memory_space<vmem_shared>>
    tpu.wait_dma2 semaphore(%arg20 : memref<!tpu.dma_semaphore, #tpu.memory_space<semaphore_mem>>) src(%arg11 : memref<128x128xf32, #tpu.memory_space<vmem>>) dst(%dma_wait3A_62 : memref<128x128xf32, #tpu.memory_space<vmem_shared>>)
    %dma_wait3A_63 = arith.constant 0 : i32
    %dma_wait3A_64 = tpu.memref_slice %arg13[%add3A_27, %dma_wait3A_63] : memref<10240x128xf32, #tpu.memory_space<vmem_shared>> -> memref<128x128xf32, #tpu.memory_space<vmem_shared>>
    %dma_wait3A_65 = arith.constant 0 : i32
    %dma_wait3A_66 = tpu.memref_slice %arg13[%add3A_27, %dma_wait3A_65] : memref<10240x128xf32, #tpu.memory_space<vmem_shared>> -> memref<128x128xf32, #tpu.memory_space<vmem_shared>>
    tpu.wait_dma2 semaphore(%arg20 : memref<!tpu.dma_semaphore, #tpu.memory_space<semaphore_mem>>) src(%arg11 : memref<128x128xf32, #tpu.memory_space<vmem>>) dst(%dma_wait3A_66 : memref<128x128xf32, #tpu.memory_space<vmem_shared>>)
    %dma_wait3A_67 = tpu.memref_slice %arg3[%mul3A_2] : memref<327680xi32, #tpu.memory_space<hbm>> -> memref<10240xi32, #tpu.memory_space<hbm>>
    %dma_wait3A_68 = tpu.memref_slice %arg3[%mul3A_2] : memref<327680xi32, #tpu.memory_space<hbm>> -> memref<10240xi32, #tpu.memory_space<hbm>>
    tpu.wait_dma2 semaphore(%arg20 : memref<!tpu.dma_semaphore, #tpu.memory_space<semaphore_mem>>) src(%dma_wait3A_68 : memref<10240xi32, #tpu.memory_space<hbm>>) dst(%arg6 : memref<10240xi32, #tpu.memory_space<vmem>>)
    %barrier3A = arith.constant 0 : index
    tpu.barrier barrier_id(%barrier3A)
    %dma_start3A_69 = arith.constant 0 : i32
    %dma_start3A_70 = tpu.memref_slice %arg6[%dma_start3A_69] : memref<10240xi32, #tpu.memory_space<vmem>> -> memref<128xi32, #tpu.memory_space<vmem>>
    %dma_start3A_71 = arith.constant 0 : i32
    %dma_start3A_72 = arith.constant 0 : i32
    %dma_start3A_73 = tpu.memref_slice %arg2[%dma_start3A_71, %dma_start3A_72] : memref<10000x128xf32, #tpu.memory_space<hbm>> -> memref<10000x128xf32, #tpu.memory_space<hbm>>
    tpu.enqueue_indirect_dma source(%dma_start3A_73 : memref<10000x128xf32, #tpu.memory_space<hbm>>) target(%arg11 : memref<128x128xf32, #tpu.memory_space<vmem>>) offsets(%dma_start3A_70 : memref<128xi32, #tpu.memory_space<vmem>>) semaphore(%arg18 : memref<!tpu.dma_semaphore, #tpu.memory_space<semaphore_mem>>)
    %dma_start3A_74 = arith.constant 128 : i32
    %dma_start3A_75 = tpu.memref_slice %arg6[%dma_start3A_74] : memref<10240xi32, #tpu.memory_space<vmem>> -> memref<128xi32, #tpu.memory_space<vmem>>
    %dma_start3A_76 = arith.constant 0 : i32
    %dma_start3A_77 = arith.constant 0 : i32
    %dma_start3A_78 = tpu.memref_slice %arg2[%dma_start3A_76, %dma_start3A_77] : memref<10000x128xf32, #tpu.memory_space<hbm>> -> memref<10000x128xf32, #tpu.memory_space<hbm>>
    tpu.enqueue_indirect_dma source(%dma_start3A_78 : memref<10000x128xf32, #tpu.memory_space<hbm>>) target(%arg12 : memref<128x128xf32, #tpu.memory_space<vmem>>) offsets(%dma_start3A_75 : memref<128xi32, #tpu.memory_space<vmem>>) semaphore(%arg19 : memref<!tpu.dma_semaphore, #tpu.memory_space<semaphore_mem>>)
    %scan3A_79 = arith.constant 0 : i32
    %scan3A_80 = arith.constant 20 : i32
    %scan3A_81 = arith.addi %scan3A_79, %scan3A_80 : i32
    %scan3A_82 = arith.constant 1 : i32
    scf.for %scan3A_88 = %scan3A_79 to %scan3A_81 step %scan3A_82  : i32 {
      %mul3A_89 = arith.constant 4 : i32
      %mul3A_90 = arith.muli %mul3A_89, %scan3A_88 : i32
      %add3A_91 = arith.constant 0 : i32
      %add3A_92 = arith.addi %mul3A_90, %add3A_91 : i32
      %add3A_93 = arith.constant 2 : i32
      %add3A_94 = arith.addi %add3A_92, %add3A_93 : i32
      %lt3A = arith.constant 80 : i32
      %lt3A_95 = arith.cmpi slt, %add3A_94, %lt3A : i32
      %convert_element_type3A = arith.extui %lt3A_95 : i1 to i32
      %cond3A = arith.constant 0 : i32
      %cond3A_96 = arith.cmpi ne, %convert_element_type3A, %cond3A : i32
      scf.if %cond3A_96 {
        %mul3A_194 = arith.constant 128 : i32
        %mul3A_195 = arith.muli %add3A_94, %mul3A_194 : i32
        %add3A_196 = arith.addi %mul3A_2, %mul3A_195 : i32
        %dma_start3A_197 = tpu.memref_slice %arg4[%add3A_196] : memref<327680xi32, #tpu.memory_space<hbm>> -> memref<128xi32, #tpu.memory_space<hbm>>
        %dma_start3A_198 = tpu.memref_slice %arg4[%add3A_196] : memref<327680xi32, #tpu.memory_space<hbm>> -> memref<128xi32, #tpu.memory_space<hbm>>
        tpu.enqueue_dma source(%dma_start3A_198 : memref<128xi32, #tpu.memory_space<hbm>>) target(%arg9 : memref<128xi32, #tpu.memory_space<vmem>>) target_semaphore(%arg16 : memref<!tpu.dma_semaphore, #tpu.memory_space<semaphore_mem>>)
      } else {
      }
      %mul3A_97 = arith.constant 128 : i32
      %mul3A_98 = arith.muli %add3A_92, %mul3A_97 : i32
      %dma_wait3A_99 = tpu.memref_slice %arg6[%mul3A_98] : memref<10240xi32, #tpu.memory_space<vmem>> -> memref<128xi32, #tpu.memory_space<vmem>>
      %dma_wait3A_100 = arith.constant 0 : i32
      %dma_wait3A_101 = arith.constant 0 : i32
      %dma_wait3A_102 = tpu.memref_slice %arg2[%dma_wait3A_100, %dma_wait3A_101] : memref<10000x128xf32, #tpu.memory_space<hbm>> -> memref<10000x128xf32, #tpu.memory_space<hbm>>
      tpu.wait_indirect_dma semaphore(%arg18 : memref<!tpu.dma_semaphore, #tpu.memory_space<semaphore_mem>>) src(%dma_wait3A_102 : memref<10000x128xf32, #tpu.memory_space<hbm>>) dst(%arg11 : memref<128x128xf32, #tpu.memory_space<vmem>>)
      %mul3A_103 = arith.constant 128 : i32
      %mul3A_104 = arith.muli %add3A_92, %mul3A_103 : i32
      %add3A_105 = arith.addi %mul3A_2, %mul3A_104 : i32
      %dma_wait3A_106 = tpu.memref_slice %arg4[%add3A_105] : memref<327680xi32, #tpu.memory_space<hbm>> -> memref<128xi32, #tpu.memory_space<hbm>>
      %dma_wait3A_107 = tpu.memref_slice %arg4[%add3A_105] : memref<327680xi32, #tpu.memory_space<hbm>> -> memref<128xi32, #tpu.memory_space<hbm>>
      tpu.wait_dma2 semaphore(%arg14 : memref<!tpu.dma_semaphore, #tpu.memory_space<semaphore_mem>>) src(%dma_wait3A_107 : memref<128xi32, #tpu.memory_space<hbm>>) dst(%arg7 : memref<128xi32, #tpu.memory_space<vmem>>)
      "tpu.region"() ({
        %run_scoped3A = tpu.sem_alloc : memref<!tpu.dma_semaphore, #tpu.memory_space<semaphore_mem>>
        %dma_start3A_194 = arith.constant 0 : i32
        %dma_start3A_195 = arith.constant 0 : i32
        %dma_start3A_196 = tpu.memref_slice %arg13[%dma_start3A_194, %dma_start3A_195] : memref<10240x128xf32, #tpu.memory_space<vmem_shared>> -> memref<10240x128xf32, #tpu.memory_space<vmem_shared>>
        tpu.enqueue_indirect_dma source(%arg11 : memref<128x128xf32, #tpu.memory_space<vmem>>) target(%dma_start3A_196 : memref<10240x128xf32, #tpu.memory_space<vmem_shared>>) offsets(%arg7 : memref<128xi32, #tpu.memory_space<vmem>>) semaphore(%run_scoped3A : memref<!tpu.dma_semaphore, #tpu.memory_space<semaphore_mem>>) {add = true}
        %dma_wait3A_197 = arith.constant 0 : i32
        %dma_wait3A_198 = arith.constant 0 : i32
        %dma_wait3A_199 = tpu.memref_slice %arg13[%dma_wait3A_197, %dma_wait3A_198] : memref<10240x128xf32, #tpu.memory_space<vmem_shared>> -> memref<10240x128xf32, #tpu.memory_space<vmem_shared>>
        tpu.wait_indirect_dma semaphore(%run_scoped3A : memref<!tpu.dma_semaphore, #tpu.memory_space<semaphore_mem>>) src(%arg11 : memref<128x128xf32, #tpu.memory_space<vmem>>) dst(%dma_wait3A_199 : memref<10240x128xf32, #tpu.memory_space<vmem_shared>>)
        tpu.yield
      }) : () -> ()
      %lt3A_108 = arith.constant 80 : i32
      %lt3A_109 = arith.cmpi slt, %add3A_94, %lt3A_108 : i32
      %convert_element_type3A_110 = arith.extui %lt3A_109 : i1 to i32
      %cond3A_111 = arith.constant 0 : i32
      %cond3A_112 = arith.cmpi ne, %convert_element_type3A_110, %cond3A_111 : i32
      scf.if %cond3A_112 {
        %mul3A_194 = arith.constant 128 : i32
        %mul3A_195 = arith.muli %add3A_94, %mul3A_194 : i32
        %dma_start3A_196 = tpu.memref_slice %arg6[%mul3A_195] : memref<10240xi32, #tpu.memory_space<vmem>> -> memref<128xi32, #tpu.memory_space<vmem>>
        %dma_start3A_197 = arith.constant 0 : i32
        %dma_start3A_198 = arith.constant 0 : i32
        %dma_start3A_199 = tpu.memref_slice %arg2[%dma_start3A_197, %dma_start3A_198] : memref<10000x128xf32, #tpu.memory_space<hbm>> -> memref<10000x128xf32, #tpu.memory_space<hbm>>
        tpu.enqueue_indirect_dma source(%dma_start3A_199 : memref<10000x128xf32, #tpu.memory_space<hbm>>) target(%arg11 : memref<128x128xf32, #tpu.memory_space<vmem>>) offsets(%dma_start3A_196 : memref<128xi32, #tpu.memory_space<vmem>>) semaphore(%arg18 : memref<!tpu.dma_semaphore, #tpu.memory_space<semaphore_mem>>)
      } else {
      }
      %mul3A_113 = arith.constant 4 : i32
      %mul3A_114 = arith.muli %mul3A_113, %scan3A_88 : i32
      %add3A_115 = arith.constant 1 : i32
      %add3A_116 = arith.addi %mul3A_114, %add3A_115 : i32
      %add3A_117 = arith.constant 2 : i32
      %add3A_118 = arith.addi %add3A_116, %add3A_117 : i32
      %lt3A_119 = arith.constant 80 : i32
      %lt3A_120 = arith.cmpi slt, %add3A_118, %lt3A_119 : i32
      %convert_element_type3A_121 = arith.extui %lt3A_120 : i1 to i32
      %cond3A_122 = arith.constant 0 : i32
      %cond3A_123 = arith.cmpi ne, %convert_element_type3A_121, %cond3A_122 : i32
      scf.if %cond3A_123 {
        %mul3A_194 = arith.constant 128 : i32
        %mul3A_195 = arith.muli %add3A_118, %mul3A_194 : i32
        %add3A_196 = arith.addi %mul3A_2, %mul3A_195 : i32
        %dma_start3A_197 = tpu.memref_slice %arg4[%add3A_196] : memref<327680xi32, #tpu.memory_space<hbm>> -> memref<128xi32, #tpu.memory_space<hbm>>
        %dma_start3A_198 = tpu.memref_slice %arg4[%add3A_196] : memref<327680xi32, #tpu.memory_space<hbm>> -> memref<128xi32, #tpu.memory_space<hbm>>
        tpu.enqueue_dma source(%dma_start3A_198 : memref<128xi32, #tpu.memory_space<hbm>>) target(%arg10 : memref<128xi32, #tpu.memory_space<vmem>>) target_semaphore(%arg17 : memref<!tpu.dma_semaphore, #tpu.memory_space<semaphore_mem>>)
      } else {
      }
      %mul3A_124 = arith.constant 128 : i32
      %mul3A_125 = arith.muli %add3A_116, %mul3A_124 : i32
      %dma_wait3A_126 = tpu.memref_slice %arg6[%mul3A_125] : memref<10240xi32, #tpu.memory_space<vmem>> -> memref<128xi32, #tpu.memory_space<vmem>>
      %dma_wait3A_127 = arith.constant 0 : i32
      %dma_wait3A_128 = arith.constant 0 : i32
      %dma_wait3A_129 = tpu.memref_slice %arg2[%dma_wait3A_127, %dma_wait3A_128] : memref<10000x128xf32, #tpu.memory_space<hbm>> -> memref<10000x128xf32, #tpu.memory_space<hbm>>
      tpu.wait_indirect_dma semaphore(%arg19 : memref<!tpu.dma_semaphore, #tpu.memory_space<semaphore_mem>>) src(%dma_wait3A_129 : memref<10000x128xf32, #tpu.memory_space<hbm>>) dst(%arg12 : memref<128x128xf32, #tpu.memory_space<vmem>>)
      %mul3A_130 = arith.constant 128 : i32
      %mul3A_131 = arith.muli %add3A_116, %mul3A_130 : i32
      %add3A_132 = arith.addi %mul3A_2, %mul3A_131 : i32
      %dma_wait3A_133 = tpu.memref_slice %arg4[%add3A_132] : memref<327680xi32, #tpu.memory_space<hbm>> -> memref<128xi32, #tpu.memory_space<hbm>>
      %dma_wait3A_134 = tpu.memref_slice %arg4[%add3A_132] : memref<327680xi32, #tpu.memory_space<hbm>> -> memref<128xi32, #tpu.memory_space<hbm>>
      tpu.wait_dma2 semaphore(%arg15 : memref<!tpu.dma_semaphore, #tpu.memory_space<semaphore_mem>>) src(%dma_wait3A_134 : memref<128xi32, #tpu.memory_space<hbm>>) dst(%arg8 : memref<128xi32, #tpu.memory_space<vmem>>)
      "tpu.region"() ({
        %run_scoped3A = tpu.sem_alloc : memref<!tpu.dma_semaphore, #tpu.memory_space<semaphore_mem>>
        %dma_start3A_194 = arith.constant 0 : i32
        %dma_start3A_195 = arith.constant 0 : i32
        %dma_start3A_196 = tpu.memref_slice %arg13[%dma_start3A_194, %dma_start3A_195] : memref<10240x128xf32, #tpu.memory_space<vmem_shared>> -> memref<10240x128xf32, #tpu.memory_space<vmem_shared>>
        tpu.enqueue_indirect_dma source(%arg12 : memref<128x128xf32, #tpu.memory_space<vmem>>) target(%dma_start3A_196 : memref<10240x128xf32, #tpu.memory_space<vmem_shared>>) offsets(%arg8 : memref<128xi32, #tpu.memory_space<vmem>>) semaphore(%run_scoped3A : memref<!tpu.dma_semaphore, #tpu.memory_space<semaphore_mem>>) {add = true}
        %dma_wait3A_197 = arith.constant 0 : i32
        %dma_wait3A_198 = arith.constant 0 : i32
        %dma_wait3A_199 = tpu.memref_slice %arg13[%dma_wait3A_197, %dma_wait3A_198] : memref<10240x128xf32, #tpu.memory_space<vmem_shared>> -> memref<10240x128xf32, #tpu.memory_space<vmem_shared>>
        tpu.wait_indirect_dma semaphore(%run_scoped3A : memref<!tpu.dma_semaphore, #tpu.memory_space<semaphore_mem>>) src(%arg12 : memref<128x128xf32, #tpu.memory_space<vmem>>) dst(%dma_wait3A_199 : memref<10240x128xf32, #tpu.memory_space<vmem_shared>>)
        tpu.yield
      }) : () -> ()
      %lt3A_135 = arith.constant 80 : i32
      %lt3A_136 = arith.cmpi slt, %add3A_118, %lt3A_135 : i32
      %convert_element_type3A_137 = arith.extui %lt3A_136 : i1 to i32
      %cond3A_138 = arith.constant 0 : i32
      %cond3A_139 = arith.cmpi ne, %convert_element_type3A_137, %cond3A_138 : i32
      scf.if %cond3A_139 {
        %mul3A_194 = arith.constant 128 : i32
        %mul3A_195 = arith.muli %add3A_118, %mul3A_194 : i32
        %dma_start3A_196 = tpu.memref_slice %arg6[%mul3A_195] : memref<10240xi32, #tpu.memory_space<vmem>> -> memref<128xi32, #tpu.memory_space<vmem>>
        %dma_start3A_197 = arith.constant 0 : i32
        %dma_start3A_198 = arith.constant 0 : i32
        %dma_start3A_199 = tpu.memref_slice %arg2[%dma_start3A_197, %dma_start3A_198] : memref<10000x128xf32, #tpu.memory_space<hbm>> -> memref<10000x128xf32, #tpu.memory_space<hbm>>
        tpu.enqueue_indirect_dma source(%dma_start3A_199 : memref<10000x128xf32, #tpu.memory_space<hbm>>) target(%arg12 : memref<128x128xf32, #tpu.memory_space<vmem>>) offsets(%dma_start3A_196 : memref<128xi32, #tpu.memory_space<vmem>>) semaphore(%arg19 : memref<!tpu.dma_semaphore, #tpu.memory_space<semaphore_mem>>)
      } else {
      }
      %mul3A_140 = arith.constant 4 : i32
      %mul3A_141 = arith.muli %mul3A_140, %scan3A_88 : i32
      %add3A_142 = arith.constant 2 : i32
      %add3A_143 = arith.addi %mul3A_141, %add3A_142 : i32
      %add3A_144 = arith.constant 2 : i32
      %add3A_145 = arith.addi %add3A_143, %add3A_144 : i32
      %lt3A_146 = arith.constant 80 : i32
      %lt3A_147 = arith.cmpi slt, %add3A_145, %lt3A_146 : i32
      %convert_element_type3A_148 = arith.extui %lt3A_147 : i1 to i32
      %cond3A_149 = arith.constant 0 : i32
      %cond3A_150 = arith.cmpi ne, %convert_element_type3A_148, %cond3A_149 : i32
      scf.if %cond3A_150 {
        %mul3A_194 = arith.constant 128 : i32
        %mul3A_195 = arith.muli %add3A_145, %mul3A_194 : i32
        %add3A_196 = arith.addi %mul3A_2, %mul3A_195 : i32
        %dma_start3A_197 = tpu.memref_slice %arg4[%add3A_196] : memref<327680xi32, #tpu.memory_space<hbm>> -> memref<128xi32, #tpu.memory_space<hbm>>
        %dma_start3A_198 = tpu.memref_slice %arg4[%add3A_196] : memref<327680xi32, #tpu.memory_space<hbm>> -> memref<128xi32, #tpu.memory_space<hbm>>
        tpu.enqueue_dma source(%dma_start3A_198 : memref<128xi32, #tpu.memory_space<hbm>>) target(%arg7 : memref<128xi32, #tpu.memory_space<vmem>>) target_semaphore(%arg14 : memref<!tpu.dma_semaphore, #tpu.memory_space<semaphore_mem>>)
      } else {
      }
      %mul3A_151 = arith.constant 128 : i32
      %mul3A_152 = arith.muli %add3A_143, %mul3A_151 : i32
      %dma_wait3A_153 = tpu.memref_slice %arg6[%mul3A_152] : memref<10240xi32, #tpu.memory_space<vmem>> -> memref<128xi32, #tpu.memory_space<vmem>>
      %dma_wait3A_154 = arith.constant 0 : i32
      %dma_wait3A_155 = arith.constant 0 : i32
      %dma_wait3A_156 = tpu.memref_slice %arg2[%dma_wait3A_154, %dma_wait3A_155] : memref<10000x128xf32, #tpu.memory_space<hbm>> -> memref<10000x128xf32, #tpu.memory_space<hbm>>
      tpu.wait_indirect_dma semaphore(%arg18 : memref<!tpu.dma_semaphore, #tpu.memory_space<semaphore_mem>>) src(%dma_wait3A_156 : memref<10000x128xf32, #tpu.memory_space<hbm>>) dst(%arg11 : memref<128x128xf32, #tpu.memory_space<vmem>>)
      %mul3A_157 = arith.constant 128 : i32
      %mul3A_158 = arith.muli %add3A_143, %mul3A_157 : i32
      %add3A_159 = arith.addi %mul3A_2, %mul3A_158 : i32
      %dma_wait3A_160 = tpu.memref_slice %arg4[%add3A_159] : memref<327680xi32, #tpu.memory_space<hbm>> -> memref<128xi32, #tpu.memory_space<hbm>>
      %dma_wait3A_161 = tpu.memref_slice %arg4[%add3A_159] : memref<327680xi32, #tpu.memory_space<hbm>> -> memref<128xi32, #tpu.memory_space<hbm>>
      tpu.wait_dma2 semaphore(%arg16 : memref<!tpu.dma_semaphore, #tpu.memory_space<semaphore_mem>>) src(%dma_wait3A_161 : memref<128xi32, #tpu.memory_space<hbm>>) dst(%arg9 : memref<128xi32, #tpu.memory_space<vmem>>)
      "tpu.region"() ({
        %run_scoped3A = tpu.sem_alloc : memref<!tpu.dma_semaphore, #tpu.memory_space<semaphore_mem>>
        %dma_start3A_194 = arith.constant 0 : i32
        %dma_start3A_195 = arith.constant 0 : i32
        %dma_start3A_196 = tpu.memref_slice %arg13[%dma_start3A_194, %dma_start3A_195] : memref<10240x128xf32, #tpu.memory_space<vmem_shared>> -> memref<10240x128xf32, #tpu.memory_space<vmem_shared>>
        tpu.enqueue_indirect_dma source(%arg11 : memref<128x128xf32, #tpu.memory_space<vmem>>) target(%dma_start3A_196 : memref<10240x128xf32, #tpu.memory_space<vmem_shared>>) offsets(%arg9 : memref<128xi32, #tpu.memory_space<vmem>>) semaphore(%run_scoped3A : memref<!tpu.dma_semaphore, #tpu.memory_space<semaphore_mem>>) {add = true}
        %dma_wait3A_197 = arith.constant 0 : i32
        %dma_wait3A_198 = arith.constant 0 : i32
        %dma_wait3A_199 = tpu.memref_slice %arg13[%dma_wait3A_197, %dma_wait3A_198] : memref<10240x128xf32, #tpu.memory_space<vmem_shared>> -> memref<10240x128xf32, #tpu.memory_space<vmem_shared>>
        tpu.wait_indirect_dma semaphore(%run_scoped3A : memref<!tpu.dma_semaphore, #tpu.memory_space<semaphore_mem>>) src(%arg11 : memref<128x128xf32, #tpu.memory_space<vmem>>) dst(%dma_wait3A_199 : memref<10240x128xf32, #tpu.memory_space<vmem_shared>>)
        tpu.yield
      }) : () -> ()
      %lt3A_162 = arith.constant 80 : i32
      %lt3A_163 = arith.cmpi slt, %add3A_145, %lt3A_162 : i32
      %convert_element_type3A_164 = arith.extui %lt3A_163 : i1 to i32
      %cond3A_165 = arith.constant 0 : i32
      %cond3A_166 = arith.cmpi ne, %convert_element_type3A_164, %cond3A_165 : i32
      scf.if %cond3A_166 {
        %mul3A_194 = arith.constant 128 : i32
        %mul3A_195 = arith.muli %add3A_145, %mul3A_194 : i32
        %dma_start3A_196 = tpu.memref_slice %arg6[%mul3A_195] : memref<10240xi32, #tpu.memory_space<vmem>> -> memref<128xi32, #tpu.memory_space<vmem>>
        %dma_start3A_197 = arith.constant 0 : i32
        %dma_start3A_198 = arith.constant 0 : i32
        %dma_start3A_199 = tpu.memref_slice %arg2[%dma_start3A_197, %dma_start3A_198] : memref<10000x128xf32, #tpu.memory_space<hbm>> -> memref<10000x128xf32, #tpu.memory_space<hbm>>
        tpu.enqueue_indirect_dma source(%dma_start3A_199 : memref<10000x128xf32, #tpu.memory_space<hbm>>) target(%arg11 : memref<128x128xf32, #tpu.memory_space<vmem>>) offsets(%dma_start3A_196 : memref<128xi32, #tpu.memory_space<vmem>>) semaphore(%arg18 : memref<!tpu.dma_semaphore, #tpu.memory_space<semaphore_mem>>)
      } else {
      }
      %mul3A_167 = arith.constant 4 : i32
      %mul3A_168 = arith.muli %mul3A_167, %scan3A_88 : i32
      %add3A_169 = arith.constant 3 : i32
      %add3A_170 = arith.addi %mul3A_168, %add3A_169 : i32
      %add3A_171 = arith.constant 2 : i32
      %add3A_172 = arith.addi %add3A_170, %add3A_171 : i32
      %lt3A_173 = arith.constant 80 : i32
      %lt3A_174 = arith.cmpi slt, %add3A_172, %lt3A_173 : i32
      %convert_element_type3A_175 = arith.extui %lt3A_174 : i1 to i32
      %cond3A_176 = arith.constant 0 : i32
      %cond3A_177 = arith.cmpi ne, %convert_element_type3A_175, %cond3A_176 : i32
      scf.if %cond3A_177 {
        %mul3A_194 = arith.constant 128 : i32
        %mul3A_195 = arith.muli %add3A_172, %mul3A_194 : i32
        %add3A_196 = arith.addi %mul3A_2, %mul3A_195 : i32
        %dma_start3A_197 = tpu.memref_slice %arg4[%add3A_196] : memref<327680xi32, #tpu.memory_space<hbm>> -> memref<128xi32, #tpu.memory_space<hbm>>
        %dma_start3A_198 = tpu.memref_slice %arg4[%add3A_196] : memref<327680xi32, #tpu.memory_space<hbm>> -> memref<128xi32, #tpu.memory_space<hbm>>
        tpu.enqueue_dma source(%dma_start3A_198 : memref<128xi32, #tpu.memory_space<hbm>>) target(%arg8 : memref<128xi32, #tpu.memory_space<vmem>>) target_semaphore(%arg15 : memref<!tpu.dma_semaphore, #tpu.memory_space<semaphore_mem>>)
      } else {
      }
      %mul3A_178 = arith.constant 128 : i32
      %mul3A_179 = arith.muli %add3A_170, %mul3A_178 : i32
      %dma_wait3A_180 = tpu.memref_slice %arg6[%mul3A_179] : memref<10240xi32, #tpu.memory_space<vmem>> -> memref<128xi32, #tpu.memory_space<vmem>>
      %dma_wait3A_181 = arith.constant 0 : i32
      %dma_wait3A_182 = arith.constant 0 : i32
      %dma_wait3A_183 = tpu.memref_slice %arg2[%dma_wait3A_181, %dma_wait3A_182] : memref<10000x128xf32, #tpu.memory_space<hbm>> -> memref<10000x128xf32, #tpu.memory_space<hbm>>
      tpu.wait_indirect_dma semaphore(%arg19 : memref<!tpu.dma_semaphore, #tpu.memory_space<semaphore_mem>>) src(%dma_wait3A_183 : memref<10000x128xf32, #tpu.memory_space<hbm>>) dst(%arg12 : memref<128x128xf32, #tpu.memory_space<vmem>>)
      %mul3A_184 = arith.constant 128 : i32
      %mul3A_185 = arith.muli %add3A_170, %mul3A_184 : i32
      %add3A_186 = arith.addi %mul3A_2, %mul3A_185 : i32
      %dma_wait3A_187 = tpu.memref_slice %arg4[%add3A_186] : memref<327680xi32, #tpu.memory_space<hbm>> -> memref<128xi32, #tpu.memory_space<hbm>>
      %dma_wait3A_188 = tpu.memref_slice %arg4[%add3A_186] : memref<327680xi32, #tpu.memory_space<hbm>> -> memref<128xi32, #tpu.memory_space<hbm>>
      tpu.wait_dma2 semaphore(%arg17 : memref<!tpu.dma_semaphore, #tpu.memory_space<semaphore_mem>>) src(%dma_wait3A_188 : memref<128xi32, #tpu.memory_space<hbm>>) dst(%arg10 : memref<128xi32, #tpu.memory_space<vmem>>)
      "tpu.region"() ({
        %run_scoped3A = tpu.sem_alloc : memref<!tpu.dma_semaphore, #tpu.memory_space<semaphore_mem>>
        %dma_start3A_194 = arith.constant 0 : i32
        %dma_start3A_195 = arith.constant 0 : i32
        %dma_start3A_196 = tpu.memref_slice %arg13[%dma_start3A_194, %dma_start3A_195] : memref<10240x128xf32, #tpu.memory_space<vmem_shared>> -> memref<10240x128xf32, #tpu.memory_space<vmem_shared>>
        tpu.enqueue_indirect_dma source(%arg12 : memref<128x128xf32, #tpu.memory_space<vmem>>) target(%dma_start3A_196 : memref<10240x128xf32, #tpu.memory_space<vmem_shared>>) offsets(%arg10 : memref<128xi32, #tpu.memory_space<vmem>>) semaphore(%run_scoped3A : memref<!tpu.dma_semaphore, #tpu.memory_space<semaphore_mem>>) {add = true}
        %dma_wait3A_197 = arith.constant 0 : i32
        %dma_wait3A_198 = arith.constant 0 : i32
        %dma_wait3A_199 = tpu.memref_slice %arg13[%dma_wait3A_197, %dma_wait3A_198] : memref<10240x128xf32, #tpu.memory_space<vmem_shared>> -> memref<10240x128xf32, #tpu.memory_space<vmem_shared>>
        tpu.wait_indirect_dma semaphore(%run_scoped3A : memref<!tpu.dma_semaphore, #tpu.memory_space<semaphore_mem>>) src(%arg12 : memref<128x128xf32, #tpu.memory_space<vmem>>) dst(%dma_wait3A_199 : memref<10240x128xf32, #tpu.memory_space<vmem_shared>>)
        tpu.yield
      }) : () -> ()
      %lt3A_189 = arith.constant 80 : i32
      %lt3A_190 = arith.cmpi slt, %add3A_172, %lt3A_189 : i32
      %convert_element_type3A_191 = arith.extui %lt3A_190 : i1 to i32
      %cond3A_192 = arith.constant 0 : i32
      %cond3A_193 = arith.cmpi ne, %convert_element_type3A_191, %cond3A_192 : i32
      scf.if %cond3A_193 {
        %mul3A_194 = arith.constant 128 : i32
        %mul3A_195 = arith.muli %add3A_172, %mul3A_194 : i32
        %dma_start3A_196 = tpu.memref_slice %arg6[%mul3A_195] : memref<10240xi32, #tpu.memory_space<vmem>> -> memref<128xi32, #tpu.memory_space<vmem>>
        %dma_start3A_197 = arith.constant 0 : i32
        %dma_start3A_198 = arith.constant 0 : i32
        %dma_start3A_199 = tpu.memref_slice %arg2[%dma_start3A_197, %dma_start3A_198] : memref<10000x128xf32, #tpu.memory_space<hbm>> -> memref<10000x128xf32, #tpu.memory_space<hbm>>
        tpu.enqueue_indirect_dma source(%dma_start3A_199 : memref<10000x128xf32, #tpu.memory_space<hbm>>) target(%arg12 : memref<128x128xf32, #tpu.memory_space<vmem>>) offsets(%dma_start3A_196 : memref<128xi32, #tpu.memory_space<vmem>>) semaphore(%arg19 : memref<!tpu.dma_semaphore, #tpu.memory_space<semaphore_mem>>)
      } else {
      }
    }
    %scan3A_83 = arith.constant 20 : i32
    %barrier3A_84 = arith.constant 0 : index
    tpu.barrier barrier_id(%barrier3A_84)
    %mul3A_85 = arith.constant 10240 : i32
    %mul3A_86 = arith.muli %arg0, %mul3A_85 : i32
    %add3A_87 = arith.addi %mul3A_86, %mul3A_17 : i32
    "tpu.region"() ({
      %run_scoped3A = tpu.sem_alloc : memref<!tpu.dma_semaphore, #tpu.memory_space<semaphore_mem>>
      %dma_start3A_88 = arith.constant 0 : i32
      %dma_start3A_89 = tpu.memref_slice %arg5[%add3A_87, %dma_start3A_88] : memref<20480x128xf32, #tpu.memory_space<hbm>> -> memref<640x128xf32, #tpu.memory_space<hbm>>
      %dma_start3A_90 = arith.constant 0 : i32
      %dma_start3A_91 = tpu.memref_slice %arg13[%mul3A_17, %dma_start3A_90] : memref<10240x128xf32, #tpu.memory_space<vmem_shared>> -> memref<640x128xf32, #tpu.memory_space<vmem_shared>>
      tpu.enqueue_dma source(%dma_start3A_91 : memref<640x128xf32, #tpu.memory_space<vmem_shared>>) target(%dma_start3A_89 : memref<640x128xf32, #tpu.memory_space<hbm>>) target_semaphore(%run_scoped3A : memref<!tpu.dma_semaphore, #tpu.memory_space<semaphore_mem>>)
      %dma_wait3A_92 = arith.constant 0 : i32
      %dma_wait3A_93 = tpu.memref_slice %arg5[%add3A_87, %dma_wait3A_92] : memref<20480x128xf32, #tpu.memory_space<hbm>> -> memref<640x128xf32, #tpu.memory_space<hbm>>
      %dma_wait3A_94 = arith.constant 0 : i32
      %dma_wait3A_95 = tpu.memref_slice %arg13[%mul3A_17, %dma_wait3A_94] : memref<10240x128xf32, #tpu.memory_space<vmem_shared>> -> memref<640x128xf32, #tpu.memory_space<vmem_shared>>
      tpu.wait_dma2 semaphore(%run_scoped3A : memref<!tpu.dma_semaphore, #tpu.memory_space<semaphore_mem>>) src(%dma_wait3A_95 : memref<640x128xf32, #tpu.memory_space<vmem_shared>>) dst(%dma_wait3A_93 : memref<640x128xf32, #tpu.memory_space<hbm>>)
      tpu.yield
    }) : () -> ()
    return
  }
}

module attributes {stable_mosaic.version = 14 : i64} {
  func.func @_decode_body(%arg0: i32, %arg1: i32, %arg2: memref<2048x128xbf16, #tpu.memory_space<vmem>>, %arg3: memref<2048x128xbf16, #tpu.memory_space<vmem>>, %arg4: memref<2048x2048xf32, #tpu.memory_space<vmem>>) attributes {dimension_semantics = [#tpu.dimension_semantics<parallel>, #tpu.dimension_semantics<parallel>], iteration_bounds = array<i64: 5, 5>, scalar_prefetch = 0 : i64, scratch_operands = 0 : i64, tpu.core_type = #tpu.core_type<tc>, window_params = [{transform_indices = @transform_0, window_bounds = array<i64: 2048, 128>}, {transform_indices = @transform_1, window_bounds = array<i64: 2048, 128>}, {transform_indices = @transform_2, window_bounds = array<i64: 2048, 2048>}]} {
    %get3A = arith.constant 0 : index
    %get3A_0 = arith.constant 0 : index
    %get3A_1 = vector.load %arg2[%get3A, %get3A_0] : memref<2048x128xbf16, #tpu.memory_space<vmem>>, vector<2048x128xbf16>
    %get3A_2 = arith.constant 0 : index
    %get3A_3 = arith.constant 0 : index
    %get3A_4 = vector.load %arg3[%get3A_2, %get3A_3] : memref<2048x128xbf16, #tpu.memory_space<vmem>>, vector<2048x128xbf16>
    %dot_general3A = arith.constant dense<0.000000e+00> : vector<2048x2048xf32>
    %dot_general3A_5 = tpu.matmul %get3A_1, %get3A_4, %dot_general3A {dimension_numbers = #tpu.dot_dimension_numbers<[1], [1], [0], [0], [0, 0, 1, 0], [], []>, transpose_lhs_hint = false} : vector<2048x128xbf16>, vector<2048x128xbf16>, vector<2048x2048xf32> -> vector<2048x2048xf32>
    %swap3A = arith.constant 0 : index
    %swap3A_6 = arith.constant 0 : index
    %swap3A_7 = vector.load %arg4[%swap3A, %swap3A_6] : memref<2048x2048xf32, #tpu.memory_space<vmem>>, vector<2048x2048xf32>
    tpu.vector_store %arg4[%swap3A, %swap3A_6], %dot_general3A_5 {strides = array<i32>} : memref<2048x2048xf32, #tpu.memory_space<vmem>>, vector<2048x2048xf32>,
    return
  }
  func.func @transform_0(%arg0: i32, %arg1: i32) -> (i32, i32) {
    %c0_i32 = arith.constant 0 : i32
    %c0_i32_0 = arith.constant 0 : i32
    return %arg0, %c0_i32 : i32, i32
  }
  func.func @transform_1(%arg0: i32, %arg1: i32) -> (i32, i32) {
    %c0_i32 = arith.constant 0 : i32
    %c0_i32_0 = arith.constant 0 : i32
    return %arg1, %c0_i32 : i32, i32
  }
  func.func @transform_2(%arg0: i32, %arg1: i32) -> (i32, i32) {
    %c0_i32 = arith.constant 0 : i32
    return %arg0, %arg1 : i32, i32
  }
}

</mosaic_0001>

<sc_bundles>
// kernel: kernel.5.cloned.1.call-start
scs
__scs_entry_jumppad:
0x0: {  	(pc) =	sbr.rel $0x88, $3  }
0x1: {  	(tag) =	ssettag $0x0;
	lr =	simm.s32 $0x1  }
0x2: {  	[smem:$0x3F9D] =	sst lr;
	_ =	strace $0xD0000000  }
0x3: {  	_ = 	snop  }
0x4: {  	_ = 	snop  }
0x5: {  	_ = 	snop  }
0x6: {  	_ = 	snop  }
0x7: {  	_ = 	snop  }
__scs_overlays_trampoline_lowered:
0x8: {  	[smem:$0x3FAC] =	sst s0  }
0x9: {  	[smem:$0x3FAD] =	sst s1  }
0xa: {  	[smem:$0x3FAE] =	sst s2  }
0xb: {  	[smem:$0x3FAF] =	sst s3  }
0xc: {  	[smem:$0x3FB0] =	sst s4  }
0xd: {  	[smem:$0x3FB1] =	sst s5  }
0xe: {  	[smem:$0x3FB2] =	sst s6  }
0xf: {  	[smem:$0x3FB3] =	sst s7  }
0x10: {  	[smem:$0x3FB4] =	sst s8  }
0x11: {  	[smem:$0x3FB5] =	sst s9;
	s0 =	simm.s32 @!p0 $0x0  }
0x12: {  	s1 =	sld [smem:$0x3F9B];
	s0 =	simm.s32 @p0 $0x1  }
0x13: {  	[smem:$0x3FB6] =	sst s0;
	s0 =	simm.s32 @!p1 $0x0  }
0x14: {  	s2 =	sld [smem:$0x3F9A];
	s0 =	simm.s32 @p1 $0x1  }
0x15: {  	[smem:$0x3FB7] =	sst s0;
	s0 =	simm.s32 @!p2 $0x0  }
0x16: {  	s3 =	sld [smem:$0x3FDB];
	s0 =	simm.s32 @p2 $0x1  }
0x17: {  	s4 =	simm.s32 $0x1BF5;
	[smem:$0x3FB9] =	sst s0  }
0x18: {  	s0 =	sld [smem:$0x3F9C];
	_ =	swait.ge [sflag:s4], $0x0  }
0x19: {  	s7 =	sld [smem:$0x3F9D]  }
0x1a: {  	s8 =	sadd.s32 $0xFFFFE003, lr  }
0x1b: {  	s9 =	sadd.s32 $0xFFFFFEF7, lr;
	s5 =	simm.s32 $0xFFFFFFFF;
	p2 =	slt.u32 s8, $0xFFFFF086  }
0x1c: {  	p1 =	slt.u32 s9, $0xF7A;
	s5 =	simm.s32 @!p2 $0x0  }
0x1d: {  	s5 =	simm.s32 @p1 $0x1;
	p0 =	seq.s32 s7, s2  }
0x1e: {  	s7 =	smul.u32 @!p0 $0xF7A, s2;
	p2 =	seq.s32 @!p0 s5, $0x0  }
0x1f: {  	s9 =	smul.u32 $0xF7A, s1;
	s8 =	simm.s32 @!p0 $0x1BF5;
	p2 =	por !p2, p0  }
0x20: {  	[sflag:s8] =	ssyncset.s32 @!p0 $0xFFFFF086;
	s6 =	sadd.s32 @!p0 s3, s7;
	s7 =	simm.s32 @!p0 $0x108  }
0x21: {  	s3 =	sadd.s32 s3, s9;
	s6 =	sadd.s32 @!p0 $0x88, s6;
	s7 =	simm.s32 @p2 $0x1082  }
0x22: {  	[simem:s7], [sflag:s8] =	dma.local @!p0 [hbm:s6], $0xF7A  }
0x23: {  	s9 =	sor.u32 $0xD0000000, s2;
	s6 =	simm.s32 $0x108;
	_ =	swait.ge @!p0 [sflag:s8], $0x0  }
0x24: {  	s3 =	sadd.s32 $0x88, s3;
	s6 =	simm.s32 @!p1 $0x1082;
	[sflag:s4] =	ssyncset.s32 $0xFFFFF086  }
0x25: {  	[simem:s6], [sflag:s4] =	dma.local [hbm:s3], $0xF7A  }
0x26: {  	[smem:$0x3F9D] =	sst s1;
	(tag) =	ssettag s2;
	_ =	strace s9  }
0x27: {  	s1 =	sld [smem:$0x3FAD]  }
0x28: {  	s2 =	sld [smem:$0x3FAE]  }
0x29: {  	s4 =	sld [smem:$0x3FB0]  }
0x2a: {  	p0 =	seq.s32 s5, $0x0;
	s5 =	sld [smem:$0x3FB1]  }
0x2b: {  	s6 =	sld [smem:$0x3FB2]  }
0x2c: {  	s7 =	sld [smem:$0x3FB3]  }
0x2d: {  	s3 =	simm.s32 $0x108;
	s8 =	sld [smem:$0x3FB4]  }
0x2e: {  	s3 =	simm.s32 @!p0 $0x1082;
	s9 =	sld [smem:$0x3FB5]  }
0x2f: {  	lr =	sadd.s32 s0, s3;
	s0 =	sld [smem:$0x3FAC]  }
0x30: {  	s3 =	sld [smem:$0x3FAF]  }
0x31: {  	[smem:$0x3FB8] =	sst s10  }
0x32: {  	s10 =	sld [smem:$0x3FB6];
	_ =	sdelay $0x3  }
0x33: {  	p0 =	seq.s32 s10, $0x1;
	s10 =	sld [smem:$0x3FB8];
	_ =	sdelay $0x3  }
0x34: {  	[smem:$0x3FB8] =	sst s10  }
0x35: {  	s10 =	sld [smem:$0x3FB7];
	_ =	sdelay $0x3  }
0x36: {  	p1 =	seq.s32 s10, $0x1;
	s10 =	sld [smem:$0x3FB8];
	_ =	sdelay $0x3  }
0x37: {  	[smem:$0x3FB8] =	sst s10  }
0x38: {  	s10 =	sld [smem:$0x3FB9]  }
0x39: {  	_ = 	snop;
	(pc) =	sbr.ind lr, $3  }
0x3a: {  	_ = 	snop  }
0x3b: {  	_ = 	snop  }
0x3c: {  	p2 =	seq.s32 s10, $0x1;
	s10 =	sld [smem:$0x3FB8]  }
0x3d: {  	_ =	shalt  }
0x3e: {  	_ =	shalt  }
0x3f: {  	_ =	shalt  }
0x40: {  	_ =	shalt  }
0x41: {  	_ =	shalt  }
0x42: {  	_ =	shalt  }
0x43: {  	_ =	shalt  }
0x44: {  	_ =	shalt  }
0x45: {  	_ =	shalt  }
0x46: {  	_ =	shalt  }
0x47: {  	_ =	shalt  }
0x48: {  	_ =	shalt  }
0x49: {  	_ =	shalt  }
0x4a: {  	_ =	shalt  }
0x4b: {  	_ =	shalt  }
0x4c: {  	_ =	shalt  }
0x4d: {  	_ =	shalt  }
0x4e: {  	_ =	shalt  }
0x4f: {  	_ =	shalt  }
0x50: {  	_ =	shalt  }
0x51: {  	_ =	shalt  }
0x52: {  	_ =	shalt  }
0x53: {  	_ =	shalt  }
0x54: {  	_ =	shalt  }
0x55: {  	_ =	shalt  }
0x56: {  	_ =	shalt  }
0x57: {  	_ =	shalt  }
0x58: {  	_ =	shalt  }
0x59: {  	_ =	shalt  }
0x5a: {  	_ =	shalt  }
0x5b: {  	_ =	shalt  }
0x5c: {  	_ =	shalt  }
0x5d: {  	_ =	shalt  }
0x5e: {  	_ =	shalt  }
0x5f: {  	_ =	shalt  }
0x60: {  	_ =	shalt  }
0x61: {  	_ =	shalt  }
0x62: {  	_ =	shalt  }
0x63: {  	_ =	shalt  }
0x64: {  	_ =	shalt  }
0x65: {  	_ =	shalt  }
0x66: {  	_ =	shalt  }
0x67: {  	_ =	shalt  }
0x68: {  	_ =	shalt  }
0x69: {  	_ =	shalt  }
0x6a: {  	_ =	shalt  }
0x6b: {  	_ =	shalt  }
0x6c: {  	_ =	shalt  }
0x6d: {  	_ =	shalt  }
0x6e: {  	_ =	shalt  }
0x6f: {  	_ =	shalt  }
0x70: {  	_ =	shalt  }
0x71: {  	_ =	shalt  }
0x72: {  	_ =	shalt  }
0x73: {  	_ =	shalt  }
0x74: {  	_ =	shalt  }
0x75: {  	_ =	shalt  }
0x76: {  	_ =	shalt  }
0x77: {  	_ =	shalt  }
0x78: {  	_ =	shalt  }
0x79: {  	_ =	shalt  }
0x7a: {  	_ =	shalt  }
0x7b: {  	_ =	shalt  }
0x7c: {  	_ =	shalt  }
0x7d: {  	_ =	shalt  }
0x7e: {  	_ =	shalt  }
0x7f: {  	_ =	shalt  }
0x80: {  	_ =	shalt  }
0x81: {  	_ =	shalt  }
0x82: {  	_ =	shalt  }
0x83: {  	_ =	shalt  }
0x84: {  	_ =	shalt  }
0x85: {  	_ =	shalt  }
0x86: {  	_ =	shalt  }
0x87: {  	_ =	shalt  }
.Lfunc_end0:
.L_simem_size_0:
called_computation_lowered:
.L_overlay_start_0:
0x88: {  	s2 =	sld [smem:$0x3FD9]  }
0x89: {  	s3 =	sld [smem:$0x3FFE];
	_ =	sdelay $0x1  }
0x8a: {  	s1 =	srdreg.scid  }
0x8b: {  	s0 =	sand.u32 $0x1, s1  }
0x8c: {  	s17 =	sshll.u32 s0, $0xA;
	s2 =	sadd.s32 s3, s2  }
0x8d: {  	s2 =	sadd.s32 s2, s17  }
0x8e: {  	[smem:$0x3FC4] =	sst s2  }
0x8f: {  	_ = 	snop  }
0x90: {  	s2 =	sld [smem:$0x3FD0];
	(tm) =	ssettm $0x1  }
0x91: {  	s18 =	sld [smem:$0x3FFB];
	_ =	sdelay $0x3  }
0x92: {  	_ =	strace s18  }
0x93: {  	s3 =	sld [smem:$0x3FFC];
	_ =	sdelay $0x3  }
0x94: {  	_ =	strace s3  }
0x95: {  	s3 =	sld [smem:$0x3FFD];
	_ =	sdelay $0x3  }
0x96: {  	_ =	strace s3  }
0x97: {  	_ =	strace $0x8FFFFFFF  }
0x98: {  	s19 =	sld [smem:$0x3FDB];
	_ =	sdelay $0x1  }
0x99: {  	s4 =	simm.s32 $_scs_section_size  }
0x9a: {  	s5 =	simm.s32 $_size__tile_overlayer_lowered;
	s6 =	simm.s32 $_tile_overlayer_lowered  }
0x9b: {  	s22 =	simm.s32 $0x1BFF;
	s21 =	sshll.u32 s6, $0x1;
	s3 =	sadd.s32 s4, s19  }
0x9c: {  	s7 =	simm.s32 $0x0;
	s20 =	sshll.u32 s5, $0x1;
	s5 =	sadd.s32 s21, s3  }
0x9d: {  	[timem:s7], [sflag:s22] =	dma.local [hbm:s5], s20  }
0x9e: {  	_ =	swait.ge [sflag:s22], s20  }
0x9f: {  	s4 =	ssub.s32 $0x0, s20;
	[sflag:s22] =	ssyncset.done $0x0  }
0xa0: {  	[sflag:s22] =	ssyncadd.s32 s4;
	_ =	sdelay $0x1  }
0xa1: {  	s23 =	simm.s32 $0x1B8B  }
0xa2: {  	_ =	swait.ge [sflag:s23], $0x1  }
0xa3: {  	[sflag:s23] =	ssyncset.done $0x0  }
0xa4: {  	s25 =	simm.s32 $0x1B8E;
	s24 =	sld [smem:$0x3FFE];
	[sflag:s23] =	ssyncadd.s32 $0xFFFFFFFF  }
0xa5: {  	s26 =	simm.s32 $execute0_lowered;
	[smem:$0x3FD2] =	sst s25  }
0xa6: {  	s5 =	sshll.u32 s26, $0x1;
	_ =	strace $0x80000046;
	[dreg:$0x1] =	wrdreg $0xFFFFFFFF  }
0xa7: {  	s28 =	simm.s32 $_size_execute0_lowered;
	s3 =	sadd.s32 s3, s5;
	[dreg:$0x0] =	wrdreg $0x0  }
0xa8: {  	s5 =	sshll.u32 s28, $0x1;
	[dreg:$0x2] =	wrdreg s3  }
0xa9: {  	[dreg:$0x3] =	wrdreg s5  }
0xaa: {  	[dreg:$0x4] =	wrdreg $0xC0  }
0xab: {  	_ =	task [dreg:s7], $0x5FFFF  }
0xac: {  	[dreg:$0x1] =	wrdreg $0xFFFFFFFF  }
0xad: {  	[dreg:$0x0] =	wrdreg $0x60  }
0xae: {  	[dreg:$0x2] =	wrdreg s24  }
0xaf: {  	[dreg:$0x3] =	wrdreg s2  }
0xb0: {  	[dreg:$0x4] =	wrdreg $0x2B000  }
0xb1: {  	[dreg:$0x5] =	wrdreg $0x9  }
0xb2: {  	_ =	task.clear_ibuf [dreg:s7], $0x6FFFF;
	_ =	strace $0x90000046  }
0xb3: {  	s29 =	simm.s32 $0x9;
	_ =	strace $0x80000048  }
0xb4: {  	_ =	swait.ge [sflag:s29], $0x1  }
0xb5: {  	[sflag:s29] =	ssyncadd.s32 $0xFFFFFFFF  }
0xb6: {  	_ =	strace $0x90000048  }
0xb7: {  	_ =	sfence  }
0xb8: {  	s30 =	sld [smem:$0x0];
	_ =	sdelay $0x2  }
0xb9: {  	s31 =	sshll.u32 s1, $0xD;
	s1 =	sshrl.u32 s1, $0x2  }
0xba: {  	s3 =	sand.u32 $0x4000, s31;
	s1 =	sadd.s32 s1, s30  }
0xbb: {  	s0 =	sor.u32 s3, s0;
	s1 =	sshll.u32 s1, $0x11  }
0xbc: {  	s0 =	sor.u32 s1, s0  }
0xbd: {  	s0 =	sadd.s32 $0x8F2B, s0  }
0xbe: {  	[sflag:s0] =	ssyncadd.remote.s32 $0x1  }
0xbf: {  	_ =	sfence.sel $0xFFFF  }
0xc0: {  	[dreg:$0x0] =	wrdreg $0xFFFFFFFF;
	(pc) =	sbr.abs _section_cstart, $3  }
0xc1: {  	[dreg:$0x1] =	wrdreg $0xFFFFFFFF  }
0xc2: {  	_ =	task.clear_ibuf [dreg:s7], $0x2FFFF;
	_ =	strace $0x9FFFFFFF  }
0xc3: {  	(tm) =	ssettm $0x7FFFFFFF  }
tec
execute0_lowered:
.L_overlay_start_1:
0x0: {  	(tag) =	ssettag $0x1  }
0x1: {  	s5 =	rddreg [dreg:$0x0]  }
0x2: {  	s7 =	rddreg [dreg:$0x1]  }
0x3: {  	s2 =	rddreg [dreg:$0x2];
	s3 =	simm.s32 $0x0  }
0x4: {  	s9 =	simm.s32 $0x2880;
	[smem:$0x7FF] =	sst s3  }
0x5: {  	s10 =	simm.s32 $0x100;
	_ =	strace $0x80000047;
	[dreg:$0x6] =	wrdreg s9  }
0x6: {  	s11 =	simm.s32 $0x180;
	[dreg:$0x7] =	wrdreg s10  }
0x7: {  	s12 =	simm.s32 $0x200;
	[dreg:$0x8] =	wrdreg s11  }
0x8: {  	s13 =	simm.s32 $0x280;
	[dreg:$0x9] =	wrdreg s12  }
0x9: {  	s14 =	simm.s32 $0x300;
	[dreg:$0xa] =	wrdreg s13  }
0xa: {  	s15 =	simm.s32 $0x380;
	[dreg:$0xb] =	wrdreg s14  }
0xb: {  	s16 =	simm.s32 $0x400;
	[dreg:$0xc] =	wrdreg s15  }
0xc: {  	s17 =	simm.s32 $0x480;
	[dreg:$0xd] =	wrdreg s16  }
0xd: {  	s18 =	simm.s32 $0x500;
	[dreg:$0xe] =	wrdreg s17  }
0xe: {  	s19 =	simm.s32 $0x580;
	[dreg:$0xf] =	wrdreg s18  }
0xf: {  	s20 =	simm.s32 $0x600;
	[dreg:$0x10] =	wrdreg s19  }
0x10: {  	s21 =	simm.s32 $0x680;
	[dreg:$0x11] =	wrdreg s20  }
0x11: {  	s22 =	simm.s32 $0x700;
	[dreg:$0x12] =	wrdreg s21  }
0x12: {  	s23 =	simm.s32 $0x780;
	[dreg:$0x13] =	wrdreg s22  }
0x13: {  	s24 =	simm.s32 $0x800;
	[dreg:$0x14] =	wrdreg s23  }
0x14: {  	v0 =	vimm.f32 $0.0e+00;
	s25 =	simm.s32 $0x880;
	[dreg:$0x15] =	wrdreg s24  }
0x15: {  	v1 =	vimm.f32 $1.000000000e+00;
	s26 =	simm.s32 $0x900;
	[tilespmem:$0x2880] =	vst v0;
	[dreg:$0x16] =	wrdreg s25  }
0x16: {  	s31 =	simm.s32 $0x980;
	[tilespmem:$0x2870] =	vst v1;
	[dreg:$0x17] =	wrdreg s26  }
0x17: {  	[tilespmem:$0x2860] =	vst v1;
	[dreg:$0x18] =	wrdreg s31;
	s9 =	simm.s32 $0xC00  }
0x18: {  	[tilespmem:$0x2850] =	vst v1;
	s10 =	simm.s32 $0xC80;
	[dreg:$0x1d] =	wrdreg s9  }
0x19: {  	[tilespmem:$0x2840] =	vst v1;
	s11 =	simm.s32 $0xD00;
	[dreg:$0x1e] =	wrdreg s10  }
0x1a: {  	[tilespmem:$0x2830] =	vst v1;
	s12 =	simm.s32 $0xD80;
	[dreg:$0x1f] =	wrdreg s11  }
0x1b: {  	[tilespmem:$0x2820] =	vst v1;
	s13 =	simm.s32 $0xE00;
	[smem:$0x7DB] =	sst s12  }
0x1c: {  	[tilespmem:$0x2810] =	vst v1;
	s14 =	simm.s32 $0xE80;
	[smem:$0x7DC] =	sst s13  }
0x1d: {  	[tilespmem:$0x2800] =	vst v1;
	s15 =	simm.s32 $0xF00;
	[smem:$0x7DD] =	sst s14  }
0x1e: {  	[tilespmem:$0x2AF0] =	vst v0;
	s16 =	simm.s32 $0xF80;
	[smem:$0x7DE] =	sst s15  }
0x1f: {  	[tilespmem:$0x2AE0] =	vst v0;
	s17 =	simm.s32 $0x1000;
	[smem:$0x7DF] =	sst s16  }
0x20: {  	[tilespmem:$0x2AD0] =	vst v0;
	s18 =	simm.s32 $0x1080;
	[smem:$0x7E0] =	sst s17  }
0x21: {  	[tilespmem:$0x2AC0] =	vst v0;
	s19 =	simm.s32 $0x1100;
	[smem:$0x7E1] =	sst s18  }
0x22: {  	[tilespmem:$0x2AB0] =	vst v0;
	s20 =	simm.s32 $0x1180;
	[smem:$0x7E2] =	sst s19  }
0x23: {  	[tilespmem:$0x2AA0] =	vst v0;
	s21 =	simm.s32 $0x1200;
	[smem:$0x7E3] =	sst s20  }
0x24: {  	[tilespmem:$0x2A90] =	vst v0;
	s22 =	simm.s32 $0x1280;
	[smem:$0x7E4] =	sst s21  }
0x25: {  	[tilespmem:$0x2A80] =	vst v0;
	s23 =	simm.s32 $0x1300;
	[smem:$0x7E5] =	sst s22  }
0x26: {  	[tilespmem:$0x2A70] =	vst v0;
	s24 =	simm.s32 $0x1380;
	[smem:$0x7E6] =	sst s23  }
0x27: {  	[tilespmem:$0x2A60] =	vst v0;
	s25 =	simm.s32 $0x1400;
	[smem:$0x7E7] =	sst s24  }
0x28: {  	[tilespmem:$0x2A50] =	vst v0;
	s26 =	simm.s32 $0x1480;
	[smem:$0x7E8] =	sst s25  }
0x29: {  	[tilespmem:$0x2A40] =	vst v0;
	s31 =	simm.s32 $0x1500;
	[smem:$0x7E9] =	sst s26  }
0x2a: {  	[tilespmem:$0x2A30] =	vst v0;
	[smem:$0x7EA] =	sst s31  }
0x2b: {  	[tilespmem:$0x2A20] =	vst v0;
	s9 =	simm.s32 $0x1780;
	s23 =	rddreg [dreg:$0x6]  }
0x2c: {  	[tilespmem:$0x2A10] =	vst v0;
	s10 =	simm.s32 $0x1800;
	[smem:$0x7EF] =	sst s9  }
0x2d: {  	[tilespmem:$0x2A00] =	vst v0;
	s11 =	simm.s32 $0x1880;
	[smem:$0x7F0] =	sst s10  }
0x2e: {  	[tilespmem:$0x29F0] =	vst v0;
	s12 =	simm.s32 $0x1900;
	[smem:$0x7F1] =	sst s11  }
0x2f: {  	[tilespmem:$0x29E0] =	vst v0;
	s13 =	simm.s32 $0x1980;
	[smem:$0x7F2] =	sst s12  }
0x30: {  	[tilespmem:$0x29D0] =	vst v0;
	s14 =	simm.s32 $0x1A00;
	[smem:$0x7F3] =	sst s13  }
0x31: {  	[tilespmem:$0x29C0] =	vst v0;
	s15 =	simm.s32 $0x1A80;
	[smem:$0x7F4] =	sst s14  }
0x32: {  	s0 =	srdreg.scid;
	[tilespmem:$0x29B0] =	vst v0;
	s16 =	simm.s32 $0x1B00;
	[smem:$0x7F5] =	sst s15  }
0x33: {  	s28 =	sand.u32 $0x1, s0;
	[tilespmem:$0x29A0] =	vst v0;
	s17 =	simm.s32 $0x1B80;
	[smem:$0x7F6] =	sst s16  }
0x34: {  	s0 =	stileid.u32;
	[tilespmem:$0x2990] =	vst v0;
	s18 =	simm.s32 $0x1C00;
	[smem:$0x7F7] =	sst s17  }
0x35: {  	s1 =	sshll.u32 s28, $0x4;
	[tilespmem:$0x2980] =	vst v0;
	s19 =	simm.s32 $0x1C80;
	[smem:$0x7F8] =	sst s18  }
0x36: {  	s4 =	smul.u32 $0x280, s0;
	[tilespmem:$0x2970] =	vst v0;
	s20 =	simm.s32 $0x1D00;
	[smem:$0x7F9] =	sst s19  }
0x37: {  	s8 =	smul.u32 $0x2800, s28;
	[tilespmem:$0x2960] =	vst v0;
	s21 =	simm.s32 $0x1D80;
	[smem:$0x7FA] =	sst s20  }
0x38: {  	[tilespmem:$0x2950] =	vst v0;
	s1 =	sor.u32 s0, s1;
	s22 =	simm.s32 $0x1E00;
	[smem:$0x7FB] =	sst s21  }
0x39: {  	[tilespmem:$0x2940] =	vst v0;
	s24 =	simm.s32 $0x1E80;
	s6 =	smul.u32 $0x500, s1;
	[smem:$0x7FC] =	sst s22  }
0x3a: {  	[tilespmem:$0x2930] =	vst v0;
	s1 =	sadd.s32 s4, s8;
	[smem:$0x7FD] =	sst s24  }
0x3b: {  	[tilespmem:$0x2920] =	vst v0;
	s5 =	sadd.s32 s6, s5;
	s6 =	sshrl.u32 s1, $0x3;
	s1 =	simm.s32 $0xA00  }
0x3c: {  	[tilespmem:$0x2910] =	vst v0;
	s5 =	sadd.s32 $0xA00, s5;
	[dreg:$0x19] =	wrdreg s1  }
0x3d: {  	[tilespmem:$0x2900] =	vst v0;
	s8 =	sadd.s32 s7, s6;
	[dreg:$0x4] =	wrdreg s5  }
0x3e: {  	[tilespmem:$0x28F0] =	vst v0;
	s6 =	simm.s32 $0xA80;
	[dreg:$0x5] =	wrdreg s8  }
0x3f: {  	[tilespmem:$0x28E0] =	vst v0;
	s7 =	simm.s32 $0xB00;
	[dreg:$0x1a] =	wrdreg s6  }
0x40: {  	[tilespmem:$0x28D0] =	vst v0;
	s1 =	simm.s32 $0x1580;
	[dreg:$0x1b] =	wrdreg s7  }
0x41: {  	[tilespmem:$0x28C0] =	vst v0;
	s8 =	simm.s32 $0xB80;
	[smem:$0x7EB] =	sst s1  }
0x42: {  	[tilespmem:$0x28B0] =	vst v0;
	s6 =	simm.s32 $0x1600;
	[dreg:$0x1c] =	wrdreg s8  }
0x43: {  	[tilespmem:$0x28A0] =	vst v0;
	s7 =	simm.s32 $0x1680;
	[smem:$0x7EC] =	sst s6  }
0x44: {  	[tilespmem:$0x2890] =	vst v0;
	s5 =	sadd.s32 s4, s2;
	[smem:$0x7ED] =	sst s7;
	s8 =	simm.s32 $0x1700  }
0x45: {  	[spmem:s5] =	stream.linear.scatter [tilespmem:s23], [sflag:$0x2], $0x280, $0x38;
	[tilespmem:$0x2D80] =	vst v63  }
0x46: {  	s4 =	simm.s32 $0x2;
	[smem:$0x7EE] =	sst s8  }
0x47: {  	_ =	swait.ge [sflag:s4], $0x280  }
0x48: {  	[sflag:s4] =	ssyncset.done $0x0  }
0x49: {  	[sflag:s4] =	ssyncadd.s32 $0xFFFFFD80  }
0x4a: {  	[bflag:$0x0] =	sbarrier.arrive $0xFFFF  }
0x4b: {  	s25 =	rddreg [dreg:$0x4]  }
0x4c: {  	[tilespmem:s3], [sflag:$0x2] =	stream.linear.gather [hbm4b:s25+s3], $0x2800, $0x38;
	[tilespmem:$0x2D80] =	vst v63  }
0x4d: {  	_ =	swait.ge [sflag:s4], $0x2800  }
0x4e: {  	[sflag:s4] =	ssyncset.done $0x0  }
0x4f: {  	s6 =	simm.s32 $0x80;
	s7 =	simm.s32 $0x2800;
	[sflag:s4] =	ssyncadd.s32 $0xFFFFD800  }
0x50: {  	[spmem:s2] =	stream.indirect.scatter.add.f32 [tilespmem:s7], [sflag:$0x1], $0x1, s3, s6, $0xb8;
	[tilespmem:$0x2D80] =	vst v63  }
0x51: {  	s26 =	rddreg [dreg:$0x7]  }
0x52: {  	[spmem:s2] =	stream.indirect.scatter.add.f32 [tilespmem:s7], [sflag:$0x1], $0x1, s6, s6, $0xb8;
	[tilespmem:$0x2D80] =	vst v63  }
0x53: {  	s9 =	rddreg [dreg:$0x8]  }
0x54: {  	[spmem:s2] =	stream.indirect.scatter.add.f32 [tilespmem:s7], [sflag:$0x1], $0x1, s26, s6, $0xb8;
	[tilespmem:$0x2D80] =	vst v63  }
0x55: {  	s31 =	rddreg [dreg:$0x9]  }
0x56: {  	[spmem:s2] =	stream.indirect.scatter.add.f32 [tilespmem:s7], [sflag:$0x1], $0x1, s9, s6, $0xb8;
	[tilespmem:$0x2D80] =	vst v63  }
0x57: {  	s1 =	rddreg [dreg:$0xa]  }
0x58: {  	[spmem:s2] =	stream.indirect.scatter.add.f32 [tilespmem:s7], [sflag:$0x1], $0x1, s31, s6, $0xb8;
	[tilespmem:$0x2D80] =	vst v63  }
0x59: {  	s10 =	rddreg [dreg:$0xb]  }
0x5a: {  	[spmem:s2] =	stream.indirect.scatter.add.f32 [tilespmem:s7], [sflag:$0x1], $0x1, s1, s6, $0xb8;
	[tilespmem:$0x2D80] =	vst v63  }
0x5b: {  	s11 =	rddreg [dreg:$0xc]  }
0x5c: {  	[spmem:s2] =	stream.indirect.scatter.add.f32 [tilespmem:s7], [sflag:$0x1], $0x1, s10, s6, $0xb8;
	[tilespmem:$0x2D80] =	vst v63  }
0x5d: {  	s12 =	rddreg [dreg:$0xd]  }
0x5e: {  	[spmem:s2] =	stream.indirect.scatter.add.f32 [tilespmem:s7], [sflag:$0x1], $0x1, s11, s6, $0xb8;
	[tilespmem:$0x2D80] =	vst v63  }
0x5f: {  	s13 =	rddreg [dreg:$0xe]  }
0x60: {  	[spmem:s2] =	stream.indirect.scatter.add.f32 [tilespmem:s7], [sflag:$0x1], $0x1, s12, s6, $0xb8;
	[tilespmem:$0x2D80] =	vst v63  }
0x61: {  	s14 =	rddreg [dreg:$0xf]  }
0x62: {  	[spmem:s2] =	stream.indirect.scatter.add.f32 [tilespmem:s7], [sflag:$0x1], $0x1, s13, s6, $0xb8;
	[tilespmem:$0x2D80] =	vst v63  }
0x63: {  	s15 =	rddreg [dreg:$0x10]  }
0x64: {  	[spmem:s2] =	stream.indirect.scatter.add.f32 [tilespmem:s7], [sflag:$0x1], $0x1, s14, s6, $0xb8;
	[tilespmem:$0x2D80] =	vst v63  }
0x65: {  	s16 =	rddreg [dreg:$0x11]  }
0x66: {  	[spmem:s2] =	stream.indirect.scatter.add.f32 [tilespmem:s7], [sflag:$0x1], $0x1, s15, s6, $0xb8;
	[tilespmem:$0x2D80] =	vst v63  }
0x67: {  	s17 =	rddreg [dreg:$0x12]  }
0x68: {  	[spmem:s2] =	stream.indirect.scatter.add.f32 [tilespmem:s7], [sflag:$0x1], $0x1, s16, s6, $0xb8;
	[tilespmem:$0x2D80] =	vst v63  }
0x69: {  	s18 =	rddreg [dreg:$0x13]  }
0x6a: {  	[spmem:s2] =	stream.indirect.scatter.add.f32 [tilespmem:s7], [sflag:$0x1], $0x1, s17, s6, $0xb8;
	[tilespmem:$0x2D80] =	vst v63  }
0x6b: {  	s19 =	rddreg [dreg:$0x14]  }
0x6c: {  	[spmem:s2] =	stream.indirect.scatter.add.f32 [tilespmem:s7], [sflag:$0x1], $0x1, s18, s6, $0xb8;
	[tilespmem:$0x2D80] =	vst v63  }
0x6d: {  	s20 =	rddreg [dreg:$0x15]  }
0x6e: {  	[spmem:s2] =	stream.indirect.scatter.add.f32 [tilespmem:s7], [sflag:$0x1], $0x1, s19, s6, $0xb8;
	[tilespmem:$0x2D80] =	vst v63  }
0x6f: {  	s21 =	rddreg [dreg:$0x16]  }
0x70: {  	[spmem:s2] =	stream.indirect.scatter.add.f32 [tilespmem:s7], [sflag:$0x1], $0x1, s20, s6, $0xb8;
	[tilespmem:$0x2D80] =	vst v63  }
0x71: {  	s22 =	rddreg [dreg:$0x17]  }
0x72: {  	[spmem:s2] =	stream.indirect.scatter.add.f32 [tilespmem:s7], [sflag:$0x1], $0x1, s21, s6, $0xb8;
	[tilespmem:$0x2D80] =	vst v63  }
0x73: {  	s23 =	rddreg [dreg:$0x18]  }
0x74: {  	[spmem:s2] =	stream.indirect.scatter.add.f32 [tilespmem:s7], [sflag:$0x1], $0x1, s22, s6, $0xb8;
	[tilespmem:$0x2D80] =	vst v63  }
0x75: {  	s24 =	rddreg [dreg:$0x19]  }
0x76: {  	[spmem:s2] =	stream.indirect.scatter.add.f32 [tilespmem:s7], [sflag:$0x1], $0x1, s23, s6, $0xb8;
	[tilespmem:$0x2D80] =	vst v63  }
0x77: {  	s25 =	rddreg [dreg:$0x1a]  }
0x78: {  	[spmem:s2] =	stream.indirect.scatter.add.f32 [tilespmem:s7], [sflag:$0x1], $0x1, s24, s6, $0xb8;
	[tilespmem:$0x2D80] =	vst v63  }
0x79: {  	s26 =	rddreg [dreg:$0x1b]  }
0x7a: {  	[spmem:s2] =	stream.indirect.scatter.add.f32 [tilespmem:s7], [sflag:$0x1], $0x1, s25, s6, $0xb8;
	[tilespmem:$0x2D80] =	vst v63  }
0x7b: {  	s31 =	rddreg [dreg:$0x1c]  }
0x7c: {  	[spmem:s2] =	stream.indirect.scatter.add.f32 [tilespmem:s7], [sflag:$0x1], $0x1, s26, s6, $0xb8;
	[tilespmem:$0x2D80] =	vst v63  }
0x7d: {  	s1 =	rddreg [dreg:$0x1d]  }
0x7e: {  	[spmem:s2] =	stream.indirect.scatter.add.f32 [tilespmem:s7], [sflag:$0x1], $0x1, s31, s6, $0xb8;
	[tilespmem:$0x2D80] =	vst v63  }
0x7f: {  	s10 =	rddreg [dreg:$0x1e]  }
0x80: {  	[spmem:s2] =	stream.indirect.scatter.add.f32 [tilespmem:s7], [sflag:$0x1], $0x1, s1, s6, $0xb8;
	[tilespmem:$0x2D80] =	vst v63  }
0x81: {  	s11 =	rddreg [dreg:$0x1f]  }
0x82: {  	[spmem:s2] =	stream.indirect.scatter.add.f32 [tilespmem:s7], [sflag:$0x1], $0x1, s10, s6, $0xb8;
	[tilespmem:$0x2D80] =	vst v63  }
0x83: {  	s12 =	sld [smem:$0x7DB]  }
0x84: {  	[spmem:s2] =	stream.indirect.scatter.add.f32 [tilespmem:s7], [sflag:$0x1], $0x1, s11, s6, $0xb8;
	[tilespmem:$0x2D80] =	vst v63  }
0x85: {  	s13 =	sld [smem:$0x7DC]  }
0x86: {  	[spmem:s2] =	stream.indirect.scatter.add.f32 [tilespmem:s7], [sflag:$0x1], $0x1, s12, s6, $0xb8;
	[tilespmem:$0x2D80] =	vst v63  }
0x87: {  	s14 =	sld [smem:$0x7DD]  }
0x88: {  	[spmem:s2] =	stream.indirect.scatter.add.f32 [tilespmem:s7], [sflag:$0x1], $0x1, s13, s6, $0xb8;
	[tilespmem:$0x2D80] =	vst v63  }
0x89: {  	s15 =	sld [smem:$0x7DE]  }
0x8a: {  	[spmem:s2] =	stream.indirect.scatter.add.f32 [tilespmem:s7], [sflag:$0x1], $0x1, s14, s6, $0xb8;
	[tilespmem:$0x2D80] =	vst v63  }
0x8b: {  	s16 =	sld [smem:$0x7DF]  }
0x8c: {  	[spmem:s2] =	stream.indirect.scatter.add.f32 [tilespmem:s7], [sflag:$0x1], $0x1, s15, s6, $0xb8;
	[tilespmem:$0x2D80] =	vst v63  }
0x8d: {  	s17 =	sld [smem:$0x7E0]  }
0x8e: {  	[spmem:s2] =	stream.indirect.scatter.add.f32 [tilespmem:s7], [sflag:$0x1], $0x1, s16, s6, $0xb8;
	[tilespmem:$0x2D80] =	vst v63  }
0x8f: {  	s18 =	sld [smem:$0x7E1]  }
0x90: {  	[spmem:s2] =	stream.indirect.scatter.add.f32 [tilespmem:s7], [sflag:$0x1], $0x1, s17, s6, $0xb8;
	[tilespmem:$0x2D80] =	vst v63  }
0x91: {  	s19 =	sld [smem:$0x7E2]  }
0x92: {  	[spmem:s2] =	stream.indirect.scatter.add.f32 [tilespmem:s7], [sflag:$0x1], $0x1, s18, s6, $0xb8;
	[tilespmem:$0x2D80] =	vst v63  }
0x93: {  	s20 =	sld [smem:$0x7E3]  }
0x94: {  	[spmem:s2] =	stream.indirect.scatter.add.f32 [tilespmem:s7], [sflag:$0x1], $0x1, s19, s6, $0xb8;
	[tilespmem:$0x2D80] =	vst v63  }
0x95: {  	s21 =	sld [smem:$0x7E4]  }
0x96: {  	[spmem:s2] =	stream.indirect.scatter.add.f32 [tilespmem:s7], [sflag:$0x1], $0x1, s20, s6, $0xb8;
	[tilespmem:$0x2D80] =	vst v63  }
0x97: {  	s22 =	sld [smem:$0x7E5]  }
0x98: {  	[spmem:s2] =	stream.indirect.scatter.add.f32 [tilespmem:s7], [sflag:$0x1], $0x1, s21, s6, $0xb8;
	[tilespmem:$0x2D80] =	vst v63  }
0x99: {  	s23 =	sld [smem:$0x7E6]  }
0x9a: {  	[spmem:s2] =	stream.indirect.scatter.add.f32 [tilespmem:s7], [sflag:$0x1], $0x1, s22, s6, $0xb8;
	[tilespmem:$0x2D80] =	vst v63  }
0x9b: {  	s24 =	sld [smem:$0x7E7]  }
0x9c: {  	[spmem:s2] =	stream.indirect.scatter.add.f32 [tilespmem:s7], [sflag:$0x1], $0x1, s23, s6, $0xb8;
	[tilespmem:$0x2D80] =	vst v63  }
0x9d: {  	s25 =	sld [smem:$0x7E8]  }
0x9e: {  	[spmem:s2] =	stream.indirect.scatter.add.f32 [tilespmem:s7], [sflag:$0x1], $0x1, s24, s6, $0xb8;
	[tilespmem:$0x2D80] =	vst v63  }
0x9f: {  	s26 =	sld [smem:$0x7E9]  }
0xa0: {  	[spmem:s2] =	stream.indirect.scatter.add.f32 [tilespmem:s7], [sflag:$0x1], $0x1, s25, s6, $0xb8;
	[tilespmem:$0x2D80] =	vst v63  }
0xa1: {  	s31 =	sld [smem:$0x7EA]  }
0xa2: {  	[spmem:s2] =	stream.indirect.scatter.add.f32 [tilespmem:s7], [sflag:$0x1], $0x1, s26, s6, $0xb8;
	[tilespmem:$0x2D80] =	vst v63  }
0xa3: {  	s1 =	sld [smem:$0x7EB]  }
0xa4: {  	[spmem:s2] =	stream.indirect.scatter.add.f32 [tilespmem:s7], [sflag:$0x1], $0x1, s31, s6, $0xb8;
	[tilespmem:$0x2D80] =	vst v63  }
0xa5: {  	s10 =	sld [smem:$0x7EC]  }
0xa6: {  	[spmem:s2] =	stream.indirect.scatter.add.f32 [tilespmem:s7], [sflag:$0x1], $0x1, s1, s6, $0xb8;
	[tilespmem:$0x2D80] =	vst v63  }
0xa7: {  	s11 =	sld [smem:$0x7ED]  }
0xa8: {  	[spmem:s2] =	stream.indirect.scatter.add.f32 [tilespmem:s7], [sflag:$0x1], $0x1, s10, s6, $0xb8;
	[tilespmem:$0x2D80] =	vst v63  }
0xa9: {  	s12 =	sld [smem:$0x7EE]  }
0xaa: {  	[spmem:s2] =	stream.indirect.scatter.add.f32 [tilespmem:s7], [sflag:$0x1], $0x1, s11, s6, $0xb8;
	[tilespmem:$0x2D80] =	vst v63  }
0xab: {  	s13 =	sld [smem:$0x7EF]  }
0xac: {  	[spmem:s2] =	stream.indirect.scatter.add.f32 [tilespmem:s7], [sflag:$0x1], $0x1, s12, s6, $0xb8;
	[tilespmem:$0x2D80] =	vst v63  }
0xad: {  	s14 =	sld [smem:$0x7F0]  }
0xae: {  	[spmem:s2] =	stream.indirect.scatter.add.f32 [tilespmem:s7], [sflag:$0x1], $0x1, s13, s6, $0xb8;
	[tilespmem:$0x2D80] =	vst v63  }
0xaf: {  	s15 =	sld [smem:$0x7F1]  }
0xb0: {  	[spmem:s2] =	stream.indirect.scatter.add.f32 [tilespmem:s7], [sflag:$0x1], $0x1, s14, s6, $0xb8;
	[tilespmem:$0x2D80] =	vst v63  }
0xb1: {  	s16 =	sld [smem:$0x7F2]  }
0xb2: {  	[spmem:s2] =	stream.indirect.scatter.add.f32 [tilespmem:s7], [sflag:$0x1], $0x1, s15, s6, $0xb8;
	[tilespmem:$0x2D80] =	vst v63  }
0xb3: {  	s17 =	sld [smem:$0x7F3]  }
0xb4: {  	[spmem:s2] =	stream.indirect.scatter.add.f32 [tilespmem:s7], [sflag:$0x1], $0x1, s16, s6, $0xb8;
	[tilespmem:$0x2D80] =	vst v63  }
0xb5: {  	s18 =	sld [smem:$0x7F4]  }
0xb6: {  	[spmem:s2] =	stream.indirect.scatter.add.f32 [tilespmem:s7], [sflag:$0x1], $0x1, s17, s6, $0xb8;
	[tilespmem:$0x2D80] =	vst v63  }
0xb7: {  	s19 =	sld [smem:$0x7F5]  }
0xb8: {  	[spmem:s2] =	stream.indirect.scatter.add.f32 [tilespmem:s7], [sflag:$0x1], $0x1, s18, s6, $0xb8;
	[tilespmem:$0x2D80] =	vst v63  }
0xb9: {  	s20 =	sld [smem:$0x7F6]  }
0xba: {  	[spmem:s2] =	stream.indirect.scatter.add.f32 [tilespmem:s7], [sflag:$0x1], $0x1, s19, s6, $0xb8;
	[tilespmem:$0x2D80] =	vst v63  }
0xbb: {  	s21 =	sld [smem:$0x7F7]  }
0xbc: {  	[spmem:s2] =	stream.indirect.scatter.add.f32 [tilespmem:s7], [sflag:$0x1], $0x1, s20, s6, $0xb8;
	[tilespmem:$0x2D80] =	vst v63  }
0xbd: {  	s22 =	sld [smem:$0x7F8]  }
0xbe: {  	[spmem:s2] =	stream.indirect.scatter.add.f32 [tilespmem:s7], [sflag:$0x1], $0x1, s21, s6, $0xb8;
	[tilespmem:$0x2D80] =	vst v63  }
0xbf: {  	s23 =	sld [smem:$0x7F9]  }
0xc0: {  	[spmem:s2] =	stream.indirect.scatter.add.f32 [tilespmem:s7], [sflag:$0x1], $0x1, s22, s6, $0xb8;
	[tilespmem:$0x2D80] =	vst v63  }
0xc1: {  	s24 =	sld [smem:$0x7FA]  }
0xc2: {  	[spmem:s2] =	stream.indirect.scatter.add.f32 [tilespmem:s7], [sflag:$0x1], $0x1, s23, s6, $0xb8;
	[tilespmem:$0x2D80] =	vst v63  }
0xc3: {  	s25 =	sld [smem:$0x7FB]  }
0xc4: {  	[spmem:s2] =	stream.indirect.scatter.add.f32 [tilespmem:s7], [sflag:$0x1], $0x1, s24, s6, $0xb8;
	[tilespmem:$0x2D80] =	vst v63  }
0xc5: {  	s26 =	sld [smem:$0x7FC]  }
0xc6: {  	[spmem:s2] =	stream.indirect.scatter.add.f32 [tilespmem:s7], [sflag:$0x1], $0x1, s25, s6, $0xb8;
	[tilespmem:$0x2D80] =	vst v63  }
0xc7: {  	s31 =	sld [smem:$0x7FD]  }
0xc8: {  	[spmem:s2] =	stream.indirect.scatter.add.f32 [tilespmem:s7], [sflag:$0x1], $0x1, s26, s6, $0xb8;
	[tilespmem:$0x2D80] =	vst v63  }
0xc9: {  	_ = 	snop  }
0xca: {  	[spmem:s2] =	stream.indirect.scatter.add.f32 [tilespmem:s7], [sflag:$0x1], $0x1, s31, s6, $0xb8;
	[tilespmem:$0x2D80] =	vst v63  }
0xcb: {  	s8 =	simm.s32 $0x1F00  }
0xcc: {  	[spmem:s2] =	stream.indirect.scatter.add.f32 [tilespmem:s7], [sflag:$0x1], $0x1, s8, s6, $0xb8;
	[tilespmem:$0x2D80] =	vst v63  }
0xcd: {  	s9 =	simm.s32 $0x1F80  }
0xce: {  	[spmem:s2] =	stream.indirect.scatter.add.f32 [tilespmem:s7], [sflag:$0x1], $0x1, s9, s6, $0xb8;
	[tilespmem:$0x2D80] =	vst v63  }
0xcf: {  	s10 =	simm.s32 $0x2000  }
0xd0: {  	[spmem:s2] =	stream.indirect.scatter.add.f32 [tilespmem:s7], [sflag:$0x1], $0x1, s10, s6, $0xb8;
	[tilespmem:$0x2D80] =	vst v63  }
0xd1: {  	s11 =	simm.s32 $0x2080  }
0xd2: {  	[spmem:s2] =	stream.indirect.scatter.add.f32 [tilespmem:s7], [sflag:$0x1], $0x1, s11, s6, $0xb8;
	[tilespmem:$0x2D80] =	vst v63  }
0xd3: {  	s12 =	simm.s32 $0x2100  }
0xd4: {  	[spmem:s2] =	stream.indirect.scatter.add.f32 [tilespmem:s7], [sflag:$0x1], $0x1, s12, s6, $0xb8;
	[tilespmem:$0x2D80] =	vst v63  }
0xd5: {  	s13 =	simm.s32 $0x2180  }
0xd6: {  	[spmem:s2] =	stream.indirect.scatter.add.f32 [tilespmem:s7], [sflag:$0x1], $0x1, s13, s6, $0xb8;
	[tilespmem:$0x2D80] =	vst v63  }
0xd7: {  	s14 =	simm.s32 $0x2200  }
0xd8: {  	[spmem:s2] =	stream.indirect.scatter.add.f32 [tilespmem:s7], [sflag:$0x1], $0x1, s14, s6, $0xb8;
	[tilespmem:$0x2D80] =	vst v63  }
0xd9: {  	s15 =	simm.s32 $0x2280  }
0xda: {  	[spmem:s2] =	stream.indirect.scatter.add.f32 [tilespmem:s7], [sflag:$0x1], $0x1, s15, s6, $0xb8;
	[tilespmem:$0x2D80] =	vst v63  }
0xdb: {  	s16 =	simm.s32 $0x2300  }
0xdc: {  	[spmem:s2] =	stream.indirect.scatter.add.f32 [tilespmem:s7], [sflag:$0x1], $0x1, s16, s6, $0xb8;
	[tilespmem:$0x2D80] =	vst v63  }
0xdd: {  	s17 =	simm.s32 $0x2380  }
0xde: {  	[spmem:s2] =	stream.indirect.scatter.add.f32 [tilespmem:s7], [sflag:$0x1], $0x1, s17, s6, $0xb8;
	[tilespmem:$0x2D80] =	vst v63  }
0xdf: {  	s18 =	simm.s32 $0x2400  }
0xe0: {  	[spmem:s2] =	stream.indirect.scatter.add.f32 [tilespmem:s7], [sflag:$0x1], $0x1, s18, s6, $0xb8;
	[tilespmem:$0x2D80] =	vst v63  }
0xe1: {  	s19 =	simm.s32 $0x2480  }
0xe2: {  	[spmem:s2] =	stream.indirect.scatter.add.f32 [tilespmem:s7], [sflag:$0x1], $0x1, s19, s6, $0xb8;
	[tilespmem:$0x2D80] =	vst v63  }
0xe3: {  	s20 =	simm.s32 $0x2500  }
0xe4: {  	[spmem:s2] =	stream.indirect.scatter.add.f32 [tilespmem:s7], [sflag:$0x1], $0x1, s20, s6, $0xb8;
	[tilespmem:$0x2D80] =	vst v63  }
0xe5: {  	s21 =	simm.s32 $0x2580  }
0xe6: {  	[spmem:s2] =	stream.indirect.scatter.add.f32 [tilespmem:s7], [sflag:$0x1], $0x1, s21, s6, $0xb8;
	[tilespmem:$0x2D80] =	vst v63  }
0xe7: {  	s22 =	simm.s32 $0x2600  }
0xe8: {  	[spmem:s2] =	stream.indirect.scatter.add.f32 [tilespmem:s7], [sflag:$0x1], $0x1, s22, s6, $0xb8;
	[tilespmem:$0x2D80] =	vst v63  }
0xe9: {  	s23 =	simm.s32 $0x2680  }
0xea: {  	[spmem:s2] =	stream.indirect.scatter.add.f32 [tilespmem:s7], [sflag:$0x1], $0x1, s23, s6, $0xb8;
	[tilespmem:$0x2D80] =	vst v63  }
0xeb: {  	s24 =	simm.s32 $0x2700  }
0xec: {  	[spmem:s2] =	stream.indirect.scatter.add.f32 [tilespmem:s7], [sflag:$0x1], $0x1, s24, s6, $0xb8;
	[tilespmem:$0x2D80] =	vst v63  }
0xed: {  	s25 =	simm.s32 $0x2780;
	s26 =	simm.s32 $0x1  }
0xee: {  	[spmem:s2] =	stream.indirect.scatter.add.f32 [tilespmem:s7], [sflag:$0x1], $0x1, s25, s6, $0xb8;
	[tilespmem:$0x2D80] =	vst v63  }
0xef: {  	_ =	swait.ge [sflag:s26], $0x80  }
0xf0: {  	[sflag:s26] =	ssyncset.done $0x0  }
0xf1: {  	[sflag:s26] =	ssyncadd.s32 $0xFFFFFF80  }
0xf2: {  	_ =	swait.ge [sflag:s26], $0x80  }
0xf3: {  	[sflag:s26] =	ssyncset.done $0x0  }
0xf4: {  	[sflag:s26] =	ssyncadd.s32 $0xFFFFFF80  }
0xf5: {  	_ =	swait.ge [sflag:s26], $0x80  }
0xf6: {  	[sflag:s26] =	ssyncset.done $0x0  }
0xf7: {  	[sflag:s26] =	ssyncadd.s32 $0xFFFFFF80  }
0xf8: {  	_ =	swait.ge [sflag:s26], $0x80  }
0xf9: {  	[sflag:s26] =	ssyncset.done $0x0  }
0xfa: {  	[sflag:s26] =	ssyncadd.s32 $0xFFFFFF80  }
0xfb: {  	_ =	swait.ge [sflag:s26], $0x80  }
0xfc: {  	[sflag:s26] =	ssyncset.done $0x0  }
0xfd: {  	[sflag:s26] =	ssyncadd.s32 $0xFFFFFF80  }
0xfe: {  	_ =	swait.ge [sflag:s26], $0x80  }
0xff: {  	[sflag:s26] =	ssyncset.done $0x0  }
0x100: {  	[sflag:s26] =	ssyncadd.s32 $0xFFFFFF80  }
0x101: {  	_ =	swait.ge [sflag:s26], $0x80  }
0x102: {  	[sflag:s26] =	ssyncset.done $0x0  }
0x103: {  	[sflag:s26] =	ssyncadd.s32 $0xFFFFFF80  }
0x104: {  	_ =	swait.ge [sflag:s26], $0x80  }
0x105: {  	[sflag:s26] =	ssyncset.done $0x0  }
0x106: {  	[sflag:s26] =	ssyncadd.s32 $0xFFFFFF80  }
0x107: {  	_ =	swait.ge [sflag:s26], $0x80  }
0x108: {  	[sflag:s26] =	ssyncset.done $0x0  }
0x109: {  	[sflag:s26] =	ssyncadd.s32 $0xFFFFFF80  }
0x10a: {  	_ =	swait.ge [sflag:s26], $0x80  }
0x10b: {  	[sflag:s26] =	ssyncset.done $0x0  }
0x10c: {  	[sflag:s26] =	ssyncadd.s32 $0xFFFFFF80  }
0x10d: {  	_ =	swait.ge [sflag:s26], $0x80  }
0x10e: {  	[sflag:s26] =	ssyncset.done $0x0  }
0x10f: {  	[sflag:s26] =	ssyncadd.s32 $0xFFFFFF80  }
0x110: {  	_ =	swait.ge [sflag:s26], $0x80  }
0x111: {  	[sflag:s26] =	ssyncset.done $0x0  }
0x112: {  	[sflag:s26] =	ssyncadd.s32 $0xFFFFFF80  }
0x113: {  	_ =	swait.ge [sflag:s26], $0x80  }
0x114: {  	[sflag:s26] =	ssyncset.done $0x0  }
0x115: {  	[sflag:s26] =	ssyncadd.s32 $0xFFFFFF80  }
0x116: {  	_ =	swait.ge [sflag:s26], $0x80  }
0x117: {  	[sflag:s26] =	ssyncset.done $0x0  }
0x118: {  	[sflag:s26] =	ssyncadd.s32 $0xFFFFFF80  }
0x119: {  	_ =	swait.ge [sflag:s26], $0x80  }
0x11a: {  	[sflag:s26] =	ssyncset.done $0x0  }
0x11b: {  	[sflag:s26] =	ssyncadd.s32 $0xFFFFFF80  }
0x11c: {  	_ =	swait.ge [sflag:s26], $0x80  }
0x11d: {  	[sflag:s26] =	ssyncset.done $0x0  }
0x11e: {  	[sflag:s26] =	ssyncadd.s32 $0xFFFFFF80  }
0x11f: {  	_ =	swait.ge [sflag:s26], $0x80  }
0x120: {  	[sflag:s26] =	ssyncset.done $0x0  }
0x121: {  	[sflag:s26] =	ssyncadd.s32 $0xFFFFFF80  }
0x122: {  	_ =	swait.ge [sflag:s26], $0x80  }
0x123: {  	[sflag:s26] =	ssyncset.done $0x0  }
0x124: {  	[sflag:s26] =	ssyncadd.s32 $0xFFFFFF80  }
0x125: {  	_ =	swait.ge [sflag:s26], $0x80  }
0x126: {  	[sflag:s26] =	ssyncset.done $0x0  }
0x127: {  	[sflag:s26] =	ssyncadd.s32 $0xFFFFFF80  }
0x128: {  	_ =	swait.ge [sflag:s26], $0x80  }
0x129: {  	[sflag:s26] =	ssyncset.done $0x0  }
0x12a: {  	[sflag:s26] =	ssyncadd.s32 $0xFFFFFF80  }
0x12b: {  	_ =	swait.ge [sflag:s26], $0x80  }
0x12c: {  	[sflag:s26] =	ssyncset.done $0x0  }
0x12d: {  	[sflag:s26] =	ssyncadd.s32 $0xFFFFFF80  }
0x12e: {  	_ =	swait.ge [sflag:s26], $0x80  }
0x12f: {  	[sflag:s26] =	ssyncset.done $0x0  }
0x130: {  	[sflag:s26] =	ssyncadd.s32 $0xFFFFFF80  }
0x131: {  	_ =	swait.ge [sflag:s26], $0x80  }
0x132: {  	[sflag:s26] =	ssyncset.done $0x0  }
0x133: {  	[sflag:s26] =	ssyncadd.s32 $0xFFFFFF80  }
0x134: {  	_ =	swait.ge [sflag:s26], $0x80  }
0x135: {  	[sflag:s26] =	ssyncset.done $0x0  }
0x136: {  	[sflag:s26] =	ssyncadd.s32 $0xFFFFFF80  }
0x137: {  	_ =	swait.ge [sflag:s26], $0x80  }
0x138: {  	[sflag:s26] =	ssyncset.done $0x0  }
0x139: {  	[sflag:s26] =	ssyncadd.s32 $0xFFFFFF80  }
0x13a: {  	_ =	swait.ge [sflag:s26], $0x80  }
0x13b: {  	[sflag:s26] =	ssyncset.done $0x0  }
0x13c: {  	[sflag:s26] =	ssyncadd.s32 $0xFFFFFF80  }
0x13d: {  	_ =	swait.ge [sflag:s26], $0x80  }
0x13e: {  	[sflag:s26] =	ssyncset.done $0x0  }
0x13f: {  	[sflag:s26] =	ssyncadd.s32 $0xFFFFFF80  }
0x140: {  	_ =	swait.ge [sflag:s26], $0x80  }
0x141: {  	[sflag:s26] =	ssyncset.done $0x0  }
0x142: {  	[sflag:s26] =	ssyncadd.s32 $0xFFFFFF80  }
0x143: {  	_ =	swait.ge [sflag:s26], $0x80  }
0x144: {  	[sflag:s26] =	ssyncset.done $0x0  }
0x145: {  	[sflag:s26] =	ssyncadd.s32 $0xFFFFFF80  }
0x146: {  	_ =	swait.ge [sflag:s26], $0x80  }
0x147: {  	[sflag:s26] =	ssyncset.done $0x0  }
0x148: {  	[sflag:s26] =	ssyncadd.s32 $0xFFFFFF80  }
0x149: {  	_ =	swait.ge [sflag:s26], $0x80  }
0x14a: {  	[sflag:s26] =	ssyncset.done $0x0  }
0x14b: {  	[sflag:s26] =	ssyncadd.s32 $0xFFFFFF80  }
0x14c: {  	_ =	swait.ge [sflag:s26], $0x80  }
0x14d: {  	[sflag:s26] =	ssyncset.done $0x0  }
0x14e: {  	[sflag:s26] =	ssyncadd.s32 $0xFFFFFF80  }
0x14f: {  	_ =	swait.ge [sflag:s26], $0x80  }
0x150: {  	[sflag:s26] =	ssyncset.done $0x0  }
0x151: {  	[sflag:s26] =	ssyncadd.s32 $0xFFFFFF80  }
0x152: {  	_ =	swait.ge [sflag:s26], $0x80  }
0x153: {  	[sflag:s26] =	ssyncset.done $0x0  }
0x154: {  	[sflag:s26] =	ssyncadd.s32 $0xFFFFFF80  }
0x155: {  	_ =	swait.ge [sflag:s26], $0x80  }
0x156: {  	[sflag:s26] =	ssyncset.done $0x0  }
0x157: {  	[sflag:s26] =	ssyncadd.s32 $0xFFFFFF80  }
0x158: {  	_ =	swait.ge [sflag:s26], $0x80  }
0x159: {  	[sflag:s26] =	ssyncset.done $0x0  }
0x15a: {  	[sflag:s26] =	ssyncadd.s32 $0xFFFFFF80  }
0x15b: {  	_ =	swait.ge [sflag:s26], $0x80  }
0x15c: {  	[sflag:s26] =	ssyncset.done $0x0  }
0x15d: {  	[sflag:s26] =	ssyncadd.s32 $0xFFFFFF80  }
0x15e: {  	_ =	swait.ge [sflag:s26], $0x80  }
0x15f: {  	[sflag:s26] =	ssyncset.done $0x0  }
0x160: {  	[sflag:s26] =	ssyncadd.s32 $0xFFFFFF80  }
0x161: {  	_ =	swait.ge [sflag:s26], $0x80  }
0x162: {  	[sflag:s26] =	ssyncset.done $0x0  }
0x163: {  	[sflag:s26] =	ssyncadd.s32 $0xFFFFFF80  }
0x164: {  	_ =	swait.ge [sflag:s26], $0x80  }
0x165: {  	[sflag:s26] =	ssyncset.done $0x0  }
0x166: {  	[sflag:s26] =	ssyncadd.s32 $0xFFFFFF80  }
0x167: {  	_ =	swait.ge [sflag:s26], $0x80  }
0x168: {  	[sflag:s26] =	ssyncset.done $0x0  }
0x169: {  	[sflag:s26] =	ssyncadd.s32 $0xFFFFFF80  }
0x16a: {  	_ =	swait.ge [sflag:s26], $0x80  }
0x16b: {  	[sflag:s26] =	ssyncset.done $0x0  }
0x16c: {  	[sflag:s26] =	ssyncadd.s32 $0xFFFFFF80  }
0x16d: {  	_ =	swait.ge [sflag:s26], $0x80  }
0x16e: {  	[sflag:s26] =	ssyncset.done $0x0  }
0x16f: {  	[sflag:s26] =	ssyncadd.s32 $0xFFFFFF80  }
0x170: {  	_ =	swait.ge [sflag:s26], $0x80  }
0x171: {  	[sflag:s26] =	ssyncset.done $0x0  }
0x172: {  	[sflag:s26] =	ssyncadd.s32 $0xFFFFFF80  }
0x173: {  	_ =	swait.ge [sflag:s26], $0x80  }
0x174: {  	[sflag:s26] =	ssyncset.done $0x0  }
0x175: {  	[sflag:s26] =	ssyncadd.s32 $0xFFFFFF80  }
0x176: {  	_ =	swait.ge [sflag:s26], $0x80  }
0x177: {  	[sflag:s26] =	ssyncset.done $0x0  }
0x178: {  	[sflag:s26] =	ssyncadd.s32 $0xFFFFFF80  }
0x179: {  	_ =	swait.ge [sflag:s26], $0x80  }
0x17a: {  	[sflag:s26] =	ssyncset.done $0x0  }
0x17b: {  	[sflag:s26] =	ssyncadd.s32 $0xFFFFFF80  }
0x17c: {  	_ =	swait.ge [sflag:s26], $0x80  }
0x17d: {  	[sflag:s26] =	ssyncset.done $0x0  }
0x17e: {  	[sflag:s26] =	ssyncadd.s32 $0xFFFFFF80  }
0x17f: {  	_ =	swait.ge [sflag:s26], $0x80  }
0x180: {  	[sflag:s26] =	ssyncset.done $0x0  }
0x181: {  	[sflag:s26] =	ssyncadd.s32 $0xFFFFFF80  }
0x182: {  	_ =	swait.ge [sflag:s26], $0x80  }
0x183: {  	[sflag:s26] =	ssyncset.done $0x0  }
0x184: {  	[sflag:s26] =	ssyncadd.s32 $0xFFFFFF80  }
0x185: {  	_ =	swait.ge [sflag:s26], $0x80  }
0x186: {  	[sflag:s26] =	ssyncset.done $0x0  }
0x187: {  	[sflag:s26] =	ssyncadd.s32 $0xFFFFFF80  }
0x188: {  	_ =	swait.ge [sflag:s26], $0x80  }
0x189: {  	[sflag:s26] =	ssyncset.done $0x0  }
0x18a: {  	[sflag:s26] =	ssyncadd.s32 $0xFFFFFF80  }
0x18b: {  	_ =	swait.ge [sflag:s26], $0x80  }
0x18c: {  	[sflag:s26] =	ssyncset.done $0x0  }
0x18d: {  	[sflag:s26] =	ssyncadd.s32 $0xFFFFFF80  }
0x18e: {  	_ =	swait.ge [sflag:s26], $0x80  }
0x18f: {  	[sflag:s26] =	ssyncset.done $0x0  }
0x190: {  	[sflag:s26] =	ssyncadd.s32 $0xFFFFFF80  }
0x191: {  	_ =	swait.ge [sflag:s26], $0x80  }
0x192: {  	[sflag:s26] =	ssyncset.done $0x0  }
0x193: {  	[sflag:s26] =	ssyncadd.s32 $0xFFFFFF80  }
0x194: {  	_ =	swait.ge [sflag:s26], $0x80  }
0x195: {  	[sflag:s26] =	ssyncset.done $0x0  }
0x196: {  	[sflag:s26] =	ssyncadd.s32 $0xFFFFFF80  }
0x197: {  	_ =	swait.ge [sflag:s26], $0x80  }
0x198: {  	[sflag:s26] =	ssyncset.done $0x0  }
0x199: {  	[sflag:s26] =	ssyncadd.s32 $0xFFFFFF80  }
0x19a: {  	_ =	swait.ge [sflag:s26], $0x80  }
0x19b: {  	[sflag:s26] =	ssyncset.done $0x0  }
0x19c: {  	[sflag:s26] =	ssyncadd.s32 $0xFFFFFF80  }
0x19d: {  	_ =	swait.ge [sflag:s26], $0x80  }
0x19e: {  	[sflag:s26] =	ssyncset.done $0x0  }
0x19f: {  	[sflag:s26] =	ssyncadd.s32 $0xFFFFFF80  }
0x1a0: {  	_ =	swait.ge [sflag:s26], $0x80  }
0x1a1: {  	[sflag:s26] =	ssyncset.done $0x0  }
0x1a2: {  	[sflag:s26] =	ssyncadd.s32 $0xFFFFFF80  }
0x1a3: {  	_ =	swait.ge [sflag:s26], $0x80  }
0x1a4: {  	[sflag:s26] =	ssyncset.done $0x0  }
0x1a5: {  	[sflag:s26] =	ssyncadd.s32 $0xFFFFFF80  }
0x1a6: {  	_ =	swait.ge [sflag:s26], $0x80  }
0x1a7: {  	[sflag:s26] =	ssyncset.done $0x0  }
0x1a8: {  	[sflag:s26] =	ssyncadd.s32 $0xFFFFFF80  }
0x1a9: {  	_ =	swait.ge [sflag:s26], $0x80  }
0x1aa: {  	[sflag:s26] =	ssyncset.done $0x0  }
0x1ab: {  	[sflag:s26] =	ssyncadd.s32 $0xFFFFFF80  }
0x1ac: {  	_ =	swait.ge [sflag:s26], $0x80  }
0x1ad: {  	[sflag:s26] =	ssyncset.done $0x0  }
0x1ae: {  	[sflag:s26] =	ssyncadd.s32 $0xFFFFFF80  }
0x1af: {  	_ =	swait.ge [sflag:s26], $0x80  }
0x1b0: {  	[sflag:s26] =	ssyncset.done $0x0  }
0x1b1: {  	[sflag:s26] =	ssyncadd.s32 $0xFFFFFF80  }
0x1b2: {  	_ =	swait.ge [sflag:s26], $0x80  }
0x1b3: {  	[sflag:s26] =	ssyncset.done $0x0  }
0x1b4: {  	[sflag:s26] =	ssyncadd.s32 $0xFFFFFF80  }
0x1b5: {  	_ =	swait.ge [sflag:s26], $0x80  }
0x1b6: {  	[sflag:s26] =	ssyncset.done $0x0  }
0x1b7: {  	[sflag:s26] =	ssyncadd.s32 $0xFFFFFF80  }
0x1b8: {  	_ =	swait.ge [sflag:s26], $0x80  }
0x1b9: {  	[sflag:s26] =	ssyncset.done $0x0  }
0x1ba: {  	[sflag:s26] =	ssyncadd.s32 $0xFFFFFF80  }
0x1bb: {  	_ =	swait.ge [sflag:s26], $0x80  }
0x1bc: {  	[sflag:s26] =	ssyncset.done $0x0  }
0x1bd: {  	[sflag:s26] =	ssyncadd.s32 $0xFFFFFF80  }
0x1be: {  	_ =	swait.ge [sflag:s26], $0x80  }
0x1bf: {  	[sflag:s26] =	ssyncset.done $0x0  }
0x1c0: {  	[sflag:s26] =	ssyncadd.s32 $0xFFFFFF80  }
0x1c1: {  	_ =	swait.ge [sflag:s26], $0x80  }
0x1c2: {  	[sflag:s26] =	ssyncset.done $0x0  }
0x1c3: {  	[sflag:s26] =	ssyncadd.s32 $0xFFFFFF80  }
0x1c4: {  	_ =	swait.ge [sflag:s26], $0x80  }
0x1c5: {  	[sflag:s26] =	ssyncset.done $0x0  }
0x1c6: {  	[sflag:s26] =	ssyncadd.s32 $0xFFFFFF80  }
0x1c7: {  	_ =	swait.ge [sflag:s26], $0x80  }
0x1c8: {  	[sflag:s26] =	ssyncset.done $0x0  }
0x1c9: {  	[sflag:s26] =	ssyncadd.s32 $0xFFFFFF80  }
0x1ca: {  	_ =	swait.ge [sflag:s26], $0x80  }
0x1cb: {  	[sflag:s26] =	ssyncset.done $0x0  }
0x1cc: {  	[sflag:s26] =	ssyncadd.s32 $0xFFFFFF80  }
0x1cd: {  	_ =	swait.ge [sflag:s26], $0x80  }
0x1ce: {  	[sflag:s26] =	ssyncset.done $0x0  }
0x1cf: {  	[sflag:s26] =	ssyncadd.s32 $0xFFFFFF80  }
0x1d0: {  	_ =	swait.ge [sflag:s26], $0x80  }
0x1d1: {  	[sflag:s26] =	ssyncset.done $0x0  }
0x1d2: {  	[sflag:s26] =	ssyncadd.s32 $0xFFFFFF80  }
0x1d3: {  	_ =	swait.ge [sflag:s26], $0x80  }
0x1d4: {  	[sflag:s26] =	ssyncset.done $0x0  }
0x1d5: {  	[sflag:s26] =	ssyncadd.s32 $0xFFFFFF80  }
0x1d6: {  	_ =	swait.ge [sflag:s26], $0x80  }
0x1d7: {  	[sflag:s26] =	ssyncset.done $0x0  }
0x1d8: {  	[sflag:s26] =	ssyncadd.s32 $0xFFFFFF80  }
0x1d9: {  	_ =	swait.ge [sflag:s26], $0x80  }
0x1da: {  	s28 =	ssub.s32 $0x2, s28;
	[sflag:s26] =	ssyncset.done $0x0  }
0x1db: {  	s29 =	sshrl.u32 s28, $0x1;
	[sflag:s26] =	ssyncadd.s32 $0xFFFFFF80  }
0x1dc: {  	s1 =	ssub.s32 s28, s29;
	_ =	swait.ge [sflag:s26], $0x80  }
0x1dd: {  	s1 =	smax.u32 s1, $0x1;
	[sflag:s26] =	ssyncset.done $0x0  }
0x1de: {  	p0 =	sne.s32 s1, $0x1;
	[sflag:s26] =	ssyncadd.s32 $0xFFFFFF80  }
.Ltmp0:
0x1df: {  	s31 =	sshll.u32 s0, $0x6;
	[bflag:$0x0] =	sbarrier.arrive $0xFFFF;
	(pc) =	sbr.rel @!p0 .LBB2_2-.Ltmp0, $4  }
0x1e0: {  	s29 =	sshrl.u32 s5, $0x3;
	s28 =	sor.u32 $0x1C02, s31;
	s30 =	rddreg [dreg:$0x5]  }
0x1e1: {  	[hbm:s30], [sflag:s28] =	dma.local [spmem:s29], $0x50  }
0x1e2: {  	_ =	swait.ge [sflag:s4], $0x50  }
0x1e3: {  	s30 =	sadd.s32 $0xFFFFFFFF, s1;
	[sflag:s4] =	ssyncset.done $0x0  }
.LBB2_1:
0x1e4: {  	[sflag:s4] =	ssyncadd.s32 $0xFFFFFFB0  }
0x1e5: {  	[tilespmem:$0x2880] =	vst v0  }
0x1e6: {  	[tilespmem:$0x2870] =	vst v1  }
0x1e7: {  	[tilespmem:$0x2860] =	vst v1  }
0x1e8: {  	[tilespmem:$0x2850] =	vst v1  }
0x1e9: {  	[tilespmem:$0x2840] =	vst v1  }
0x1ea: {  	[tilespmem:$0x2830] =	vst v1  }
0x1eb: {  	[tilespmem:$0x2820] =	vst v1  }
0x1ec: {  	[tilespmem:$0x2810] =	vst v1  }
0x1ed: {  	[tilespmem:$0x2800] =	vst v1  }
0x1ee: {  	[tilespmem:$0x2AF0] =	vst v0  }
0x1ef: {  	[tilespmem:$0x2AE0] =	vst v0  }
0x1f0: {  	[tilespmem:$0x2AD0] =	vst v0  }
0x1f1: {  	[tilespmem:$0x2AC0] =	vst v0  }
0x1f2: {  	[tilespmem:$0x2AB0] =	vst v0  }
0x1f3: {  	[tilespmem:$0x2AA0] =	vst v0  }
0x1f4: {  	[tilespmem:$0x2A90] =	vst v0  }
0x1f5: {  	[tilespmem:$0x2A80] =	vst v0  }
0x1f6: {  	[tilespmem:$0x2A70] =	vst v0  }
0x1f7: {  	[tilespmem:$0x2A60] =	vst v0  }
0x1f8: {  	[tilespmem:$0x2A50] =	vst v0  }
0x1f9: {  	[tilespmem:$0x2A40] =	vst v0  }
0x1fa: {  	[tilespmem:$0x2A30] =	vst v0  }
0x1fb: {  	[tilespmem:$0x2A20] =	vst v0  }
0x1fc: {  	[tilespmem:$0x2A10] =	vst v0  }
0x1fd: {  	[tilespmem:$0x2A00] =	vst v0  }
0x1fe: {  	[tilespmem:$0x29F0] =	vst v0  }
0x1ff: {  	[tilespmem:$0x29E0] =	vst v0  }
0x200: {  	[tilespmem:$0x29D0] =	vst v0  }
0x201: {  	[tilespmem:$0x29C0] =	vst v0  }
0x202: {  	[tilespmem:$0x29B0] =	vst v0  }
0x203: {  	[tilespmem:$0x29A0] =	vst v0  }
0x204: {  	[tilespmem:$0x2990] =	vst v0  }
0x205: {  	[tilespmem:$0x2980] =	vst v0  }
0x206: {  	[tilespmem:$0x2970] =	vst v0  }
0x207: {  	[tilespmem:$0x2960] =	vst v0  }
0x208: {  	[tilespmem:$0x2950] =	vst v0  }
0x209: {  	[tilespmem:$0x2940] =	vst v0  }
0x20a: {  	[tilespmem:$0x2930] =	vst v0  }
0x20b: {  	[tilespmem:$0x2920] =	vst v0  }
0x20c: {  	[tilespmem:$0x2910] =	vst v0  }
0x20d: {  	[tilespmem:$0x2900] =	vst v0  }
0x20e: {  	[tilespmem:$0x28F0] =	vst v0  }
0x20f: {  	[tilespmem:$0x28E0] =	vst v0  }
0x210: {  	[tilespmem:$0x28D0] =	vst v0  }
0x211: {  	[tilespmem:$0x28C0] =	vst v0  }
0x212: {  	[tilespmem:$0x28B0] =	vst v0  }
0x213: {  	[tilespmem:$0x28A0] =	vst v0  }
0x214: {  	s1 =	rddreg [dreg:$0x6];
	[tilespmem:$0x2890] =	vst v0  }
0x215: {  	[spmem:s5] =	stream.linear.scatter [tilespmem:s1], [sflag:$0x2], $0x280, $0x38;
	[tilespmem:$0x2D80] =	vst v63  }
0x216: {  	_ =	swait.ge [sflag:s4], $0x280  }
0x217: {  	[sflag:s4] =	ssyncset.done $0x0  }
0x218: {  	[sflag:s4] =	ssyncadd.s32 $0xFFFFFD80  }
0x219: {  	[bflag:$0x0] =	sbarrier.arrive $0xFFFF  }
0x21a: {  	s31 =	rddreg [dreg:$0x4]  }
0x21b: {  	[tilespmem:s3], [sflag:$0x2] =	stream.linear.gather [hbm4b:s31+s3], $0x2800, $0x38;
	[tilespmem:$0x2D80] =	vst v63  }
0x21c: {  	_ =	swait.ge [sflag:s4], $0x2800  }
0x21d: {  	[sflag:s4] =	ssyncset.done $0x0  }
0x21e: {  	[sflag:s4] =	ssyncadd.s32 $0xFFFFD800  }
0x21f: {  	[spmem:s2] =	stream.indirect.scatter.add.f32 [tilespmem:s7], [sflag:$0x1], $0x1, s3, s6, $0xb8;
	[tilespmem:$0x2D80] =	vst v63  }
0x220: {  	s1 =	rddreg [dreg:$0x7]  }
0x221: {  	[spmem:s2] =	stream.indirect.scatter.add.f32 [tilespmem:s7], [sflag:$0x1], $0x1, s6, s6, $0xb8;
	[tilespmem:$0x2D80] =	vst v63  }
0x222: {  	s31 =	rddreg [dreg:$0x8]  }
0x223: {  	[spmem:s2] =	stream.indirect.scatter.add.f32 [tilespmem:s7], [sflag:$0x1], $0x1, s1, s6, $0xb8;
	[tilespmem:$0x2D80] =	vst v63  }
0x224: {  	s1 =	rddreg [dreg:$0x9]  }
0x225: {  	[spmem:s2] =	stream.indirect.scatter.add.f32 [tilespmem:s7], [sflag:$0x1], $0x1, s31, s6, $0xb8;
	[tilespmem:$0x2D80] =	vst v63  }
0x226: {  	s31 =	rddreg [dreg:$0xa]  }
0x227: {  	[spmem:s2] =	stream.indirect.scatter.add.f32 [tilespmem:s7], [sflag:$0x1], $0x1, s1, s6, $0xb8;
	[tilespmem:$0x2D80] =	vst v63  }
0x228: {  	s1 =	rddreg [dreg:$0xb]  }
0x229: {  	[spmem:s2] =	stream.indirect.scatter.add.f32 [tilespmem:s7], [sflag:$0x1], $0x1, s31, s6, $0xb8;
	[tilespmem:$0x2D80] =	vst v63  }
0x22a: {  	s31 =	rddreg [dreg:$0xc]  }
0x22b: {  	[spmem:s2] =	stream.indirect.scatter.add.f32 [tilespmem:s7], [sflag:$0x1], $0x1, s1, s6, $0xb8;
	[tilespmem:$0x2D80] =	vst v63  }
0x22c: {  	s1 =	rddreg [dreg:$0xd]  }
0x22d: {  	[spmem:s2] =	stream.indirect.scatter.add.f32 [tilespmem:s7], [sflag:$0x1], $0x1, s31, s6, $0xb8;
	[tilespmem:$0x2D80] =	vst v63  }
0x22e: {  	s31 =	rddreg [dreg:$0xe]  }
0x22f: {  	[spmem:s2] =	stream.indirect.scatter.add.f32 [tilespmem:s7], [sflag:$0x1], $0x1, s1, s6, $0xb8;
	[tilespmem:$0x2D80] =	vst v63  }
0x230: {  	s1 =	rddreg [dreg:$0xf]  }
0x231: {  	[spmem:s2] =	stream.indirect.scatter.add.f32 [tilespmem:s7], [sflag:$0x1], $0x1, s31, s6, $0xb8;
	[tilespmem:$0x2D80] =	vst v63  }
0x232: {  	s31 =	rddreg [dreg:$0x10]  }
0x233: {  	[spmem:s2] =	stream.indirect.scatter.add.f32 [tilespmem:s7], [sflag:$0x1], $0x1, s1, s6, $0xb8;
	[tilespmem:$0x2D80] =	vst v63  }
0x234: {  	s1 =	rddreg [dreg:$0x11]  }
0x235: {  	[spmem:s2] =	stream.indirect.scatter.add.f32 [tilespmem:s7], [sflag:$0x1], $0x1, s31, s6, $0xb8;
	[tilespmem:$0x2D80] =	vst v63  }
0x236: {  	s31 =	rddreg [dreg:$0x12]  }
0x237: {  	[spmem:s2] =	stream.indirect.scatter.add.f32 [tilespmem:s7], [sflag:$0x1], $0x1, s1, s6, $0xb8;
	[tilespmem:$0x2D80] =	vst v63  }
0x238: {  	s1 =	rddreg [dreg:$0x13]  }
0x239: {  	[spmem:s2] =	stream.indirect.scatter.add.f32 [tilespmem:s7], [sflag:$0x1], $0x1, s31, s6, $0xb8;
	[tilespmem:$0x2D80] =	vst v63  }
0x23a: {  	s31 =	rddreg [dreg:$0x14]  }
0x23b: {  	[spmem:s2] =	stream.indirect.scatter.add.f32 [tilespmem:s7], [sflag:$0x1], $0x1, s1, s6, $0xb8;
	[tilespmem:$0x2D80] =	vst v63  }
0x23c: {  	s1 =	rddreg [dreg:$0x15]  }
0x23d: {  	[spmem:s2] =	stream.indirect.scatter.add.f32 [tilespmem:s7], [sflag:$0x1], $0x1, s31, s6, $0xb8;
	[tilespmem:$0x2D80] =	vst v63  }
0x23e: {  	s31 =	rddreg [dreg:$0x16]  }
0x23f: {  	[spmem:s2] =	stream.indirect.scatter.add.f32 [tilespmem:s7], [sflag:$0x1], $0x1, s1, s6, $0xb8;
	[tilespmem:$0x2D80] =	vst v63  }
0x240: {  	s1 =	rddreg [dreg:$0x17]  }
0x241: {  	[spmem:s2] =	stream.indirect.scatter.add.f32 [tilespmem:s7], [sflag:$0x1], $0x1, s31, s6, $0xb8;
	[tilespmem:$0x2D80] =	vst v63  }
0x242: {  	s31 =	rddreg [dreg:$0x18]  }
0x243: {  	[spmem:s2] =	stream.indirect.scatter.add.f32 [tilespmem:s7], [sflag:$0x1], $0x1, s1, s6, $0xb8;
	[tilespmem:$0x2D80] =	vst v63  }
0x244: {  	s1 =	rddreg [dreg:$0x19]  }
0x245: {  	[spmem:s2] =	stream.indirect.scatter.add.f32 [tilespmem:s7], [sflag:$0x1], $0x1, s31, s6, $0xb8;
	[tilespmem:$0x2D80] =	vst v63  }
0x246: {  	s31 =	rddreg [dreg:$0x1a]  }
0x247: {  	[spmem:s2] =	stream.indirect.scatter.add.f32 [tilespmem:s7], [sflag:$0x1], $0x1, s1, s6, $0xb8;
	[tilespmem:$0x2D80] =	vst v63  }
0x248: {  	s1 =	rddreg [dreg:$0x1b]  }
0x249: {  	[spmem:s2] =	stream.indirect.scatter.add.f32 [tilespmem:s7], [sflag:$0x1], $0x1, s31, s6, $0xb8;
	[tilespmem:$0x2D80] =	vst v63  }
0x24a: {  	s31 =	rddreg [dreg:$0x1c]  }
0x24b: {  	[spmem:s2] =	stream.indirect.scatter.add.f32 [tilespmem:s7], [sflag:$0x1], $0x1, s1, s6, $0xb8;
	[tilespmem:$0x2D80] =	vst v63  }
0x24c: {  	s1 =	rddreg [dreg:$0x1d]  }
0x24d: {  	[spmem:s2] =	stream.indirect.scatter.add.f32 [tilespmem:s7], [sflag:$0x1], $0x1, s31, s6, $0xb8;
	[tilespmem:$0x2D80] =	vst v63  }
0x24e: {  	s31 =	rddreg [dreg:$0x1e]  }
0x24f: {  	[spmem:s2] =	stream.indirect.scatter.add.f32 [tilespmem:s7], [sflag:$0x1], $0x1, s1, s6, $0xb8;
	[tilespmem:$0x2D80] =	vst v63  }
0x250: {  	s1 =	rddreg [dreg:$0x1f]  }
0x251: {  	[spmem:s2] =	stream.indirect.scatter.add.f32 [tilespmem:s7], [sflag:$0x1], $0x1, s31, s6, $0xb8;
	[tilespmem:$0x2D80] =	vst v63  }
0x252: {  	s31 =	sld [smem:$0x7DB]  }
0x253: {  	[spmem:s2] =	stream.indirect.scatter.add.f32 [tilespmem:s7], [sflag:$0x1], $0x1, s1, s6, $0xb8;
	[tilespmem:$0x2D80] =	vst v63  }
0x254: {  	s1 =	sld [smem:$0x7DC]  }
0x255: {  	[spmem:s2] =	stream.indirect.scatter.add.f32 [tilespmem:s7], [sflag:$0x1], $0x1, s31, s6, $0xb8;
	[tilespmem:$0x2D80] =	vst v63  }
0x256: {  	s31 =	sld [smem:$0x7DD]  }
0x257: {  	[spmem:s2] =	stream.indirect.scatter.add.f32 [tilespmem:s7], [sflag:$0x1], $0x1, s1, s6, $0xb8;
	[tilespmem:$0x2D80] =	vst v63  }
0x258: {  	s1 =	sld [smem:$0x7DE]  }
0x259: {  	[spmem:s2] =	stream.indirect.scatter.add.f32 [tilespmem:s7], [sflag:$0x1], $0x1, s31, s6, $0xb8;
	[tilespmem:$0x2D80] =	vst v63  }
0x25a: {  	s31 =	sld [smem:$0x7DF]  }
0x25b: {  	[spmem:s2] =	stream.indirect.scatter.add.f32 [tilespmem:s7], [sflag:$0x1], $0x1, s1, s6, $0xb8;
	[tilespmem:$0x2D80] =	vst v63  }
0x25c: {  	s1 =	sld [smem:$0x7E0]  }
0x25d: {  	[spmem:s2] =	stream.indirect.scatter.add.f32 [tilespmem:s7], [sflag:$0x1], $0x1, s31, s6, $0xb8;
	[tilespmem:$0x2D80] =	vst v63  }
0x25e: {  	s31 =	sld [smem:$0x7E1]  }
0x25f: {  	[spmem:s2] =	stream.indirect.scatter.add.f32 [tilespmem:s7], [sflag:$0x1], $0x1, s1, s6, $0xb8;
	[tilespmem:$0x2D80] =	vst v63  }
0x260: {  	s1 =	sld [smem:$0x7E2]  }
0x261: {  	[spmem:s2] =	stream.indirect.scatter.add.f32 [tilespmem:s7], [sflag:$0x1], $0x1, s31, s6, $0xb8;
	[tilespmem:$0x2D80] =	vst v63  }
0x262: {  	s31 =	sld [smem:$0x7E3]  }
0x263: {  	[spmem:s2] =	stream.indirect.scatter.add.f32 [tilespmem:s7], [sflag:$0x1], $0x1, s1, s6, $0xb8;
	[tilespmem:$0x2D80] =	vst v63  }
0x264: {  	s1 =	sld [smem:$0x7E4]  }
0x265: {  	[spmem:s2] =	stream.indirect.scatter.add.f32 [tilespmem:s7], [sflag:$0x1], $0x1, s31, s6, $0xb8;
	[tilespmem:$0x2D80] =	vst v63  }
0x266: {  	s31 =	sld [smem:$0x7E5]  }
0x267: {  	[spmem:s2] =	stream.indirect.scatter.add.f32 [tilespmem:s7], [sflag:$0x1], $0x1, s1, s6, $0xb8;
	[tilespmem:$0x2D80] =	vst v63  }
0x268: {  	s1 =	sld [smem:$0x7E6]  }
0x269: {  	[spmem:s2] =	stream.indirect.scatter.add.f32 [tilespmem:s7], [sflag:$0x1], $0x1, s31, s6, $0xb8;
	[tilespmem:$0x2D80] =	vst v63  }
0x26a: {  	s31 =	sld [smem:$0x7E7]  }
0x26b: {  	[spmem:s2] =	stream.indirect.scatter.add.f32 [tilespmem:s7], [sflag:$0x1], $0x1, s1, s6, $0xb8;
	[tilespmem:$0x2D80] =	vst v63  }
0x26c: {  	s1 =	sld [smem:$0x7E8]  }
0x26d: {  	[spmem:s2] =	stream.indirect.scatter.add.f32 [tilespmem:s7], [sflag:$0x1], $0x1, s31, s6, $0xb8;
	[tilespmem:$0x2D80] =	vst v63  }
0x26e: {  	s31 =	sld [smem:$0x7E9]  }
0x26f: {  	[spmem:s2] =	stream.indirect.scatter.add.f32 [tilespmem:s7], [sflag:$0x1], $0x1, s1, s6, $0xb8;
	[tilespmem:$0x2D80] =	vst v63  }
0x270: {  	s1 =	sld [smem:$0x7EA]  }
0x271: {  	[spmem:s2] =	stream.indirect.scatter.add.f32 [tilespmem:s7], [sflag:$0x1], $0x1, s31, s6, $0xb8;
	[tilespmem:$0x2D80] =	vst v63  }
0x272: {  	s31 =	sld [smem:$0x7EB]  }
0x273: {  	[spmem:s2] =	stream.indirect.scatter.add.f32 [tilespmem:s7], [sflag:$0x1], $0x1, s1, s6, $0xb8;
	[tilespmem:$0x2D80] =	vst v63  }
0x274: {  	s1 =	sld [smem:$0x7EC]  }
0x275: {  	[spmem:s2] =	stream.indirect.scatter.add.f32 [tilespmem:s7], [sflag:$0x1], $0x1, s31, s6, $0xb8;
	[tilespmem:$0x2D80] =	vst v63  }
0x276: {  	s31 =	sld [smem:$0x7ED]  }
0x277: {  	[spmem:s2] =	stream.indirect.scatter.add.f32 [tilespmem:s7], [sflag:$0x1], $0x1, s1, s6, $0xb8;
	[tilespmem:$0x2D80] =	vst v63  }
0x278: {  	s1 =	sld [smem:$0x7EE]  }
0x279: {  	[spmem:s2] =	stream.indirect.scatter.add.f32 [tilespmem:s7], [sflag:$0x1], $0x1, s31, s6, $0xb8;
	[tilespmem:$0x2D80] =	vst v63  }
0x27a: {  	s31 =	sld [smem:$0x7EF]  }
0x27b: {  	[spmem:s2] =	stream.indirect.scatter.add.f32 [tilespmem:s7], [sflag:$0x1], $0x1, s1, s6, $0xb8;
	[tilespmem:$0x2D80] =	vst v63  }
0x27c: {  	s1 =	sld [smem:$0x7F0]  }
0x27d: {  	[spmem:s2] =	stream.indirect.scatter.add.f32 [tilespmem:s7], [sflag:$0x1], $0x1, s31, s6, $0xb8;
	[tilespmem:$0x2D80] =	vst v63  }
0x27e: {  	s31 =	sld [smem:$0x7F1]  }
0x27f: {  	[spmem:s2] =	stream.indirect.scatter.add.f32 [tilespmem:s7], [sflag:$0x1], $0x1, s1, s6, $0xb8;
	[tilespmem:$0x2D80] =	vst v63  }
0x280: {  	s1 =	sld [smem:$0x7F2]  }
0x281: {  	[spmem:s2] =	stream.indirect.scatter.add.f32 [tilespmem:s7], [sflag:$0x1], $0x1, s31, s6, $0xb8;
	[tilespmem:$0x2D80] =	vst v63  }
0x282: {  	s31 =	sld [smem:$0x7F3]  }
0x283: {  	[spmem:s2] =	stream.indirect.scatter.add.f32 [tilespmem:s7], [sflag:$0x1], $0x1, s1, s6, $0xb8;
	[tilespmem:$0x2D80] =	vst v63  }
0x284: {  	s1 =	sld [smem:$0x7F4]  }
0x285: {  	[spmem:s2] =	stream.indirect.scatter.add.f32 [tilespmem:s7], [sflag:$0x1], $0x1, s31, s6, $0xb8;
	[tilespmem:$0x2D80] =	vst v63  }
0x286: {  	s31 =	sld [smem:$0x7F5]  }
0x287: {  	[spmem:s2] =	stream.indirect.scatter.add.f32 [tilespmem:s7], [sflag:$0x1], $0x1, s1, s6, $0xb8;
	[tilespmem:$0x2D80] =	vst v63  }
0x288: {  	s1 =	sld [smem:$0x7F6]  }
0x289: {  	[spmem:s2] =	stream.indirect.scatter.add.f32 [tilespmem:s7], [sflag:$0x1], $0x1, s31, s6, $0xb8;
	[tilespmem:$0x2D80] =	vst v63  }
0x28a: {  	s31 =	sld [smem:$0x7F7]  }
0x28b: {  	[spmem:s2] =	stream.indirect.scatter.add.f32 [tilespmem:s7], [sflag:$0x1], $0x1, s1, s6, $0xb8;
	[tilespmem:$0x2D80] =	vst v63  }
0x28c: {  	s1 =	sld [smem:$0x7F8]  }
0x28d: {  	[spmem:s2] =	stream.indirect.scatter.add.f32 [tilespmem:s7], [sflag:$0x1], $0x1, s31, s6, $0xb8;
	[tilespmem:$0x2D80] =	vst v63  }
0x28e: {  	s31 =	sld [smem:$0x7F9]  }
0x28f: {  	[spmem:s2] =	stream.indirect.scatter.add.f32 [tilespmem:s7], [sflag:$0x1], $0x1, s1, s6, $0xb8;
	[tilespmem:$0x2D80] =	vst v63  }
0x290: {  	s1 =	sld [smem:$0x7FA]  }
0x291: {  	[spmem:s2] =	stream.indirect.scatter.add.f32 [tilespmem:s7], [sflag:$0x1], $0x1, s31, s6, $0xb8;
	[tilespmem:$0x2D80] =	vst v63  }
0x292: {  	s31 =	sld [smem:$0x7FB]  }
0x293: {  	[spmem:s2] =	stream.indirect.scatter.add.f32 [tilespmem:s7], [sflag:$0x1], $0x1, s1, s6, $0xb8;
	[tilespmem:$0x2D80] =	vst v63  }
0x294: {  	s1 =	sld [smem:$0x7FC]  }
0x295: {  	[spmem:s2] =	stream.indirect.scatter.add.f32 [tilespmem:s7], [sflag:$0x1], $0x1, s31, s6, $0xb8;
	[tilespmem:$0x2D80] =	vst v63  }
0x296: {  	s31 =	sld [smem:$0x7FD]  }
0x297: {  	[spmem:s2] =	stream.indirect.scatter.add.f32 [tilespmem:s7], [sflag:$0x1], $0x1, s1, s6, $0xb8;
	[tilespmem:$0x2D80] =	vst v63  }
0x298: {  	_ = 	snop  }
0x299: {  	[spmem:s2] =	stream.indirect.scatter.add.f32 [tilespmem:s7], [sflag:$0x1], $0x1, s31, s6, $0xb8;
	[tilespmem:$0x2D80] =	vst v63  }
0x29a: {  	_ = 	snop  }
0x29b: {  	[spmem:s2] =	stream.indirect.scatter.add.f32 [tilespmem:s7], [sflag:$0x1], $0x1, s8, s6, $0xb8;
	[tilespmem:$0x2D80] =	vst v63  }
0x29c: {  	_ = 	snop  }
0x29d: {  	[spmem:s2] =	stream.indirect.scatter.add.f32 [tilespmem:s7], [sflag:$0x1], $0x1, s9, s6, $0xb8;
	[tilespmem:$0x2D80] =	vst v63  }
0x29e: {  	_ = 	snop  }
0x29f: {  	[spmem:s2] =	stream.indirect.scatter.add.f32 [tilespmem:s7], [sflag:$0x1], $0x1, s10, s6, $0xb8;
	[tilespmem:$0x2D80] =	vst v63  }
0x2a0: {  	_ = 	snop  }
0x2a1: {  	[spmem:s2] =	stream.indirect.scatter.add.f32 [tilespmem:s7], [sflag:$0x1], $0x1, s11, s6, $0xb8;
	[tilespmem:$0x2D80] =	vst v63  }
0x2a2: {  	_ = 	snop  }
0x2a3: {  	[spmem:s2] =	stream.indirect.scatter.add.f32 [tilespmem:s7], [sflag:$0x1], $0x1, s12, s6, $0xb8;
	[tilespmem:$0x2D80] =	vst v63  }
0x2a4: {  	_ = 	snop  }
0x2a5: {  	[spmem:s2] =	stream.indirect.scatter.add.f32 [tilespmem:s7], [sflag:$0x1], $0x1, s13, s6, $0xb8;
	[tilespmem:$0x2D80] =	vst v63  }
0x2a6: {  	_ = 	snop  }
0x2a7: {  	[spmem:s2] =	stream.indirect.scatter.add.f32 [tilespmem:s7], [sflag:$0x1], $0x1, s14, s6, $0xb8;
	[tilespmem:$0x2D80] =	vst v63  }
0x2a8: {  	_ = 	snop  }
0x2a9: {  	[spmem:s2] =	stream.indirect.scatter.add.f32 [tilespmem:s7], [sflag:$0x1], $0x1, s15, s6, $0xb8;
	[tilespmem:$0x2D80] =	vst v63  }
0x2aa: {  	_ = 	snop  }
0x2ab: {  	[spmem:s2] =	stream.indirect.scatter.add.f32 [tilespmem:s7], [sflag:$0x1], $0x1, s16, s6, $0xb8;
	[tilespmem:$0x2D80] =	vst v63  }
0x2ac: {  	_ = 	snop  }
0x2ad: {  	[spmem:s2] =	stream.indirect.scatter.add.f32 [tilespmem:s7], [sflag:$0x1], $0x1, s17, s6, $0xb8;
	[tilespmem:$0x2D80] =	vst v63  }
0x2ae: {  	_ = 	snop  }
0x2af: {  	[spmem:s2] =	stream.indirect.scatter.add.f32 [tilespmem:s7], [sflag:$0x1], $0x1, s18, s6, $0xb8;
	[tilespmem:$0x2D80] =	vst v63  }
0x2b0: {  	_ = 	snop  }
0x2b1: {  	[spmem:s2] =	stream.indirect.scatter.add.f32 [tilespmem:s7], [sflag:$0x1], $0x1, s19, s6, $0xb8;
	[tilespmem:$0x2D80] =	vst v63  }
0x2b2: {  	_ = 	snop  }
0x2b3: {  	[spmem:s2] =	stream.indirect.scatter.add.f32 [tilespmem:s7], [sflag:$0x1], $0x1, s20, s6, $0xb8;
	[tilespmem:$0x2D80] =	vst v63  }
0x2b4: {  	_ = 	snop  }
0x2b5: {  	[spmem:s2] =	stream.indirect.scatter.add.f32 [tilespmem:s7], [sflag:$0x1], $0x1, s21, s6, $0xb8;
	[tilespmem:$0x2D80] =	vst v63  }
0x2b6: {  	_ = 	snop  }
0x2b7: {  	[spmem:s2] =	stream.indirect.scatter.add.f32 [tilespmem:s7], [sflag:$0x1], $0x1, s22, s6, $0xb8;
	[tilespmem:$0x2D80] =	vst v63  }
0x2b8: {  	_ = 	snop  }
0x2b9: {  	[spmem:s2] =	stream.indirect.scatter.add.f32 [tilespmem:s7], [sflag:$0x1], $0x1, s23, s6, $0xb8;
	[tilespmem:$0x2D80] =	vst v63  }
0x2ba: {  	_ = 	snop  }
0x2bb: {  	[spmem:s2] =	stream.indirect.scatter.add.f32 [tilespmem:s7], [sflag:$0x1], $0x1, s24, s6, $0xb8;
	[tilespmem:$0x2D80] =	vst v63  }
0x2bc: {  	_ = 	snop  }
0x2bd: {  	[spmem:s2] =	stream.indirect.scatter.add.f32 [tilespmem:s7], [sflag:$0x1], $0x1, s25, s6, $0xb8;
	[tilespmem:$0x2D80] =	vst v63  }
0x2be: {  	_ =	swait.ge [sflag:s26], $0x80  }
0x2bf: {  	[sflag:s26] =	ssyncset.done $0x0  }
0x2c0: {  	[sflag:s26] =	ssyncadd.s32 $0xFFFFFF80  }
0x2c1: {  	_ =	swait.ge [sflag:s26], $0x80  }
0x2c2: {  	[sflag:s26] =	ssyncset.done $0x0  }
0x2c3: {  	[sflag:s26] =	ssyncadd.s32 $0xFFFFFF80  }
0x2c4: {  	_ =	swait.ge [sflag:s26], $0x80  }
0x2c5: {  	[sflag:s26] =	ssyncset.done $0x0  }
0x2c6: {  	[sflag:s26] =	ssyncadd.s32 $0xFFFFFF80  }
0x2c7: {  	_ =	swait.ge [sflag:s26], $0x80  }
0x2c8: {  	[sflag:s26] =	ssyncset.done $0x0  }
0x2c9: {  	[sflag:s26] =	ssyncadd.s32 $0xFFFFFF80  }
0x2ca: {  	_ =	swait.ge [sflag:s26], $0x80  }
0x2cb: {  	[sflag:s26] =	ssyncset.done $0x0  }
0x2cc: {  	[sflag:s26] =	ssyncadd.s32 $0xFFFFFF80  }
0x2cd: {  	_ =	swait.ge [sflag:s26], $0x80  }
0x2ce: {  	[sflag:s26] =	ssyncset.done $0x0  }
0x2cf: {  	[sflag:s26] =	ssyncadd.s32 $0xFFFFFF80  }
0x2d0: {  	_ =	swait.ge [sflag:s26], $0x80  }
0x2d1: {  	[sflag:s26] =	ssyncset.done $0x0  }
0x2d2: {  	[sflag:s26] =	ssyncadd.s32 $0xFFFFFF80  }
0x2d3: {  	_ =	swait.ge [sflag:s26], $0x80  }
0x2d4: {  	[sflag:s26] =	ssyncset.done $0x0  }
0x2d5: {  	[sflag:s26] =	ssyncadd.s32 $0xFFFFFF80  }
0x2d6: {  	_ =	swait.ge [sflag:s26], $0x80  }
0x2d7: {  	[sflag:s26] =	ssyncset.done $0x0  }
0x2d8: {  	[sflag:s26] =	ssyncadd.s32 $0xFFFFFF80  }
0x2d9: {  	_ =	swait.ge [sflag:s26], $0x80  }
0x2da: {  	[sflag:s26] =	ssyncset.done $0x0  }
0x2db: {  	[sflag:s26] =	ssyncadd.s32 $0xFFFFFF80  }
0x2dc: {  	_ =	swait.ge [sflag:s26], $0x80  }
0x2dd: {  	[sflag:s26] =	ssyncset.done $0x0  }
0x2de: {  	[sflag:s26] =	ssyncadd.s32 $0xFFFFFF80  }
0x2df: {  	_ =	swait.ge [sflag:s26], $0x80  }
0x2e0: {  	[sflag:s26] =	ssyncset.done $0x0  }
0x2e1: {  	[sflag:s26] =	ssyncadd.s32 $0xFFFFFF80  }
0x2e2: {  	_ =	swait.ge [sflag:s26], $0x80  }
0x2e3: {  	[sflag:s26] =	ssyncset.done $0x0  }
0x2e4: {  	[sflag:s26] =	ssyncadd.s32 $0xFFFFFF80  }
0x2e5: {  	_ =	swait.ge [sflag:s26], $0x80  }
0x2e6: {  	[sflag:s26] =	ssyncset.done $0x0  }
0x2e7: {  	[sflag:s26] =	ssyncadd.s32 $0xFFFFFF80  }
0x2e8: {  	_ =	swait.ge [sflag:s26], $0x80  }
0x2e9: {  	[sflag:s26] =	ssyncset.done $0x0  }
0x2ea: {  	[sflag:s26] =	ssyncadd.s32 $0xFFFFFF80  }
0x2eb: {  	_ =	swait.ge [sflag:s26], $0x80  }
0x2ec: {  	[sflag:s26] =	ssyncset.done $0x0  }
0x2ed: {  	[sflag:s26] =	ssyncadd.s32 $0xFFFFFF80  }
0x2ee: {  	_ =	swait.ge [sflag:s26], $0x80  }
0x2ef: {  	[sflag:s26] =	ssyncset.done $0x0  }
0x2f0: {  	[sflag:s26] =	ssyncadd.s32 $0xFFFFFF80  }
0x2f1: {  	_ =	swait.ge [sflag:s26], $0x80  }
0x2f2: {  	[sflag:s26] =	ssyncset.done $0x0  }
0x2f3: {  	[sflag:s26] =	ssyncadd.s32 $0xFFFFFF80  }
0x2f4: {  	_ =	swait.ge [sflag:s26], $0x80  }
0x2f5: {  	[sflag:s26] =	ssyncset.done $0x0  }
0x2f6: {  	[sflag:s26] =	ssyncadd.s32 $0xFFFFFF80  }
0x2f7: {  	_ =	swait.ge [sflag:s26], $0x80  }
0x2f8: {  	[sflag:s26] =	ssyncset.done $0x0  }
0x2f9: {  	[sflag:s26] =	ssyncadd.s32 $0xFFFFFF80  }
0x2fa: {  	_ =	swait.ge [sflag:s26], $0x80  }
0x2fb: {  	[sflag:s26] =	ssyncset.done $0x0  }
0x2fc: {  	[sflag:s26] =	ssyncadd.s32 $0xFFFFFF80  }
0x2fd: {  	_ =	swait.ge [sflag:s26], $0x80  }
0x2fe: {  	[sflag:s26] =	ssyncset.done $0x0  }
0x2ff: {  	[sflag:s26] =	ssyncadd.s32 $0xFFFFFF80  }
0x300: {  	_ =	swait.ge [sflag:s26], $0x80  }
0x301: {  	[sflag:s26] =	ssyncset.done $0x0  }
0x302: {  	[sflag:s26] =	ssyncadd.s32 $0xFFFFFF80  }
0x303: {  	_ =	swait.ge [sflag:s26], $0x80  }
0x304: {  	[sflag:s26] =	ssyncset.done $0x0  }
0x305: {  	[sflag:s26] =	ssyncadd.s32 $0xFFFFFF80  }
0x306: {  	_ =	swait.ge [sflag:s26], $0x80  }
0x307: {  	[sflag:s26] =	ssyncset.done $0x0  }
0x308: {  	[sflag:s26] =	ssyncadd.s32 $0xFFFFFF80  }
0x309: {  	_ =	swait.ge [sflag:s26], $0x80  }
0x30a: {  	[sflag:s26] =	ssyncset.done $0x0  }
0x30b: {  	[sflag:s26] =	ssyncadd.s32 $0xFFFFFF80  }
0x30c: {  	_ =	swait.ge [sflag:s26], $0x80  }
0x30d: {  	[sflag:s26] =	ssyncset.done $0x0  }
0x30e: {  	[sflag:s26] =	ssyncadd.s32 $0xFFFFFF80  }
0x30f: {  	_ =	swait.ge [sflag:s26], $0x80  }
0x310: {  	[sflag:s26] =	ssyncset.done $0x0  }
0x311: {  	[sflag:s26] =	ssyncadd.s32 $0xFFFFFF80  }
0x312: {  	_ =	swait.ge [sflag:s26], $0x80  }
0x313: {  	[sflag:s26] =	ssyncset.done $0x0  }
0x314: {  	[sflag:s26] =	ssyncadd.s32 $0xFFFFFF80  }
0x315: {  	_ =	swait.ge [sflag:s26], $0x80  }
0x316: {  	[sflag:s26] =	ssyncset.done $0x0  }
0x317: {  	[sflag:s26] =	ssyncadd.s32 $0xFFFFFF80  }
0x318: {  	_ =	swait.ge [sflag:s26], $0x80  }
0x319: {  	[sflag:s26] =	ssyncset.done $0x0  }
0x31a: {  	[sflag:s26] =	ssyncadd.s32 $0xFFFFFF80  }
0x31b: {  	_ =	swait.ge [sflag:s26], $0x80  }
0x31c: {  	[sflag:s26] =	ssyncset.done $0x0  }
0x31d: {  	[sflag:s26] =	ssyncadd.s32 $0xFFFFFF80  }
0x31e: {  	_ =	swait.ge [sflag:s26], $0x80  }
0x31f: {  	[sflag:s26] =	ssyncset.done $0x0  }
0x320: {  	[sflag:s26] =	ssyncadd.s32 $0xFFFFFF80  }
0x321: {  	_ =	swait.ge [sflag:s26], $0x80  }
0x322: {  	[sflag:s26] =	ssyncset.done $0x0  }
0x323: {  	[sflag:s26] =	ssyncadd.s32 $0xFFFFFF80  }
0x324: {  	_ =	swait.ge [sflag:s26], $0x80  }
0x325: {  	[sflag:s26] =	ssyncset.done $0x0  }
0x326: {  	[sflag:s26] =	ssyncadd.s32 $0xFFFFFF80  }
0x327: {  	_ =	swait.ge [sflag:s26], $0x80  }
0x328: {  	[sflag:s26] =	ssyncset.done $0x0  }
0x329: {  	[sflag:s26] =	ssyncadd.s32 $0xFFFFFF80  }
0x32a: {  	_ =	swait.ge [sflag:s26], $0x80  }
0x32b: {  	[sflag:s26] =	ssyncset.done $0x0  }
0x32c: {  	[sflag:s26] =	ssyncadd.s32 $0xFFFFFF80  }
0x32d: {  	_ =	swait.ge [sflag:s26], $0x80  }
0x32e: {  	[sflag:s26] =	ssyncset.done $0x0  }
0x32f: {  	[sflag:s26] =	ssyncadd.s32 $0xFFFFFF80  }
0x330: {  	_ =	swait.ge [sflag:s26], $0x80  }
0x331: {  	[sflag:s26] =	ssyncset.done $0x0  }
0x332: {  	[sflag:s26] =	ssyncadd.s32 $0xFFFFFF80  }
0x333: {  	_ =	swait.ge [sflag:s26], $0x80  }
0x334: {  	[sflag:s26] =	ssyncset.done $0x0  }
0x335: {  	[sflag:s26] =	ssyncadd.s32 $0xFFFFFF80  }
0x336: {  	_ =	swait.ge [sflag:s26], $0x80  }
0x337: {  	[sflag:s26] =	ssyncset.done $0x0  }
0x338: {  	[sflag:s26] =	ssyncadd.s32 $0xFFFFFF80  }
0x339: {  	_ =	swait.ge [sflag:s26], $0x80  }
0x33a: {  	[sflag:s26] =	ssyncset.done $0x0  }
0x33b: {  	[sflag:s26] =	ssyncadd.s32 $0xFFFFFF80  }
0x33c: {  	_ =	swait.ge [sflag:s26], $0x80  }
0x33d: {  	[sflag:s26] =	ssyncset.done $0x0  }
0x33e: {  	[sflag:s26] =	ssyncadd.s32 $0xFFFFFF80  }
0x33f: {  	_ =	swait.ge [sflag:s26], $0x80  }
0x340: {  	[sflag:s26] =	ssyncset.done $0x0  }
0x341: {  	[sflag:s26] =	ssyncadd.s32 $0xFFFFFF80  }
0x342: {  	_ =	swait.ge [sflag:s26], $0x80  }
0x343: {  	[sflag:s26] =	ssyncset.done $0x0  }
0x344: {  	[sflag:s26] =	ssyncadd.s32 $0xFFFFFF80  }
0x345: {  	_ =	swait.ge [sflag:s26], $0x80  }
0x346: {  	[sflag:s26] =	ssyncset.done $0x0  }
0x347: {  	[sflag:s26] =	ssyncadd.s32 $0xFFFFFF80  }
0x348: {  	_ =	swait.ge [sflag:s26], $0x80  }
0x349: {  	[sflag:s26] =	ssyncset.done $0x0  }
0x34a: {  	[sflag:s26] =	ssyncadd.s32 $0xFFFFFF80  }
0x34b: {  	_ =	swait.ge [sflag:s26], $0x80  }
0x34c: {  	[sflag:s26] =	ssyncset.done $0x0  }
0x34d: {  	[sflag:s26] =	ssyncadd.s32 $0xFFFFFF80  }
0x34e: {  	_ =	swait.ge [sflag:s26], $0x80  }
0x34f: {  	[sflag:s26] =	ssyncset.done $0x0  }
0x350: {  	[sflag:s26] =	ssyncadd.s32 $0xFFFFFF80  }
0x351: {  	_ =	swait.ge [sflag:s26], $0x80  }
0x352: {  	[sflag:s26] =	ssyncset.done $0x0  }
0x353: {  	[sflag:s26] =	ssyncadd.s32 $0xFFFFFF80  }
0x354: {  	_ =	swait.ge [sflag:s26], $0x80  }
0x355: {  	[sflag:s26] =	ssyncset.done $0x0  }
0x356: {  	[sflag:s26] =	ssyncadd.s32 $0xFFFFFF80  }
0x357: {  	_ =	swait.ge [sflag:s26], $0x80  }
0x358: {  	[sflag:s26] =	ssyncset.done $0x0  }
0x359: {  	[sflag:s26] =	ssyncadd.s32 $0xFFFFFF80  }
0x35a: {  	_ =	swait.ge [sflag:s26], $0x80  }
0x35b: {  	[sflag:s26] =	ssyncset.done $0x0  }
0x35c: {  	[sflag:s26] =	ssyncadd.s32 $0xFFFFFF80  }
0x35d: {  	_ =	swait.ge [sflag:s26], $0x80  }
0x35e: {  	[sflag:s26] =	ssyncset.done $0x0  }
0x35f: {  	[sflag:s26] =	ssyncadd.s32 $0xFFFFFF80  }
0x360: {  	_ =	swait.ge [sflag:s26], $0x80  }
0x361: {  	[sflag:s26] =	ssyncset.done $0x0  }
0x362: {  	[sflag:s26] =	ssyncadd.s32 $0xFFFFFF80  }
0x363: {  	_ =	swait.ge [sflag:s26], $0x80  }
0x364: {  	[sflag:s26] =	ssyncset.done $0x0  }
0x365: {  	[sflag:s26] =	ssyncadd.s32 $0xFFFFFF80  }
0x366: {  	_ =	swait.ge [sflag:s26], $0x80  }
0x367: {  	[sflag:s26] =	ssyncset.done $0x0  }
0x368: {  	[sflag:s26] =	ssyncadd.s32 $0xFFFFFF80  }
0x369: {  	_ =	swait.ge [sflag:s26], $0x80  }
0x36a: {  	[sflag:s26] =	ssyncset.done $0x0  }
0x36b: {  	[sflag:s26] =	ssyncadd.s32 $0xFFFFFF80  }
0x36c: {  	_ =	swait.ge [sflag:s26], $0x80  }
0x36d: {  	[sflag:s26] =	ssyncset.done $0x0  }
0x36e: {  	[sflag:s26] =	ssyncadd.s32 $0xFFFFFF80  }
0x36f: {  	_ =	swait.ge [sflag:s26], $0x80  }
0x370: {  	[sflag:s26] =	ssyncset.done $0x0  }
0x371: {  	[sflag:s26] =	ssyncadd.s32 $0xFFFFFF80  }
0x372: {  	_ =	swait.ge [sflag:s26], $0x80  }
0x373: {  	[sflag:s26] =	ssyncset.done $0x0  }
0x374: {  	[sflag:s26] =	ssyncadd.s32 $0xFFFFFF80  }
0x375: {  	_ =	swait.ge [sflag:s26], $0x80  }
0x376: {  	[sflag:s26] =	ssyncset.done $0x0  }
0x377: {  	[sflag:s26] =	ssyncadd.s32 $0xFFFFFF80  }
0x378: {  	_ =	swait.ge [sflag:s26], $0x80  }
0x379: {  	[sflag:s26] =	ssyncset.done $0x0  }
0x37a: {  	[sflag:s26] =	ssyncadd.s32 $0xFFFFFF80  }
0x37b: {  	_ =	swait.ge [sflag:s26], $0x80  }
0x37c: {  	[sflag:s26] =	ssyncset.done $0x0  }
0x37d: {  	[sflag:s26] =	ssyncadd.s32 $0xFFFFFF80  }
0x37e: {  	_ =	swait.ge [sflag:s26], $0x80  }
0x37f: {  	[sflag:s26] =	ssyncset.done $0x0  }
0x380: {  	[sflag:s26] =	ssyncadd.s32 $0xFFFFFF80  }
0x381: {  	_ =	swait.ge [sflag:s26], $0x80  }
0x382: {  	[sflag:s26] =	ssyncset.done $0x0  }
0x383: {  	[sflag:s26] =	ssyncadd.s32 $0xFFFFFF80  }
0x384: {  	_ =	swait.ge [sflag:s26], $0x80  }
0x385: {  	[sflag:s26] =	ssyncset.done $0x0  }
0x386: {  	[sflag:s26] =	ssyncadd.s32 $0xFFFFFF80  }
0x387: {  	_ =	swait.ge [sflag:s26], $0x80  }
0x388: {  	[sflag:s26] =	ssyncset.done $0x0  }
0x389: {  	[sflag:s26] =	ssyncadd.s32 $0xFFFFFF80  }
0x38a: {  	_ =	swait.ge [sflag:s26], $0x80  }
0x38b: {  	[sflag:s26] =	ssyncset.done $0x0  }
0x38c: {  	[sflag:s26] =	ssyncadd.s32 $0xFFFFFF80  }
0x38d: {  	_ =	swait.ge [sflag:s26], $0x80  }
0x38e: {  	[sflag:s26] =	ssyncset.done $0x0  }
0x38f: {  	[sflag:s26] =	ssyncadd.s32 $0xFFFFFF80  }
0x390: {  	_ =	swait.ge [sflag:s26], $0x80  }
0x391: {  	[sflag:s26] =	ssyncset.done $0x0  }
0x392: {  	[sflag:s26] =	ssyncadd.s32 $0xFFFFFF80  }
0x393: {  	_ =	swait.ge [sflag:s26], $0x80  }
0x394: {  	[sflag:s26] =	ssyncset.done $0x0  }
0x395: {  	[sflag:s26] =	ssyncadd.s32 $0xFFFFFF80  }
0x396: {  	_ =	swait.ge [sflag:s26], $0x80  }
0x397: {  	[sflag:s26] =	ssyncset.done $0x0  }
0x398: {  	[sflag:s26] =	ssyncadd.s32 $0xFFFFFF80  }
0x399: {  	_ =	swait.ge [sflag:s26], $0x80  }
0x39a: {  	[sflag:s26] =	ssyncset.done $0x0  }
0x39b: {  	[sflag:s26] =	ssyncadd.s32 $0xFFFFFF80  }
0x39c: {  	_ =	swait.ge [sflag:s26], $0x80  }
0x39d: {  	[sflag:s26] =	ssyncset.done $0x0  }
0x39e: {  	[sflag:s26] =	ssyncadd.s32 $0xFFFFFF80  }
0x39f: {  	_ =	swait.ge [sflag:s26], $0x80  }
0x3a0: {  	[sflag:s26] =	ssyncset.done $0x0  }
0x3a1: {  	[sflag:s26] =	ssyncadd.s32 $0xFFFFFF80  }
0x3a2: {  	_ =	swait.ge [sflag:s26], $0x80  }
0x3a3: {  	[sflag:s26] =	ssyncset.done $0x0  }
0x3a4: {  	[sflag:s26] =	ssyncadd.s32 $0xFFFFFF80  }
0x3a5: {  	_ =	swait.ge [sflag:s26], $0x80  }
0x3a6: {  	[sflag:s26] =	ssyncset.done $0x0  }
0x3a7: {  	[sflag:s26] =	ssyncadd.s32 $0xFFFFFF80  }
0x3a8: {  	_ =	swait.ge [sflag:s26], $0x80  }
0x3a9: {  	[sflag:s26] =	ssyncset.done $0x0  }
0x3aa: {  	[sflag:s26] =	ssyncadd.s32 $0xFFFFFF80  }
0x3ab: {  	_ =	swait.ge [sflag:s26], $0x80  }
0x3ac: {  	[sflag:s26] =	ssyncset.done $0x0  }
0x3ad: {  	p0 =	sne.s32 s30, $0x1;
	[sflag:s26] =	ssyncadd.s32 $0xFFFFFF80  }
.Ltmp1:
0x3ae: {  	[bflag:$0x0] =	sbarrier.arrive $0xFFFF;
	(pc) =	sbr.rel @p0 .LBB2_1-.Ltmp1, $4  }
0x3af: {  	s31 =	rddreg [dreg:$0x5]  }
0x3b0: {  	[hbm:s31], [sflag:s28] =	dma.local [spmem:s29], $0x50  }
0x3b1: {  	_ =	swait.ge [sflag:s4], $0x50  }
0x3b2: {  	s30 =	sadd.s32 $0xFFFFFFFF, s30;
	[sflag:s4] =	ssyncset.done $0x0  }
.LBB2_2:
0x3b3: {  	[sflag:s4] =	ssyncadd.s32 $0xFFFFFFB0  }
0x3b4: {  	_ =	sfence.sel $0x180000  }
0x3b5: {  	[bflag:$0x0] =	sbarrier.arrive $0xFFFF  }
0x3b6: {  	_ =	strace $0x90000047  }
0x3b7: {  	[bflag:$0x2] =	sbarrier.arrive $0xFFFF  }
0x3b8: {  	p0 =	sne.s32 s0, $0x0;
	s0 =	rddreg [dreg:$0x3]  }
0x3b9: {  	s0 =	sadd.s32 @!p0 $0x100000, s0  }
0x3ba: {  	[sflag:s0] =	ssyncadd.tile.s32 @!p0 $0x1;
	_ =	shalt  }
.Lfunc_end2:
_tile_overlayer_lowered:
.L_overlay_start_2:
0x3bb: {  	(tag) =	ssettag $0x2  }
0x3bc: {  	s0 =	rddreg [dreg:$0x0];
	s2 =	stileid.u32  }
0x3bd: {  	s1 =	rddreg [dreg:$0x1];
	p0 =	sne.s32 s2, $0x0  }
0x3be: {  	s3 =	rddreg [dreg:$0x2];
	[bflag:$0x3] =	sbarrier.arrive $0xFFFF;
	s2 =	simm.s32 @!p0 $0x1C02  }
0x3bf: {  	[timem:s3], [sflag:s2] =	dma.local @!p0 [hbm:s0], s1  }
0x3c0: {  	s0 =	simm.s32 @!p0 $0x2  }
0x3c1: {  	_ =	swait.ge @!p0 [sflag:s0], s1  }
0x3c2: {  	s1 =	ssub.s32 @!p0 $0x0, s1;
	[sflag:s0] =	ssyncset.done @!p0 $0x0  }
0x3c3: {  	[sflag:s0] =	ssyncadd.s32 @!p0 s1  }
0x3c4: {  	[bflag:$0x3] =	sbarrier.arrive $0xFFFF  }
0x3c5: {  	_ =	shalt  }

// kernel: kernel.8.cloned.1.call-start
scs
__scs_entry_jumppad:
0x0: {  	(pc) =	sbr.rel $0x88, $3  }
0x1: {  	(tag) =	ssettag $0x0;
	lr =	simm.s32 $0x1  }
0x2: {  	[smem:$0x3F9D] =	sst lr;
	_ =	strace $0xD0000000  }
0x3: {  	_ = 	snop  }
0x4: {  	_ = 	snop  }
0x5: {  	_ = 	snop  }
0x6: {  	_ = 	snop  }
0x7: {  	_ = 	snop  }
__scs_overlays_trampoline_lowered:
0x8: {  	[smem:$0x3FAC] =	sst s0  }
0x9: {  	[smem:$0x3FAD] =	sst s1  }
0xa: {  	[smem:$0x3FAE] =	sst s2  }
0xb: {  	[smem:$0x3FAF] =	sst s3  }
0xc: {  	[smem:$0x3FB0] =	sst s4  }
0xd: {  	[smem:$0x3FB1] =	sst s5  }
0xe: {  	[smem:$0x3FB2] =	sst s6  }
0xf: {  	[smem:$0x3FB3] =	sst s7  }
0x10: {  	[smem:$0x3FB4] =	sst s8  }
0x11: {  	[smem:$0x3FB5] =	sst s9;
	s0 =	simm.s32 @!p0 $0x0  }
0x12: {  	s1 =	sld [smem:$0x3F9B];
	s0 =	simm.s32 @p0 $0x1  }
0x13: {  	[smem:$0x3FB6] =	sst s0;
	s0 =	simm.s32 @!p1 $0x0  }
0x14: {  	s2 =	sld [smem:$0x3F9A];
	s0 =	simm.s32 @p1 $0x1  }
0x15: {  	[smem:$0x3FB7] =	sst s0;
	s0 =	simm.s32 @!p2 $0x0  }
0x16: {  	s3 =	sld [smem:$0x3FDB];
	s0 =	simm.s32 @p2 $0x1  }
0x17: {  	s4 =	simm.s32 $0x1BF5;
	[smem:$0x3FB9] =	sst s0  }
0x18: {  	s0 =	sld [smem:$0x3F9C];
	_ =	swait.ge [sflag:s4], $0x0  }
0x19: {  	s7 =	sld [smem:$0x3F9D]  }
0x1a: {  	s8 =	sadd.s32 $0xFFFFE003, lr  }
0x1b: {  	s9 =	sadd.s32 $0xFFFFFEF7, lr;
	s5 =	simm.s32 $0xFFFFFFFF;
	p2 =	slt.u32 s8, $0xFFFFF086  }
0x1c: {  	p1 =	slt.u32 s9, $0xF7A;
	s5 =	simm.s32 @!p2 $0x0  }
0x1d: {  	s5 =	simm.s32 @p1 $0x1;
	p0 =	seq.s32 s7, s2  }
0x1e: {  	s7 =	smul.u32 @!p0 $0xF7A, s2;
	p2 =	seq.s32 @!p0 s5, $0x0  }
0x1f: {  	s9 =	smul.u32 $0xF7A, s1;
	s8 =	simm.s32 @!p0 $0x1BF5;
	p2 =	por !p2, p0  }
0x20: {  	[sflag:s8] =	ssyncset.s32 @!p0 $0xFFFFF086;
	s6 =	sadd.s32 @!p0 s3, s7;
	s7 =	simm.s32 @!p0 $0x108  }
0x21: {  	s3 =	sadd.s32 s3, s9;
	s6 =	sadd.s32 @!p0 $0x88, s6;
	s7 =	simm.s32 @p2 $0x1082  }
0x22: {  	[simem:s7], [sflag:s8] =	dma.local @!p0 [hbm:s6], $0xF7A  }
0x23: {  	s9 =	sor.u32 $0xD0000000, s2;
	s6 =	simm.s32 $0x108;
	_ =	swait.ge @!p0 [sflag:s8], $0x0  }
0x24: {  	s3 =	sadd.s32 $0x88, s3;
	s6 =	simm.s32 @!p1 $0x1082;
	[sflag:s4] =	ssyncset.s32 $0xFFFFF086  }
0x25: {  	[simem:s6], [sflag:s4] =	dma.local [hbm:s3], $0xF7A  }
0x26: {  	[smem:$0x3F9D] =	sst s1;
	(tag) =	ssettag s2;
	_ =	strace s9  }
0x27: {  	s1 =	sld [smem:$0x3FAD]  }
0x28: {  	s2 =	sld [smem:$0x3FAE]  }
0x29: {  	s4 =	sld [smem:$0x3FB0]  }
0x2a: {  	p0 =	seq.s32 s5, $0x0;
	s5 =	sld [smem:$0x3FB1]  }
0x2b: {  	s6 =	sld [smem:$0x3FB2]  }
0x2c: {  	s7 =	sld [smem:$0x3FB3]  }
0x2d: {  	s3 =	simm.s32 $0x108;
	s8 =	sld [smem:$0x3FB4]  }
0x2e: {  	s3 =	simm.s32 @!p0 $0x1082;
	s9 =	sld [smem:$0x3FB5]  }
0x2f: {  	lr =	sadd.s32 s0, s3;
	s0 =	sld [smem:$0x3FAC]  }
0x30: {  	s3 =	sld [smem:$0x3FAF]  }
0x31: {  	[smem:$0x3FB8] =	sst s10  }
0x32: {  	s10 =	sld [smem:$0x3FB6];
	_ =	sdelay $0x3  }
0x33: {  	p0 =	seq.s32 s10, $0x1;
	s10 =	sld [smem:$0x3FB8];
	_ =	sdelay $0x3  }
0x34: {  	[smem:$0x3FB8] =	sst s10  }
0x35: {  	s10 =	sld [smem:$0x3FB7];
	_ =	sdelay $0x3  }
0x36: {  	p1 =	seq.s32 s10, $0x1;
	s10 =	sld [smem:$0x3FB8];
	_ =	sdelay $0x3  }
0x37: {  	[smem:$0x3FB8] =	sst s10  }
0x38: {  	s10 =	sld [smem:$0x3FB9]  }
0x39: {  	_ = 	snop;
	(pc) =	sbr.ind lr, $3  }
0x3a: {  	_ = 	snop  }
0x3b: {  	_ = 	snop  }
0x3c: {  	p2 =	seq.s32 s10, $0x1;
	s10 =	sld [smem:$0x3FB8]  }
0x3d: {  	_ =	shalt  }
0x3e: {  	_ =	shalt  }
0x3f: {  	_ =	shalt  }
0x40: {  	_ =	shalt  }
0x41: {  	_ =	shalt  }
0x42: {  	_ =	shalt  }
0x43: {  	_ =	shalt  }
0x44: {  	_ =	shalt  }
0x45: {  	_ =	shalt  }
0x46: {  	_ =	shalt  }
0x47: {  	_ =	shalt  }
0x48: {  	_ =	shalt  }
0x49: {  	_ =	shalt  }
0x4a: {  	_ =	shalt  }
0x4b: {  	_ =	shalt  }
0x4c: {  	_ =	shalt  }
0x4d: {  	_ =	shalt  }
0x4e: {  	_ =	shalt  }
0x4f: {  	_ =	shalt  }
0x50: {  	_ =	shalt  }
0x51: {  	_ =	shalt  }
0x52: {  	_ =	shalt  }
0x53: {  	_ =	shalt  }
0x54: {  	_ =	shalt  }
0x55: {  	_ =	shalt  }
0x56: {  	_ =	shalt  }
0x57: {  	_ =	shalt  }
0x58: {  	_ =	shalt  }
0x59: {  	_ =	shalt  }
0x5a: {  	_ =	shalt  }
0x5b: {  	_ =	shalt  }
0x5c: {  	_ =	shalt  }
0x5d: {  	_ =	shalt  }
0x5e: {  	_ =	shalt  }
0x5f: {  	_ =	shalt  }
0x60: {  	_ =	shalt  }
0x61: {  	_ =	shalt  }
0x62: {  	_ =	shalt  }
0x63: {  	_ =	shalt  }
0x64: {  	_ =	shalt  }
0x65: {  	_ =	shalt  }
0x66: {  	_ =	shalt  }
0x67: {  	_ =	shalt  }
0x68: {  	_ =	shalt  }
0x69: {  	_ =	shalt  }
0x6a: {  	_ =	shalt  }
0x6b: {  	_ =	shalt  }
0x6c: {  	_ =	shalt  }
0x6d: {  	_ =	shalt  }
0x6e: {  	_ =	shalt  }
0x6f: {  	_ =	shalt  }
0x70: {  	_ =	shalt  }
0x71: {  	_ =	shalt  }
0x72: {  	_ =	shalt  }
0x73: {  	_ =	shalt  }
0x74: {  	_ =	shalt  }
0x75: {  	_ =	shalt  }
0x76: {  	_ =	shalt  }
0x77: {  	_ =	shalt  }
0x78: {  	_ =	shalt  }
0x79: {  	_ =	shalt  }
0x7a: {  	_ =	shalt  }
0x7b: {  	_ =	shalt  }
0x7c: {  	_ =	shalt  }
0x7d: {  	_ =	shalt  }
0x7e: {  	_ =	shalt  }
0x7f: {  	_ =	shalt  }
0x80: {  	_ =	shalt  }
0x81: {  	_ =	shalt  }
0x82: {  	_ =	shalt  }
0x83: {  	_ =	shalt  }
0x84: {  	_ =	shalt  }
0x85: {  	_ =	shalt  }
0x86: {  	_ =	shalt  }
0x87: {  	_ =	shalt  }
.Lfunc_end0:
.L_simem_size_0:
called_computation.1_lowered:
.L_overlay_start_0:
0x88: {  	s2 =	sld [smem:$0x3FD9]  }
0x89: {  	s3 =	sld [smem:$0x3FFE];
	_ =	sdelay $0x1  }
0x8a: {  	s1 =	srdreg.scid  }
0x8b: {  	s0 =	sand.u32 $0x1, s1  }
0x8c: {  	s17 =	sshll.u32 s0, $0xA;
	s2 =	sadd.s32 s3, s2  }
0x8d: {  	s2 =	sadd.s32 s2, s17  }
0x8e: {  	[smem:$0x3FC4] =	sst s2  }
0x8f: {  	_ = 	snop  }
0x90: {  	s2 =	sld [smem:$0x3FD0];
	(tm) =	ssettm $0x1  }
0x91: {  	s18 =	sld [smem:$0x3FFB];
	_ =	sdelay $0x3  }
0x92: {  	_ =	strace s18  }
0x93: {  	s3 =	sld [smem:$0x3FFC];
	_ =	sdelay $0x3  }
0x94: {  	_ =	strace s3  }
0x95: {  	s3 =	sld [smem:$0x3FFD];
	_ =	sdelay $0x3  }
0x96: {  	_ =	strace s3  }
0x97: {  	_ =	strace $0x8FFFFFFF  }
0x98: {  	s19 =	sld [smem:$0x3FDB];
	_ =	sdelay $0x1  }
0x99: {  	s4 =	simm.s32 $_scs_section_size  }
0x9a: {  	s5 =	simm.s32 $_size__tile_overlayer_lowered;
	s6 =	simm.s32 $_tile_overlayer_lowered  }
0x9b: {  	s22 =	simm.s32 $0x1BFF;
	s21 =	sshll.u32 s6, $0x1;
	s3 =	sadd.s32 s4, s19  }
0x9c: {  	s7 =	simm.s32 $0x0;
	s20 =	sshll.u32 s5, $0x1;
	s5 =	sadd.s32 s21, s3  }
0x9d: {  	[timem:s7], [sflag:s22] =	dma.local [hbm:s5], s20  }
0x9e: {  	_ =	swait.ge [sflag:s22], s20  }
0x9f: {  	s4 =	ssub.s32 $0x0, s20;
	[sflag:s22] =	ssyncset.done $0x0  }
0xa0: {  	[sflag:s22] =	ssyncadd.s32 s4;
	_ =	sdelay $0x1  }
0xa1: {  	s23 =	simm.s32 $0x1B8B  }
0xa2: {  	_ =	swait.ge [sflag:s23], $0x1  }
0xa3: {  	[sflag:s23] =	ssyncset.done $0x0  }
0xa4: {  	s25 =	simm.s32 $0x1B8E;
	s24 =	sld [smem:$0x3FFE];
	[sflag:s23] =	ssyncadd.s32 $0xFFFFFFFF  }
0xa5: {  	s26 =	simm.s32 $execute0_lowered;
	[smem:$0x3FD2] =	sst s25  }
0xa6: {  	s5 =	sshll.u32 s26, $0x1;
	_ =	strace $0x80000049;
	[dreg:$0x1] =	wrdreg $0xFFFFFFFF  }
0xa7: {  	s28 =	simm.s32 $_size_execute0_lowered;
	s3 =	sadd.s32 s3, s5;
	[dreg:$0x0] =	wrdreg $0x0  }
0xa8: {  	s5 =	sshll.u32 s28, $0x1;
	[dreg:$0x2] =	wrdreg s3  }
0xa9: {  	[dreg:$0x3] =	wrdreg s5  }
0xaa: {  	[dreg:$0x4] =	wrdreg $0xC0  }
0xab: {  	_ =	task [dreg:s7], $0x5FFFF  }
0xac: {  	[dreg:$0x1] =	wrdreg $0xFFFFFFFF  }
0xad: {  	[dreg:$0x0] =	wrdreg $0x60  }
0xae: {  	[dreg:$0x2] =	wrdreg s24  }
0xaf: {  	[dreg:$0x3] =	wrdreg s2  }
0xb0: {  	[dreg:$0x4] =	wrdreg $0xAA000  }
0xb1: {  	[dreg:$0x5] =	wrdreg $0x9  }
0xb2: {  	_ =	task.clear_ibuf [dreg:s7], $0x6FFFF;
	_ =	strace $0x90000049  }
0xb3: {  	s29 =	simm.s32 $0x9;
	_ =	strace $0x8000004B  }
0xb4: {  	_ =	swait.ge [sflag:s29], $0x1  }
0xb5: {  	[sflag:s29] =	ssyncadd.s32 $0xFFFFFFFF  }
0xb6: {  	_ =	strace $0x9000004B  }
0xb7: {  	_ =	sfence  }
0xb8: {  	s30 =	sld [smem:$0x0];
	_ =	sdelay $0x2  }
0xb9: {  	s31 =	sshll.u32 s1, $0xD;
	s1 =	sshrl.u32 s1, $0x2  }
0xba: {  	s3 =	sand.u32 $0x4000, s31;
	s1 =	sadd.s32 s1, s30  }
0xbb: {  	s0 =	sor.u32 s3, s0;
	s1 =	sshll.u32 s1, $0x11  }
0xbc: {  	s0 =	sor.u32 s1, s0  }
0xbd: {  	s0 =	sadd.s32 $0x8F2B, s0  }
0xbe: {  	[sflag:s0] =	ssyncadd.remote.s32 $0x1  }
0xbf: {  	_ =	sfence.sel $0xFFFF  }
0xc0: {  	[dreg:$0x0] =	wrdreg $0xFFFFFFFF;
	(pc) =	sbr.abs _section_cstart, $3  }
0xc1: {  	[dreg:$0x1] =	wrdreg $0xFFFFFFFF  }
0xc2: {  	_ =	task.clear_ibuf [dreg:s7], $0x2FFFF;
	_ =	strace $0x9FFFFFFF  }
0xc3: {  	(tm) =	ssettm $0x7FFFFFFF  }
tec
execute0_lowered:
.L_overlay_start_1:
0x0: {  	(tag) =	ssettag $0x1  }
0x1: {  	s1 =	rddreg [dreg:$0x0]  }
0x2: {  	s0 =	srdreg.scid;
	s5 =	rddreg [dreg:$0x1]  }
0x3: {  	s11 =	stileid.u32;
	s2 =	rddreg [dreg:$0x2]  }
0x4: {  	s28 =	simm.s32 $0x1;
	s29 =	simm.s32 $0x8;
	s30 =	simm.s32 $0x2980  }
0x5: {  	s31 =	simm.s32 $0x6;
	s0 =	sand.u32 $0x1, s0;
	s9 =	smul.u32 $0x50000, s11  }
0x6: {  	s3 =	sshll.u32 s0, $0x4;
	s8 =	ssub.s32 $0x2, s0;
	s0 =	smul.u32 $0x28000, s0  }
0x7: {  	s4 =	sor.u32 s11, s3;
	s3 =	simm.s32 $0x0;
	s11 =	smul.u32 $0x2800, s11  }
0x8: {  	s10 =	sshrl.u32 s8, $0x1;
	s9 =	sshrl.u32 s9, $0x2;
	s6 =	smul.u32 $0x2800, s4  }
0x9: {  	[smem:$0x7FF] =	sst s3;
	s4 =	sadd.s32 $0x14A00, s1;
	s8 =	ssub.s32 s8, s10  }
0xa: {  	_ =	strace $0x8000004A;
	s0 =	sadd.s32 s11, s0;
	s14 =	smax.u32 s8, $0x1  }
0xb: {  	s8 =	simm.s32 $0x0;
	s6 =	sshrl.u32 s6, $0x3;
	s22 =	sor.u32 $0x180, s0  }
0xc: {  	s13 =	sadd.s32 s5, s0;
	s24 =	sor.u32 $0x100, s0;
	s25 =	sor.u32 $0x200, s0  }
0xd: {  	s0 =	sor.u32 $0x280, s0;
	s7 =	sadd.s32 s6, s1;
	s1 =	sadd.s32 $0xA00, s1  }
0xe: {  	s23 =	sshrl.u32 s22, $0x3;
	s5 =	sshrl.u32 s24, $0x3;
	s26 =	sshrl.u32 s25, $0x3  }
0xf: {  	s0 =	sshrl.u32 s0, $0x3;
	s22 =	simm.s32 $0x7;
	s24 =	simm.s32 $0x6A00  }
0x10: {  	s25 =	simm.s32 $0x2900;
	s7 =	sadd.s32 $0xAA00, s7;
	s6 =	sadd.s32 s1, s6  }
0x11: {  	s15 =	sadd.s32 s23, s1;
	s16 =	sadd.s32 s5, s1;
	s17 =	sadd.s32 s26, s1  }
0x12: {  	s23 =	simm.s32 $0x80;
	s26 =	simm.s32 $0x5;
	s5 =	simm.s32 $0x4  }
0x13: {  	[dreg:$0x4] =	wrdreg s7;
	s7 =	sadd.s32 s9, s2;
	s18 =	sadd.s32 $0x10, s6  }
.Ltmp0:
0x14: {  	[dreg:$0x5] =	wrdreg s18;
	s19 =	sadd.s32 $0x4000, s7;
	(pc) =	sbr.rel .LBB2_1-.Ltmp0, $4  }
0x15: {  	s20 =	sadd.s32 $0x8000, s7;
	s21 =	sadd.s32 $0xC000, s7;
	[dreg:$0x6] =	wrdreg s19  }
0x16: {  	s12 =	sadd.s32 $0x10000, s7;
	s18 =	sadd.s32 s0, s1;
	[dreg:$0x7] =	wrdreg s20  }
0x17: {  	s1 =	simm.s32 $0x2;
	s0 =	simm.s32 $0x3;
	[dreg:$0x8] =	wrdreg s21  }
0x18: {  	v0 =	vimm.f32 $0.0e+00;
	s19 =	simm.s32 $0x2800;
	s20 =	simm.s32 $0x2880;
	s21 =	simm.s32 $0x2A00  }
.LBB2_6:
0x19: {  	_ =	swait.ge [sflag:s26], $0x4000  }
0x1a: {  	[sflag:s26] =	ssyncset.done $0x0  }
0x1b: {  	[sflag:s26] =	ssyncadd.s32 $0xFFFFC000  }
0x1c: {  	_ =	swait.ge [sflag:s0], $0x80  }
0x1d: {  	[sflag:s0] =	ssyncset.done $0x0  }
0x1e: {  	[sflag:s0] =	ssyncadd.s32 $0xFFFFFF80  }
0x1f: {  	[spmem:s2] =	stream.indirect.scatter.add.f32 [tilespmem:s21], [sflag:$0x8], $0x80, s25, s23, $0xb8;
	[tilespmem:$0x1EA00] =	vst v63  }
0x20: {  	_ =	swait.ge [sflag:s29], $0x4000  }
0x21: {  	[sflag:s29] =	ssyncset.done $0x0  }
0x22: {  	[sflag:s29] =	ssyncadd.s32 $0xFFFFC000  }
0x23: {  	_ =	swait.ge [sflag:s31], $0x4000  }
0x24: {  	[sflag:s31] =	ssyncset.done $0x0  }
0x25: {  	[sflag:s31] =	ssyncadd.s32 $0xFFFFC000  }
0x26: {  	_ =	swait.ge [sflag:s5], $0x80  }
0x27: {  	[sflag:s5] =	ssyncset.done $0x0  }
0x28: {  	[sflag:s5] =	ssyncadd.s32 $0xFFFFFF80  }
0x29: {  	[spmem:s2] =	stream.indirect.scatter.add.f32 [tilespmem:s24], [sflag:$0x8], $0x80, s30, s23, $0xb8;
	[tilespmem:$0x1EA00] =	vst v63  }
0x2a: {  	s9 =	stileid.u32;
	_ =	swait.ge [sflag:s29], $0x4000  }
0x2b: {  	s10 =	sshrl.u32 s7, $0x3;
	s8 =	sadd.s32 $0x1, s8;
	[sflag:s29] =	ssyncset.done $0x0  }
0x2c: {  	s9 =	sshll.u32 s9, $0x6;
	p0 =	sne.s32 s8, s14;
	[sflag:s29] =	ssyncadd.s32 $0xFFFFC000  }
.Ltmp1:
0x2d: {  	s9 =	sor.u32 $0x1C08, s9;
	[bflag:$0x0] =	sbarrier.arrive $0xFFFF;
	(pc) =	sbr.rel @!p0 .LBB2_7-.Ltmp1, $4  }
0x2e: {  	[hbm:s13], [sflag:s9] =	dma.local [spmem:s10], $0x2800  }
0x2f: {  	_ =	swait.ge [sflag:s29], $0x2800  }
0x30: {  	[sflag:s29] =	ssyncset.done $0x0  }
0x31: {  	[sflag:s29] =	ssyncadd.s32 $0xFFFFD800  }
.LBB2_1:
0x32: {  	s9 =	rddreg [dreg:$0x4]  }
0x33: {  	[tilespmem:s3], [sflag:$0x7] =	stream.linear.gather [hbm4b:s9+s3], $0x2800, $0x38;
	[tilespmem:$0x1EA00] =	vst v63  }
0x34: {  	_ = 	snop  }
0x35: {  	[tilespmem:s19], [sflag:$0x1] =	stream.linear.gather [hbm4b:s6+s3], $0x80, $0x38;
	[tilespmem:$0x1EA00] =	vst v63  }
0x36: {  	s11 =	rddreg [dreg:$0x5];
	s10 =	simm.s32 $0x200;
	s9 =	simm.s32 $0x0  }
0x37: {  	[tilespmem:s20], [sflag:$0x2] =	stream.linear.gather [hbm4b:s11+s3], $0x80, $0x38;
	[tilespmem:$0x1EA00] =	vst v63  }
.LBB2_2:
0x38: {  	p0 =	sne.s32 s10, $0xFE00;
	[tilespmem:s9+$0x2A70] =	vst v0  }
0x39: {  	[tilespmem:s9+$0x2A00] =	vst v0  }
0x3a: {  	[tilespmem:s9+$0x2A10] =	vst v0  }
.Ltmp2:
0x3b: {  	[tilespmem:s9+$0x2A20] =	vst v0;
	(pc) =	sbr.rel @p0 .LBB2_2-.Ltmp2, $4  }
0x3c: {  	[tilespmem:s9+$0x2A30] =	vst v0  }
0x3d: {  	[tilespmem:s9+$0x2A40] =	vst v0  }
0x3e: {  	[tilespmem:s9+$0x2A50] =	vst v0  }
0x3f: {  	[tilespmem:s9+$0x2A60] =	vst v0;
	s9 =	sshra.s32 s10, $0x2;
	s10 =	sadd.s32 $0x200, s10  }
0x40: {  	[tilespmem:s9+$0x2A70] =	vst v0  }
0x41: {  	[tilespmem:s9+$0x2A00] =	vst v0  }
0x42: {  	[tilespmem:s9+$0x2A10] =	vst v0  }
0x43: {  	[tilespmem:s9+$0x2A20] =	vst v0  }
0x44: {  	[tilespmem:s9+$0x2A30] =	vst v0  }
0x45: {  	[tilespmem:s9+$0x2A40] =	vst v0  }
0x46: {  	[tilespmem:s9+$0x2A50] =	vst v0  }
0x47: {  	[tilespmem:s9+$0x2A60] =	vst v0  }
0x48: {  	[spmem:s7] =	stream.linear.scatter [tilespmem:s21], [sflag:$0x7], $0x4000, $0x38;
	[tilespmem:$0x1EA00] =	vst v63  }
0x49: {  	s11 =	rddreg [dreg:$0x6]  }
0x4a: {  	[spmem:s11] =	stream.linear.scatter [tilespmem:s21], [sflag:$0x7], $0x4000, $0x38;
	[tilespmem:$0x1EA00] =	vst v63  }
0x4b: {  	s10 =	rddreg [dreg:$0x7]  }
0x4c: {  	[spmem:s10] =	stream.linear.scatter [tilespmem:s21], [sflag:$0x7], $0x4000, $0x38;
	[tilespmem:$0x1EA00] =	vst v63  }
0x4d: {  	s11 =	rddreg [dreg:$0x8]  }
0x4e: {  	[spmem:s11] =	stream.linear.scatter [tilespmem:s21], [sflag:$0x7], $0x4000, $0x38;
	[tilespmem:$0x1EA00] =	vst v63  }
0x4f: {  	_ = 	snop  }
0x50: {  	[spmem:s12] =	stream.linear.scatter [tilespmem:s21], [sflag:$0x7], $0x4000, $0x38;
	[tilespmem:$0x1EA00] =	vst v63  }
0x51: {  	_ =	swait.ge [sflag:s22], $0x4000  }
0x52: {  	[sflag:s22] =	ssyncset.done $0x0  }
0x53: {  	[sflag:s22] =	ssyncadd.s32 $0xFFFFC000  }
0x54: {  	_ =	swait.ge [sflag:s22], $0x4000  }
0x55: {  	[sflag:s22] =	ssyncset.done $0x0  }
0x56: {  	[sflag:s22] =	ssyncadd.s32 $0xFFFFC000  }
0x57: {  	_ =	swait.ge [sflag:s22], $0x4000  }
0x58: {  	[sflag:s22] =	ssyncset.done $0x0  }
0x59: {  	[sflag:s22] =	ssyncadd.s32 $0xFFFFC000  }
0x5a: {  	_ =	swait.ge [sflag:s22], $0x4000  }
0x5b: {  	[sflag:s22] =	ssyncset.done $0x0  }
0x5c: {  	[sflag:s22] =	ssyncadd.s32 $0xFFFFC000  }
0x5d: {  	_ =	swait.ge [sflag:s22], $0x4000  }
0x5e: {  	[sflag:s22] =	ssyncset.done $0x0  }
0x5f: {  	[sflag:s22] =	ssyncadd.s32 $0xFFFFC000  }
0x60: {  	_ =	swait.ge [sflag:s22], $0x2800  }
0x61: {  	[sflag:s22] =	ssyncset.done $0x0  }
0x62: {  	[sflag:s22] =	ssyncadd.s32 $0xFFFFD800  }
0x63: {  	s9 =	simm.s32 $0x0;
	[bflag:$0x0] =	sbarrier.arrive $0xFFFF  }
0x64: {  	[tilespmem:s21], [sflag:$0x5] =	stream.indirect.gather [hbm4b:s4+s23], $0x80, s9, s23, $0xb8;
	[tilespmem:$0x1EA00] =	vst v63  }
0x65: {  	s10 =	simm.s32 $0x180  }
0x66: {  	[tilespmem:s24], [sflag:$0x6] =	stream.indirect.gather [hbm4b:s4+s23], $0x80, s23, s23, $0xb8;
	[tilespmem:$0x1EA00] =	vst v63  }
.LBB2_4:
0x67: {  	s11 =	sadd.s32 s9, s16  }
0x68: {  	[tilespmem:s25], [sflag:$0x3] =	stream.linear.gather [hbm4b:s11+s3], $0x80, $0x38;
	[tilespmem:$0x1EA00] =	vst v63  }
0x69: {  	_ =	swait.ge [sflag:s26], $0x4000  }
0x6a: {  	[sflag:s26] =	ssyncset.done $0x0  }
0x6b: {  	[sflag:s26] =	ssyncadd.s32 $0xFFFFC000  }
0x6c: {  	_ =	swait.ge [sflag:s28], $0x80  }
0x6d: {  	[sflag:s28] =	ssyncset.done $0x0  }
0x6e: {  	[sflag:s28] =	ssyncadd.s32 $0xFFFFFF80  }
0x6f: {  	[spmem:s2] =	stream.indirect.scatter.add.f32 [tilespmem:s21], [sflag:$0x8], $0x80, s19, s23, $0xb8;
	[tilespmem:$0x1EA00] =	vst v63  }
0x70: {  	_ =	swait.ge [sflag:s29], $0x4000  }
0x71: {  	[sflag:s29] =	ssyncset.done $0x0  }
0x72: {  	s11 =	sadd.s32 $0xFFFFFF80, s10;
	[sflag:s29] =	ssyncadd.s32 $0xFFFFC000  }
0x73: {  	[tilespmem:s21], [sflag:$0x5] =	stream.indirect.gather [hbm4b:s4+s23], $0x80, s11, s23, $0xb8;
	[tilespmem:$0x1EA00] =	vst v63  }
0x74: {  	s11 =	sadd.s32 s9, s15  }
0x75: {  	[tilespmem:s30], [sflag:$0x4] =	stream.linear.gather [hbm4b:s11+s3], $0x80, $0x38;
	[tilespmem:$0x1EA00] =	vst v63  }
0x76: {  	_ =	swait.ge [sflag:s31], $0x4000  }
0x77: {  	[sflag:s31] =	ssyncset.done $0x0  }
0x78: {  	[sflag:s31] =	ssyncadd.s32 $0xFFFFC000  }
0x79: {  	_ =	swait.ge [sflag:s1], $0x80  }
0x7a: {  	[sflag:s1] =	ssyncset.done $0x0  }
0x7b: {  	p0 =	seq.s32 s9, $0x4C0;
	[sflag:s1] =	ssyncadd.s32 $0xFFFFFF80  }
0x7c: {  	[spmem:s2] =	stream.indirect.scatter.add.f32 [tilespmem:s24], [sflag:$0x8], $0x80, s20, s23, $0xb8;
	[tilespmem:$0x1EA00] =	vst v63  }
.Ltmp3:
0x7d: {  	_ = 	snop;
	(pc) =	sbr.rel @p0 .LBB2_6-.Ltmp3, $4  }
0x7e: {  	_ =	swait.ge [sflag:s29], $0x4000  }
0x7f: {  	[sflag:s29] =	ssyncset.done $0x0  }
0x80: {  	[sflag:s29] =	ssyncadd.s32 $0xFFFFC000  }
0x81: {  	[tilespmem:s24], [sflag:$0x6] =	stream.indirect.gather [hbm4b:s4+s23], $0x80, s10, s23, $0xb8;
	[tilespmem:$0x1EA00] =	vst v63  }
0x82: {  	s11 =	sadd.s32 s9, s17  }
0x83: {  	[tilespmem:s19], [sflag:$0x1] =	stream.linear.gather [hbm4b:s11+s3], $0x80, $0x38;
	[tilespmem:$0x1EA00] =	vst v63  }
0x84: {  	_ =	swait.ge [sflag:s26], $0x4000  }
0x85: {  	[sflag:s26] =	ssyncset.done $0x0  }
0x86: {  	[sflag:s26] =	ssyncadd.s32 $0xFFFFC000  }
0x87: {  	_ =	swait.ge [sflag:s0], $0x80  }
0x88: {  	[sflag:s0] =	ssyncset.done $0x0  }
0x89: {  	[sflag:s0] =	ssyncadd.s32 $0xFFFFFF80  }
0x8a: {  	[spmem:s2] =	stream.indirect.scatter.add.f32 [tilespmem:s21], [sflag:$0x8], $0x80, s25, s23, $0xb8;
	[tilespmem:$0x1EA00] =	vst v63  }
0x8b: {  	_ =	swait.ge [sflag:s29], $0x4000  }
0x8c: {  	[sflag:s29] =	ssyncset.done $0x0  }
0x8d: {  	s11 =	sadd.s32 $0x80, s10;
	[sflag:s29] =	ssyncadd.s32 $0xFFFFC000  }
0x8e: {  	[tilespmem:s21], [sflag:$0x5] =	stream.indirect.gather [hbm4b:s4+s23], $0x80, s11, s23, $0xb8;
	[tilespmem:$0x1EA00] =	vst v63  }
0x8f: {  	s11 =	sadd.s32 s9, s18  }
0x90: {  	[tilespmem:s20], [sflag:$0x2] =	stream.linear.gather [hbm4b:s11+s3], $0x80, $0x38;
	[tilespmem:$0x1EA00] =	vst v63  }
0x91: {  	_ =	swait.ge [sflag:s31], $0x4000  }
0x92: {  	[sflag:s31] =	ssyncset.done $0x0  }
0x93: {  	[sflag:s31] =	ssyncadd.s32 $0xFFFFC000  }
0x94: {  	_ =	swait.ge [sflag:s5], $0x80  }
0x95: {  	[sflag:s5] =	ssyncset.done $0x0  }
0x96: {  	[sflag:s5] =	ssyncadd.s32 $0xFFFFFF80  }
0x97: {  	[spmem:s2] =	stream.indirect.scatter.add.f32 [tilespmem:s24], [sflag:$0x8], $0x80, s30, s23, $0xb8;
	[tilespmem:$0x1EA00] =	vst v63  }
.Ltmp4:
0x98: {  	_ = 	snop;
	(pc) =	sbr.rel .LBB2_4-.Ltmp4, $4  }
0x99: {  	_ =	swait.ge [sflag:s29], $0x4000  }
0x9a: {  	s9 =	sadd.s32 $0x40, s9;
	[sflag:s29] =	ssyncset.done $0x0  }
0x9b: {  	s11 =	sadd.s32 $0x100, s10;
	s10 =	sadd.s32 $0x200, s10;
	[sflag:s29] =	ssyncadd.s32 $0xFFFFC000  }
0x9c: {  	[tilespmem:s24], [sflag:$0x6] =	stream.indirect.gather [hbm4b:s4+s23], $0x80, s11, s23, $0xb8;
	[tilespmem:$0x1EA00] =	vst v63  }
.LBB2_7:
0x9d: {  	_ =	sfence.sel $0x180000  }
0x9e: {  	[bflag:$0x0] =	sbarrier.arrive $0xFFFF  }
0x9f: {  	_ =	strace $0x9000004A  }
0xa0: {  	s0 =	stileid.u32;
	[bflag:$0x2] =	sbarrier.arrive $0xFFFF  }
0xa1: {  	p0 =	sne.s32 s0, $0x0;
	s0 =	rddreg [dreg:$0x3]  }
0xa2: {  	s0 =	sadd.s32 @!p0 $0x100000, s0  }
0xa3: {  	[sflag:s0] =	ssyncadd.tile.s32 @!p0 $0x1;
	_ =	shalt  }
.Lfunc_end2:
_tile_overlayer_lowered:
.L_overlay_start_2:
0xa4: {  	(tag) =	ssettag $0x2  }
0xa5: {  	s0 =	rddreg [dreg:$0x0];
	s2 =	stileid.u32  }
0xa6: {  	s1 =	rddreg [dreg:$0x1];
	p0 =	sne.s32 s2, $0x0  }
0xa7: {  	s3 =	rddreg [dreg:$0x2];
	[bflag:$0x3] =	sbarrier.arrive $0xFFFF;
	s2 =	simm.s32 @!p0 $0x1C08  }
0xa8: {  	[timem:s3], [sflag:s2] =	dma.local @!p0 [hbm:s0], s1  }
0xa9: {  	s0 =	simm.s32 @!p0 $0x8  }
0xaa: {  	_ =	swait.ge @!p0 [sflag:s0], s1  }
0xab: {  	s1 =	ssub.s32 @!p0 $0x0, s1;
	[sflag:s0] =	ssyncset.done @!p0 $0x0  }
0xac: {  	[sflag:s0] =	ssyncadd.s32 @!p0 s1  }
0xad: {  	[bflag:$0x3] =	sbarrier.arrive $0xFFFF  }
0xae: {  	_ =	shalt  }

</sc_bundles>
